<compile_context>
chip_gen: v7x
topology: tpu7x:2x2x1
jax: 0.10.2.dev20260603
libtpu: 0.0.44.dev20260713+nightly
codegen_flags: <defaults>
</compile_context>

<pallas_src>
import functools

import jax
import jax.numpy as jnp
from jax import lax
from jax.experimental import pallas as pl
from jax.experimental.pallas import tpu as pltpu
from jax.experimental.pallas import tpu_sc as plsc

E = 64
TOPK = 2
DIM = 1024
FFN = 512
SEQ = 2048
N = SEQ * TOPK
T = 128
PADN = N + E * T
NT = PADN // T

NC = 2
NS = 16
NW = NC * NS
TPW = SEQ // NW
CT = 32
LW = 16


def _route_body(x_ref, gw_ref, xp_ref, pos0_ref, pos1_ref, w_ref, eid_ref,
                nact_ref):
    x = x_ref[...]
    gw = gw_ref[...]
    lo = lax.bitcast_convert_type(
        x[:, :DIM // 2].astype(jnp.bfloat16), jnp.int16).astype(jnp.int32)
    hi = lax.bitcast_convert_type(
        x[:, DIM // 2:].astype(jnp.bfloat16), jnp.int16).astype(jnp.int32)
    xp_ref[...] = (lo & 0xFFFF) | (hi << 16)
    logits = lax.dot_general(x, gw, (((1,), (1,)), ((), ())),
                             preferred_element_type=jnp.float32)
    m = jnp.max(logits, axis=1, keepdims=True)
    ex = jnp.exp(logits - m)
    scores = ex / jnp.sum(ex, axis=1, keepdims=True)

    eidx = lax.broadcasted_iota(jnp.int32, (SEQ, E), 1)
    m1 = jnp.max(scores, axis=1, keepdims=True)
    a1 = jnp.min(jnp.where(scores == m1, eidx, E), axis=1, keepdims=True)
    s2 = jnp.where(eidx == a1, -jnp.inf, scores)
    m2 = jnp.max(s2, axis=1, keepdims=True)
    a2 = jnp.min(jnp.where(s2 == m2, eidx, E), axis=1, keepdims=True)

    denom = m1 + m2 + 1e-20
    w_ref[:, :LW] = jnp.broadcast_to(m1 / denom, (SEQ, LW))
    w_ref[:, LW:] = jnp.broadcast_to(m2 / denom, (SEQ, LW))

    one0 = (eidx == a1).astype(jnp.float32)
    one1 = (eidx == a2).astype(jnp.float32)
    both = one0 + one1

    counts = jnp.sum(both, axis=0, keepdims=True)
    pc = ((counts.astype(jnp.int32) + (T - 1)) // T) * T
    pcf = pc.astype(jnp.float32)
    er = lax.broadcasted_iota(jnp.int32, (E, E), 0)
    ec = lax.broadcasted_iota(jnp.int32, (E, E), 1)
    upper = (er < ec).astype(jnp.float32)
    poff = lax.dot_general(pcf, upper, (((1,), (0,)), ((), ())),
                           preferred_element_type=jnp.float32)
    total = jnp.sum(pcf, axis=1, keepdims=True)

    B = 512
    br = lax.broadcasted_iota(jnp.int32, (B, B), 0)
    bc = lax.broadcasted_iota(jnp.int32, (B, B), 1)
    ltri = (bc < br).astype(jnp.float32)
    carry = jnp.zeros((1, E), jnp.float32)
    for b in range(SEQ // B):
        sl = slice(b * B, (b + 1) * B)
        cb = both[sl]
        run = lax.dot_general(ltri, cb, (((1,), (0,)), ((), ())),
                              preferred_element_type=jnp.float32) + carry
        carry = carry + jnp.sum(cb, axis=0, keepdims=True)
        dest = run + poff
        pos0_ref[sl, :] = jnp.sum(one0[sl] * dest, axis=1,
                                  keepdims=True).astype(jnp.int32)
        pos1_ref[sl, :] = jnp.sum(one1[sl] * dest, axis=1,
                                  keepdims=True).astype(jnp.int32)

    tstart = (lax.broadcasted_iota(jnp.int32, (NT, 1), 0) * T).astype(jnp.float32)
    p = jnp.minimum(tstart, total - 1.0)
    eid_ref[...] = jnp.sum((poff <= p).astype(jnp.int32), axis=1,
                           keepdims=True) - 1
    nact_ref[...] = (total.astype(jnp.int32) // T)


_route = pl.pallas_call(
    _route_body,
    out_shape=(
        jax.ShapeDtypeStruct((SEQ, DIM // 2), jnp.int32),
        jax.ShapeDtypeStruct((SEQ, 1), jnp.int32),
        jax.ShapeDtypeStruct((SEQ, 1), jnp.int32),
        jax.ShapeDtypeStruct((SEQ, TOPK * LW), jnp.float32),
        jax.ShapeDtypeStruct((NT, 1), jnp.int32),
        jax.ShapeDtypeStruct((1, 1), jnp.int32),
    ),
)


@functools.lru_cache(maxsize=None)
def _sc_kernels():
    mesh = plsc.VectorSubcoreMesh(core_axis_name="c", subcore_axis_name="s")

    @functools.partial(
        pl.kernel,
        out_type=jax.ShapeDtypeStruct((PADN, DIM // 2), jnp.int32),
        mesh=mesh,
        scratch_types=[
            pltpu.VMEM((TPW,), jnp.int32),
            pltpu.VMEM((TPW,), jnp.int32),
            pltpu.VMEM((TPW, DIM // 2), jnp.int32),
            pltpu.SemaphoreType.DMA,
        ],
    )
    def _dispatch(x_hbm, pos0_hbm, pos1_hbm, out_hbm, d0_v, d1_v, rows_v, sem):
        wid = lax.axis_index("s") * NC + lax.axis_index("c")
        base = wid * TPW
        pltpu.sync_copy(pos0_hbm.at[pl.ds(base, TPW)], d0_v)
        pltpu.sync_copy(pos1_hbm.at[pl.ds(base, TPW)], d1_v)
        pltpu.sync_copy(x_hbm.at[pl.ds(base, TPW)], rows_v)
        c0 = pltpu.async_copy(rows_v, out_hbm.at[d0_v], sem)
        c1 = pltpu.async_copy(rows_v, out_hbm.at[d1_v], sem)
        c0.wait()
        c1.wait()

    @functools.partial(
        pl.kernel,
        out_type=jax.ShapeDtypeStruct((SEQ, DIM), jnp.float32),
        mesh=mesh,
        scratch_types=[
            pltpu.VMEM((CT,), jnp.int32),
            pltpu.VMEM((CT,), jnp.int32),
            pltpu.VMEM((CT, LW), jnp.float32),
            pltpu.VMEM((CT, LW), jnp.float32),
            pltpu.VMEM((CT, DIM // 2), jnp.int32),
            pltpu.VMEM((CT, DIM // 2), jnp.int32),
            pltpu.VMEM((CT, DIM), jnp.float32),
            pltpu.SemaphoreType.DMA,
            pltpu.SemaphoreType.DMA,
        ],
        compiler_params=pltpu.CompilerParams(needs_layout_passes=False),
    )
    def _comb(ffn_hbm, pos0_hbm, pos1_hbm, w0_hbm, w1_hbm, out_hbm,
              i0_v, i1_v, w0_v, w1_v, ra_v, rb_v, ro_v, sema, semb):
        wid = lax.axis_index("s") * NC + lax.axis_index("c")
        for c in range(TPW // CT):
            base = wid * TPW + c * CT
            pltpu.sync_copy(pos0_hbm.at[pl.ds(base, CT)], i0_v)
            pltpu.sync_copy(pos1_hbm.at[pl.ds(base, CT)], i1_v)
            pltpu.sync_copy(w0_hbm.at[pl.ds(base, CT)], w0_v)
            pltpu.sync_copy(w1_hbm.at[pl.ds(base, CT)], w1_v)
            ca = pltpu.async_copy(ffn_hbm.at[i0_v], ra_v, sema)
            cb = pltpu.async_copy(ffn_hbm.at[i1_v], rb_v, semb)
            ca.wait()
            cb.wait()

            @plsc.parallel_loop(0, CT)
            def _tok(j):
                wa = w0_v[j]
                wb = w1_v[j]
                for k in range(DIM // 2 // LW):
                    sl = pl.ds(k * LW, LW)
                    alo, ahi = plsc.unpack(
                        plsc.bitcast(ra_v[j, sl], jnp.bfloat16),
                        format=plsc.PackFormat.INTERLEAVED)
                    blo, bhi = plsc.unpack(
                        plsc.bitcast(rb_v[j, sl], jnp.bfloat16),
                        format=plsc.PackFormat.INTERLEAVED)
                    ro_v[j, sl] = wa * alo + wb * blo
                    ro_v[j, pl.ds(DIM // 2 + k * LW, LW)] = wa * ahi + wb * bhi

            pltpu.sync_copy(ro_v, out_hbm.at[pl.ds(base, CT)])

    return _dispatch, _comb


def _gemm_body(eid_ref, nact_ref, x_ref, wg_ref, wu_ref, wd_ref, o_ref):
    t = pl.program_id(0)

    @pl.when(t < nact_ref[0])
    def _():
        xw = x_ref[...]
        lo = lax.bitcast_convert_type(
            xw.astype(jnp.int16), jnp.bfloat16).astype(jnp.float32)
        hi = lax.bitcast_convert_type(
            (xw >> 16).astype(jnp.int16), jnp.bfloat16).astype(jnp.float32)
        xt = jnp.concatenate([lo, hi], axis=1)
        g = lax.dot_general(xt, wg_ref[0], (((1,), (1,)), ((), ())),
                            preferred_element_type=jnp.float32)
        u = lax.dot_general(xt, wu_ref[0], (((1,), (1,)), ((), ())),
                            preferred_element_type=jnp.float32)
        h = g * (1.0 / (1.0 + jnp.exp(-g))) * u
        o = lax.dot_general(h, wd_ref[0], (((1,), (1,)), ((), ())),
                            preferred_element_type=jnp.float32)
        olo = lax.bitcast_convert_type(
            o[:, :DIM // 2].astype(jnp.bfloat16), jnp.int16).astype(jnp.int32)
        ohi = lax.bitcast_convert_type(
            o[:, DIM // 2:].astype(jnp.bfloat16), jnp.int16).astype(jnp.int32)
        o_ref[...] = (olo & 0xFFFF) | (ohi << 16)


_gemm = pl.pallas_call(
    _gemm_body,
    grid_spec=pltpu.PrefetchScalarGridSpec(
        num_scalar_prefetch=2,
        grid=(NT,),
        in_specs=[
            pl.BlockSpec((T, DIM // 2),
                         lambda t, eid, na: (jnp.minimum(t, na[0] - 1), 0)),
            pl.BlockSpec((1, FFN, DIM), lambda t, eid, na: (eid[t], 0, 0)),
            pl.BlockSpec((1, FFN, DIM), lambda t, eid, na: (eid[t], 0, 0)),
            pl.BlockSpec((1, DIM, FFN), lambda t, eid, na: (eid[t], 0, 0)),
        ],
        out_specs=pl.BlockSpec(
            (T, DIM // 2),
            lambda t, eid, na: (jnp.where(t < na[0], t, NT - 1), 0)),
    ),
    out_shape=jax.ShapeDtypeStruct((PADN, DIM // 2), jnp.int32),
    compiler_params=pltpu.CompilerParams(
        dimension_semantics=("arbitrary",)),
)


def kernel(hidden_states, gate_weight, gate_proj_w, up_proj_w, down_proj_w):
    b, s, h = hidden_states.shape
    x = hidden_states.reshape(SEQ, DIM).astype(jnp.float32)
    xp, pos0, pos1, wexp, eid2, nact2 = _route(x, gate_weight)
    pos0 = pos0.reshape(SEQ)
    pos1 = pos1.reshape(SEQ)
    _dispatch, _comb = _sc_kernels()
    sorted_x = _dispatch(xp, pos0, pos1)
    ffn = _gemm(eid2.reshape(NT), nact2.reshape(1), sorted_x,
                gate_proj_w, up_proj_w, down_proj_w)
    out = _comb(ffn, pos0, pos1, wexp[:, :LW], wexp[:, LW:])
    return out.reshape(b, s, h)

# --- scband reference (transcript-rebuilt; emitter-appended) ---
"""Pipeline reference for scband-feed-forward-40492951667103 (READ-ONLY COPY).

The authoritative reference and input builder live on the scoring server;
editing this copy changes nothing except your own understanding.
"""

import jax, jax.numpy as jnp
import numpy as np

E = 64
TOPK = 2
DIM = 1024
FFN = 512
BSZ = 1
SEQ = 2048


def setup_inputs(seed: int = 0) -> dict:
    key = jax.random.key(seed)
    k0, k1, k2, k3, k4 = jax.random.split(key, 5)
    hidden_states = jax.random.normal(k0, (BSZ, SEQ, DIM), dtype=jnp.float32)
    gate_weight = jax.random.normal(k1, (E, DIM), dtype=jnp.float32) * 0.02
    gate_proj_w = jax.random.normal(k2, (E, FFN, DIM), dtype=jnp.float32) * 0.02
    up_proj_w = jax.random.normal(k3, (E, FFN, DIM), dtype=jnp.float32) * 0.02
    down_proj_w = jax.random.normal(k4, (E, DIM, FFN), dtype=jnp.float32) * 0.02
    return {
        'hidden_states': hidden_states,
        'gate_weight': gate_weight,
        'gate_proj_w': gate_proj_w,
        'up_proj_w': up_proj_w,
        'down_proj_w': down_proj_w,
    }


def reference(hidden_states, gate_weight, gate_proj_w, up_proj_w, down_proj_w):
    b, s, h = hidden_states.shape
    x = hidden_states.reshape(-1, h).astype(jnp.float32)
    # MoEGate
    logits = x @ gate_weight.astype(jnp.float32).T
    scores = jax.nn.softmax(logits, axis=-1)
    topk_weight, topk_idx = jax.lax.top_k(scores, TOPK)
    # norm_topk_prob
    denom = topk_weight.sum(axis=-1, keepdims=True) + 1e-20
    topk_weight = topk_weight / denom
    # sort_tokens
    flat_ids = topk_idx.reshape(-1)
    token_indices = jnp.argsort(flat_ids)
    sorted_tokens = x[token_indices // TOPK]
    sorted_ids = flat_ids[token_indices]
    # single-device EP (ep_size=1): all-to-all is identity; grouped GEMM per expert

    def expert_body(acc, ws):
        e, wg, wu, wd = ws
        hdn = jax.nn.silu(sorted_tokens @ wg.T) * (sorted_tokens @ wu.T)
        out = hdn @ wd.T
        return acc + jnp.where((sorted_ids == e)[:, None], out, 0.0), None

    init = jnp.zeros((sorted_tokens.shape[0], h), dtype=sorted_tokens.dtype)
    returned_tokens, _ = jax.lax.scan(
        expert_body, init,
        (jnp.arange(E), gate_proj_w, up_proj_w, down_proj_w))
    # unsort
    output_tokens = jnp.zeros_like(returned_tokens).at[token_indices].set(returned_tokens)
    # weighted combine over top-k
    final = (output_tokens.reshape(-1, TOPK, h) * topk_weight[..., None]).sum(axis=1)
    return final.reshape(b, s, h)

if __name__ == "__main__":
    import jax
    _d = setup_inputs()
    print(jax.jit(kernel)(*tuple(_d.values())))

</pallas_src>

<mosaic_0001>
#map = affine_map<(d0, d1) -> (0, 0)>
#map1 = affine_map<(d0, d1) -> (0)>
module attributes {stable_mosaic.version = 14 : i64} {
  func.func @_dispatch(%arg0: i32, %arg1: i32, %arg2: memref<2048x512xi32, #tpu.memory_space<hbm>>, %arg3: memref<2048xi32, #tpu.memory_space<hbm>>, %arg4: memref<2048xi32, #tpu.memory_space<hbm>>, %arg5: memref<12288x512xi32, #tpu.memory_space<hbm>>, %arg6: memref<64xi32, #tpu.memory_space<vmem>>, %arg7: memref<64xi32, #tpu.memory_space<vmem>>, %arg8: memref<64x512xi32, #tpu.memory_space<vmem>>, %arg9: memref<!tpu.dma_semaphore, #tpu.memory_space<semaphore_mem>>) attributes {dimension_semantics = [#tpu.dimension_semantics<core_parallel>, #tpu.dimension_semantics<subcore_parallel>], iteration_bounds = array<i64: 2, 16>, scalar_prefetch = 0 : i64, scratch_operands = 4 : i64, tpu.core_type = #tpu.core_type<sc_vector_subcore>, window_params = [{transform_indices = #map}, {transform_indices = #map1}, {transform_indices = #map1}, {transform_indices = #map}]} {
    %mul3A = arith.constant 2 : i32
    %mul3A_0 = arith.muli %arg1, %mul3A : i32
    %add3A = arith.addi %mul3A_0, %arg0 : i32
    %mul3A_1 = arith.constant 64 : i32
    %mul3A_2 = arith.muli %add3A, %mul3A_1 : i32
    "tpu.region"() ({
      %run_scoped3A = tpu.sem_alloc : memref<!tpu.dma_semaphore, #tpu.memory_space<semaphore_mem>>
      %dma_start3A_13 = tpu.memref_slice %arg3[%mul3A_2] : memref<2048xi32, #tpu.memory_space<hbm>> -> memref<64xi32, #tpu.memory_space<hbm>>
      %dma_start3A_14 = tpu.memref_slice %arg3[%mul3A_2] : memref<2048xi32, #tpu.memory_space<hbm>> -> memref<64xi32, #tpu.memory_space<hbm>>
      tpu.enqueue_dma source(%dma_start3A_14 : memref<64xi32, #tpu.memory_space<hbm>>) target(%arg6 : memref<64xi32, #tpu.memory_space<vmem>>) target_semaphore(%run_scoped3A : memref<!tpu.dma_semaphore, #tpu.memory_space<semaphore_mem>>)
      %dma_wait3A_15 = tpu.memref_slice %arg3[%mul3A_2] : memref<2048xi32, #tpu.memory_space<hbm>> -> memref<64xi32, #tpu.memory_space<hbm>>
      %dma_wait3A_16 = tpu.memref_slice %arg3[%mul3A_2] : memref<2048xi32, #tpu.memory_space<hbm>> -> memref<64xi32, #tpu.memory_space<hbm>>
      tpu.wait_dma2 semaphore(%run_scoped3A : memref<!tpu.dma_semaphore, #tpu.memory_space<semaphore_mem>>) src(%dma_wait3A_16 : memref<64xi32, #tpu.memory_space<hbm>>) dst(%arg6 : memref<64xi32, #tpu.memory_space<vmem>>)
      tpu.yield
    }) : () -> ()
    "tpu.region"() ({
      %run_scoped3A = tpu.sem_alloc : memref<!tpu.dma_semaphore, #tpu.memory_space<semaphore_mem>>
      %dma_start3A_13 = tpu.memref_slice %arg4[%mul3A_2] : memref<2048xi32, #tpu.memory_space<hbm>> -> memref<64xi32, #tpu.memory_space<hbm>>
      %dma_start3A_14 = tpu.memref_slice %arg4[%mul3A_2] : memref<2048xi32, #tpu.memory_space<hbm>> -> memref<64xi32, #tpu.memory_space<hbm>>
      tpu.enqueue_dma source(%dma_start3A_14 : memref<64xi32, #tpu.memory_space<hbm>>) target(%arg7 : memref<64xi32, #tpu.memory_space<vmem>>) target_semaphore(%run_scoped3A : memref<!tpu.dma_semaphore, #tpu.memory_space<semaphore_mem>>)
      %dma_wait3A_15 = tpu.memref_slice %arg4[%mul3A_2] : memref<2048xi32, #tpu.memory_space<hbm>> -> memref<64xi32, #tpu.memory_space<hbm>>
      %dma_wait3A_16 = tpu.memref_slice %arg4[%mul3A_2] : memref<2048xi32, #tpu.memory_space<hbm>> -> memref<64xi32, #tpu.memory_space<hbm>>
      tpu.wait_dma2 semaphore(%run_scoped3A : memref<!tpu.dma_semaphore, #tpu.memory_space<semaphore_mem>>) src(%dma_wait3A_16 : memref<64xi32, #tpu.memory_space<hbm>>) dst(%arg7 : memref<64xi32, #tpu.memory_space<vmem>>)
      tpu.yield
    }) : () -> ()
    "tpu.region"() ({
      %run_scoped3A = tpu.sem_alloc : memref<!tpu.dma_semaphore, #tpu.memory_space<semaphore_mem>>
      %dma_start3A_13 = arith.constant 0 : i32
      %dma_start3A_14 = tpu.memref_slice %arg2[%mul3A_2, %dma_start3A_13] : memref<2048x512xi32, #tpu.memory_space<hbm>> -> memref<64x512xi32, #tpu.memory_space<hbm>>
      %dma_start3A_15 = arith.constant 0 : i32
      %dma_start3A_16 = tpu.memref_slice %arg2[%mul3A_2, %dma_start3A_15] : memref<2048x512xi32, #tpu.memory_space<hbm>> -> memref<64x512xi32, #tpu.memory_space<hbm>>
      tpu.enqueue_dma source(%dma_start3A_16 : memref<64x512xi32, #tpu.memory_space<hbm>>) target(%arg8 : memref<64x512xi32, #tpu.memory_space<vmem>>) target_semaphore(%run_scoped3A : memref<!tpu.dma_semaphore, #tpu.memory_space<semaphore_mem>>)
      %dma_wait3A_17 = arith.constant 0 : i32
      %dma_wait3A_18 = tpu.memref_slice %arg2[%mul3A_2, %dma_wait3A_17] : memref<2048x512xi32, #tpu.memory_space<hbm>> -> memref<64x512xi32, #tpu.memory_space<hbm>>
      %dma_wait3A_19 = arith.constant 0 : i32
      %dma_wait3A_20 = tpu.memref_slice %arg2[%mul3A_2, %dma_wait3A_19] : memref<2048x512xi32, #tpu.memory_space<hbm>> -> memref<64x512xi32, #tpu.memory_space<hbm>>
      tpu.wait_dma2 semaphore(%run_scoped3A : memref<!tpu.dma_semaphore, #tpu.memory_space<semaphore_mem>>) src(%dma_wait3A_20 : memref<64x512xi32, #tpu.memory_space<hbm>>) dst(%arg8 : memref<64x512xi32, #tpu.memory_space<vmem>>)
      tpu.yield
    }) : () -> ()
    %dma_start3A = arith.constant 0 : i32
    %dma_start3A_3 = arith.constant 0 : i32
    %dma_start3A_4 = tpu.memref_slice %arg5[%dma_start3A, %dma_start3A_3] : memref<12288x512xi32, #tpu.memory_space<hbm>> -> memref<12288x512xi32, #tpu.memory_space<hbm>>
    tpu.enqueue_indirect_dma source(%arg8 : memref<64x512xi32, #tpu.memory_space<vmem>>) target(%dma_start3A_4 : memref<12288x512xi32, #tpu.memory_space<hbm>>) offsets(%arg6 : memref<64xi32, #tpu.memory_space<vmem>>) semaphore(%arg9 : memref<!tpu.dma_semaphore, #tpu.memory_space<semaphore_mem>>)
    %dma_start3A_5 = arith.constant 0 : i32
    %dma_start3A_6 = arith.constant 0 : i32
    %dma_start3A_7 = tpu.memref_slice %arg5[%dma_start3A_5, %dma_start3A_6] : memref<12288x512xi32, #tpu.memory_space<hbm>> -> memref<12288x512xi32, #tpu.memory_space<hbm>>
    tpu.enqueue_indirect_dma source(%arg8 : memref<64x512xi32, #tpu.memory_space<vmem>>) target(%dma_start3A_7 : memref<12288x512xi32, #tpu.memory_space<hbm>>) offsets(%arg7 : memref<64xi32, #tpu.memory_space<vmem>>) semaphore(%arg9 : memref<!tpu.dma_semaphore, #tpu.memory_space<semaphore_mem>>)
    %dma_wait3A = arith.constant 0 : i32
    %dma_wait3A_8 = arith.constant 0 : i32
    %dma_wait3A_9 = tpu.memref_slice %arg5[%dma_wait3A, %dma_wait3A_8] : memref<12288x512xi32, #tpu.memory_space<hbm>> -> memref<12288x512xi32, #tpu.memory_space<hbm>>
    tpu.wait_indirect_dma semaphore(%arg9 : memref<!tpu.dma_semaphore, #tpu.memory_space<semaphore_mem>>) src(%arg8 : memref<64x512xi32, #tpu.memory_space<vmem>>) dst(%dma_wait3A_9 : memref<12288x512xi32, #tpu.memory_space<hbm>>)
    %dma_wait3A_10 = arith.constant 0 : i32
    %dma_wait3A_11 = arith.constant 0 : i32
    %dma_wait3A_12 = tpu.memref_slice %arg5[%dma_wait3A_10, %dma_wait3A_11] : memref<12288x512xi32, #tpu.memory_space<hbm>> -> memref<12288x512xi32, #tpu.memory_space<hbm>>
    tpu.wait_indirect_dma semaphore(%arg9 : memref<!tpu.dma_semaphore, #tpu.memory_space<semaphore_mem>>) src(%arg8 : memref<64x512xi32, #tpu.memory_space<vmem>>) dst(%dma_wait3A_12 : memref<12288x512xi32, #tpu.memory_space<hbm>>)
    return
  }
}

#map = affine_map<(d0, d1) -> (0, 0)>
#map1 = affine_map<(d0, d1) -> (0)>
module attributes {stable_mosaic.version = 14 : i64} {
  func.func @_comb(%arg0: i32, %arg1: i32, %arg2: memref<12288x512xi32, #tpu.memory_space<hbm>>, %arg3: memref<2048xi32, #tpu.memory_space<hbm>>, %arg4: memref<2048xi32, #tpu.memory_space<hbm>>, %arg5: memref<2048x16xf32, #tpu.memory_space<hbm>>, %arg6: memref<2048x16xf32, #tpu.memory_space<hbm>>, %arg7: memref<2048x1024xf32, #tpu.memory_space<hbm>>, %arg8: memref<32xi32, #tpu.memory_space<vmem>>, %arg9: memref<32xi32, #tpu.memory_space<vmem>>, %arg10: memref<32x16xf32, #tpu.memory_space<vmem>>, %arg11: memref<32x16xf32, #tpu.memory_space<vmem>>, %arg12: memref<32x512xi32, #tpu.memory_space<vmem>>, %arg13: memref<32x512xi32, #tpu.memory_space<vmem>>, %arg14: memref<32x1024xf32, #tpu.memory_space<vmem>>, %arg15: memref<!tpu.dma_semaphore, #tpu.memory_space<semaphore_mem>>, %arg16: memref<!tpu.dma_semaphore, #tpu.memory_space<semaphore_mem>>) attributes {dimension_semantics = [#tpu.dimension_semantics<core_parallel>, #tpu.dimension_semantics<subcore_parallel>], iteration_bounds = array<i64: 2, 16>, scalar_prefetch = 0 : i64, scratch_operands = 9 : i64, tpu.core_type = #tpu.core_type<sc_vector_subcore>, window_params = [{transform_indices = #map}, {transform_indices = #map1}, {transform_indices = #map1}, {transform_indices = #map}, {transform_indices = #map}, {transform_indices = #map}]} {
    %mul3A = arith.constant 2 : i32
    %mul3A_0 = arith.muli %arg1, %mul3A : i32
    %add3A = arith.addi %mul3A_0, %arg0 : i32
    %mul3A_1 = arith.constant 64 : i32
    %mul3A_2 = arith.muli %add3A, %mul3A_1 : i32
    %add3A_3 = arith.constant 0 : i32
    %add3A_4 = arith.addi %mul3A_2, %add3A_3 : i32
    "tpu.region"() ({
      %run_scoped3A = tpu.sem_alloc : memref<!tpu.dma_semaphore, #tpu.memory_space<semaphore_mem>>
      %dma_start3A_36 = tpu.memref_slice %arg3[%add3A_4] : memref<2048xi32, #tpu.memory_space<hbm>> -> memref<32xi32, #tpu.memory_space<hbm>>
      %dma_start3A_37 = tpu.memref_slice %arg3[%add3A_4] : memref<2048xi32, #tpu.memory_space<hbm>> -> memref<32xi32, #tpu.memory_space<hbm>>
      tpu.enqueue_dma source(%dma_start3A_37 : memref<32xi32, #tpu.memory_space<hbm>>) target(%arg8 : memref<32xi32, #tpu.memory_space<vmem>>) target_semaphore(%run_scoped3A : memref<!tpu.dma_semaphore, #tpu.memory_space<semaphore_mem>>)
      %dma_wait3A_38 = tpu.memref_slice %arg3[%add3A_4] : memref<2048xi32, #tpu.memory_space<hbm>> -> memref<32xi32, #tpu.memory_space<hbm>>
      %dma_wait3A_39 = tpu.memref_slice %arg3[%add3A_4] : memref<2048xi32, #tpu.memory_space<hbm>> -> memref<32xi32, #tpu.memory_space<hbm>>
      tpu.wait_dma2 semaphore(%run_scoped3A : memref<!tpu.dma_semaphore, #tpu.memory_space<semaphore_mem>>) src(%dma_wait3A_39 : memref<32xi32, #tpu.memory_space<hbm>>) dst(%arg8 : memref<32xi32, #tpu.memory_space<vmem>>)
      tpu.yield
    }) : () -> ()
    "tpu.region"() ({
      %run_scoped3A = tpu.sem_alloc : memref<!tpu.dma_semaphore, #tpu.memory_space<semaphore_mem>>
      %dma_start3A_36 = tpu.memref_slice %arg4[%add3A_4] : memref<2048xi32, #tpu.memory_space<hbm>> -> memref<32xi32, #tpu.memory_space<hbm>>
      %dma_start3A_37 = tpu.memref_slice %arg4[%add3A_4] : memref<2048xi32, #tpu.memory_space<hbm>> -> memref<32xi32, #tpu.memory_space<hbm>>
      tpu.enqueue_dma source(%dma_start3A_37 : memref<32xi32, #tpu.memory_space<hbm>>) target(%arg9 : memref<32xi32, #tpu.memory_space<vmem>>) target_semaphore(%run_scoped3A : memref<!tpu.dma_semaphore, #tpu.memory_space<semaphore_mem>>)
      %dma_wait3A_38 = tpu.memref_slice %arg4[%add3A_4] : memref<2048xi32, #tpu.memory_space<hbm>> -> memref<32xi32, #tpu.memory_space<hbm>>
      %dma_wait3A_39 = tpu.memref_slice %arg4[%add3A_4] : memref<2048xi32, #tpu.memory_space<hbm>> -> memref<32xi32, #tpu.memory_space<hbm>>
      tpu.wait_dma2 semaphore(%run_scoped3A : memref<!tpu.dma_semaphore, #tpu.memory_space<semaphore_mem>>) src(%dma_wait3A_39 : memref<32xi32, #tpu.memory_space<hbm>>) dst(%arg9 : memref<32xi32, #tpu.memory_space<vmem>>)
      tpu.yield
    }) : () -> ()
    "tpu.region"() ({
      %run_scoped3A = tpu.sem_alloc : memref<!tpu.dma_semaphore, #tpu.memory_space<semaphore_mem>>
      %dma_start3A_36 = arith.constant 0 : i32
      %dma_start3A_37 = tpu.memref_slice %arg5[%add3A_4, %dma_start3A_36] : memref<2048x16xf32, #tpu.memory_space<hbm>> -> memref<32x16xf32, #tpu.memory_space<hbm>>
      %dma_start3A_38 = arith.constant 0 : i32
      %dma_start3A_39 = tpu.memref_slice %arg5[%add3A_4, %dma_start3A_38] : memref<2048x16xf32, #tpu.memory_space<hbm>> -> memref<32x16xf32, #tpu.memory_space<hbm>>
      tpu.enqueue_dma source(%dma_start3A_39 : memref<32x16xf32, #tpu.memory_space<hbm>>) target(%arg10 : memref<32x16xf32, #tpu.memory_space<vmem>>) target_semaphore(%run_scoped3A : memref<!tpu.dma_semaphore, #tpu.memory_space<semaphore_mem>>)
      %dma_wait3A_40 = arith.constant 0 : i32
      %dma_wait3A_41 = tpu.memref_slice %arg5[%add3A_4, %dma_wait3A_40] : memref<2048x16xf32, #tpu.memory_space<hbm>> -> memref<32x16xf32, #tpu.memory_space<hbm>>
      %dma_wait3A_42 = arith.constant 0 : i32
      %dma_wait3A_43 = tpu.memref_slice %arg5[%add3A_4, %dma_wait3A_42] : memref<2048x16xf32, #tpu.memory_space<hbm>> -> memref<32x16xf32, #tpu.memory_space<hbm>>
      tpu.wait_dma2 semaphore(%run_scoped3A : memref<!tpu.dma_semaphore, #tpu.memory_space<semaphore_mem>>) src(%dma_wait3A_43 : memref<32x16xf32, #tpu.memory_space<hbm>>) dst(%arg10 : memref<32x16xf32, #tpu.memory_space<vmem>>)
      tpu.yield
    }) : () -> ()
    "tpu.region"() ({
      %run_scoped3A = tpu.sem_alloc : memref<!tpu.dma_semaphore, #tpu.memory_space<semaphore_mem>>
      %dma_start3A_36 = arith.constant 0 : i32
      %dma_start3A_37 = tpu.memref_slice %arg6[%add3A_4, %dma_start3A_36] : memref<2048x16xf32, #tpu.memory_space<hbm>> -> memref<32x16xf32, #tpu.memory_space<hbm>>
      %dma_start3A_38 = arith.constant 0 : i32
      %dma_start3A_39 = tpu.memref_slice %arg6[%add3A_4, %dma_start3A_38] : memref<2048x16xf32, #tpu.memory_space<hbm>> -> memref<32x16xf32, #tpu.memory_space<hbm>>
      tpu.enqueue_dma source(%dma_start3A_39 : memref<32x16xf32, #tpu.memory_space<hbm>>) target(%arg11 : memref<32x16xf32, #tpu.memory_space<vmem>>) target_semaphore(%run_scoped3A : memref<!tpu.dma_semaphore, #tpu.memory_space<semaphore_mem>>)
      %dma_wait3A_40 = arith.constant 0 : i32
      %dma_wait3A_41 = tpu.memref_slice %arg6[%add3A_4, %dma_wait3A_40] : memref<2048x16xf32, #tpu.memory_space<hbm>> -> memref<32x16xf32, #tpu.memory_space<hbm>>
      %dma_wait3A_42 = arith.constant 0 : i32
      %dma_wait3A_43 = tpu.memref_slice %arg6[%add3A_4, %dma_wait3A_42] : memref<2048x16xf32, #tpu.memory_space<hbm>> -> memref<32x16xf32, #tpu.memory_space<hbm>>
      tpu.wait_dma2 semaphore(%run_scoped3A : memref<!tpu.dma_semaphore, #tpu.memory_space<semaphore_mem>>) src(%dma_wait3A_43 : memref<32x16xf32, #tpu.memory_space<hbm>>) dst(%arg11 : memref<32x16xf32, #tpu.memory_space<vmem>>)
      tpu.yield
    }) : () -> ()
    %dma_start3A = arith.constant 0 : i32
    %dma_start3A_5 = arith.constant 0 : i32
    %dma_start3A_6 = tpu.memref_slice %arg2[%dma_start3A, %dma_start3A_5] : memref<12288x512xi32, #tpu.memory_space<hbm>> -> memref<12288x512xi32, #tpu.memory_space<hbm>>
    tpu.enqueue_indirect_dma source(%dma_start3A_6 : memref<12288x512xi32, #tpu.memory_space<hbm>>) target(%arg12 : memref<32x512xi32, #tpu.memory_space<vmem>>) offsets(%arg8 : memref<32xi32, #tpu.memory_space<vmem>>) semaphore(%arg15 : memref<!tpu.dma_semaphore, #tpu.memory_space<semaphore_mem>>)
    %dma_start3A_7 = arith.constant 0 : i32
    %dma_start3A_8 = arith.constant 0 : i32
    %dma_start3A_9 = tpu.memref_slice %arg2[%dma_start3A_7, %dma_start3A_8] : memref<12288x512xi32, #tpu.memory_space<hbm>> -> memref<12288x512xi32, #tpu.memory_space<hbm>>
    tpu.enqueue_indirect_dma source(%dma_start3A_9 : memref<12288x512xi32, #tpu.memory_space<hbm>>) target(%arg13 : memref<32x512xi32, #tpu.memory_space<vmem>>) offsets(%arg9 : memref<32xi32, #tpu.memory_space<vmem>>) semaphore(%arg16 : memref<!tpu.dma_semaphore, #tpu.memory_space<semaphore_mem>>)
    %dma_wait3A = arith.constant 0 : i32
    %dma_wait3A_10 = arith.constant 0 : i32
    %dma_wait3A_11 = tpu.memref_slice %arg2[%dma_wait3A, %dma_wait3A_10] : memref<12288x512xi32, #tpu.memory_space<hbm>> -> memref<12288x512xi32, #tpu.memory_space<hbm>>
    tpu.wait_indirect_dma semaphore(%arg15 : memref<!tpu.dma_semaphore, #tpu.memory_space<semaphore_mem>>) src(%dma_wait3A_11 : memref<12288x512xi32, #tpu.memory_space<hbm>>) dst(%arg12 : memref<32x512xi32, #tpu.memory_space<vmem>>)
    %dma_wait3A_12 = arith.constant 0 : i32
    %dma_wait3A_13 = arith.constant 0 : i32
    %dma_wait3A_14 = tpu.memref_slice %arg2[%dma_wait3A_12, %dma_wait3A_13] : memref<12288x512xi32, #tpu.memory_space<hbm>> -> memref<12288x512xi32, #tpu.memory_space<hbm>>
    tpu.wait_indirect_dma semaphore(%arg16 : memref<!tpu.dma_semaphore, #tpu.memory_space<semaphore_mem>>) src(%dma_wait3A_14 : memref<12288x512xi32, #tpu.memory_space<hbm>>) dst(%arg13 : memref<32x512xi32, #tpu.memory_space<vmem>>)
    %parallel_loop3A = arith.constant 0 : i32
    %parallel_loop3A_15 = arith.constant 32 : i32
    %parallel_loop3A_16 = arith.constant 1 : i32
    scf.for %parallel_loop3A_36 = %parallel_loop3A to %parallel_loop3A_15 step %parallel_loop3A_16  : i32 {
      %parallel_loop3A_37 = arith.index_cast %parallel_loop3A_36 : i32 to index
      %parallel_loop3A_38 = arith.constant 0 : index
      %parallel_loop3A_39 = tpu.vector_load %arg10[%parallel_loop3A_37, %parallel_loop3A_38] {strides = array<i32>} : memref<32x16xf32, #tpu.memory_space<vmem>>, vector<16xf32>,
      %parallel_loop3A_40 = arith.index_cast %parallel_loop3A_36 : i32 to index
      %parallel_loop3A_41 = arith.constant 0 : index
      %parallel_loop3A_42 = tpu.vector_load %arg11[%parallel_loop3A_40, %parallel_loop3A_41] {strides = array<i32>} : memref<32x16xf32, #tpu.memory_space<vmem>>, vector<16xf32>,
      %parallel_loop3A_43 = arith.index_cast %parallel_loop3A_36 : i32 to index
      %parallel_loop3A_44 = arith.constant 0 : index
      %parallel_loop3A_45 = tpu.vector_load %arg12[%parallel_loop3A_43, %parallel_loop3A_44] {strides = array<i32>} : memref<32x512xi32, #tpu.memory_space<vmem>>, vector<16xi32>,
      %parallel_loop3A_46 = vector.bitcast %parallel_loop3A_45 : vector<16xi32> to vector<32xbf16>
      %parallel_loop3A_47 = tpu.unpack_subelements %parallel_loop3A_46, 0 {pack_format = #tpu.pack_format<interleaved>} : vector<32xbf16> -> vector<16xf32>
      %parallel_loop3A_48 = tpu.unpack_subelements %parallel_loop3A_46, 1 {pack_format = #tpu.pack_format<interleaved>} : vector<32xbf16> -> vector<16xf32>
      %parallel_loop3A_49 = arith.index_cast %parallel_loop3A_36 : i32 to index
      %parallel_loop3A_50 = arith.constant 0 : index
      %parallel_loop3A_51 = tpu.vector_load %arg13[%parallel_loop3A_49, %parallel_loop3A_50] {strides = array<i32>} : memref<32x512xi32, #tpu.memory_space<vmem>>, vector<16xi32>,
      %parallel_loop3A_52 = vector.bitcast %parallel_loop3A_51 : vector<16xi32> to vector<32xbf16>
      %parallel_loop3A_53 = tpu.unpack_subelements %parallel_loop3A_52, 0 {pack_format = #tpu.pack_format<interleaved>} : vector<32xbf16> -> vector<16xf32>
      %parallel_loop3A_54 = tpu.unpack_subelements %parallel_loop3A_52, 1 {pack_format = #tpu.pack_format<interleaved>} : vector<32xbf16> -> vector<16xf32>
      %parallel_loop3A_55 = arith.mulf %parallel_loop3A_39, %parallel_loop3A_47 : vector<16xf32>
      %parallel_loop3A_56 = arith.mulf %parallel_loop3A_42, %parallel_loop3A_53 : vector<16xf32>
      %parallel_loop3A_57 = arith.addf %parallel_loop3A_55, %parallel_loop3A_56 : vector<16xf32>
      %parallel_loop3A_58 = arith.index_cast %parallel_loop3A_36 : i32 to index
      %parallel_loop3A_59 = arith.constant 0 : index
      %parallel_loop3A_60 = tpu.vector_load %arg14[%parallel_loop3A_58, %parallel_loop3A_59] {strides = array<i32>} : memref<32x1024xf32, #tpu.memory_space<vmem>>, vector<16xf32>,
      tpu.vector_store %arg14[%parallel_loop3A_58, %parallel_loop3A_59], %parallel_loop3A_57 {strides = array<i32>} : memref<32x1024xf32, #tpu.memory_space<vmem>>, vector<16xf32>,
      %parallel_loop3A_61 = arith.mulf %parallel_loop3A_39, %parallel_loop3A_48 : vector<16xf32>
      %parallel_loop3A_62 = arith.mulf %parallel_loop3A_42, %parallel_loop3A_54 : vector<16xf32>
      %parallel_loop3A_63 = arith.addf %parallel_loop3A_61, %parallel_loop3A_62 : vector<16xf32>
      %parallel_loop3A_64 = arith.index_cast %parallel_loop3A_36 : i32 to index
      %parallel_loop3A_65 = arith.constant 512 : index
      %parallel_loop3A_66 = tpu.vector_load %arg14[%parallel_loop3A_64, %parallel_loop3A_65] {strides = array<i32>} : memref<32x1024xf32, #tpu.memory_space<vmem>>, vector<16xf32>,
      tpu.vector_store %arg14[%parallel_loop3A_64, %parallel_loop3A_65], %parallel_loop3A_63 {strides = array<i32>} : memref<32x1024xf32, #tpu.memory_space<vmem>>, vector<16xf32>,
      %parallel_loop3A_67 = arith.index_cast %parallel_loop3A_36 : i32 to index
      %parallel_loop3A_68 = arith.constant 16 : index
      %parallel_loop3A_69 = tpu.vector_load %arg12[%parallel_loop3A_67, %parallel_loop3A_68] {strides = array<i32>} : memref<32x512xi32, #tpu.memory_space<vmem>>, vector<16xi32>,
      %parallel_loop3A_70 = vector.bitcast %parallel_loop3A_69 : vector<16xi32> to vector<32xbf16>
      %parallel_loop3A_71 = tpu.unpack_subelements %parallel_loop3A_70, 0 {pack_format = #tpu.pack_format<interleaved>} : vector<32xbf16> -> vector<16xf32>
      %parallel_loop3A_72 = tpu.unpack_subelements %parallel_loop3A_70, 1 {pack_format = #tpu.pack_format<interleaved>} : vector<32xbf16> -> vector<16xf32>
      %parallel_loop3A_73 = arith.index_cast %parallel_loop3A_36 : i32 to index
      %parallel_loop3A_74 = arith.constant 16 : index
      %parallel_loop3A_75 = tpu.vector_load %arg13[%parallel_loop3A_73, %parallel_loop3A_74] {strides = array<i32>} : memref<32x512xi32, #tpu.memory_space<vmem>>, vector<16xi32>,
      %parallel_loop3A_76 = vector.bitcast %parallel_loop3A_75 : vector<16xi32> to vector<32xbf16>
      %parallel_loop3A_77 = tpu.unpack_subelements %parallel_loop3A_76, 0 {pack_format = #tpu.pack_format<interleaved>} : vector<32xbf16> -> vector<16xf32>
      %parallel_loop3A_78 = tpu.unpack_subelements %parallel_loop3A_76, 1 {pack_format = #tpu.pack_format<interleaved>} : vector<32xbf16> -> vector<16xf32>
      %parallel_loop3A_79 = arith.mulf %parallel_loop3A_39, %parallel_loop3A_71 : vector<16xf32>
      %parallel_loop3A_80 = arith.mulf %parallel_loop3A_42, %parallel_loop3A_77 : vector<16xf32>
      %parallel_loop3A_81 = arith.addf %parallel_loop3A_79, %parallel_loop3A_80 : vector<16xf32>
      %parallel_loop3A_82 = arith.index_cast %parallel_loop3A_36 : i32 to index
      %parallel_loop3A_83 = arith.constant 16 : index
      %parallel_loop3A_84 = tpu.vector_load %arg14[%parallel_loop3A_82, %parallel_loop3A_83] {strides = array<i32>} : memref<32x1024xf32, #tpu.memory_space<vmem>>, vector<16xf32>,
      tpu.vector_store %arg14[%parallel_loop3A_82, %parallel_loop3A_83], %parallel_loop3A_81 {strides = array<i32>} : memref<32x1024xf32, #tpu.memory_space<vmem>>, vector<16xf32>,
      %parallel_loop3A_85 = arith.mulf %parallel_loop3A_39, %parallel_loop3A_72 : vector<16xf32>
      %parallel_loop3A_86 = arith.mulf %parallel_loop3A_42, %parallel_loop3A_78 : vector<16xf32>
      %parallel_loop3A_87 = arith.addf %parallel_loop3A_85, %parallel_loop3A_86 : vector<16xf32>
      %parallel_loop3A_88 = arith.index_cast %parallel_loop3A_36 : i32 to index
      %parallel_loop3A_89 = arith.constant 528 : index
      %parallel_loop3A_90 = tpu.vector_load %arg14[%parallel_loop3A_88, %parallel_loop3A_89] {strides = array<i32>} : memref<32x1024xf32, #tpu.memory_space<vmem>>, vector<16xf32>,
      tpu.vector_store %arg14[%parallel_loop3A_88, %parallel_loop3A_89], %parallel_loop3A_87 {strides = array<i32>} : memref<32x1024xf32, #tpu.memory_space<vmem>>, vector<16xf32>,
      %parallel_loop3A_91 = arith.index_cast %parallel_loop3A_36 : i32 to index
      %parallel_loop3A_92 = arith.constant 32 : index
      %parallel_loop3A_93 = tpu.vector_load %arg12[%parallel_loop3A_91, %parallel_loop3A_92] {strides = array<i32>} : memref<32x512xi32, #tpu.memory_space<vmem>>, vector<16xi32>,
      %parallel_loop3A_94 = vector.bitcast %parallel_loop3A_93 : vector<16xi32> to vector<32xbf16>
      %parallel_loop3A_95 = tpu.unpack_subelements %parallel_loop3A_94, 0 {pack_format = #tpu.pack_format<interleaved>} : vector<32xbf16> -> vector<16xf32>
      %parallel_loop3A_96 = tpu.unpack_subelements %parallel_loop3A_94, 1 {pack_format = #tpu.pack_format<interleaved>} : vector<32xbf16> -> vector<16xf32>
      %parallel_loop3A_97 = arith.index_cast %parallel_loop3A_36 : i32 to index
      %parallel_loop3A_98 = arith.constant 32 : index
      %parallel_loop3A_99 = tpu.vector_load %arg13[%parallel_loop3A_97, %parallel_loop3A_98] {strides = array<i32>} : memref<32x512xi32, #tpu.memory_space<vmem>>, vector<16xi32>,
      %parallel_loop3A_100 = vector.bitcast %parallel_loop3A_99 : vector<16xi32> to vector<32xbf16>
      %parallel_loop3A_101 = tpu.unpack_subelements %parallel_loop3A_100, 0 {pack_format = #tpu.pack_format<interleaved>} : vector<32xbf16> -> vector<16xf32>
      %parallel_loop3A_102 = tpu.unpack_subelements %parallel_loop3A_100, 1 {pack_format = #tpu.pack_format<interleaved>} : vector<32xbf16> -> vector<16xf32>
      %parallel_loop3A_103 = arith.mulf %parallel_loop3A_39, %parallel_loop3A_95 : vector<16xf32>
      %parallel_loop3A_104 = arith.mulf %parallel_loop3A_42, %parallel_loop3A_101 : vector<16xf32>
      %parallel_loop3A_105 = arith.addf %parallel_loop3A_103, %parallel_loop3A_104 : vector<16xf32>
      %parallel_loop3A_106 = arith.index_cast %parallel_loop3A_36 : i32 to index
      %parallel_loop3A_107 = arith.constant 32 : index
      %parallel_loop3A_108 = tpu.vector_load %arg14[%parallel_loop3A_106, %parallel_loop3A_107] {strides = array<i32>} : memref<32x1024xf32, #tpu.memory_space<vmem>>, vector<16xf32>,
      tpu.vector_store %arg14[%parallel_loop3A_106, %parallel_loop3A_107], %parallel_loop3A_105 {strides = array<i32>} : memref<32x1024xf32, #tpu.memory_space<vmem>>, vector<16xf32>,
      %parallel_loop3A_109 = arith.mulf %parallel_loop3A_39, %parallel_loop3A_96 : vector<16xf32>
      %parallel_loop3A_110 = arith.mulf %parallel_loop3A_42, %parallel_loop3A_102 : vector<16xf32>
      %parallel_loop3A_111 = arith.addf %parallel_loop3A_109, %parallel_loop3A_110 : vector<16xf32>
      %parallel_loop3A_112 = arith.index_cast %parallel_loop3A_36 : i32 to index
      %parallel_loop3A_113 = arith.constant 544 : index
      %parallel_loop3A_114 = tpu.vector_load %arg14[%parallel_loop3A_112, %parallel_loop3A_113] {strides = array<i32>} : memref<32x1024xf32, #tpu.memory_space<vmem>>, vector<16xf32>,
      tpu.vector_store %arg14[%parallel_loop3A_112, %parallel_loop3A_113], %parallel_loop3A_111 {strides = array<i32>} : memref<32x1024xf32, #tpu.memory_space<vmem>>, vector<16xf32>,
      %parallel_loop3A_115 = arith.index_cast %parallel_loop3A_36 : i32 to index
      %parallel_loop3A_116 = arith.constant 48 : index
      %parallel_loop3A_117 = tpu.vector_load %arg12[%parallel_loop3A_115, %parallel_loop3A_116] {strides = array<i32>} : memref<32x512xi32, #tpu.memory_space<vmem>>, vector<16xi32>,
      %parallel_loop3A_118 = vector.bitcast %parallel_loop3A_117 : vector<16xi32> to vector<32xbf16>
      %parallel_loop3A_119 = tpu.unpack_subelements %parallel_loop3A_118, 0 {pack_format = #tpu.pack_format<interleaved>} : vector<32xbf16> -> vector<16xf32>
      %parallel_loop3A_120 = tpu.unpack_subelements %parallel_loop3A_118, 1 {pack_format = #tpu.pack_format<interleaved>} : vector<32xbf16> -> vector<16xf32>
      %parallel_loop3A_121 = arith.index_cast %parallel_loop3A_36 : i32 to index
      %parallel_loop3A_122 = arith.constant 48 : index
      %parallel_loop3A_123 = tpu.vector_load %arg13[%parallel_loop3A_121, %parallel_loop3A_122] {strides = array<i32>} : memref<32x512xi32, #tpu.memory_space<vmem>>, vector<16xi32>,
      %parallel_loop3A_124 = vector.bitcast %parallel_loop3A_123 : vector<16xi32> to vector<32xbf16>
      %parallel_loop3A_125 = tpu.unpack_subelements %parallel_loop3A_124, 0 {pack_format = #tpu.pack_format<interleaved>} : vector<32xbf16> -> vector<16xf32>
      %parallel_loop3A_126 = tpu.unpack_subelements %parallel_loop3A_124, 1 {pack_format = #tpu.pack_format<interleaved>} : vector<32xbf16> -> vector<16xf32>
      %parallel_loop3A_127 = arith.mulf %parallel_loop3A_39, %parallel_loop3A_119 : vector<16xf32>
      %parallel_loop3A_128 = arith.mulf %parallel_loop3A_42, %parallel_loop3A_125 : vector<16xf32>
      %parallel_loop3A_129 = arith.addf %parallel_loop3A_127, %parallel_loop3A_128 : vector<16xf32>
      %parallel_loop3A_130 = arith.index_cast %parallel_loop3A_36 : i32 to index
      %parallel_loop3A_131 = arith.constant 48 : index
      %parallel_loop3A_132 = tpu.vector_load %arg14[%parallel_loop3A_130, %parallel_loop3A_131] {strides = array<i32>} : memref<32x1024xf32, #tpu.memory_space<vmem>>, vector<16xf32>,
      tpu.vector_store %arg14[%parallel_loop3A_130, %parallel_loop3A_131], %parallel_loop3A_129 {strides = array<i32>} : memref<32x1024xf32, #tpu.memory_space<vmem>>, vector<16xf32>,
      %parallel_loop3A_133 = arith.mulf %parallel_loop3A_39, %parallel_loop3A_120 : vector<16xf32>
      %parallel_loop3A_134 = arith.mulf %parallel_loop3A_42, %parallel_loop3A_126 : vector<16xf32>
      %parallel_loop3A_135 = arith.addf %parallel_loop3A_133, %parallel_loop3A_134 : vector<16xf32>
      %parallel_loop3A_136 = arith.index_cast %parallel_loop3A_36 : i32 to index
      %parallel_loop3A_137 = arith.constant 560 : index
      %parallel_loop3A_138 = tpu.vector_load %arg14[%parallel_loop3A_136, %parallel_loop3A_137] {strides = array<i32>} : memref<32x1024xf32, #tpu.memory_space<vmem>>, vector<16xf32>,
      tpu.vector_store %arg14[%parallel_loop3A_136, %parallel_loop3A_137], %parallel_loop3A_135 {strides = array<i32>} : memref<32x1024xf32, #tpu.memory_space<vmem>>, vector<16xf32>,
      %parallel_loop3A_139 = arith.index_cast %parallel_loop3A_36 : i32 to index
      %parallel_loop3A_140 = arith.constant 64 : index
      %parallel_loop3A_141 = tpu.vector_load %arg12[%parallel_loop3A_139, %parallel_loop3A_140] {strides = array<i32>} : memref<32x512xi32, #tpu.memory_space<vmem>>, vector<16xi32>,
      %parallel_loop3A_142 = vector.bitcast %parallel_loop3A_141 : vector<16xi32> to vector<32xbf16>
      %parallel_loop3A_143 = tpu.unpack_subelements %parallel_loop3A_142, 0 {pack_format = #tpu.pack_format<interleaved>} : vector<32xbf16> -> vector<16xf32>
      %parallel_loop3A_144 = tpu.unpack_subelements %parallel_loop3A_142, 1 {pack_format = #tpu.pack_format<interleaved>} : vector<32xbf16> -> vector<16xf32>
      %parallel_loop3A_145 = arith.index_cast %parallel_loop3A_36 : i32 to index
      %parallel_loop3A_146 = arith.constant 64 : index
      %parallel_loop3A_147 = tpu.vector_load %arg13[%parallel_loop3A_145, %parallel_loop3A_146] {strides = array<i32>} : memref<32x512xi32, #tpu.memory_space<vmem>>, vector<16xi32>,
      %parallel_loop3A_148 = vector.bitcast %parallel_loop3A_147 : vector<16xi32> to vector<32xbf16>
      %parallel_loop3A_149 = tpu.unpack_subelements %parallel_loop3A_148, 0 {pack_format = #tpu.pack_format<interleaved>} : vector<32xbf16> -> vector<16xf32>
      %parallel_loop3A_150 = tpu.unpack_subelements %parallel_loop3A_148, 1 {pack_format = #tpu.pack_format<interleaved>} : vector<32xbf16> -> vector<16xf32>
      %parallel_loop3A_151 = arith.mulf %parallel_loop3A_39, %parallel_loop3A_143 : vector<16xf32>
      %parallel_loop3A_152 = arith.mulf %parallel_loop3A_42, %parallel_loop3A_149 : vector<16xf32>
      %parallel_loop3A_153 = arith.addf %parallel_loop3A_151, %parallel_loop3A_152 : vector<16xf32>
      %parallel_loop3A_154 = arith.index_cast %parallel_loop3A_36 : i32 to index
      %parallel_loop3A_155 = arith.constant 64 : index
      %parallel_loop3A_156 = tpu.vector_load %arg14[%parallel_loop3A_154, %parallel_loop3A_155] {strides = array<i32>} : memref<32x1024xf32, #tpu.memory_space<vmem>>, vector<16xf32>,
      tpu.vector_store %arg14[%parallel_loop3A_154, %parallel_loop3A_155], %parallel_loop3A_153 {strides = array<i32>} : memref<32x1024xf32, #tpu.memory_space<vmem>>, vector<16xf32>,
      %parallel_loop3A_157 = arith.mulf %parallel_loop3A_39, %parallel_loop3A_144 : vector<16xf32>
      %parallel_loop3A_158 = arith.mulf %parallel_loop3A_42, %parallel_loop3A_150 : vector<16xf32>
      %parallel_loop3A_159 = arith.addf %parallel_loop3A_157, %parallel_loop3A_158 : vector<16xf32>
      %parallel_loop3A_160 = arith.index_cast %parallel_loop3A_36 : i32 to index
      %parallel_loop3A_161 = arith.constant 576 : index
      %parallel_loop3A_162 = tpu.vector_load %arg14[%parallel_loop3A_160, %parallel_loop3A_161] {strides = array<i32>} : memref<32x1024xf32, #tpu.memory_space<vmem>>, vector<16xf32>,
      tpu.vector_store %arg14[%parallel_loop3A_160, %parallel_loop3A_161], %parallel_loop3A_159 {strides = array<i32>} : memref<32x1024xf32, #tpu.memory_space<vmem>>, vector<16xf32>,
      %parallel_loop3A_163 = arith.index_cast %parallel_loop3A_36 : i32 to index
      %parallel_loop3A_164 = arith.constant 80 : index
      %parallel_loop3A_165 = tpu.vector_load %arg12[%parallel_loop3A_163, %parallel_loop3A_164] {strides = array<i32>} : memref<32x512xi32, #tpu.memory_space<vmem>>, vector<16xi32>,
      %parallel_loop3A_166 = vector.bitcast %parallel_loop3A_165 : vector<16xi32> to vector<32xbf16>
      %parallel_loop3A_167 = tpu.unpack_subelements %parallel_loop3A_166, 0 {pack_format = #tpu.pack_format<interleaved>} : vector<32xbf16> -> vector<16xf32>
      %parallel_loop3A_168 = tpu.unpack_subelements %parallel_loop3A_166, 1 {pack_format = #tpu.pack_format<interleaved>} : vector<32xbf16> -> vector<16xf32>
      %parallel_loop3A_169 = arith.index_cast %parallel_loop3A_36 : i32 to index
      %parallel_loop3A_170 = arith.constant 80 : index
      %parallel_loop3A_171 = tpu.vector_load %arg13[%parallel_loop3A_169, %parallel_loop3A_170] {strides = array<i32>} : memref<32x512xi32, #tpu.memory_space<vmem>>, vector<16xi32>,
      %parallel_loop3A_172 = vector.bitcast %parallel_loop3A_171 : vector<16xi32> to vector<32xbf16>
      %parallel_loop3A_173 = tpu.unpack_subelements %parallel_loop3A_172, 0 {pack_format = #tpu.pack_format<interleaved>} : vector<32xbf16> -> vector<16xf32>
      %parallel_loop3A_174 = tpu.unpack_subelements %parallel_loop3A_172, 1 {pack_format = #tpu.pack_format<interleaved>} : vector<32xbf16> -> vector<16xf32>
      %parallel_loop3A_175 = arith.mulf %parallel_loop3A_39, %parallel_loop3A_167 : vector<16xf32>
      %parallel_loop3A_176 = arith.mulf %parallel_loop3A_42, %parallel_loop3A_173 : vector<16xf32>
      %parallel_loop3A_177 = arith.addf %parallel_loop3A_175, %parallel_loop3A_176 : vector<16xf32>
      %parallel_loop3A_178 = arith.index_cast %parallel_loop3A_36 : i32 to index
      %parallel_loop3A_179 = arith.constant 80 : index
      %parallel_loop3A_180 = tpu.vector_load %arg14[%parallel_loop3A_178, %parallel_loop3A_179] {strides = array<i32>} : memref<32x1024xf32, #tpu.memory_space<vmem>>, vector<16xf32>,
      tpu.vector_store %arg14[%parallel_loop3A_178, %parallel_loop3A_179], %parallel_loop3A_177 {strides = array<i32>} : memref<32x1024xf32, #tpu.memory_space<vmem>>, vector<16xf32>,
      %parallel_loop3A_181 = arith.mulf %parallel_loop3A_39, %parallel_loop3A_168 : vector<16xf32>
      %parallel_loop3A_182 = arith.mulf %parallel_loop3A_42, %parallel_loop3A_174 : vector<16xf32>
      %parallel_loop3A_183 = arith.addf %parallel_loop3A_181, %parallel_loop3A_182 : vector<16xf32>
      %parallel_loop3A_184 = arith.index_cast %parallel_loop3A_36 : i32 to index
      %parallel_loop3A_185 = arith.constant 592 : index
      %parallel_loop3A_186 = tpu.vector_load %arg14[%parallel_loop3A_184, %parallel_loop3A_185] {strides = array<i32>} : memref<32x1024xf32, #tpu.memory_space<vmem>>, vector<16xf32>,
      tpu.vector_store %arg14[%parallel_loop3A_184, %parallel_loop3A_185], %parallel_loop3A_183 {strides = array<i32>} : memref<32x1024xf32, #tpu.memory_space<vmem>>, vector<16xf32>,
      %parallel_loop3A_187 = arith.index_cast %parallel_loop3A_36 : i32 to index
      %parallel_loop3A_188 = arith.constant 96 : index
      %parallel_loop3A_189 = tpu.vector_load %arg12[%parallel_loop3A_187, %parallel_loop3A_188] {strides = array<i32>} : memref<32x512xi32, #tpu.memory_space<vmem>>, vector<16xi32>,
      %parallel_loop3A_190 = vector.bitcast %parallel_loop3A_189 : vector<16xi32> to vector<32xbf16>
      %parallel_loop3A_191 = tpu.unpack_subelements %parallel_loop3A_190, 0 {pack_format = #tpu.pack_format<interleaved>} : vector<32xbf16> -> vector<16xf32>
      %parallel_loop3A_192 = tpu.unpack_subelements %parallel_loop3A_190, 1 {pack_format = #tpu.pack_format<interleaved>} : vector<32xbf16> -> vector<16xf32>
      %parallel_loop3A_193 = arith.index_cast %parallel_loop3A_36 : i32 to index
      %parallel_loop3A_194 = arith.constant 96 : index
      %parallel_loop3A_195 = tpu.vector_load %arg13[%parallel_loop3A_193, %parallel_loop3A_194] {strides = array<i32>} : memref<32x512xi32, #tpu.memory_space<vmem>>, vector<16xi32>,
      %parallel_loop3A_196 = vector.bitcast %parallel_loop3A_195 : vector<16xi32> to vector<32xbf16>
      %parallel_loop3A_197 = tpu.unpack_subelements %parallel_loop3A_196, 0 {pack_format = #tpu.pack_format<interleaved>} : vector<32xbf16> -> vector<16xf32>
      %parallel_loop3A_198 = tpu.unpack_subelements %parallel_loop3A_196, 1 {pack_format = #tpu.pack_format<interleaved>} : vector<32xbf16> -> vector<16xf32>
      %parallel_loop3A_199 = arith.mulf %parallel_loop3A_39, %parallel_loop3A_191 : vector<16xf32>
      %parallel_loop3A_200 = arith.mulf %parallel_loop3A_42, %parallel_loop3A_197 : vector<16xf32>
      %parallel_loop3A_201 = arith.addf %parallel_loop3A_199, %parallel_loop3A_200 : vector<16xf32>
      %parallel_loop3A_202 = arith.index_cast %parallel_loop3A_36 : i32 to index
      %parallel_loop3A_203 = arith.constant 96 : index
      %parallel_loop3A_204 = tpu.vector_load %arg14[%parallel_loop3A_202, %parallel_loop3A_203] {strides = array<i32>} : memref<32x1024xf32, #tpu.memory_space<vmem>>, vector<16xf32>,
      tpu.vector_store %arg14[%parallel_loop3A_202, %parallel_loop3A_203], %parallel_loop3A_201 {strides = array<i32>} : memref<32x1024xf32, #tpu.memory_space<vmem>>, vector<16xf32>,
      %parallel_loop3A_205 = arith.mulf %parallel_loop3A_39, %parallel_loop3A_192 : vector<16xf32>
      %parallel_loop3A_206 = arith.mulf %parallel_loop3A_42, %parallel_loop3A_198 : vector<16xf32>
      %parallel_loop3A_207 = arith.addf %parallel_loop3A_205, %parallel_loop3A_206 : vector<16xf32>
      %parallel_loop3A_208 = arith.index_cast %parallel_loop3A_36 : i32 to index
      %parallel_loop3A_209 = arith.constant 608 : index
      %parallel_loop3A_210 = tpu.vector_load %arg14[%parallel_loop3A_208, %parallel_loop3A_209] {strides = array<i32>} : memref<32x1024xf32, #tpu.memory_space<vmem>>, vector<16xf32>,
      tpu.vector_store %arg14[%parallel_loop3A_208, %parallel_loop3A_209], %parallel_loop3A_207 {strides = array<i32>} : memref<32x1024xf32, #tpu.memory_space<vmem>>, vector<16xf32>,
      %parallel_loop3A_211 = arith.index_cast %parallel_loop3A_36 : i32 to index
      %parallel_loop3A_212 = arith.constant 112 : index
      %parallel_loop3A_213 = tpu.vector_load %arg12[%parallel_loop3A_211, %parallel_loop3A_212] {strides = array<i32>} : memref<32x512xi32, #tpu.memory_space<vmem>>, vector<16xi32>,
      %parallel_loop3A_214 = vector.bitcast %parallel_loop3A_213 : vector<16xi32> to vector<32xbf16>
      %parallel_loop3A_215 = tpu.unpack_subelements %parallel_loop3A_214, 0 {pack_format = #tpu.pack_format<interleaved>} : vector<32xbf16> -> vector<16xf32>
      %parallel_loop3A_216 = tpu.unpack_subelements %parallel_loop3A_214, 1 {pack_format = #tpu.pack_format<interleaved>} : vector<32xbf16> -> vector<16xf32>
      %parallel_loop3A_217 = arith.index_cast %parallel_loop3A_36 : i32 to index
      %parallel_loop3A_218 = arith.constant 112 : index
      %parallel_loop3A_219 = tpu.vector_load %arg13[%parallel_loop3A_217, %parallel_loop3A_218] {strides = array<i32>} : memref<32x512xi32, #tpu.memory_space<vmem>>, vector<16xi32>,
      %parallel_loop3A_220 = vector.bitcast %parallel_loop3A_219 : vector<16xi32> to vector<32xbf16>
      %parallel_loop3A_221 = tpu.unpack_subelements %parallel_loop3A_220, 0 {pack_format = #tpu.pack_format<interleaved>} : vector<32xbf16> -> vector<16xf32>
      %parallel_loop3A_222 = tpu.unpack_subelements %parallel_loop3A_220, 1 {pack_format = #tpu.pack_format<interleaved>} : vector<32xbf16> -> vector<16xf32>
      %parallel_loop3A_223 = arith.mulf %parallel_loop3A_39, %parallel_loop3A_215 : vector<16xf32>
      %parallel_loop3A_224 = arith.mulf %parallel_loop3A_42, %parallel_loop3A_221 : vector<16xf32>
      %parallel_loop3A_225 = arith.addf %parallel_loop3A_223, %parallel_loop3A_224 : vector<16xf32>
      %parallel_loop3A_226 = arith.index_cast %parallel_loop3A_36 : i32 to index
      %parallel_loop3A_227 = arith.constant 112 : index
      %parallel_loop3A_228 = tpu.vector_load %arg14[%parallel_loop3A_226, %parallel_loop3A_227] {strides = array<i32>} : memref<32x1024xf32, #tpu.memory_space<vmem>>, vector<16xf32>,
      tpu.vector_store %arg14[%parallel_loop3A_226, %parallel_loop3A_227], %parallel_loop3A_225 {strides = array<i32>} : memref<32x1024xf32, #tpu.memory_space<vmem>>, vector<16xf32>,
      %parallel_loop3A_229 = arith.mulf %parallel_loop3A_39, %parallel_loop3A_216 : vector<16xf32>
      %parallel_loop3A_230 = arith.mulf %parallel_loop3A_42, %parallel_loop3A_222 : vector<16xf32>
      %parallel_loop3A_231 = arith.addf %parallel_loop3A_229, %parallel_loop3A_230 : vector<16xf32>
      %parallel_loop3A_232 = arith.index_cast %parallel_loop3A_36 : i32 to index
      %parallel_loop3A_233 = arith.constant 624 : index
      %parallel_loop3A_234 = tpu.vector_load %arg14[%parallel_loop3A_232, %parallel_loop3A_233] {strides = array<i32>} : memref<32x1024xf32, #tpu.memory_space<vmem>>, vector<16xf32>,
      tpu.vector_store %arg14[%parallel_loop3A_232, %parallel_loop3A_233], %parallel_loop3A_231 {strides = array<i32>} : memref<32x1024xf32, #tpu.memory_space<vmem>>, vector<16xf32>,
      %parallel_loop3A_235 = arith.index_cast %parallel_loop3A_36 : i32 to index
      %parallel_loop3A_236 = arith.constant 128 : index
      %parallel_loop3A_237 = tpu.vector_load %arg12[%parallel_loop3A_235, %parallel_loop3A_236] {strides = array<i32>} : memref<32x512xi32, #tpu.memory_space<vmem>>, vector<16xi32>,
      %parallel_loop3A_238 = vector.bitcast %parallel_loop3A_237 : vector<16xi32> to vector<32xbf16>
      %parallel_loop3A_239 = tpu.unpack_subelements %parallel_loop3A_238, 0 {pack_format = #tpu.pack_format<interleaved>} : vector<32xbf16> -> vector<16xf32>
      %parallel_loop3A_240 = tpu.unpack_subelements %parallel_loop3A_238, 1 {pack_format = #tpu.pack_format<interleaved>} : vector<32xbf16> -> vector<16xf32>
      %parallel_loop3A_241 = arith.index_cast %parallel_loop3A_36 : i32 to index
      %parallel_loop3A_242 = arith.constant 128 : index
      %parallel_loop3A_243 = tpu.vector_load %arg13[%parallel_loop3A_241, %parallel_loop3A_242] {strides = array<i32>} : memref<32x512xi32, #tpu.memory_space<vmem>>, vector<16xi32>,
      %parallel_loop3A_244 = vector.bitcast %parallel_loop3A_243 : vector<16xi32> to vector<32xbf16>
      %parallel_loop3A_245 = tpu.unpack_subelements %parallel_loop3A_244, 0 {pack_format = #tpu.pack_format<interleaved>} : vector<32xbf16> -> vector<16xf32>
      %parallel_loop3A_246 = tpu.unpack_subelements %parallel_loop3A_244, 1 {pack_format = #tpu.pack_format<interleaved>} : vector<32xbf16> -> vector<16xf32>
      %parallel_loop3A_247 = arith.mulf %parallel_loop3A_39, %parallel_loop3A_239 : vector<16xf32>
      %parallel_loop3A_248 = arith.mulf %parallel_loop3A_42, %parallel_loop3A_245 : vector<16xf32>
      %parallel_loop3A_249 = arith.addf %parallel_loop3A_247, %parallel_loop3A_248 : vector<16xf32>
      %parallel_loop3A_250 = arith.index_cast %parallel_loop3A_36 : i32 to index
      %parallel_loop3A_251 = arith.constant 128 : index
      %parallel_loop3A_252 = tpu.vector_load %arg14[%parallel_loop3A_250, %parallel_loop3A_251] {strides = array<i32>} : memref<32x1024xf32, #tpu.memory_space<vmem>>, vector<16xf32>,
      tpu.vector_store %arg14[%parallel_loop3A_250, %parallel_loop3A_251], %parallel_loop3A_249 {strides = array<i32>} : memref<32x1024xf32, #tpu.memory_space<vmem>>, vector<16xf32>,
      %parallel_loop3A_253 = arith.mulf %parallel_loop3A_39, %parallel_loop3A_240 : vector<16xf32>
      %parallel_loop3A_254 = arith.mulf %parallel_loop3A_42, %parallel_loop3A_246 : vector<16xf32>
      %parallel_loop3A_255 = arith.addf %parallel_loop3A_253, %parallel_loop3A_254 : vector<16xf32>
      %parallel_loop3A_256 = arith.index_cast %parallel_loop3A_36 : i32 to index
      %parallel_loop3A_257 = arith.constant 640 : index
      %parallel_loop3A_258 = tpu.vector_load %arg14[%parallel_loop3A_256, %parallel_loop3A_257] {strides = array<i32>} : memref<32x1024xf32, #tpu.memory_space<vmem>>, vector<16xf32>,
      tpu.vector_store %arg14[%parallel_loop3A_256, %parallel_loop3A_257], %parallel_loop3A_255 {strides = array<i32>} : memref<32x1024xf32, #tpu.memory_space<vmem>>, vector<16xf32>,
      %parallel_loop3A_259 = arith.index_cast %parallel_loop3A_36 : i32 to index
      %parallel_loop3A_260 = arith.constant 144 : index
      %parallel_loop3A_261 = tpu.vector_load %arg12[%parallel_loop3A_259, %parallel_loop3A_260] {strides = array<i32>} : memref<32x512xi32, #tpu.memory_space<vmem>>, vector<16xi32>,
      %parallel_loop3A_262 = vector.bitcast %parallel_loop3A_261 : vector<16xi32> to vector<32xbf16>
      %parallel_loop3A_263 = tpu.unpack_subelements %parallel_loop3A_262, 0 {pack_format = #tpu.pack_format<interleaved>} : vector<32xbf16> -> vector<16xf32>
      %parallel_loop3A_264 = tpu.unpack_subelements %parallel_loop3A_262, 1 {pack_format = #tpu.pack_format<interleaved>} : vector<32xbf16> -> vector<16xf32>
      %parallel_loop3A_265 = arith.index_cast %parallel_loop3A_36 : i32 to index
      %parallel_loop3A_266 = arith.constant 144 : index
      %parallel_loop3A_267 = tpu.vector_load %arg13[%parallel_loop3A_265, %parallel_loop3A_266] {strides = array<i32>} : memref<32x512xi32, #tpu.memory_space<vmem>>, vector<16xi32>,
      %parallel_loop3A_268 = vector.bitcast %parallel_loop3A_267 : vector<16xi32> to vector<32xbf16>
      %parallel_loop3A_269 = tpu.unpack_subelements %parallel_loop3A_268, 0 {pack_format = #tpu.pack_format<interleaved>} : vector<32xbf16> -> vector<16xf32>
      %parallel_loop3A_270 = tpu.unpack_subelements %parallel_loop3A_268, 1 {pack_format = #tpu.pack_format<interleaved>} : vector<32xbf16> -> vector<16xf32>
      %parallel_loop3A_271 = arith.mulf %parallel_loop3A_39, %parallel_loop3A_263 : vector<16xf32>
      %parallel_loop3A_272 = arith.mulf %parallel_loop3A_42, %parallel_loop3A_269 : vector<16xf32>
      %parallel_loop3A_273 = arith.addf %parallel_loop3A_271, %parallel_loop3A_272 : vector<16xf32>
      %parallel_loop3A_274 = arith.index_cast %parallel_loop3A_36 : i32 to index
      %parallel_loop3A_275 = arith.constant 144 : index
      %parallel_loop3A_276 = tpu.vector_load %arg14[%parallel_loop3A_274, %parallel_loop3A_275] {strides = array<i32>} : memref<32x1024xf32, #tpu.memory_space<vmem>>, vector<16xf32>,
      tpu.vector_store %arg14[%parallel_loop3A_274, %parallel_loop3A_275], %parallel_loop3A_273 {strides = array<i32>} : memref<32x1024xf32, #tpu.memory_space<vmem>>, vector<16xf32>,
      %parallel_loop3A_277 = arith.mulf %parallel_loop3A_39, %parallel_loop3A_264 : vector<16xf32>
      %parallel_loop3A_278 = arith.mulf %parallel_loop3A_42, %parallel_loop3A_270 : vector<16xf32>
      %parallel_loop3A_279 = arith.addf %parallel_loop3A_277, %parallel_loop3A_278 : vector<16xf32>
      %parallel_loop3A_280 = arith.index_cast %parallel_loop3A_36 : i32 to index
      %parallel_loop3A_281 = arith.constant 656 : index
      %parallel_loop3A_282 = tpu.vector_load %arg14[%parallel_loop3A_280, %parallel_loop3A_281] {strides = array<i32>} : memref<32x1024xf32, #tpu.memory_space<vmem>>, vector<16xf32>,
      tpu.vector_store %arg14[%parallel_loop3A_280, %parallel_loop3A_281], %parallel_loop3A_279 {strides = array<i32>} : memref<32x1024xf32, #tpu.memory_space<vmem>>, vector<16xf32>,
      %parallel_loop3A_283 = arith.index_cast %parallel_loop3A_36 : i32 to index
      %parallel_loop3A_284 = arith.constant 160 : index
      %parallel_loop3A_285 = tpu.vector_load %arg12[%parallel_loop3A_283, %parallel_loop3A_284] {strides = array<i32>} : memref<32x512xi32, #tpu.memory_space<vmem>>, vector<16xi32>,
      %parallel_loop3A_286 = vector.bitcast %parallel_loop3A_285 : vector<16xi32> to vector<32xbf16>
      %parallel_loop3A_287 = tpu.unpack_subelements %parallel_loop3A_286, 0 {pack_format = #tpu.pack_format<interleaved>} : vector<32xbf16> -> vector<16xf32>
      %parallel_loop3A_288 = tpu.unpack_subelements %parallel_loop3A_286, 1 {pack_format = #tpu.pack_format<interleaved>} : vector<32xbf16> -> vector<16xf32>
      %parallel_loop3A_289 = arith.index_cast %parallel_loop3A_36 : i32 to index
      %parallel_loop3A_290 = arith.constant 160 : index
      %parallel_loop3A_291 = tpu.vector_load %arg13[%parallel_loop3A_289, %parallel_loop3A_290] {strides = array<i32>} : memref<32x512xi32, #tpu.memory_space<vmem>>, vector<16xi32>,
      %parallel_loop3A_292 = vector.bitcast %parallel_loop3A_291 : vector<16xi32> to vector<32xbf16>
      %parallel_loop3A_293 = tpu.unpack_subelements %parallel_loop3A_292, 0 {pack_format = #tpu.pack_format<interleaved>} : vector<32xbf16> -> vector<16xf32>
      %parallel_loop3A_294 = tpu.unpack_subelements %parallel_loop3A_292, 1 {pack_format = #tpu.pack_format<interleaved>} : vector<32xbf16> -> vector<16xf32>
      %parallel_loop3A_295 = arith.mulf %parallel_loop3A_39, %parallel_loop3A_287 : vector<16xf32>
      %parallel_loop3A_296 = arith.mulf %parallel_loop3A_42, %parallel_loop3A_293 : vector<16xf32>
      %parallel_loop3A_297 = arith.addf %parallel_loop3A_295, %parallel_loop3A_296 : vector<16xf32>
      %parallel_loop3A_298 = arith.index_cast %parallel_loop3A_36 : i32 to index
      %parallel_loop3A_299 = arith.constant 160 : index
      %parallel_loop3A_300 = tpu.vector_load %arg14[%parallel_loop3A_298, %parallel_loop3A_299] {strides = array<i32>} : memref<32x1024xf32, #tpu.memory_space<vmem>>, vector<16xf32>,
      tpu.vector_store %arg14[%parallel_loop3A_298, %parallel_loop3A_299], %parallel_loop3A_297 {strides = array<i32>} : memref<32x1024xf32, #tpu.memory_space<vmem>>, vector<16xf32>,
      %parallel_loop3A_301 = arith.mulf %parallel_loop3A_39, %parallel_loop3A_288 : vector<16xf32>
      %parallel_loop3A_302 = arith.mulf %parallel_loop3A_42, %parallel_loop3A_294 : vector<16xf32>
      %parallel_loop3A_303 = arith.addf %parallel_loop3A_301, %parallel_loop3A_302 : vector<16xf32>
      %parallel_loop3A_304 = arith.index_cast %parallel_loop3A_36 : i32 to index
      %parallel_loop3A_305 = arith.constant 672 : index
      %parallel_loop3A_306 = tpu.vector_load %arg14[%parallel_loop3A_304, %parallel_loop3A_305] {strides = array<i32>} : memref<32x1024xf32, #tpu.memory_space<vmem>>, vector<16xf32>,
      tpu.vector_store %arg14[%parallel_loop3A_304, %parallel_loop3A_305], %parallel_loop3A_303 {strides = array<i32>} : memref<32x1024xf32, #tpu.memory_space<vmem>>, vector<16xf32>,
      %parallel_loop3A_307 = arith.index_cast %parallel_loop3A_36 : i32 to index
      %parallel_loop3A_308 = arith.constant 176 : index
      %parallel_loop3A_309 = tpu.vector_load %arg12[%parallel_loop3A_307, %parallel_loop3A_308] {strides = array<i32>} : memref<32x512xi32, #tpu.memory_space<vmem>>, vector<16xi32>,
      %parallel_loop3A_310 = vector.bitcast %parallel_loop3A_309 : vector<16xi32> to vector<32xbf16>
      %parallel_loop3A_311 = tpu.unpack_subelements %parallel_loop3A_310, 0 {pack_format = #tpu.pack_format<interleaved>} : vector<32xbf16> -> vector<16xf32>
      %parallel_loop3A_312 = tpu.unpack_subelements %parallel_loop3A_310, 1 {pack_format = #tpu.pack_format<interleaved>} : vector<32xbf16> -> vector<16xf32>
      %parallel_loop3A_313 = arith.index_cast %parallel_loop3A_36 : i32 to index
      %parallel_loop3A_314 = arith.constant 176 : index
      %parallel_loop3A_315 = tpu.vector_load %arg13[%parallel_loop3A_313, %parallel_loop3A_314] {strides = array<i32>} : memref<32x512xi32, #tpu.memory_space<vmem>>, vector<16xi32>,
      %parallel_loop3A_316 = vector.bitcast %parallel_loop3A_315 : vector<16xi32> to vector<32xbf16>
      %parallel_loop3A_317 = tpu.unpack_subelements %parallel_loop3A_316, 0 {pack_format = #tpu.pack_format<interleaved>} : vector<32xbf16> -> vector<16xf32>
      %parallel_loop3A_318 = tpu.unpack_subelements %parallel_loop3A_316, 1 {pack_format = #tpu.pack_format<interleaved>} : vector<32xbf16> -> vector<16xf32>
      %parallel_loop3A_319 = arith.mulf %parallel_loop3A_39, %parallel_loop3A_311 : vector<16xf32>
      %parallel_loop3A_320 = arith.mulf %parallel_loop3A_42, %parallel_loop3A_317 : vector<16xf32>
      %parallel_loop3A_321 = arith.addf %parallel_loop3A_319, %parallel_loop3A_320 : vector<16xf32>
      %parallel_loop3A_322 = arith.index_cast %parallel_loop3A_36 : i32 to index
      %parallel_loop3A_323 = arith.constant 176 : index
      %parallel_loop3A_324 = tpu.vector_load %arg14[%parallel_loop3A_322, %parallel_loop3A_323] {strides = array<i32>} : memref<32x1024xf32, #tpu.memory_space<vmem>>, vector<16xf32>,
      tpu.vector_store %arg14[%parallel_loop3A_322, %parallel_loop3A_323], %parallel_loop3A_321 {strides = array<i32>} : memref<32x1024xf32, #tpu.memory_space<vmem>>, vector<16xf32>,
      %parallel_loop3A_325 = arith.mulf %parallel_loop3A_39, %parallel_loop3A_312 : vector<16xf32>
      %parallel_loop3A_326 = arith.mulf %parallel_loop3A_42, %parallel_loop3A_318 : vector<16xf32>
      %parallel_loop3A_327 = arith.addf %parallel_loop3A_325, %parallel_loop3A_326 : vector<16xf32>
      %parallel_loop3A_328 = arith.index_cast %parallel_loop3A_36 : i32 to index
      %parallel_loop3A_329 = arith.constant 688 : index
      %parallel_loop3A_330 = tpu.vector_load %arg14[%parallel_loop3A_328, %parallel_loop3A_329] {strides = array<i32>} : memref<32x1024xf32, #tpu.memory_space<vmem>>, vector<16xf32>,
      tpu.vector_store %arg14[%parallel_loop3A_328, %parallel_loop3A_329], %parallel_loop3A_327 {strides = array<i32>} : memref<32x1024xf32, #tpu.memory_space<vmem>>, vector<16xf32>,
      %parallel_loop3A_331 = arith.index_cast %parallel_loop3A_36 : i32 to index
      %parallel_loop3A_332 = arith.constant 192 : index
      %parallel_loop3A_333 = tpu.vector_load %arg12[%parallel_loop3A_331, %parallel_loop3A_332] {strides = array<i32>} : memref<32x512xi32, #tpu.memory_space<vmem>>, vector<16xi32>,
      %parallel_loop3A_334 = vector.bitcast %parallel_loop3A_333 : vector<16xi32> to vector<32xbf16>
      %parallel_loop3A_335 = tpu.unpack_subelements %parallel_loop3A_334, 0 {pack_format = #tpu.pack_format<interleaved>} : vector<32xbf16> -> vector<16xf32>
      %parallel_loop3A_336 = tpu.unpack_subelements %parallel_loop3A_334, 1 {pack_format = #tpu.pack_format<interleaved>} : vector<32xbf16> -> vector<16xf32>
      %parallel_loop3A_337 = arith.index_cast %parallel_loop3A_36 : i32 to index
      %parallel_loop3A_338 = arith.constant 192 : index
      %parallel_loop3A_339 = tpu.vector_load %arg13[%parallel_loop3A_337, %parallel_loop3A_338] {strides = array<i32>} : memref<32x512xi32, #tpu.memory_space<vmem>>, vector<16xi32>,
      %parallel_loop3A_340 = vector.bitcast %parallel_loop3A_339 : vector<16xi32> to vector<32xbf16>
      %parallel_loop3A_341 = tpu.unpack_subelements %parallel_loop3A_340, 0 {pack_format = #tpu.pack_format<interleaved>} : vector<32xbf16> -> vector<16xf32>
      %parallel_loop3A_342 = tpu.unpack_subelements %parallel_loop3A_340, 1 {pack_format = #tpu.pack_format<interleaved>} : vector<32xbf16> -> vector<16xf32>
      %parallel_loop3A_343 = arith.mulf %parallel_loop3A_39, %parallel_loop3A_335 : vector<16xf32>
      %parallel_loop3A_344 = arith.mulf %parallel_loop3A_42, %parallel_loop3A_341 : vector<16xf32>
      %parallel_loop3A_345 = arith.addf %parallel_loop3A_343, %parallel_loop3A_344 : vector<16xf32>
      %parallel_loop3A_346 = arith.index_cast %parallel_loop3A_36 : i32 to index
      %parallel_loop3A_347 = arith.constant 192 : index
      %parallel_loop3A_348 = tpu.vector_load %arg14[%parallel_loop3A_346, %parallel_loop3A_347] {strides = array<i32>} : memref<32x1024xf32, #tpu.memory_space<vmem>>, vector<16xf32>,
      tpu.vector_store %arg14[%parallel_loop3A_346, %parallel_loop3A_347], %parallel_loop3A_345 {strides = array<i32>} : memref<32x1024xf32, #tpu.memory_space<vmem>>, vector<16xf32>,
      %parallel_loop3A_349 = arith.mulf %parallel_loop3A_39, %parallel_loop3A_336 : vector<16xf32>
      %parallel_loop3A_350 = arith.mulf %parallel_loop3A_42, %parallel_loop3A_342 : vector<16xf32>
      %parallel_loop3A_351 = arith.addf %parallel_loop3A_349, %parallel_loop3A_350 : vector<16xf32>
      %parallel_loop3A_352 = arith.index_cast %parallel_loop3A_36 : i32 to index
      %parallel_loop3A_353 = arith.constant 704 : index
      %parallel_loop3A_354 = tpu.vector_load %arg14[%parallel_loop3A_352, %parallel_loop3A_353] {strides = array<i32>} : memref<32x1024xf32, #tpu.memory_space<vmem>>, vector<16xf32>,
      tpu.vector_store %arg14[%parallel_loop3A_352, %parallel_loop3A_353], %parallel_loop3A_351 {strides = array<i32>} : memref<32x1024xf32, #tpu.memory_space<vmem>>, vector<16xf32>,
      %parallel_loop3A_355 = arith.index_cast %parallel_loop3A_36 : i32 to index
      %parallel_loop3A_356 = arith.constant 208 : index
      %parallel_loop3A_357 = tpu.vector_load %arg12[%parallel_loop3A_355, %parallel_loop3A_356] {strides = array<i32>} : memref<32x512xi32, #tpu.memory_space<vmem>>, vector<16xi32>,
      %parallel_loop3A_358 = vector.bitcast %parallel_loop3A_357 : vector<16xi32> to vector<32xbf16>
      %parallel_loop3A_359 = tpu.unpack_subelements %parallel_loop3A_358, 0 {pack_format = #tpu.pack_format<interleaved>} : vector<32xbf16> -> vector<16xf32>
      %parallel_loop3A_360 = tpu.unpack_subelements %parallel_loop3A_358, 1 {pack_format = #tpu.pack_format<interleaved>} : vector<32xbf16> -> vector<16xf32>
      %parallel_loop3A_361 = arith.index_cast %parallel_loop3A_36 : i32 to index
      %parallel_loop3A_362 = arith.constant 208 : index
      %parallel_loop3A_363 = tpu.vector_load %arg13[%parallel_loop3A_361, %parallel_loop3A_362] {strides = array<i32>} : memref<32x512xi32, #tpu.memory_space<vmem>>, vector<16xi32>,
      %parallel_loop3A_364 = vector.bitcast %parallel_loop3A_363 : vector<16xi32> to vector<32xbf16>
      %parallel_loop3A_365 = tpu.unpack_subelements %parallel_loop3A_364, 0 {pack_format = #tpu.pack_format<interleaved>} : vector<32xbf16> -> vector<16xf32>
      %parallel_loop3A_366 = tpu.unpack_subelements %parallel_loop3A_364, 1 {pack_format = #tpu.pack_format<interleaved>} : vector<32xbf16> -> vector<16xf32>
      %parallel_loop3A_367 = arith.mulf %parallel_loop3A_39, %parallel_loop3A_359 : vector<16xf32>
      %parallel_loop3A_368 = arith.mulf %parallel_loop3A_42, %parallel_loop3A_365 : vector<16xf32>
      %parallel_loop3A_369 = arith.addf %parallel_loop3A_367, %parallel_loop3A_368 : vector<16xf32>
      %parallel_loop3A_370 = arith.index_cast %parallel_loop3A_36 : i32 to index
      %parallel_loop3A_371 = arith.constant 208 : index
      %parallel_loop3A_372 = tpu.vector_load %arg14[%parallel_loop3A_370, %parallel_loop3A_371] {strides = array<i32>} : memref<32x1024xf32, #tpu.memory_space<vmem>>, vector<16xf32>,
      tpu.vector_store %arg14[%parallel_loop3A_370, %parallel_loop3A_371], %parallel_loop3A_369 {strides = array<i32>} : memref<32x1024xf32, #tpu.memory_space<vmem>>, vector<16xf32>,
      %parallel_loop3A_373 = arith.mulf %parallel_loop3A_39, %parallel_loop3A_360 : vector<16xf32>
      %parallel_loop3A_374 = arith.mulf %parallel_loop3A_42, %parallel_loop3A_366 : vector<16xf32>
      %parallel_loop3A_375 = arith.addf %parallel_loop3A_373, %parallel_loop3A_374 : vector<16xf32>
      %parallel_loop3A_376 = arith.index_cast %parallel_loop3A_36 : i32 to index
      %parallel_loop3A_377 = arith.constant 720 : index
      %parallel_loop3A_378 = tpu.vector_load %arg14[%parallel_loop3A_376, %parallel_loop3A_377] {strides = array<i32>} : memref<32x1024xf32, #tpu.memory_space<vmem>>, vector<16xf32>,
      tpu.vector_store %arg14[%parallel_loop3A_376, %parallel_loop3A_377], %parallel_loop3A_375 {strides = array<i32>} : memref<32x1024xf32, #tpu.memory_space<vmem>>, vector<16xf32>,
      %parallel_loop3A_379 = arith.index_cast %parallel_loop3A_36 : i32 to index
      %parallel_loop3A_380 = arith.constant 224 : index
      %parallel_loop3A_381 = tpu.vector_load %arg12[%parallel_loop3A_379, %parallel_loop3A_380] {strides = array<i32>} : memref<32x512xi32, #tpu.memory_space<vmem>>, vector<16xi32>,
      %parallel_loop3A_382 = vector.bitcast %parallel_loop3A_381 : vector<16xi32> to vector<32xbf16>
      %parallel_loop3A_383 = tpu.unpack_subelements %parallel_loop3A_382, 0 {pack_format = #tpu.pack_format<interleaved>} : vector<32xbf16> -> vector<16xf32>
      %parallel_loop3A_384 = tpu.unpack_subelements %parallel_loop3A_382, 1 {pack_format = #tpu.pack_format<interleaved>} : vector<32xbf16> -> vector<16xf32>
      %parallel_loop3A_385 = arith.index_cast %parallel_loop3A_36 : i32 to index
      %parallel_loop3A_386 = arith.constant 224 : index
      %parallel_loop3A_387 = tpu.vector_load %arg13[%parallel_loop3A_385, %parallel_loop3A_386] {strides = array<i32>} : memref<32x512xi32, #tpu.memory_space<vmem>>, vector<16xi32>,
      %parallel_loop3A_388 = vector.bitcast %parallel_loop3A_387 : vector<16xi32> to vector<32xbf16>
      %parallel_loop3A_389 = tpu.unpack_subelements %parallel_loop3A_388, 0 {pack_format = #tpu.pack_format<interleaved>} : vector<32xbf16> -> vector<16xf32>
      %parallel_loop3A_390 = tpu.unpack_subelements %parallel_loop3A_388, 1 {pack_format = #tpu.pack_format<interleaved>} : vector<32xbf16> -> vector<16xf32>
      %parallel_loop3A_391 = arith.mulf %parallel_loop3A_39, %parallel_loop3A_383 : vector<16xf32>
      %parallel_loop3A_392 = arith.mulf %parallel_loop3A_42, %parallel_loop3A_389 : vector<16xf32>
      %parallel_loop3A_393 = arith.addf %parallel_loop3A_391, %parallel_loop3A_392 : vector<16xf32>
      %parallel_loop3A_394 = arith.index_cast %parallel_loop3A_36 : i32 to index
      %parallel_loop3A_395 = arith.constant 224 : index
      %parallel_loop3A_396 = tpu.vector_load %arg14[%parallel_loop3A_394, %parallel_loop3A_395] {strides = array<i32>} : memref<32x1024xf32, #tpu.memory_space<vmem>>, vector<16xf32>,
      tpu.vector_store %arg14[%parallel_loop3A_394, %parallel_loop3A_395], %parallel_loop3A_393 {strides = array<i32>} : memref<32x1024xf32, #tpu.memory_space<vmem>>, vector<16xf32>,
      %parallel_loop3A_397 = arith.mulf %parallel_loop3A_39, %parallel_loop3A_384 : vector<16xf32>
      %parallel_loop3A_398 = arith.mulf %parallel_loop3A_42, %parallel_loop3A_390 : vector<16xf32>
      %parallel_loop3A_399 = arith.addf %parallel_loop3A_397, %parallel_loop3A_398 : vector<16xf32>
      %parallel_loop3A_400 = arith.index_cast %parallel_loop3A_36 : i32 to index
      %parallel_loop3A_401 = arith.constant 736 : index
      %parallel_loop3A_402 = tpu.vector_load %arg14[%parallel_loop3A_400, %parallel_loop3A_401] {strides = array<i32>} : memref<32x1024xf32, #tpu.memory_space<vmem>>, vector<16xf32>,
      tpu.vector_store %arg14[%parallel_loop3A_400, %parallel_loop3A_401], %parallel_loop3A_399 {strides = array<i32>} : memref<32x1024xf32, #tpu.memory_space<vmem>>, vector<16xf32>,
      %parallel_loop3A_403 = arith.index_cast %parallel_loop3A_36 : i32 to index
      %parallel_loop3A_404 = arith.constant 240 : index
      %parallel_loop3A_405 = tpu.vector_load %arg12[%parallel_loop3A_403, %parallel_loop3A_404] {strides = array<i32>} : memref<32x512xi32, #tpu.memory_space<vmem>>, vector<16xi32>,
      %parallel_loop3A_406 = vector.bitcast %parallel_loop3A_405 : vector<16xi32> to vector<32xbf16>
      %parallel_loop3A_407 = tpu.unpack_subelements %parallel_loop3A_406, 0 {pack_format = #tpu.pack_format<interleaved>} : vector<32xbf16> -> vector<16xf32>
      %parallel_loop3A_408 = tpu.unpack_subelements %parallel_loop3A_406, 1 {pack_format = #tpu.pack_format<interleaved>} : vector<32xbf16> -> vector<16xf32>
      %parallel_loop3A_409 = arith.index_cast %parallel_loop3A_36 : i32 to index
      %parallel_loop3A_410 = arith.constant 240 : index
      %parallel_loop3A_411 = tpu.vector_load %arg13[%parallel_loop3A_409, %parallel_loop3A_410] {strides = array<i32>} : memref<32x512xi32, #tpu.memory_space<vmem>>, vector<16xi32>,
      %parallel_loop3A_412 = vector.bitcast %parallel_loop3A_411 : vector<16xi32> to vector<32xbf16>
      %parallel_loop3A_413 = tpu.unpack_subelements %parallel_loop3A_412, 0 {pack_format = #tpu.pack_format<interleaved>} : vector<32xbf16> -> vector<16xf32>
      %parallel_loop3A_414 = tpu.unpack_subelements %parallel_loop3A_412, 1 {pack_format = #tpu.pack_format<interleaved>} : vector<32xbf16> -> vector<16xf32>
      %parallel_loop3A_415 = arith.mulf %parallel_loop3A_39, %parallel_loop3A_407 : vector<16xf32>
      %parallel_loop3A_416 = arith.mulf %parallel_loop3A_42, %parallel_loop3A_413 : vector<16xf32>
      %parallel_loop3A_417 = arith.addf %parallel_loop3A_415, %parallel_loop3A_416 : vector<16xf32>
      %parallel_loop3A_418 = arith.index_cast %parallel_loop3A_36 : i32 to index
      %parallel_loop3A_419 = arith.constant 240 : index
      %parallel_loop3A_420 = tpu.vector_load %arg14[%parallel_loop3A_418, %parallel_loop3A_419] {strides = array<i32>} : memref<32x1024xf32, #tpu.memory_space<vmem>>, vector<16xf32>,
      tpu.vector_store %arg14[%parallel_loop3A_418, %parallel_loop3A_419], %parallel_loop3A_417 {strides = array<i32>} : memref<32x1024xf32, #tpu.memory_space<vmem>>, vector<16xf32>,
      %parallel_loop3A_421 = arith.mulf %parallel_loop3A_39, %parallel_loop3A_408 : vector<16xf32>
      %parallel_loop3A_422 = arith.mulf %parallel_loop3A_42, %parallel_loop3A_414 : vector<16xf32>
      %parallel_loop3A_423 = arith.addf %parallel_loop3A_421, %parallel_loop3A_422 : vector<16xf32>
      %parallel_loop3A_424 = arith.index_cast %parallel_loop3A_36 : i32 to index
      %parallel_loop3A_425 = arith.constant 752 : index
      %parallel_loop3A_426 = tpu.vector_load %arg14[%parallel_loop3A_424, %parallel_loop3A_425] {strides = array<i32>} : memref<32x1024xf32, #tpu.memory_space<vmem>>, vector<16xf32>,
      tpu.vector_store %arg14[%parallel_loop3A_424, %parallel_loop3A_425], %parallel_loop3A_423 {strides = array<i32>} : memref<32x1024xf32, #tpu.memory_space<vmem>>, vector<16xf32>,
      %parallel_loop3A_427 = arith.index_cast %parallel_loop3A_36 : i32 to index
      %parallel_loop3A_428 = arith.constant 256 : index
      %parallel_loop3A_429 = tpu.vector_load %arg12[%parallel_loop3A_427, %parallel_loop3A_428] {strides = array<i32>} : memref<32x512xi32, #tpu.memory_space<vmem>>, vector<16xi32>,
      %parallel_loop3A_430 = vector.bitcast %parallel_loop3A_429 : vector<16xi32> to vector<32xbf16>
      %parallel_loop3A_431 = tpu.unpack_subelements %parallel_loop3A_430, 0 {pack_format = #tpu.pack_format<interleaved>} : vector<32xbf16> -> vector<16xf32>
      %parallel_loop3A_432 = tpu.unpack_subelements %parallel_loop3A_430, 1 {pack_format = #tpu.pack_format<interleaved>} : vector<32xbf16> -> vector<16xf32>
      %parallel_loop3A_433 = arith.index_cast %parallel_loop3A_36 : i32 to index
      %parallel_loop3A_434 = arith.constant 256 : index
      %parallel_loop3A_435 = tpu.vector_load %arg13[%parallel_loop3A_433, %parallel_loop3A_434] {strides = array<i32>} : memref<32x512xi32, #tpu.memory_space<vmem>>, vector<16xi32>,
      %parallel_loop3A_436 = vector.bitcast %parallel_loop3A_435 : vector<16xi32> to vector<32xbf16>
      %parallel_loop3A_437 = tpu.unpack_subelements %parallel_loop3A_436, 0 {pack_format = #tpu.pack_format<interleaved>} : vector<32xbf16> -> vector<16xf32>
      %parallel_loop3A_438 = tpu.unpack_subelements %parallel_loop3A_436, 1 {pack_format = #tpu.pack_format<interleaved>} : vector<32xbf16> -> vector<16xf32>
      %parallel_loop3A_439 = arith.mulf %parallel_loop3A_39, %parallel_loop3A_431 : vector<16xf32>
      %parallel_loop3A_440 = arith.mulf %parallel_loop3A_42, %parallel_loop3A_437 : vector<16xf32>
      %parallel_loop3A_441 = arith.addf %parallel_loop3A_439, %parallel_loop3A_440 : vector<16xf32>
      %parallel_loop3A_442 = arith.index_cast %parallel_loop3A_36 : i32 to index
      %parallel_loop3A_443 = arith.constant 256 : index
      %parallel_loop3A_444 = tpu.vector_load %arg14[%parallel_loop3A_442, %parallel_loop3A_443] {strides = array<i32>} : memref<32x1024xf32, #tpu.memory_space<vmem>>, vector<16xf32>,
      tpu.vector_store %arg14[%parallel_loop3A_442, %parallel_loop3A_443], %parallel_loop3A_441 {strides = array<i32>} : memref<32x1024xf32, #tpu.memory_space<vmem>>, vector<16xf32>,
      %parallel_loop3A_445 = arith.mulf %parallel_loop3A_39, %parallel_loop3A_432 : vector<16xf32>
      %parallel_loop3A_446 = arith.mulf %parallel_loop3A_42, %parallel_loop3A_438 : vector<16xf32>
      %parallel_loop3A_447 = arith.addf %parallel_loop3A_445, %parallel_loop3A_446 : vector<16xf32>
      %parallel_loop3A_448 = arith.index_cast %parallel_loop3A_36 : i32 to index
      %parallel_loop3A_449 = arith.constant 768 : index
      %parallel_loop3A_450 = tpu.vector_load %arg14[%parallel_loop3A_448, %parallel_loop3A_449] {strides = array<i32>} : memref<32x1024xf32, #tpu.memory_space<vmem>>, vector<16xf32>,
      tpu.vector_store %arg14[%parallel_loop3A_448, %parallel_loop3A_449], %parallel_loop3A_447 {strides = array<i32>} : memref<32x1024xf32, #tpu.memory_space<vmem>>, vector<16xf32>,
      %parallel_loop3A_451 = arith.index_cast %parallel_loop3A_36 : i32 to index
      %parallel_loop3A_452 = arith.constant 272 : index
      %parallel_loop3A_453 = tpu.vector_load %arg12[%parallel_loop3A_451, %parallel_loop3A_452] {strides = array<i32>} : memref<32x512xi32, #tpu.memory_space<vmem>>, vector<16xi32>,
      %parallel_loop3A_454 = vector.bitcast %parallel_loop3A_453 : vector<16xi32> to vector<32xbf16>
      %parallel_loop3A_455 = tpu.unpack_subelements %parallel_loop3A_454, 0 {pack_format = #tpu.pack_format<interleaved>} : vector<32xbf16> -> vector<16xf32>
      %parallel_loop3A_456 = tpu.unpack_subelements %parallel_loop3A_454, 1 {pack_format = #tpu.pack_format<interleaved>} : vector<32xbf16> -> vector<16xf32>
      %parallel_loop3A_457 = arith.index_cast %parallel_loop3A_36 : i32 to index
      %parallel_loop3A_458 = arith.constant 272 : index
      %parallel_loop3A_459 = tpu.vector_load %arg13[%parallel_loop3A_457, %parallel_loop3A_458] {strides = array<i32>} : memref<32x512xi32, #tpu.memory_space<vmem>>, vector<16xi32>,
      %parallel_loop3A_460 = vector.bitcast %parallel_loop3A_459 : vector<16xi32> to vector<32xbf16>
      %parallel_loop3A_461 = tpu.unpack_subelements %parallel_loop3A_460, 0 {pack_format = #tpu.pack_format<interleaved>} : vector<32xbf16> -> vector<16xf32>
      %parallel_loop3A_462 = tpu.unpack_subelements %parallel_loop3A_460, 1 {pack_format = #tpu.pack_format<interleaved>} : vector<32xbf16> -> vector<16xf32>
      %parallel_loop3A_463 = arith.mulf %parallel_loop3A_39, %parallel_loop3A_455 : vector<16xf32>
      %parallel_loop3A_464 = arith.mulf %parallel_loop3A_42, %parallel_loop3A_461 : vector<16xf32>
      %parallel_loop3A_465 = arith.addf %parallel_loop3A_463, %parallel_loop3A_464 : vector<16xf32>
      %parallel_loop3A_466 = arith.index_cast %parallel_loop3A_36 : i32 to index
      %parallel_loop3A_467 = arith.constant 272 : index
      %parallel_loop3A_468 = tpu.vector_load %arg14[%parallel_loop3A_466, %parallel_loop3A_467] {strides = array<i32>} : memref<32x1024xf32, #tpu.memory_space<vmem>>, vector<16xf32>,
      tpu.vector_store %arg14[%parallel_loop3A_466, %parallel_loop3A_467], %parallel_loop3A_465 {strides = array<i32>} : memref<32x1024xf32, #tpu.memory_space<vmem>>, vector<16xf32>,
      %parallel_loop3A_469 = arith.mulf %parallel_loop3A_39, %parallel_loop3A_456 : vector<16xf32>
      %parallel_loop3A_470 = arith.mulf %parallel_loop3A_42, %parallel_loop3A_462 : vector<16xf32>
      %parallel_loop3A_471 = arith.addf %parallel_loop3A_469, %parallel_loop3A_470 : vector<16xf32>
      %parallel_loop3A_472 = arith.index_cast %parallel_loop3A_36 : i32 to index
      %parallel_loop3A_473 = arith.constant 784 : index
      %parallel_loop3A_474 = tpu.vector_load %arg14[%parallel_loop3A_472, %parallel_loop3A_473] {strides = array<i32>} : memref<32x1024xf32, #tpu.memory_space<vmem>>, vector<16xf32>,
      tpu.vector_store %arg14[%parallel_loop3A_472, %parallel_loop3A_473], %parallel_loop3A_471 {strides = array<i32>} : memref<32x1024xf32, #tpu.memory_space<vmem>>, vector<16xf32>,
      %parallel_loop3A_475 = arith.index_cast %parallel_loop3A_36 : i32 to index
      %parallel_loop3A_476 = arith.constant 288 : index
      %parallel_loop3A_477 = tpu.vector_load %arg12[%parallel_loop3A_475, %parallel_loop3A_476] {strides = array<i32>} : memref<32x512xi32, #tpu.memory_space<vmem>>, vector<16xi32>,
      %parallel_loop3A_478 = vector.bitcast %parallel_loop3A_477 : vector<16xi32> to vector<32xbf16>
      %parallel_loop3A_479 = tpu.unpack_subelements %parallel_loop3A_478, 0 {pack_format = #tpu.pack_format<interleaved>} : vector<32xbf16> -> vector<16xf32>
      %parallel_loop3A_480 = tpu.unpack_subelements %parallel_loop3A_478, 1 {pack_format = #tpu.pack_format<interleaved>} : vector<32xbf16> -> vector<16xf32>
      %parallel_loop3A_481 = arith.index_cast %parallel_loop3A_36 : i32 to index
      %parallel_loop3A_482 = arith.constant 288 : index
      %parallel_loop3A_483 = tpu.vector_load %arg13[%parallel_loop3A_481, %parallel_loop3A_482] {strides = array<i32>} : memref<32x512xi32, #tpu.memory_space<vmem>>, vector<16xi32>,
      %parallel_loop3A_484 = vector.bitcast %parallel_loop3A_483 : vector<16xi32> to vector<32xbf16>
      %parallel_loop3A_485 = tpu.unpack_subelements %parallel_loop3A_484, 0 {pack_format = #tpu.pack_format<interleaved>} : vector<32xbf16> -> vector<16xf32>
      %parallel_loop3A_486 = tpu.unpack_subelements %parallel_loop3A_484, 1 {pack_format = #tpu.pack_format<interleaved>} : vector<32xbf16> -> vector<16xf32>
      %parallel_loop3A_487 = arith.mulf %parallel_loop3A_39, %parallel_loop3A_479 : vector<16xf32>
      %parallel_loop3A_488 = arith.mulf %parallel_loop3A_42, %parallel_loop3A_485 : vector<16xf32>
      %parallel_loop3A_489 = arith.addf %parallel_loop3A_487, %parallel_loop3A_488 : vector<16xf32>
      %parallel_loop3A_490 = arith.index_cast %parallel_loop3A_36 : i32 to index
      %parallel_loop3A_491 = arith.constant 288 : index
      %parallel_loop3A_492 = tpu.vector_load %arg14[%parallel_loop3A_490, %parallel_loop3A_491] {strides = array<i32>} : memref<32x1024xf32, #tpu.memory_space<vmem>>, vector<16xf32>,
      tpu.vector_store %arg14[%parallel_loop3A_490, %parallel_loop3A_491], %parallel_loop3A_489 {strides = array<i32>} : memref<32x1024xf32, #tpu.memory_space<vmem>>, vector<16xf32>,
      %parallel_loop3A_493 = arith.mulf %parallel_loop3A_39, %parallel_loop3A_480 : vector<16xf32>
      %parallel_loop3A_494 = arith.mulf %parallel_loop3A_42, %parallel_loop3A_486 : vector<16xf32>
      %parallel_loop3A_495 = arith.addf %parallel_loop3A_493, %parallel_loop3A_494 : vector<16xf32>
      %parallel_loop3A_496 = arith.index_cast %parallel_loop3A_36 : i32 to index
      %parallel_loop3A_497 = arith.constant 800 : index
      %parallel_loop3A_498 = tpu.vector_load %arg14[%parallel_loop3A_496, %parallel_loop3A_497] {strides = array<i32>} : memref<32x1024xf32, #tpu.memory_space<vmem>>, vector<16xf32>,
      tpu.vector_store %arg14[%parallel_loop3A_496, %parallel_loop3A_497], %parallel_loop3A_495 {strides = array<i32>} : memref<32x1024xf32, #tpu.memory_space<vmem>>, vector<16xf32>,
      %parallel_loop3A_499 = arith.index_cast %parallel_loop3A_36 : i32 to index
      %parallel_loop3A_500 = arith.constant 304 : index
      %parallel_loop3A_501 = tpu.vector_load %arg12[%parallel_loop3A_499, %parallel_loop3A_500] {strides = array<i32>} : memref<32x512xi32, #tpu.memory_space<vmem>>, vector<16xi32>,
      %parallel_loop3A_502 = vector.bitcast %parallel_loop3A_501 : vector<16xi32> to vector<32xbf16>
      %parallel_loop3A_503 = tpu.unpack_subelements %parallel_loop3A_502, 0 {pack_format = #tpu.pack_format<interleaved>} : vector<32xbf16> -> vector<16xf32>
      %parallel_loop3A_504 = tpu.unpack_subelements %parallel_loop3A_502, 1 {pack_format = #tpu.pack_format<interleaved>} : vector<32xbf16> -> vector<16xf32>
      %parallel_loop3A_505 = arith.index_cast %parallel_loop3A_36 : i32 to index
      %parallel_loop3A_506 = arith.constant 304 : index
      %parallel_loop3A_507 = tpu.vector_load %arg13[%parallel_loop3A_505, %parallel_loop3A_506] {strides = array<i32>} : memref<32x512xi32, #tpu.memory_space<vmem>>, vector<16xi32>,
      %parallel_loop3A_508 = vector.bitcast %parallel_loop3A_507 : vector<16xi32> to vector<32xbf16>
      %parallel_loop3A_509 = tpu.unpack_subelements %parallel_loop3A_508, 0 {pack_format = #tpu.pack_format<interleaved>} : vector<32xbf16> -> vector<16xf32>
      %parallel_loop3A_510 = tpu.unpack_subelements %parallel_loop3A_508, 1 {pack_format = #tpu.pack_format<interleaved>} : vector<32xbf16> -> vector<16xf32>
      %parallel_loop3A_511 = arith.mulf %parallel_loop3A_39, %parallel_loop3A_503 : vector<16xf32>
      %parallel_loop3A_512 = arith.mulf %parallel_loop3A_42, %parallel_loop3A_509 : vector<16xf32>
      %parallel_loop3A_513 = arith.addf %parallel_loop3A_511, %parallel_loop3A_512 : vector<16xf32>
      %parallel_loop3A_514 = arith.index_cast %parallel_loop3A_36 : i32 to index
      %parallel_loop3A_515 = arith.constant 304 : index
      %parallel_loop3A_516 = tpu.vector_load %arg14[%parallel_loop3A_514, %parallel_loop3A_515] {strides = array<i32>} : memref<32x1024xf32, #tpu.memory_space<vmem>>, vector<16xf32>,
      tpu.vector_store %arg14[%parallel_loop3A_514, %parallel_loop3A_515], %parallel_loop3A_513 {strides = array<i32>} : memref<32x1024xf32, #tpu.memory_space<vmem>>, vector<16xf32>,
      %parallel_loop3A_517 = arith.mulf %parallel_loop3A_39, %parallel_loop3A_504 : vector<16xf32>
      %parallel_loop3A_518 = arith.mulf %parallel_loop3A_42, %parallel_loop3A_510 : vector<16xf32>
      %parallel_loop3A_519 = arith.addf %parallel_loop3A_517, %parallel_loop3A_518 : vector<16xf32>
      %parallel_loop3A_520 = arith.index_cast %parallel_loop3A_36 : i32 to index
      %parallel_loop3A_521 = arith.constant 816 : index
      %parallel_loop3A_522 = tpu.vector_load %arg14[%parallel_loop3A_520, %parallel_loop3A_521] {strides = array<i32>} : memref<32x1024xf32, #tpu.memory_space<vmem>>, vector<16xf32>,
      tpu.vector_store %arg14[%parallel_loop3A_520, %parallel_loop3A_521], %parallel_loop3A_519 {strides = array<i32>} : memref<32x1024xf32, #tpu.memory_space<vmem>>, vector<16xf32>,
      %parallel_loop3A_523 = arith.index_cast %parallel_loop3A_36 : i32 to index
      %parallel_loop3A_524 = arith.constant 320 : index
      %parallel_loop3A_525 = tpu.vector_load %arg12[%parallel_loop3A_523, %parallel_loop3A_524] {strides = array<i32>} : memref<32x512xi32, #tpu.memory_space<vmem>>, vector<16xi32>,
      %parallel_loop3A_526 = vector.bitcast %parallel_loop3A_525 : vector<16xi32> to vector<32xbf16>
      %parallel_loop3A_527 = tpu.unpack_subelements %parallel_loop3A_526, 0 {pack_format = #tpu.pack_format<interleaved>} : vector<32xbf16> -> vector<16xf32>
      %parallel_loop3A_528 = tpu.unpack_subelements %parallel_loop3A_526, 1 {pack_format = #tpu.pack_format<interleaved>} : vector<32xbf16> -> vector<16xf32>
      %parallel_loop3A_529 = arith.index_cast %parallel_loop3A_36 : i32 to index
      %parallel_loop3A_530 = arith.constant 320 : index
      %parallel_loop3A_531 = tpu.vector_load %arg13[%parallel_loop3A_529, %parallel_loop3A_530] {strides = array<i32>} : memref<32x512xi32, #tpu.memory_space<vmem>>, vector<16xi32>,
      %parallel_loop3A_532 = vector.bitcast %parallel_loop3A_531 : vector<16xi32> to vector<32xbf16>
      %parallel_loop3A_533 = tpu.unpack_subelements %parallel_loop3A_532, 0 {pack_format = #tpu.pack_format<interleaved>} : vector<32xbf16> -> vector<16xf32>
      %parallel_loop3A_534 = tpu.unpack_subelements %parallel_loop3A_532, 1 {pack_format = #tpu.pack_format<interleaved>} : vector<32xbf16> -> vector<16xf32>
      %parallel_loop3A_535 = arith.mulf %parallel_loop3A_39, %parallel_loop3A_527 : vector<16xf32>
      %parallel_loop3A_536 = arith.mulf %parallel_loop3A_42, %parallel_loop3A_533 : vector<16xf32>
      %parallel_loop3A_537 = arith.addf %parallel_loop3A_535, %parallel_loop3A_536 : vector<16xf32>
      %parallel_loop3A_538 = arith.index_cast %parallel_loop3A_36 : i32 to index
      %parallel_loop3A_539 = arith.constant 320 : index
      %parallel_loop3A_540 = tpu.vector_load %arg14[%parallel_loop3A_538, %parallel_loop3A_539] {strides = array<i32>} : memref<32x1024xf32, #tpu.memory_space<vmem>>, vector<16xf32>,
      tpu.vector_store %arg14[%parallel_loop3A_538, %parallel_loop3A_539], %parallel_loop3A_537 {strides = array<i32>} : memref<32x1024xf32, #tpu.memory_space<vmem>>, vector<16xf32>,
      %parallel_loop3A_541 = arith.mulf %parallel_loop3A_39, %parallel_loop3A_528 : vector<16xf32>
      %parallel_loop3A_542 = arith.mulf %parallel_loop3A_42, %parallel_loop3A_534 : vector<16xf32>
      %parallel_loop3A_543 = arith.addf %parallel_loop3A_541, %parallel_loop3A_542 : vector<16xf32>
      %parallel_loop3A_544 = arith.index_cast %parallel_loop3A_36 : i32 to index
      %parallel_loop3A_545 = arith.constant 832 : index
      %parallel_loop3A_546 = tpu.vector_load %arg14[%parallel_loop3A_544, %parallel_loop3A_545] {strides = array<i32>} : memref<32x1024xf32, #tpu.memory_space<vmem>>, vector<16xf32>,
      tpu.vector_store %arg14[%parallel_loop3A_544, %parallel_loop3A_545], %parallel_loop3A_543 {strides = array<i32>} : memref<32x1024xf32, #tpu.memory_space<vmem>>, vector<16xf32>,
      %parallel_loop3A_547 = arith.index_cast %parallel_loop3A_36 : i32 to index
      %parallel_loop3A_548 = arith.constant 336 : index
      %parallel_loop3A_549 = tpu.vector_load %arg12[%parallel_loop3A_547, %parallel_loop3A_548] {strides = array<i32>} : memref<32x512xi32, #tpu.memory_space<vmem>>, vector<16xi32>,
      %parallel_loop3A_550 = vector.bitcast %parallel_loop3A_549 : vector<16xi32> to vector<32xbf16>
      %parallel_loop3A_551 = tpu.unpack_subelements %parallel_loop3A_550, 0 {pack_format = #tpu.pack_format<interleaved>} : vector<32xbf16> -> vector<16xf32>
      %parallel_loop3A_552 = tpu.unpack_subelements %parallel_loop3A_550, 1 {pack_format = #tpu.pack_format<interleaved>} : vector<32xbf16> -> vector<16xf32>
      %parallel_loop3A_553 = arith.index_cast %parallel_loop3A_36 : i32 to index
      %parallel_loop3A_554 = arith.constant 336 : index
      %parallel_loop3A_555 = tpu.vector_load %arg13[%parallel_loop3A_553, %parallel_loop3A_554] {strides = array<i32>} : memref<32x512xi32, #tpu.memory_space<vmem>>, vector<16xi32>,
      %parallel_loop3A_556 = vector.bitcast %parallel_loop3A_555 : vector<16xi32> to vector<32xbf16>
      %parallel_loop3A_557 = tpu.unpack_subelements %parallel_loop3A_556, 0 {pack_format = #tpu.pack_format<interleaved>} : vector<32xbf16> -> vector<16xf32>
      %parallel_loop3A_558 = tpu.unpack_subelements %parallel_loop3A_556, 1 {pack_format = #tpu.pack_format<interleaved>} : vector<32xbf16> -> vector<16xf32>
      %parallel_loop3A_559 = arith.mulf %parallel_loop3A_39, %parallel_loop3A_551 : vector<16xf32>
      %parallel_loop3A_560 = arith.mulf %parallel_loop3A_42, %parallel_loop3A_557 : vector<16xf32>
      %parallel_loop3A_561 = arith.addf %parallel_loop3A_559, %parallel_loop3A_560 : vector<16xf32>
      %parallel_loop3A_562 = arith.index_cast %parallel_loop3A_36 : i32 to index
      %parallel_loop3A_563 = arith.constant 336 : index
      %parallel_loop3A_564 = tpu.vector_load %arg14[%parallel_loop3A_562, %parallel_loop3A_563] {strides = array<i32>} : memref<32x1024xf32, #tpu.memory_space<vmem>>, vector<16xf32>,
      tpu.vector_store %arg14[%parallel_loop3A_562, %parallel_loop3A_563], %parallel_loop3A_561 {strides = array<i32>} : memref<32x1024xf32, #tpu.memory_space<vmem>>, vector<16xf32>,
      %parallel_loop3A_565 = arith.mulf %parallel_loop3A_39, %parallel_loop3A_552 : vector<16xf32>
      %parallel_loop3A_566 = arith.mulf %parallel_loop3A_42, %parallel_loop3A_558 : vector<16xf32>
      %parallel_loop3A_567 = arith.addf %parallel_loop3A_565, %parallel_loop3A_566 : vector<16xf32>
      %parallel_loop3A_568 = arith.index_cast %parallel_loop3A_36 : i32 to index
      %parallel_loop3A_569 = arith.constant 848 : index
      %parallel_loop3A_570 = tpu.vector_load %arg14[%parallel_loop3A_568, %parallel_loop3A_569] {strides = array<i32>} : memref<32x1024xf32, #tpu.memory_space<vmem>>, vector<16xf32>,
      tpu.vector_store %arg14[%parallel_loop3A_568, %parallel_loop3A_569], %parallel_loop3A_567 {strides = array<i32>} : memref<32x1024xf32, #tpu.memory_space<vmem>>, vector<16xf32>,
      %parallel_loop3A_571 = arith.index_cast %parallel_loop3A_36 : i32 to index
      %parallel_loop3A_572 = arith.constant 352 : index
      %parallel_loop3A_573 = tpu.vector_load %arg12[%parallel_loop3A_571, %parallel_loop3A_572] {strides = array<i32>} : memref<32x512xi32, #tpu.memory_space<vmem>>, vector<16xi32>,
      %parallel_loop3A_574 = vector.bitcast %parallel_loop3A_573 : vector<16xi32> to vector<32xbf16>
      %parallel_loop3A_575 = tpu.unpack_subelements %parallel_loop3A_574, 0 {pack_format = #tpu.pack_format<interleaved>} : vector<32xbf16> -> vector<16xf32>
      %parallel_loop3A_576 = tpu.unpack_subelements %parallel_loop3A_574, 1 {pack_format = #tpu.pack_format<interleaved>} : vector<32xbf16> -> vector<16xf32>
      %parallel_loop3A_577 = arith.index_cast %parallel_loop3A_36 : i32 to index
      %parallel_loop3A_578 = arith.constant 352 : index
      %parallel_loop3A_579 = tpu.vector_load %arg13[%parallel_loop3A_577, %parallel_loop3A_578] {strides = array<i32>} : memref<32x512xi32, #tpu.memory_space<vmem>>, vector<16xi32>,
      %parallel_loop3A_580 = vector.bitcast %parallel_loop3A_579 : vector<16xi32> to vector<32xbf16>
      %parallel_loop3A_581 = tpu.unpack_subelements %parallel_loop3A_580, 0 {pack_format = #tpu.pack_format<interleaved>} : vector<32xbf16> -> vector<16xf32>
      %parallel_loop3A_582 = tpu.unpack_subelements %parallel_loop3A_580, 1 {pack_format = #tpu.pack_format<interleaved>} : vector<32xbf16> -> vector<16xf32>
      %parallel_loop3A_583 = arith.mulf %parallel_loop3A_39, %parallel_loop3A_575 : vector<16xf32>
      %parallel_loop3A_584 = arith.mulf %parallel_loop3A_42, %parallel_loop3A_581 : vector<16xf32>
      %parallel_loop3A_585 = arith.addf %parallel_loop3A_583, %parallel_loop3A_584 : vector<16xf32>
      %parallel_loop3A_586 = arith.index_cast %parallel_loop3A_36 : i32 to index
      %parallel_loop3A_587 = arith.constant 352 : index
      %parallel_loop3A_588 = tpu.vector_load %arg14[%parallel_loop3A_586, %parallel_loop3A_587] {strides = array<i32>} : memref<32x1024xf32, #tpu.memory_space<vmem>>, vector<16xf32>,
      tpu.vector_store %arg14[%parallel_loop3A_586, %parallel_loop3A_587], %parallel_loop3A_585 {strides = array<i32>} : memref<32x1024xf32, #tpu.memory_space<vmem>>, vector<16xf32>,
      %parallel_loop3A_589 = arith.mulf %parallel_loop3A_39, %parallel_loop3A_576 : vector<16xf32>
      %parallel_loop3A_590 = arith.mulf %parallel_loop3A_42, %parallel_loop3A_582 : vector<16xf32>
      %parallel_loop3A_591 = arith.addf %parallel_loop3A_589, %parallel_loop3A_590 : vector<16xf32>
      %parallel_loop3A_592 = arith.index_cast %parallel_loop3A_36 : i32 to index
      %parallel_loop3A_593 = arith.constant 864 : index
      %parallel_loop3A_594 = tpu.vector_load %arg14[%parallel_loop3A_592, %parallel_loop3A_593] {strides = array<i32>} : memref<32x1024xf32, #tpu.memory_space<vmem>>, vector<16xf32>,
      tpu.vector_store %arg14[%parallel_loop3A_592, %parallel_loop3A_593], %parallel_loop3A_591 {strides = array<i32>} : memref<32x1024xf32, #tpu.memory_space<vmem>>, vector<16xf32>,
      %parallel_loop3A_595 = arith.index_cast %parallel_loop3A_36 : i32 to index
      %parallel_loop3A_596 = arith.constant 368 : index
      %parallel_loop3A_597 = tpu.vector_load %arg12[%parallel_loop3A_595, %parallel_loop3A_596] {strides = array<i32>} : memref<32x512xi32, #tpu.memory_space<vmem>>, vector<16xi32>,
      %parallel_loop3A_598 = vector.bitcast %parallel_loop3A_597 : vector<16xi32> to vector<32xbf16>
      %parallel_loop3A_599 = tpu.unpack_subelements %parallel_loop3A_598, 0 {pack_format = #tpu.pack_format<interleaved>} : vector<32xbf16> -> vector<16xf32>
      %parallel_loop3A_600 = tpu.unpack_subelements %parallel_loop3A_598, 1 {pack_format = #tpu.pack_format<interleaved>} : vector<32xbf16> -> vector<16xf32>
      %parallel_loop3A_601 = arith.index_cast %parallel_loop3A_36 : i32 to index
      %parallel_loop3A_602 = arith.constant 368 : index
      %parallel_loop3A_603 = tpu.vector_load %arg13[%parallel_loop3A_601, %parallel_loop3A_602] {strides = array<i32>} : memref<32x512xi32, #tpu.memory_space<vmem>>, vector<16xi32>,
      %parallel_loop3A_604 = vector.bitcast %parallel_loop3A_603 : vector<16xi32> to vector<32xbf16>
      %parallel_loop3A_605 = tpu.unpack_subelements %parallel_loop3A_604, 0 {pack_format = #tpu.pack_format<interleaved>} : vector<32xbf16> -> vector<16xf32>
      %parallel_loop3A_606 = tpu.unpack_subelements %parallel_loop3A_604, 1 {pack_format = #tpu.pack_format<interleaved>} : vector<32xbf16> -> vector<16xf32>
      %parallel_loop3A_607 = arith.mulf %parallel_loop3A_39, %parallel_loop3A_599 : vector<16xf32>
      %parallel_loop3A_608 = arith.mulf %parallel_loop3A_42, %parallel_loop3A_605 : vector<16xf32>
      %parallel_loop3A_609 = arith.addf %parallel_loop3A_607, %parallel_loop3A_608 : vector<16xf32>
      %parallel_loop3A_610 = arith.index_cast %parallel_loop3A_36 : i32 to index
      %parallel_loop3A_611 = arith.constant 368 : index
      %parallel_loop3A_612 = tpu.vector_load %arg14[%parallel_loop3A_610, %parallel_loop3A_611] {strides = array<i32>} : memref<32x1024xf32, #tpu.memory_space<vmem>>, vector<16xf32>,
      tpu.vector_store %arg14[%parallel_loop3A_610, %parallel_loop3A_611], %parallel_loop3A_609 {strides = array<i32>} : memref<32x1024xf32, #tpu.memory_space<vmem>>, vector<16xf32>,
      %parallel_loop3A_613 = arith.mulf %parallel_loop3A_39, %parallel_loop3A_600 : vector<16xf32>
      %parallel_loop3A_614 = arith.mulf %parallel_loop3A_42, %parallel_loop3A_606 : vector<16xf32>
      %parallel_loop3A_615 = arith.addf %parallel_loop3A_613, %parallel_loop3A_614 : vector<16xf32>
      %parallel_loop3A_616 = arith.index_cast %parallel_loop3A_36 : i32 to index
      %parallel_loop3A_617 = arith.constant 880 : index
      %parallel_loop3A_618 = tpu.vector_load %arg14[%parallel_loop3A_616, %parallel_loop3A_617] {strides = array<i32>} : memref<32x1024xf32, #tpu.memory_space<vmem>>, vector<16xf32>,
      tpu.vector_store %arg14[%parallel_loop3A_616, %parallel_loop3A_617], %parallel_loop3A_615 {strides = array<i32>} : memref<32x1024xf32, #tpu.memory_space<vmem>>, vector<16xf32>,
      %parallel_loop3A_619 = arith.index_cast %parallel_loop3A_36 : i32 to index
      %parallel_loop3A_620 = arith.constant 384 : index
      %parallel_loop3A_621 = tpu.vector_load %arg12[%parallel_loop3A_619, %parallel_loop3A_620] {strides = array<i32>} : memref<32x512xi32, #tpu.memory_space<vmem>>, vector<16xi32>,
      %parallel_loop3A_622 = vector.bitcast %parallel_loop3A_621 : vector<16xi32> to vector<32xbf16>
      %parallel_loop3A_623 = tpu.unpack_subelements %parallel_loop3A_622, 0 {pack_format = #tpu.pack_format<interleaved>} : vector<32xbf16> -> vector<16xf32>
      %parallel_loop3A_624 = tpu.unpack_subelements %parallel_loop3A_622, 1 {pack_format = #tpu.pack_format<interleaved>} : vector<32xbf16> -> vector<16xf32>
      %parallel_loop3A_625 = arith.index_cast %parallel_loop3A_36 : i32 to index
      %parallel_loop3A_626 = arith.constant 384 : index
      %parallel_loop3A_627 = tpu.vector_load %arg13[%parallel_loop3A_625, %parallel_loop3A_626] {strides = array<i32>} : memref<32x512xi32, #tpu.memory_space<vmem>>, vector<16xi32>,
      %parallel_loop3A_628 = vector.bitcast %parallel_loop3A_627 : vector<16xi32> to vector<32xbf16>
      %parallel_loop3A_629 = tpu.unpack_subelements %parallel_loop3A_628, 0 {pack_format = #tpu.pack_format<interleaved>} : vector<32xbf16> -> vector<16xf32>
      %parallel_loop3A_630 = tpu.unpack_subelements %parallel_loop3A_628, 1 {pack_format = #tpu.pack_format<interleaved>} : vector<32xbf16> -> vector<16xf32>
      %parallel_loop3A_631 = arith.mulf %parallel_loop3A_39, %parallel_loop3A_623 : vector<16xf32>
      %parallel_loop3A_632 = arith.mulf %parallel_loop3A_42, %parallel_loop3A_629 : vector<16xf32>
      %parallel_loop3A_633 = arith.addf %parallel_loop3A_631, %parallel_loop3A_632 : vector<16xf32>
      %parallel_loop3A_634 = arith.index_cast %parallel_loop3A_36 : i32 to index
      %parallel_loop3A_635 = arith.constant 384 : index
      %parallel_loop3A_636 = tpu.vector_load %arg14[%parallel_loop3A_634, %parallel_loop3A_635] {strides = array<i32>} : memref<32x1024xf32, #tpu.memory_space<vmem>>, vector<16xf32>,
      tpu.vector_store %arg14[%parallel_loop3A_634, %parallel_loop3A_635], %parallel_loop3A_633 {strides = array<i32>} : memref<32x1024xf32, #tpu.memory_space<vmem>>, vector<16xf32>,
      %parallel_loop3A_637 = arith.mulf %parallel_loop3A_39, %parallel_loop3A_624 : vector<16xf32>
      %parallel_loop3A_638 = arith.mulf %parallel_loop3A_42, %parallel_loop3A_630 : vector<16xf32>
      %parallel_loop3A_639 = arith.addf %parallel_loop3A_637, %parallel_loop3A_638 : vector<16xf32>
      %parallel_loop3A_640 = arith.index_cast %parallel_loop3A_36 : i32 to index
      %parallel_loop3A_641 = arith.constant 896 : index
      %parallel_loop3A_642 = tpu.vector_load %arg14[%parallel_loop3A_640, %parallel_loop3A_641] {strides = array<i32>} : memref<32x1024xf32, #tpu.memory_space<vmem>>, vector<16xf32>,
      tpu.vector_store %arg14[%parallel_loop3A_640, %parallel_loop3A_641], %parallel_loop3A_639 {strides = array<i32>} : memref<32x1024xf32, #tpu.memory_space<vmem>>, vector<16xf32>,
      %parallel_loop3A_643 = arith.index_cast %parallel_loop3A_36 : i32 to index
      %parallel_loop3A_644 = arith.constant 400 : index
      %parallel_loop3A_645 = tpu.vector_load %arg12[%parallel_loop3A_643, %parallel_loop3A_644] {strides = array<i32>} : memref<32x512xi32, #tpu.memory_space<vmem>>, vector<16xi32>,
      %parallel_loop3A_646 = vector.bitcast %parallel_loop3A_645 : vector<16xi32> to vector<32xbf16>
      %parallel_loop3A_647 = tpu.unpack_subelements %parallel_loop3A_646, 0 {pack_format = #tpu.pack_format<interleaved>} : vector<32xbf16> -> vector<16xf32>
      %parallel_loop3A_648 = tpu.unpack_subelements %parallel_loop3A_646, 1 {pack_format = #tpu.pack_format<interleaved>} : vector<32xbf16> -> vector<16xf32>
      %parallel_loop3A_649 = arith.index_cast %parallel_loop3A_36 : i32 to index
      %parallel_loop3A_650 = arith.constant 400 : index
      %parallel_loop3A_651 = tpu.vector_load %arg13[%parallel_loop3A_649, %parallel_loop3A_650] {strides = array<i32>} : memref<32x512xi32, #tpu.memory_space<vmem>>, vector<16xi32>,
      %parallel_loop3A_652 = vector.bitcast %parallel_loop3A_651 : vector<16xi32> to vector<32xbf16>
      %parallel_loop3A_653 = tpu.unpack_subelements %parallel_loop3A_652, 0 {pack_format = #tpu.pack_format<interleaved>} : vector<32xbf16> -> vector<16xf32>
      %parallel_loop3A_654 = tpu.unpack_subelements %parallel_loop3A_652, 1 {pack_format = #tpu.pack_format<interleaved>} : vector<32xbf16> -> vector<16xf32>
      %parallel_loop3A_655 = arith.mulf %parallel_loop3A_39, %parallel_loop3A_647 : vector<16xf32>
      %parallel_loop3A_656 = arith.mulf %parallel_loop3A_42, %parallel_loop3A_653 : vector<16xf32>
      %parallel_loop3A_657 = arith.addf %parallel_loop3A_655, %parallel_loop3A_656 : vector<16xf32>
      %parallel_loop3A_658 = arith.index_cast %parallel_loop3A_36 : i32 to index
      %parallel_loop3A_659 = arith.constant 400 : index
      %parallel_loop3A_660 = tpu.vector_load %arg14[%parallel_loop3A_658, %parallel_loop3A_659] {strides = array<i32>} : memref<32x1024xf32, #tpu.memory_space<vmem>>, vector<16xf32>,
      tpu.vector_store %arg14[%parallel_loop3A_658, %parallel_loop3A_659], %parallel_loop3A_657 {strides = array<i32>} : memref<32x1024xf32, #tpu.memory_space<vmem>>, vector<16xf32>,
      %parallel_loop3A_661 = arith.mulf %parallel_loop3A_39, %parallel_loop3A_648 : vector<16xf32>
      %parallel_loop3A_662 = arith.mulf %parallel_loop3A_42, %parallel_loop3A_654 : vector<16xf32>
      %parallel_loop3A_663 = arith.addf %parallel_loop3A_661, %parallel_loop3A_662 : vector<16xf32>
      %parallel_loop3A_664 = arith.index_cast %parallel_loop3A_36 : i32 to index
      %parallel_loop3A_665 = arith.constant 912 : index
      %parallel_loop3A_666 = tpu.vector_load %arg14[%parallel_loop3A_664, %parallel_loop3A_665] {strides = array<i32>} : memref<32x1024xf32, #tpu.memory_space<vmem>>, vector<16xf32>,
      tpu.vector_store %arg14[%parallel_loop3A_664, %parallel_loop3A_665], %parallel_loop3A_663 {strides = array<i32>} : memref<32x1024xf32, #tpu.memory_space<vmem>>, vector<16xf32>,
      %parallel_loop3A_667 = arith.index_cast %parallel_loop3A_36 : i32 to index
      %parallel_loop3A_668 = arith.constant 416 : index
      %parallel_loop3A_669 = tpu.vector_load %arg12[%parallel_loop3A_667, %parallel_loop3A_668] {strides = array<i32>} : memref<32x512xi32, #tpu.memory_space<vmem>>, vector<16xi32>,
      %parallel_loop3A_670 = vector.bitcast %parallel_loop3A_669 : vector<16xi32> to vector<32xbf16>
      %parallel_loop3A_671 = tpu.unpack_subelements %parallel_loop3A_670, 0 {pack_format = #tpu.pack_format<interleaved>} : vector<32xbf16> -> vector<16xf32>
      %parallel_loop3A_672 = tpu.unpack_subelements %parallel_loop3A_670, 1 {pack_format = #tpu.pack_format<interleaved>} : vector<32xbf16> -> vector<16xf32>
      %parallel_loop3A_673 = arith.index_cast %parallel_loop3A_36 : i32 to index
      %parallel_loop3A_674 = arith.constant 416 : index
      %parallel_loop3A_675 = tpu.vector_load %arg13[%parallel_loop3A_673, %parallel_loop3A_674] {strides = array<i32>} : memref<32x512xi32, #tpu.memory_space<vmem>>, vector<16xi32>,
      %parallel_loop3A_676 = vector.bitcast %parallel_loop3A_675 : vector<16xi32> to vector<32xbf16>
      %parallel_loop3A_677 = tpu.unpack_subelements %parallel_loop3A_676, 0 {pack_format = #tpu.pack_format<interleaved>} : vector<32xbf16> -> vector<16xf32>
      %parallel_loop3A_678 = tpu.unpack_subelements %parallel_loop3A_676, 1 {pack_format = #tpu.pack_format<interleaved>} : vector<32xbf16> -> vector<16xf32>
      %parallel_loop3A_679 = arith.mulf %parallel_loop3A_39, %parallel_loop3A_671 : vector<16xf32>
      %parallel_loop3A_680 = arith.mulf %parallel_loop3A_42, %parallel_loop3A_677 : vector<16xf32>
      %parallel_loop3A_681 = arith.addf %parallel_loop3A_679, %parallel_loop3A_680 : vector<16xf32>
      %parallel_loop3A_682 = arith.index_cast %parallel_loop3A_36 : i32 to index
      %parallel_loop3A_683 = arith.constant 416 : index
      %parallel_loop3A_684 = tpu.vector_load %arg14[%parallel_loop3A_682, %parallel_loop3A_683] {strides = array<i32>} : memref<32x1024xf32, #tpu.memory_space<vmem>>, vector<16xf32>,
      tpu.vector_store %arg14[%parallel_loop3A_682, %parallel_loop3A_683], %parallel_loop3A_681 {strides = array<i32>} : memref<32x1024xf32, #tpu.memory_space<vmem>>, vector<16xf32>,
      %parallel_loop3A_685 = arith.mulf %parallel_loop3A_39, %parallel_loop3A_672 : vector<16xf32>
      %parallel_loop3A_686 = arith.mulf %parallel_loop3A_42, %parallel_loop3A_678 : vector<16xf32>
      %parallel_loop3A_687 = arith.addf %parallel_loop3A_685, %parallel_loop3A_686 : vector<16xf32>
      %parallel_loop3A_688 = arith.index_cast %parallel_loop3A_36 : i32 to index
      %parallel_loop3A_689 = arith.constant 928 : index
      %parallel_loop3A_690 = tpu.vector_load %arg14[%parallel_loop3A_688, %parallel_loop3A_689] {strides = array<i32>} : memref<32x1024xf32, #tpu.memory_space<vmem>>, vector<16xf32>,
      tpu.vector_store %arg14[%parallel_loop3A_688, %parallel_loop3A_689], %parallel_loop3A_687 {strides = array<i32>} : memref<32x1024xf32, #tpu.memory_space<vmem>>, vector<16xf32>,
      %parallel_loop3A_691 = arith.index_cast %parallel_loop3A_36 : i32 to index
      %parallel_loop3A_692 = arith.constant 432 : index
      %parallel_loop3A_693 = tpu.vector_load %arg12[%parallel_loop3A_691, %parallel_loop3A_692] {strides = array<i32>} : memref<32x512xi32, #tpu.memory_space<vmem>>, vector<16xi32>,
      %parallel_loop3A_694 = vector.bitcast %parallel_loop3A_693 : vector<16xi32> to vector<32xbf16>
      %parallel_loop3A_695 = tpu.unpack_subelements %parallel_loop3A_694, 0 {pack_format = #tpu.pack_format<interleaved>} : vector<32xbf16> -> vector<16xf32>
      %parallel_loop3A_696 = tpu.unpack_subelements %parallel_loop3A_694, 1 {pack_format = #tpu.pack_format<interleaved>} : vector<32xbf16> -> vector<16xf32>
      %parallel_loop3A_697 = arith.index_cast %parallel_loop3A_36 : i32 to index
      %parallel_loop3A_698 = arith.constant 432 : index
      %parallel_loop3A_699 = tpu.vector_load %arg13[%parallel_loop3A_697, %parallel_loop3A_698] {strides = array<i32>} : memref<32x512xi32, #tpu.memory_space<vmem>>, vector<16xi32>,
      %parallel_loop3A_700 = vector.bitcast %parallel_loop3A_699 : vector<16xi32> to vector<32xbf16>
      %parallel_loop3A_701 = tpu.unpack_subelements %parallel_loop3A_700, 0 {pack_format = #tpu.pack_format<interleaved>} : vector<32xbf16> -> vector<16xf32>
      %parallel_loop3A_702 = tpu.unpack_subelements %parallel_loop3A_700, 1 {pack_format = #tpu.pack_format<interleaved>} : vector<32xbf16> -> vector<16xf32>
      %parallel_loop3A_703 = arith.mulf %parallel_loop3A_39, %parallel_loop3A_695 : vector<16xf32>
      %parallel_loop3A_704 = arith.mulf %parallel_loop3A_42, %parallel_loop3A_701 : vector<16xf32>
      %parallel_loop3A_705 = arith.addf %parallel_loop3A_703, %parallel_loop3A_704 : vector<16xf32>
      %parallel_loop3A_706 = arith.index_cast %parallel_loop3A_36 : i32 to index
      %parallel_loop3A_707 = arith.constant 432 : index
      %parallel_loop3A_708 = tpu.vector_load %arg14[%parallel_loop3A_706, %parallel_loop3A_707] {strides = array<i32>} : memref<32x1024xf32, #tpu.memory_space<vmem>>, vector<16xf32>,
      tpu.vector_store %arg14[%parallel_loop3A_706, %parallel_loop3A_707], %parallel_loop3A_705 {strides = array<i32>} : memref<32x1024xf32, #tpu.memory_space<vmem>>, vector<16xf32>,
      %parallel_loop3A_709 = arith.mulf %parallel_loop3A_39, %parallel_loop3A_696 : vector<16xf32>
      %parallel_loop3A_710 = arith.mulf %parallel_loop3A_42, %parallel_loop3A_702 : vector<16xf32>
      %parallel_loop3A_711 = arith.addf %parallel_loop3A_709, %parallel_loop3A_710 : vector<16xf32>
      %parallel_loop3A_712 = arith.index_cast %parallel_loop3A_36 : i32 to index
      %parallel_loop3A_713 = arith.constant 944 : index
      %parallel_loop3A_714 = tpu.vector_load %arg14[%parallel_loop3A_712, %parallel_loop3A_713] {strides = array<i32>} : memref<32x1024xf32, #tpu.memory_space<vmem>>, vector<16xf32>,
      tpu.vector_store %arg14[%parallel_loop3A_712, %parallel_loop3A_713], %parallel_loop3A_711 {strides = array<i32>} : memref<32x1024xf32, #tpu.memory_space<vmem>>, vector<16xf32>,
      %parallel_loop3A_715 = arith.index_cast %parallel_loop3A_36 : i32 to index
      %parallel_loop3A_716 = arith.constant 448 : index
      %parallel_loop3A_717 = tpu.vector_load %arg12[%parallel_loop3A_715, %parallel_loop3A_716] {strides = array<i32>} : memref<32x512xi32, #tpu.memory_space<vmem>>, vector<16xi32>,
      %parallel_loop3A_718 = vector.bitcast %parallel_loop3A_717 : vector<16xi32> to vector<32xbf16>
      %parallel_loop3A_719 = tpu.unpack_subelements %parallel_loop3A_718, 0 {pack_format = #tpu.pack_format<interleaved>} : vector<32xbf16> -> vector<16xf32>
      %parallel_loop3A_720 = tpu.unpack_subelements %parallel_loop3A_718, 1 {pack_format = #tpu.pack_format<interleaved>} : vector<32xbf16> -> vector<16xf32>
      %parallel_loop3A_721 = arith.index_cast %parallel_loop3A_36 : i32 to index
      %parallel_loop3A_722 = arith.constant 448 : index
      %parallel_loop3A_723 = tpu.vector_load %arg13[%parallel_loop3A_721, %parallel_loop3A_722] {strides = array<i32>} : memref<32x512xi32, #tpu.memory_space<vmem>>, vector<16xi32>,
      %parallel_loop3A_724 = vector.bitcast %parallel_loop3A_723 : vector<16xi32> to vector<32xbf16>
      %parallel_loop3A_725 = tpu.unpack_subelements %parallel_loop3A_724, 0 {pack_format = #tpu.pack_format<interleaved>} : vector<32xbf16> -> vector<16xf32>
      %parallel_loop3A_726 = tpu.unpack_subelements %parallel_loop3A_724, 1 {pack_format = #tpu.pack_format<interleaved>} : vector<32xbf16> -> vector<16xf32>
      %parallel_loop3A_727 = arith.mulf %parallel_loop3A_39, %parallel_loop3A_719 : vector<16xf32>
      %parallel_loop3A_728 = arith.mulf %parallel_loop3A_42, %parallel_loop3A_725 : vector<16xf32>
      %parallel_loop3A_729 = arith.addf %parallel_loop3A_727, %parallel_loop3A_728 : vector<16xf32>
      %parallel_loop3A_730 = arith.index_cast %parallel_loop3A_36 : i32 to index
      %parallel_loop3A_731 = arith.constant 448 : index
      %parallel_loop3A_732 = tpu.vector_load %arg14[%parallel_loop3A_730, %parallel_loop3A_731] {strides = array<i32>} : memref<32x1024xf32, #tpu.memory_space<vmem>>, vector<16xf32>,
      tpu.vector_store %arg14[%parallel_loop3A_730, %parallel_loop3A_731], %parallel_loop3A_729 {strides = array<i32>} : memref<32x1024xf32, #tpu.memory_space<vmem>>, vector<16xf32>,
      %parallel_loop3A_733 = arith.mulf %parallel_loop3A_39, %parallel_loop3A_720 : vector<16xf32>
      %parallel_loop3A_734 = arith.mulf %parallel_loop3A_42, %parallel_loop3A_726 : vector<16xf32>
      %parallel_loop3A_735 = arith.addf %parallel_loop3A_733, %parallel_loop3A_734 : vector<16xf32>
      %parallel_loop3A_736 = arith.index_cast %parallel_loop3A_36 : i32 to index
      %parallel_loop3A_737 = arith.constant 960 : index
      %parallel_loop3A_738 = tpu.vector_load %arg14[%parallel_loop3A_736, %parallel_loop3A_737] {strides = array<i32>} : memref<32x1024xf32, #tpu.memory_space<vmem>>, vector<16xf32>,
      tpu.vector_store %arg14[%parallel_loop3A_736, %parallel_loop3A_737], %parallel_loop3A_735 {strides = array<i32>} : memref<32x1024xf32, #tpu.memory_space<vmem>>, vector<16xf32>,
      %parallel_loop3A_739 = arith.index_cast %parallel_loop3A_36 : i32 to index
      %parallel_loop3A_740 = arith.constant 464 : index
      %parallel_loop3A_741 = tpu.vector_load %arg12[%parallel_loop3A_739, %parallel_loop3A_740] {strides = array<i32>} : memref<32x512xi32, #tpu.memory_space<vmem>>, vector<16xi32>,
      %parallel_loop3A_742 = vector.bitcast %parallel_loop3A_741 : vector<16xi32> to vector<32xbf16>
      %parallel_loop3A_743 = tpu.unpack_subelements %parallel_loop3A_742, 0 {pack_format = #tpu.pack_format<interleaved>} : vector<32xbf16> -> vector<16xf32>
      %parallel_loop3A_744 = tpu.unpack_subelements %parallel_loop3A_742, 1 {pack_format = #tpu.pack_format<interleaved>} : vector<32xbf16> -> vector<16xf32>
      %parallel_loop3A_745 = arith.index_cast %parallel_loop3A_36 : i32 to index
      %parallel_loop3A_746 = arith.constant 464 : index
      %parallel_loop3A_747 = tpu.vector_load %arg13[%parallel_loop3A_745, %parallel_loop3A_746] {strides = array<i32>} : memref<32x512xi32, #tpu.memory_space<vmem>>, vector<16xi32>,
      %parallel_loop3A_748 = vector.bitcast %parallel_loop3A_747 : vector<16xi32> to vector<32xbf16>
      %parallel_loop3A_749 = tpu.unpack_subelements %parallel_loop3A_748, 0 {pack_format = #tpu.pack_format<interleaved>} : vector<32xbf16> -> vector<16xf32>
      %parallel_loop3A_750 = tpu.unpack_subelements %parallel_loop3A_748, 1 {pack_format = #tpu.pack_format<interleaved>} : vector<32xbf16> -> vector<16xf32>
      %parallel_loop3A_751 = arith.mulf %parallel_loop3A_39, %parallel_loop3A_743 : vector<16xf32>
      %parallel_loop3A_752 = arith.mulf %parallel_loop3A_42, %parallel_loop3A_749 : vector<16xf32>
      %parallel_loop3A_753 = arith.addf %parallel_loop3A_751, %parallel_loop3A_752 : vector<16xf32>
      %parallel_loop3A_754 = arith.index_cast %parallel_loop3A_36 : i32 to index
      %parallel_loop3A_755 = arith.constant 464 : index
      %parallel_loop3A_756 = tpu.vector_load %arg14[%parallel_loop3A_754, %parallel_loop3A_755] {strides = array<i32>} : memref<32x1024xf32, #tpu.memory_space<vmem>>, vector<16xf32>,
      tpu.vector_store %arg14[%parallel_loop3A_754, %parallel_loop3A_755], %parallel_loop3A_753 {strides = array<i32>} : memref<32x1024xf32, #tpu.memory_space<vmem>>, vector<16xf32>,
      %parallel_loop3A_757 = arith.mulf %parallel_loop3A_39, %parallel_loop3A_744 : vector<16xf32>
      %parallel_loop3A_758 = arith.mulf %parallel_loop3A_42, %parallel_loop3A_750 : vector<16xf32>
      %parallel_loop3A_759 = arith.addf %parallel_loop3A_757, %parallel_loop3A_758 : vector<16xf32>
      %parallel_loop3A_760 = arith.index_cast %parallel_loop3A_36 : i32 to index
      %parallel_loop3A_761 = arith.constant 976 : index
      %parallel_loop3A_762 = tpu.vector_load %arg14[%parallel_loop3A_760, %parallel_loop3A_761] {strides = array<i32>} : memref<32x1024xf32, #tpu.memory_space<vmem>>, vector<16xf32>,
      tpu.vector_store %arg14[%parallel_loop3A_760, %parallel_loop3A_761], %parallel_loop3A_759 {strides = array<i32>} : memref<32x1024xf32, #tpu.memory_space<vmem>>, vector<16xf32>,
      %parallel_loop3A_763 = arith.index_cast %parallel_loop3A_36 : i32 to index
      %parallel_loop3A_764 = arith.constant 480 : index
      %parallel_loop3A_765 = tpu.vector_load %arg12[%parallel_loop3A_763, %parallel_loop3A_764] {strides = array<i32>} : memref<32x512xi32, #tpu.memory_space<vmem>>, vector<16xi32>,
      %parallel_loop3A_766 = vector.bitcast %parallel_loop3A_765 : vector<16xi32> to vector<32xbf16>
      %parallel_loop3A_767 = tpu.unpack_subelements %parallel_loop3A_766, 0 {pack_format = #tpu.pack_format<interleaved>} : vector<32xbf16> -> vector<16xf32>
      %parallel_loop3A_768 = tpu.unpack_subelements %parallel_loop3A_766, 1 {pack_format = #tpu.pack_format<interleaved>} : vector<32xbf16> -> vector<16xf32>
      %parallel_loop3A_769 = arith.index_cast %parallel_loop3A_36 : i32 to index
      %parallel_loop3A_770 = arith.constant 480 : index
      %parallel_loop3A_771 = tpu.vector_load %arg13[%parallel_loop3A_769, %parallel_loop3A_770] {strides = array<i32>} : memref<32x512xi32, #tpu.memory_space<vmem>>, vector<16xi32>,
      %parallel_loop3A_772 = vector.bitcast %parallel_loop3A_771 : vector<16xi32> to vector<32xbf16>
      %parallel_loop3A_773 = tpu.unpack_subelements %parallel_loop3A_772, 0 {pack_format = #tpu.pack_format<interleaved>} : vector<32xbf16> -> vector<16xf32>
      %parallel_loop3A_774 = tpu.unpack_subelements %parallel_loop3A_772, 1 {pack_format = #tpu.pack_format<interleaved>} : vector<32xbf16> -> vector<16xf32>
      %parallel_loop3A_775 = arith.mulf %parallel_loop3A_39, %parallel_loop3A_767 : vector<16xf32>
      %parallel_loop3A_776 = arith.mulf %parallel_loop3A_42, %parallel_loop3A_773 : vector<16xf32>
      %parallel_loop3A_777 = arith.addf %parallel_loop3A_775, %parallel_loop3A_776 : vector<16xf32>
      %parallel_loop3A_778 = arith.index_cast %parallel_loop3A_36 : i32 to index
      %parallel_loop3A_779 = arith.constant 480 : index
      %parallel_loop3A_780 = tpu.vector_load %arg14[%parallel_loop3A_778, %parallel_loop3A_779] {strides = array<i32>} : memref<32x1024xf32, #tpu.memory_space<vmem>>, vector<16xf32>,
      tpu.vector_store %arg14[%parallel_loop3A_778, %parallel_loop3A_779], %parallel_loop3A_777 {strides = array<i32>} : memref<32x1024xf32, #tpu.memory_space<vmem>>, vector<16xf32>,
      %parallel_loop3A_781 = arith.mulf %parallel_loop3A_39, %parallel_loop3A_768 : vector<16xf32>
      %parallel_loop3A_782 = arith.mulf %parallel_loop3A_42, %parallel_loop3A_774 : vector<16xf32>
      %parallel_loop3A_783 = arith.addf %parallel_loop3A_781, %parallel_loop3A_782 : vector<16xf32>
      %parallel_loop3A_784 = arith.index_cast %parallel_loop3A_36 : i32 to index
      %parallel_loop3A_785 = arith.constant 992 : index
      %parallel_loop3A_786 = tpu.vector_load %arg14[%parallel_loop3A_784, %parallel_loop3A_785] {strides = array<i32>} : memref<32x1024xf32, #tpu.memory_space<vmem>>, vector<16xf32>,
      tpu.vector_store %arg14[%parallel_loop3A_784, %parallel_loop3A_785], %parallel_loop3A_783 {strides = array<i32>} : memref<32x1024xf32, #tpu.memory_space<vmem>>, vector<16xf32>,
      %parallel_loop3A_787 = arith.index_cast %parallel_loop3A_36 : i32 to index
      %parallel_loop3A_788 = arith.constant 496 : index
      %parallel_loop3A_789 = tpu.vector_load %arg12[%parallel_loop3A_787, %parallel_loop3A_788] {strides = array<i32>} : memref<32x512xi32, #tpu.memory_space<vmem>>, vector<16xi32>,
      %parallel_loop3A_790 = vector.bitcast %parallel_loop3A_789 : vector<16xi32> to vector<32xbf16>
      %parallel_loop3A_791 = tpu.unpack_subelements %parallel_loop3A_790, 0 {pack_format = #tpu.pack_format<interleaved>} : vector<32xbf16> -> vector<16xf32>
      %parallel_loop3A_792 = tpu.unpack_subelements %parallel_loop3A_790, 1 {pack_format = #tpu.pack_format<interleaved>} : vector<32xbf16> -> vector<16xf32>
      %parallel_loop3A_793 = arith.index_cast %parallel_loop3A_36 : i32 to index
      %parallel_loop3A_794 = arith.constant 496 : index
      %parallel_loop3A_795 = tpu.vector_load %arg13[%parallel_loop3A_793, %parallel_loop3A_794] {strides = array<i32>} : memref<32x512xi32, #tpu.memory_space<vmem>>, vector<16xi32>,
      %parallel_loop3A_796 = vector.bitcast %parallel_loop3A_795 : vector<16xi32> to vector<32xbf16>
      %parallel_loop3A_797 = tpu.unpack_subelements %parallel_loop3A_796, 0 {pack_format = #tpu.pack_format<interleaved>} : vector<32xbf16> -> vector<16xf32>
      %parallel_loop3A_798 = tpu.unpack_subelements %parallel_loop3A_796, 1 {pack_format = #tpu.pack_format<interleaved>} : vector<32xbf16> -> vector<16xf32>
      %parallel_loop3A_799 = arith.mulf %parallel_loop3A_39, %parallel_loop3A_791 : vector<16xf32>
      %parallel_loop3A_800 = arith.mulf %parallel_loop3A_42, %parallel_loop3A_797 : vector<16xf32>
      %parallel_loop3A_801 = arith.addf %parallel_loop3A_799, %parallel_loop3A_800 : vector<16xf32>
      %parallel_loop3A_802 = arith.index_cast %parallel_loop3A_36 : i32 to index
      %parallel_loop3A_803 = arith.constant 496 : index
      %parallel_loop3A_804 = tpu.vector_load %arg14[%parallel_loop3A_802, %parallel_loop3A_803] {strides = array<i32>} : memref<32x1024xf32, #tpu.memory_space<vmem>>, vector<16xf32>,
      tpu.vector_store %arg14[%parallel_loop3A_802, %parallel_loop3A_803], %parallel_loop3A_801 {strides = array<i32>} : memref<32x1024xf32, #tpu.memory_space<vmem>>, vector<16xf32>,
      %parallel_loop3A_805 = arith.mulf %parallel_loop3A_39, %parallel_loop3A_792 : vector<16xf32>
      %parallel_loop3A_806 = arith.mulf %parallel_loop3A_42, %parallel_loop3A_798 : vector<16xf32>
      %parallel_loop3A_807 = arith.addf %parallel_loop3A_805, %parallel_loop3A_806 : vector<16xf32>
      %parallel_loop3A_808 = arith.index_cast %parallel_loop3A_36 : i32 to index
      %parallel_loop3A_809 = arith.constant 1008 : index
      %parallel_loop3A_810 = tpu.vector_load %arg14[%parallel_loop3A_808, %parallel_loop3A_809] {strides = array<i32>} : memref<32x1024xf32, #tpu.memory_space<vmem>>, vector<16xf32>,
      tpu.vector_store %arg14[%parallel_loop3A_808, %parallel_loop3A_809], %parallel_loop3A_807 {strides = array<i32>} : memref<32x1024xf32, #tpu.memory_space<vmem>>, vector<16xf32>,
    } {sc.loop_unroll_factor = 1 : i64, sc.parallel_access}
    "tpu.region"() ({
      %run_scoped3A = tpu.sem_alloc : memref<!tpu.dma_semaphore, #tpu.memory_space<semaphore_mem>>
      %dma_start3A_36 = arith.constant 0 : i32
      %dma_start3A_37 = tpu.memref_slice %arg7[%add3A_4, %dma_start3A_36] : memref<2048x1024xf32, #tpu.memory_space<hbm>> -> memref<32x1024xf32, #tpu.memory_space<hbm>>
      %dma_start3A_38 = arith.constant 0 : i32
      %dma_start3A_39 = tpu.memref_slice %arg7[%add3A_4, %dma_start3A_38] : memref<2048x1024xf32, #tpu.memory_space<hbm>> -> memref<32x1024xf32, #tpu.memory_space<hbm>>
      tpu.enqueue_dma source(%arg14 : memref<32x1024xf32, #tpu.memory_space<vmem>>) target(%dma_start3A_39 : memref<32x1024xf32, #tpu.memory_space<hbm>>) target_semaphore(%run_scoped3A : memref<!tpu.dma_semaphore, #tpu.memory_space<semaphore_mem>>)
      %dma_wait3A_40 = arith.constant 0 : i32
      %dma_wait3A_41 = tpu.memref_slice %arg7[%add3A_4, %dma_wait3A_40] : memref<2048x1024xf32, #tpu.memory_space<hbm>> -> memref<32x1024xf32, #tpu.memory_space<hbm>>
      %dma_wait3A_42 = arith.constant 0 : i32
      %dma_wait3A_43 = tpu.memref_slice %arg7[%add3A_4, %dma_wait3A_42] : memref<2048x1024xf32, #tpu.memory_space<hbm>> -> memref<32x1024xf32, #tpu.memory_space<hbm>>
      tpu.wait_dma2 semaphore(%run_scoped3A : memref<!tpu.dma_semaphore, #tpu.memory_space<semaphore_mem>>) src(%arg14 : memref<32x1024xf32, #tpu.memory_space<vmem>>) dst(%dma_wait3A_43 : memref<32x1024xf32, #tpu.memory_space<hbm>>)
      tpu.yield
    }) : () -> ()
    %mul3A_17 = arith.constant 64 : i32
    %mul3A_18 = arith.muli %add3A, %mul3A_17 : i32
    %add3A_19 = arith.constant 32 : i32
    %add3A_20 = arith.addi %mul3A_18, %add3A_19 : i32
    "tpu.region"() ({
      %run_scoped3A = tpu.sem_alloc : memref<!tpu.dma_semaphore, #tpu.memory_space<semaphore_mem>>
      %dma_start3A_36 = tpu.memref_slice %arg3[%add3A_20] : memref<2048xi32, #tpu.memory_space<hbm>> -> memref<32xi32, #tpu.memory_space<hbm>>
      %dma_start3A_37 = tpu.memref_slice %arg3[%add3A_20] : memref<2048xi32, #tpu.memory_space<hbm>> -> memref<32xi32, #tpu.memory_space<hbm>>
      tpu.enqueue_dma source(%dma_start3A_37 : memref<32xi32, #tpu.memory_space<hbm>>) target(%arg8 : memref<32xi32, #tpu.memory_space<vmem>>) target_semaphore(%run_scoped3A : memref<!tpu.dma_semaphore, #tpu.memory_space<semaphore_mem>>)
      %dma_wait3A_38 = tpu.memref_slice %arg3[%add3A_20] : memref<2048xi32, #tpu.memory_space<hbm>> -> memref<32xi32, #tpu.memory_space<hbm>>
      %dma_wait3A_39 = tpu.memref_slice %arg3[%add3A_20] : memref<2048xi32, #tpu.memory_space<hbm>> -> memref<32xi32, #tpu.memory_space<hbm>>
      tpu.wait_dma2 semaphore(%run_scoped3A : memref<!tpu.dma_semaphore, #tpu.memory_space<semaphore_mem>>) src(%dma_wait3A_39 : memref<32xi32, #tpu.memory_space<hbm>>) dst(%arg8 : memref<32xi32, #tpu.memory_space<vmem>>)
      tpu.yield
    }) : () -> ()
    "tpu.region"() ({
      %run_scoped3A = tpu.sem_alloc : memref<!tpu.dma_semaphore, #tpu.memory_space<semaphore_mem>>
      %dma_start3A_36 = tpu.memref_slice %arg4[%add3A_20] : memref<2048xi32, #tpu.memory_space<hbm>> -> memref<32xi32, #tpu.memory_space<hbm>>
      %dma_start3A_37 = tpu.memref_slice %arg4[%add3A_20] : memref<2048xi32, #tpu.memory_space<hbm>> -> memref<32xi32, #tpu.memory_space<hbm>>
      tpu.enqueue_dma source(%dma_start3A_37 : memref<32xi32, #tpu.memory_space<hbm>>) target(%arg9 : memref<32xi32, #tpu.memory_space<vmem>>) target_semaphore(%run_scoped3A : memref<!tpu.dma_semaphore, #tpu.memory_space<semaphore_mem>>)
      %dma_wait3A_38 = tpu.memref_slice %arg4[%add3A_20] : memref<2048xi32, #tpu.memory_space<hbm>> -> memref<32xi32, #tpu.memory_space<hbm>>
      %dma_wait3A_39 = tpu.memref_slice %arg4[%add3A_20] : memref<2048xi32, #tpu.memory_space<hbm>> -> memref<32xi32, #tpu.memory_space<hbm>>
      tpu.wait_dma2 semaphore(%run_scoped3A : memref<!tpu.dma_semaphore, #tpu.memory_space<semaphore_mem>>) src(%dma_wait3A_39 : memref<32xi32, #tpu.memory_space<hbm>>) dst(%arg9 : memref<32xi32, #tpu.memory_space<vmem>>)
      tpu.yield
    }) : () -> ()
    "tpu.region"() ({
      %run_scoped3A = tpu.sem_alloc : memref<!tpu.dma_semaphore, #tpu.memory_space<semaphore_mem>>
      %dma_start3A_36 = arith.constant 0 : i32
      %dma_start3A_37 = tpu.memref_slice %arg5[%add3A_20, %dma_start3A_36] : memref<2048x16xf32, #tpu.memory_space<hbm>> -> memref<32x16xf32, #tpu.memory_space<hbm>>
      %dma_start3A_38 = arith.constant 0 : i32
      %dma_start3A_39 = tpu.memref_slice %arg5[%add3A_20, %dma_start3A_38] : memref<2048x16xf32, #tpu.memory_space<hbm>> -> memref<32x16xf32, #tpu.memory_space<hbm>>
      tpu.enqueue_dma source(%dma_start3A_39 : memref<32x16xf32, #tpu.memory_space<hbm>>) target(%arg10 : memref<32x16xf32, #tpu.memory_space<vmem>>) target_semaphore(%run_scoped3A : memref<!tpu.dma_semaphore, #tpu.memory_space<semaphore_mem>>)
      %dma_wait3A_40 = arith.constant 0 : i32
      %dma_wait3A_41 = tpu.memref_slice %arg5[%add3A_20, %dma_wait3A_40] : memref<2048x16xf32, #tpu.memory_space<hbm>> -> memref<32x16xf32, #tpu.memory_space<hbm>>
      %dma_wait3A_42 = arith.constant 0 : i32
      %dma_wait3A_43 = tpu.memref_slice %arg5[%add3A_20, %dma_wait3A_42] : memref<2048x16xf32, #tpu.memory_space<hbm>> -> memref<32x16xf32, #tpu.memory_space<hbm>>
      tpu.wait_dma2 semaphore(%run_scoped3A : memref<!tpu.dma_semaphore, #tpu.memory_space<semaphore_mem>>) src(%dma_wait3A_43 : memref<32x16xf32, #tpu.memory_space<hbm>>) dst(%arg10 : memref<32x16xf32, #tpu.memory_space<vmem>>)
      tpu.yield
    }) : () -> ()
    "tpu.region"() ({
      %run_scoped3A = tpu.sem_alloc : memref<!tpu.dma_semaphore, #tpu.memory_space<semaphore_mem>>
      %dma_start3A_36 = arith.constant 0 : i32
      %dma_start3A_37 = tpu.memref_slice %arg6[%add3A_20, %dma_start3A_36] : memref<2048x16xf32, #tpu.memory_space<hbm>> -> memref<32x16xf32, #tpu.memory_space<hbm>>
      %dma_start3A_38 = arith.constant 0 : i32
      %dma_start3A_39 = tpu.memref_slice %arg6[%add3A_20, %dma_start3A_38] : memref<2048x16xf32, #tpu.memory_space<hbm>> -> memref<32x16xf32, #tpu.memory_space<hbm>>
      tpu.enqueue_dma source(%dma_start3A_39 : memref<32x16xf32, #tpu.memory_space<hbm>>) target(%arg11 : memref<32x16xf32, #tpu.memory_space<vmem>>) target_semaphore(%run_scoped3A : memref<!tpu.dma_semaphore, #tpu.memory_space<semaphore_mem>>)
      %dma_wait3A_40 = arith.constant 0 : i32
      %dma_wait3A_41 = tpu.memref_slice %arg6[%add3A_20, %dma_wait3A_40] : memref<2048x16xf32, #tpu.memory_space<hbm>> -> memref<32x16xf32, #tpu.memory_space<hbm>>
      %dma_wait3A_42 = arith.constant 0 : i32
      %dma_wait3A_43 = tpu.memref_slice %arg6[%add3A_20, %dma_wait3A_42] : memref<2048x16xf32, #tpu.memory_space<hbm>> -> memref<32x16xf32, #tpu.memory_space<hbm>>
      tpu.wait_dma2 semaphore(%run_scoped3A : memref<!tpu.dma_semaphore, #tpu.memory_space<semaphore_mem>>) src(%dma_wait3A_43 : memref<32x16xf32, #tpu.memory_space<hbm>>) dst(%arg11 : memref<32x16xf32, #tpu.memory_space<vmem>>)
      tpu.yield
    }) : () -> ()
    %dma_start3A_21 = arith.constant 0 : i32
    %dma_start3A_22 = arith.constant 0 : i32
    %dma_start3A_23 = tpu.memref_slice %arg2[%dma_start3A_21, %dma_start3A_22] : memref<12288x512xi32, #tpu.memory_space<hbm>> -> memref<12288x512xi32, #tpu.memory_space<hbm>>
    tpu.enqueue_indirect_dma source(%dma_start3A_23 : memref<12288x512xi32, #tpu.memory_space<hbm>>) target(%arg12 : memref<32x512xi32, #tpu.memory_space<vmem>>) offsets(%arg8 : memref<32xi32, #tpu.memory_space<vmem>>) semaphore(%arg15 : memref<!tpu.dma_semaphore, #tpu.memory_space<semaphore_mem>>)
    %dma_start3A_24 = arith.constant 0 : i32
    %dma_start3A_25 = arith.constant 0 : i32
    %dma_start3A_26 = tpu.memref_slice %arg2[%dma_start3A_24, %dma_start3A_25] : memref<12288x512xi32, #tpu.memory_space<hbm>> -> memref<12288x512xi32, #tpu.memory_space<hbm>>
    tpu.enqueue_indirect_dma source(%dma_start3A_26 : memref<12288x512xi32, #tpu.memory_space<hbm>>) target(%arg13 : memref<32x512xi32, #tpu.memory_space<vmem>>) offsets(%arg9 : memref<32xi32, #tpu.memory_space<vmem>>) semaphore(%arg16 : memref<!tpu.dma_semaphore, #tpu.memory_space<semaphore_mem>>)
    %dma_wait3A_27 = arith.constant 0 : i32
    %dma_wait3A_28 = arith.constant 0 : i32
    %dma_wait3A_29 = tpu.memref_slice %arg2[%dma_wait3A_27, %dma_wait3A_28] : memref<12288x512xi32, #tpu.memory_space<hbm>> -> memref<12288x512xi32, #tpu.memory_space<hbm>>
    tpu.wait_indirect_dma semaphore(%arg15 : memref<!tpu.dma_semaphore, #tpu.memory_space<semaphore_mem>>) src(%dma_wait3A_29 : memref<12288x512xi32, #tpu.memory_space<hbm>>) dst(%arg12 : memref<32x512xi32, #tpu.memory_space<vmem>>)
    %dma_wait3A_30 = arith.constant 0 : i32
    %dma_wait3A_31 = arith.constant 0 : i32
    %dma_wait3A_32 = tpu.memref_slice %arg2[%dma_wait3A_30, %dma_wait3A_31] : memref<12288x512xi32, #tpu.memory_space<hbm>> -> memref<12288x512xi32, #tpu.memory_space<hbm>>
    tpu.wait_indirect_dma semaphore(%arg16 : memref<!tpu.dma_semaphore, #tpu.memory_space<semaphore_mem>>) src(%dma_wait3A_32 : memref<12288x512xi32, #tpu.memory_space<hbm>>) dst(%arg13 : memref<32x512xi32, #tpu.memory_space<vmem>>)
    %parallel_loop3A_33 = arith.constant 0 : i32
    %parallel_loop3A_34 = arith.constant 32 : i32
    %parallel_loop3A_35 = arith.constant 1 : i32
    scf.for %parallel_loop3A_36 = %parallel_loop3A_33 to %parallel_loop3A_34 step %parallel_loop3A_35  : i32 {
      %parallel_loop3A_37 = arith.index_cast %parallel_loop3A_36 : i32 to index
      %parallel_loop3A_38 = arith.constant 0 : index
      %parallel_loop3A_39 = tpu.vector_load %arg10[%parallel_loop3A_37, %parallel_loop3A_38] {strides = array<i32>} : memref<32x16xf32, #tpu.memory_space<vmem>>, vector<16xf32>,
      %parallel_loop3A_40 = arith.index_cast %parallel_loop3A_36 : i32 to index
      %parallel_loop3A_41 = arith.constant 0 : index
      %parallel_loop3A_42 = tpu.vector_load %arg11[%parallel_loop3A_40, %parallel_loop3A_41] {strides = array<i32>} : memref<32x16xf32, #tpu.memory_space<vmem>>, vector<16xf32>,
      %parallel_loop3A_43 = arith.index_cast %parallel_loop3A_36 : i32 to index
      %parallel_loop3A_44 = arith.constant 0 : index
      %parallel_loop3A_45 = tpu.vector_load %arg12[%parallel_loop3A_43, %parallel_loop3A_44] {strides = array<i32>} : memref<32x512xi32, #tpu.memory_space<vmem>>, vector<16xi32>,
      %parallel_loop3A_46 = vector.bitcast %parallel_loop3A_45 : vector<16xi32> to vector<32xbf16>
      %parallel_loop3A_47 = tpu.unpack_subelements %parallel_loop3A_46, 0 {pack_format = #tpu.pack_format<interleaved>} : vector<32xbf16> -> vector<16xf32>
      %parallel_loop3A_48 = tpu.unpack_subelements %parallel_loop3A_46, 1 {pack_format = #tpu.pack_format<interleaved>} : vector<32xbf16> -> vector<16xf32>
      %parallel_loop3A_49 = arith.index_cast %parallel_loop3A_36 : i32 to index
      %parallel_loop3A_50 = arith.constant 0 : index
      %parallel_loop3A_51 = tpu.vector_load %arg13[%parallel_loop3A_49, %parallel_loop3A_50] {strides = array<i32>} : memref<32x512xi32, #tpu.memory_space<vmem>>, vector<16xi32>,
      %parallel_loop3A_52 = vector.bitcast %parallel_loop3A_51 : vector<16xi32> to vector<32xbf16>
      %parallel_loop3A_53 = tpu.unpack_subelements %parallel_loop3A_52, 0 {pack_format = #tpu.pack_format<interleaved>} : vector<32xbf16> -> vector<16xf32>
      %parallel_loop3A_54 = tpu.unpack_subelements %parallel_loop3A_52, 1 {pack_format = #tpu.pack_format<interleaved>} : vector<32xbf16> -> vector<16xf32>
      %parallel_loop3A_55 = arith.mulf %parallel_loop3A_39, %parallel_loop3A_47 : vector<16xf32>
      %parallel_loop3A_56 = arith.mulf %parallel_loop3A_42, %parallel_loop3A_53 : vector<16xf32>
      %parallel_loop3A_57 = arith.addf %parallel_loop3A_55, %parallel_loop3A_56 : vector<16xf32>
      %parallel_loop3A_58 = arith.index_cast %parallel_loop3A_36 : i32 to index
      %parallel_loop3A_59 = arith.constant 0 : index
      %parallel_loop3A_60 = tpu.vector_load %arg14[%parallel_loop3A_58, %parallel_loop3A_59] {strides = array<i32>} : memref<32x1024xf32, #tpu.memory_space<vmem>>, vector<16xf32>,
      tpu.vector_store %arg14[%parallel_loop3A_58, %parallel_loop3A_59], %parallel_loop3A_57 {strides = array<i32>} : memref<32x1024xf32, #tpu.memory_space<vmem>>, vector<16xf32>,
      %parallel_loop3A_61 = arith.mulf %parallel_loop3A_39, %parallel_loop3A_48 : vector<16xf32>
      %parallel_loop3A_62 = arith.mulf %parallel_loop3A_42, %parallel_loop3A_54 : vector<16xf32>
      %parallel_loop3A_63 = arith.addf %parallel_loop3A_61, %parallel_loop3A_62 : vector<16xf32>
      %parallel_loop3A_64 = arith.index_cast %parallel_loop3A_36 : i32 to index
      %parallel_loop3A_65 = arith.constant 512 : index
      %parallel_loop3A_66 = tpu.vector_load %arg14[%parallel_loop3A_64, %parallel_loop3A_65] {strides = array<i32>} : memref<32x1024xf32, #tpu.memory_space<vmem>>, vector<16xf32>,
      tpu.vector_store %arg14[%parallel_loop3A_64, %parallel_loop3A_65], %parallel_loop3A_63 {strides = array<i32>} : memref<32x1024xf32, #tpu.memory_space<vmem>>, vector<16xf32>,
      %parallel_loop3A_67 = arith.index_cast %parallel_loop3A_36 : i32 to index
      %parallel_loop3A_68 = arith.constant 16 : index
      %parallel_loop3A_69 = tpu.vector_load %arg12[%parallel_loop3A_67, %parallel_loop3A_68] {strides = array<i32>} : memref<32x512xi32, #tpu.memory_space<vmem>>, vector<16xi32>,
      %parallel_loop3A_70 = vector.bitcast %parallel_loop3A_69 : vector<16xi32> to vector<32xbf16>
      %parallel_loop3A_71 = tpu.unpack_subelements %parallel_loop3A_70, 0 {pack_format = #tpu.pack_format<interleaved>} : vector<32xbf16> -> vector<16xf32>
      %parallel_loop3A_72 = tpu.unpack_subelements %parallel_loop3A_70, 1 {pack_format = #tpu.pack_format<interleaved>} : vector<32xbf16> -> vector<16xf32>
      %parallel_loop3A_73 = arith.index_cast %parallel_loop3A_36 : i32 to index
      %parallel_loop3A_74 = arith.constant 16 : index
      %parallel_loop3A_75 = tpu.vector_load %arg13[%parallel_loop3A_73, %parallel_loop3A_74] {strides = array<i32>} : memref<32x512xi32, #tpu.memory_space<vmem>>, vector<16xi32>,
      %parallel_loop3A_76 = vector.bitcast %parallel_loop3A_75 : vector<16xi32> to vector<32xbf16>
      %parallel_loop3A_77 = tpu.unpack_subelements %parallel_loop3A_76, 0 {pack_format = #tpu.pack_format<interleaved>} : vector<32xbf16> -> vector<16xf32>
      %parallel_loop3A_78 = tpu.unpack_subelements %parallel_loop3A_76, 1 {pack_format = #tpu.pack_format<interleaved>} : vector<32xbf16> -> vector<16xf32>
      %parallel_loop3A_79 = arith.mulf %parallel_loop3A_39, %parallel_loop3A_71 : vector<16xf32>
      %parallel_loop3A_80 = arith.mulf %parallel_loop3A_42, %parallel_loop3A_77 : vector<16xf32>
      %parallel_loop3A_81 = arith.addf %parallel_loop3A_79, %parallel_loop3A_80 : vector<16xf32>
      %parallel_loop3A_82 = arith.index_cast %parallel_loop3A_36 : i32 to index
      %parallel_loop3A_83 = arith.constant 16 : index
      %parallel_loop3A_84 = tpu.vector_load %arg14[%parallel_loop3A_82, %parallel_loop3A_83] {strides = array<i32>} : memref<32x1024xf32, #tpu.memory_space<vmem>>, vector<16xf32>,
      tpu.vector_store %arg14[%parallel_loop3A_82, %parallel_loop3A_83], %parallel_loop3A_81 {strides = array<i32>} : memref<32x1024xf32, #tpu.memory_space<vmem>>, vector<16xf32>,
      %parallel_loop3A_85 = arith.mulf %parallel_loop3A_39, %parallel_loop3A_72 : vector<16xf32>
      %parallel_loop3A_86 = arith.mulf %parallel_loop3A_42, %parallel_loop3A_78 : vector<16xf32>
      %parallel_loop3A_87 = arith.addf %parallel_loop3A_85, %parallel_loop3A_86 : vector<16xf32>
      %parallel_loop3A_88 = arith.index_cast %parallel_loop3A_36 : i32 to index
      %parallel_loop3A_89 = arith.constant 528 : index
      %parallel_loop3A_90 = tpu.vector_load %arg14[%parallel_loop3A_88, %parallel_loop3A_89] {strides = array<i32>} : memref<32x1024xf32, #tpu.memory_space<vmem>>, vector<16xf32>,
      tpu.vector_store %arg14[%parallel_loop3A_88, %parallel_loop3A_89], %parallel_loop3A_87 {strides = array<i32>} : memref<32x1024xf32, #tpu.memory_space<vmem>>, vector<16xf32>,
      %parallel_loop3A_91 = arith.index_cast %parallel_loop3A_36 : i32 to index
      %parallel_loop3A_92 = arith.constant 32 : index
      %parallel_loop3A_93 = tpu.vector_load %arg12[%parallel_loop3A_91, %parallel_loop3A_92] {strides = array<i32>} : memref<32x512xi32, #tpu.memory_space<vmem>>, vector<16xi32>,
      %parallel_loop3A_94 = vector.bitcast %parallel_loop3A_93 : vector<16xi32> to vector<32xbf16>
      %parallel_loop3A_95 = tpu.unpack_subelements %parallel_loop3A_94, 0 {pack_format = #tpu.pack_format<interleaved>} : vector<32xbf16> -> vector<16xf32>
      %parallel_loop3A_96 = tpu.unpack_subelements %parallel_loop3A_94, 1 {pack_format = #tpu.pack_format<interleaved>} : vector<32xbf16> -> vector<16xf32>
      %parallel_loop3A_97 = arith.index_cast %parallel_loop3A_36 : i32 to index
      %parallel_loop3A_98 = arith.constant 32 : index
      %parallel_loop3A_99 = tpu.vector_load %arg13[%parallel_loop3A_97, %parallel_loop3A_98] {strides = array<i32>} : memref<32x512xi32, #tpu.memory_space<vmem>>, vector<16xi32>,
      %parallel_loop3A_100 = vector.bitcast %parallel_loop3A_99 : vector<16xi32> to vector<32xbf16>
      %parallel_loop3A_101 = tpu.unpack_subelements %parallel_loop3A_100, 0 {pack_format = #tpu.pack_format<interleaved>} : vector<32xbf16> -> vector<16xf32>
      %parallel_loop3A_102 = tpu.unpack_subelements %parallel_loop3A_100, 1 {pack_format = #tpu.pack_format<interleaved>} : vector<32xbf16> -> vector<16xf32>
      %parallel_loop3A_103 = arith.mulf %parallel_loop3A_39, %parallel_loop3A_95 : vector<16xf32>
      %parallel_loop3A_104 = arith.mulf %parallel_loop3A_42, %parallel_loop3A_101 : vector<16xf32>
      %parallel_loop3A_105 = arith.addf %parallel_loop3A_103, %parallel_loop3A_104 : vector<16xf32>
      %parallel_loop3A_106 = arith.index_cast %parallel_loop3A_36 : i32 to index
      %parallel_loop3A_107 = arith.constant 32 : index
      %parallel_loop3A_108 = tpu.vector_load %arg14[%parallel_loop3A_106, %parallel_loop3A_107] {strides = array<i32>} : memref<32x1024xf32, #tpu.memory_space<vmem>>, vector<16xf32>,
      tpu.vector_store %arg14[%parallel_loop3A_106, %parallel_loop3A_107], %parallel_loop3A_105 {strides = array<i32>} : memref<32x1024xf32, #tpu.memory_space<vmem>>, vector<16xf32>,
      %parallel_loop3A_109 = arith.mulf %parallel_loop3A_39, %parallel_loop3A_96 : vector<16xf32>
      %parallel_loop3A_110 = arith.mulf %parallel_loop3A_42, %parallel_loop3A_102 : vector<16xf32>
      %parallel_loop3A_111 = arith.addf %parallel_loop3A_109, %parallel_loop3A_110 : vector<16xf32>
      %parallel_loop3A_112 = arith.index_cast %parallel_loop3A_36 : i32 to index
      %parallel_loop3A_113 = arith.constant 544 : index
      %parallel_loop3A_114 = tpu.vector_load %arg14[%parallel_loop3A_112, %parallel_loop3A_113] {strides = array<i32>} : memref<32x1024xf32, #tpu.memory_space<vmem>>, vector<16xf32>,
      tpu.vector_store %arg14[%parallel_loop3A_112, %parallel_loop3A_113], %parallel_loop3A_111 {strides = array<i32>} : memref<32x1024xf32, #tpu.memory_space<vmem>>, vector<16xf32>,
      %parallel_loop3A_115 = arith.index_cast %parallel_loop3A_36 : i32 to index
      %parallel_loop3A_116 = arith.constant 48 : index
      %parallel_loop3A_117 = tpu.vector_load %arg12[%parallel_loop3A_115, %parallel_loop3A_116] {strides = array<i32>} : memref<32x512xi32, #tpu.memory_space<vmem>>, vector<16xi32>,
      %parallel_loop3A_118 = vector.bitcast %parallel_loop3A_117 : vector<16xi32> to vector<32xbf16>
      %parallel_loop3A_119 = tpu.unpack_subelements %parallel_loop3A_118, 0 {pack_format = #tpu.pack_format<interleaved>} : vector<32xbf16> -> vector<16xf32>
      %parallel_loop3A_120 = tpu.unpack_subelements %parallel_loop3A_118, 1 {pack_format = #tpu.pack_format<interleaved>} : vector<32xbf16> -> vector<16xf32>
      %parallel_loop3A_121 = arith.index_cast %parallel_loop3A_36 : i32 to index
      %parallel_loop3A_122 = arith.constant 48 : index
      %parallel_loop3A_123 = tpu.vector_load %arg13[%parallel_loop3A_121, %parallel_loop3A_122] {strides = array<i32>} : memref<32x512xi32, #tpu.memory_space<vmem>>, vector<16xi32>,
      %parallel_loop3A_124 = vector.bitcast %parallel_loop3A_123 : vector<16xi32> to vector<32xbf16>
      %parallel_loop3A_125 = tpu.unpack_subelements %parallel_loop3A_124, 0 {pack_format = #tpu.pack_format<interleaved>} : vector<32xbf16> -> vector<16xf32>
      %parallel_loop3A_126 = tpu.unpack_subelements %parallel_loop3A_124, 1 {pack_format = #tpu.pack_format<interleaved>} : vector<32xbf16> -> vector<16xf32>
      %parallel_loop3A_127 = arith.mulf %parallel_loop3A_39, %parallel_loop3A_119 : vector<16xf32>
      %parallel_loop3A_128 = arith.mulf %parallel_loop3A_42, %parallel_loop3A_125 : vector<16xf32>
      %parallel_loop3A_129 = arith.addf %parallel_loop3A_127, %parallel_loop3A_128 : vector<16xf32>
      %parallel_loop3A_130 = arith.index_cast %parallel_loop3A_36 : i32 to index
      %parallel_loop3A_131 = arith.constant 48 : index
      %parallel_loop3A_132 = tpu.vector_load %arg14[%parallel_loop3A_130, %parallel_loop3A_131] {strides = array<i32>} : memref<32x1024xf32, #tpu.memory_space<vmem>>, vector<16xf32>,
      tpu.vector_store %arg14[%parallel_loop3A_130, %parallel_loop3A_131], %parallel_loop3A_129 {strides = array<i32>} : memref<32x1024xf32, #tpu.memory_space<vmem>>, vector<16xf32>,
      %parallel_loop3A_133 = arith.mulf %parallel_loop3A_39, %parallel_loop3A_120 : vector<16xf32>
      %parallel_loop3A_134 = arith.mulf %parallel_loop3A_42, %parallel_loop3A_126 : vector<16xf32>
      %parallel_loop3A_135 = arith.addf %parallel_loop3A_133, %parallel_loop3A_134 : vector<16xf32>
      %parallel_loop3A_136 = arith.index_cast %parallel_loop3A_36 : i32 to index
      %parallel_loop3A_137 = arith.constant 560 : index
      %parallel_loop3A_138 = tpu.vector_load %arg14[%parallel_loop3A_136, %parallel_loop3A_137] {strides = array<i32>} : memref<32x1024xf32, #tpu.memory_space<vmem>>, vector<16xf32>,
      tpu.vector_store %arg14[%parallel_loop3A_136, %parallel_loop3A_137], %parallel_loop3A_135 {strides = array<i32>} : memref<32x1024xf32, #tpu.memory_space<vmem>>, vector<16xf32>,
      %parallel_loop3A_139 = arith.index_cast %parallel_loop3A_36 : i32 to index
      %parallel_loop3A_140 = arith.constant 64 : index
      %parallel_loop3A_141 = tpu.vector_load %arg12[%parallel_loop3A_139, %parallel_loop3A_140] {strides = array<i32>} : memref<32x512xi32, #tpu.memory_space<vmem>>, vector<16xi32>,
      %parallel_loop3A_142 = vector.bitcast %parallel_loop3A_141 : vector<16xi32> to vector<32xbf16>
      %parallel_loop3A_143 = tpu.unpack_subelements %parallel_loop3A_142, 0 {pack_format = #tpu.pack_format<interleaved>} : vector<32xbf16> -> vector<16xf32>
      %parallel_loop3A_144 = tpu.unpack_subelements %parallel_loop3A_142, 1 {pack_format = #tpu.pack_format<interleaved>} : vector<32xbf16> -> vector<16xf32>
      %parallel_loop3A_145 = arith.index_cast %parallel_loop3A_36 : i32 to index
      %parallel_loop3A_146 = arith.constant 64 : index
      %parallel_loop3A_147 = tpu.vector_load %arg13[%parallel_loop3A_145, %parallel_loop3A_146] {strides = array<i32>} : memref<32x512xi32, #tpu.memory_space<vmem>>, vector<16xi32>,
      %parallel_loop3A_148 = vector.bitcast %parallel_loop3A_147 : vector<16xi32> to vector<32xbf16>
      %parallel_loop3A_149 = tpu.unpack_subelements %parallel_loop3A_148, 0 {pack_format = #tpu.pack_format<interleaved>} : vector<32xbf16> -> vector<16xf32>
      %parallel_loop3A_150 = tpu.unpack_subelements %parallel_loop3A_148, 1 {pack_format = #tpu.pack_format<interleaved>} : vector<32xbf16> -> vector<16xf32>
      %parallel_loop3A_151 = arith.mulf %parallel_loop3A_39, %parallel_loop3A_143 : vector<16xf32>
      %parallel_loop3A_152 = arith.mulf %parallel_loop3A_42, %parallel_loop3A_149 : vector<16xf32>
      %parallel_loop3A_153 = arith.addf %parallel_loop3A_151, %parallel_loop3A_152 : vector<16xf32>
      %parallel_loop3A_154 = arith.index_cast %parallel_loop3A_36 : i32 to index
      %parallel_loop3A_155 = arith.constant 64 : index
      %parallel_loop3A_156 = tpu.vector_load %arg14[%parallel_loop3A_154, %parallel_loop3A_155] {strides = array<i32>} : memref<32x1024xf32, #tpu.memory_space<vmem>>, vector<16xf32>,
      tpu.vector_store %arg14[%parallel_loop3A_154, %parallel_loop3A_155], %parallel_loop3A_153 {strides = array<i32>} : memref<32x1024xf32, #tpu.memory_space<vmem>>, vector<16xf32>,
      %parallel_loop3A_157 = arith.mulf %parallel_loop3A_39, %parallel_loop3A_144 : vector<16xf32>
      %parallel_loop3A_158 = arith.mulf %parallel_loop3A_42, %parallel_loop3A_150 : vector<16xf32>
      %parallel_loop3A_159 = arith.addf %parallel_loop3A_157, %parallel_loop3A_158 : vector<16xf32>
      %parallel_loop3A_160 = arith.index_cast %parallel_loop3A_36 : i32 to index
      %parallel_loop3A_161 = arith.constant 576 : index
      %parallel_loop3A_162 = tpu.vector_load %arg14[%parallel_loop3A_160, %parallel_loop3A_161] {strides = array<i32>} : memref<32x1024xf32, #tpu.memory_space<vmem>>, vector<16xf32>,
      tpu.vector_store %arg14[%parallel_loop3A_160, %parallel_loop3A_161], %parallel_loop3A_159 {strides = array<i32>} : memref<32x1024xf32, #tpu.memory_space<vmem>>, vector<16xf32>,
      %parallel_loop3A_163 = arith.index_cast %parallel_loop3A_36 : i32 to index
      %parallel_loop3A_164 = arith.constant 80 : index
      %parallel_loop3A_165 = tpu.vector_load %arg12[%parallel_loop3A_163, %parallel_loop3A_164] {strides = array<i32>} : memref<32x512xi32, #tpu.memory_space<vmem>>, vector<16xi32>,
      %parallel_loop3A_166 = vector.bitcast %parallel_loop3A_165 : vector<16xi32> to vector<32xbf16>
      %parallel_loop3A_167 = tpu.unpack_subelements %parallel_loop3A_166, 0 {pack_format = #tpu.pack_format<interleaved>} : vector<32xbf16> -> vector<16xf32>
      %parallel_loop3A_168 = tpu.unpack_subelements %parallel_loop3A_166, 1 {pack_format = #tpu.pack_format<interleaved>} : vector<32xbf16> -> vector<16xf32>
      %parallel_loop3A_169 = arith.index_cast %parallel_loop3A_36 : i32 to index
      %parallel_loop3A_170 = arith.constant 80 : index
      %parallel_loop3A_171 = tpu.vector_load %arg13[%parallel_loop3A_169, %parallel_loop3A_170] {strides = array<i32>} : memref<32x512xi32, #tpu.memory_space<vmem>>, vector<16xi32>,
      %parallel_loop3A_172 = vector.bitcast %parallel_loop3A_171 : vector<16xi32> to vector<32xbf16>
      %parallel_loop3A_173 = tpu.unpack_subelements %parallel_loop3A_172, 0 {pack_format = #tpu.pack_format<interleaved>} : vector<32xbf16> -> vector<16xf32>
      %parallel_loop3A_174 = tpu.unpack_subelements %parallel_loop3A_172, 1 {pack_format = #tpu.pack_format<interleaved>} : vector<32xbf16> -> vector<16xf32>
      %parallel_loop3A_175 = arith.mulf %parallel_loop3A_39, %parallel_loop3A_167 : vector<16xf32>
      %parallel_loop3A_176 = arith.mulf %parallel_loop3A_42, %parallel_loop3A_173 : vector<16xf32>
      %parallel_loop3A_177 = arith.addf %parallel_loop3A_175, %parallel_loop3A_176 : vector<16xf32>
      %parallel_loop3A_178 = arith.index_cast %parallel_loop3A_36 : i32 to index
      %parallel_loop3A_179 = arith.constant 80 : index
      %parallel_loop3A_180 = tpu.vector_load %arg14[%parallel_loop3A_178, %parallel_loop3A_179] {strides = array<i32>} : memref<32x1024xf32, #tpu.memory_space<vmem>>, vector<16xf32>,
      tpu.vector_store %arg14[%parallel_loop3A_178, %parallel_loop3A_179], %parallel_loop3A_177 {strides = array<i32>} : memref<32x1024xf32, #tpu.memory_space<vmem>>, vector<16xf32>,
      %parallel_loop3A_181 = arith.mulf %parallel_loop3A_39, %parallel_loop3A_168 : vector<16xf32>
      %parallel_loop3A_182 = arith.mulf %parallel_loop3A_42, %parallel_loop3A_174 : vector<16xf32>
      %parallel_loop3A_183 = arith.addf %parallel_loop3A_181, %parallel_loop3A_182 : vector<16xf32>
      %parallel_loop3A_184 = arith.index_cast %parallel_loop3A_36 : i32 to index
      %parallel_loop3A_185 = arith.constant 592 : index
      %parallel_loop3A_186 = tpu.vector_load %arg14[%parallel_loop3A_184, %parallel_loop3A_185] {strides = array<i32>} : memref<32x1024xf32, #tpu.memory_space<vmem>>, vector<16xf32>,
      tpu.vector_store %arg14[%parallel_loop3A_184, %parallel_loop3A_185], %parallel_loop3A_183 {strides = array<i32>} : memref<32x1024xf32, #tpu.memory_space<vmem>>, vector<16xf32>,
      %parallel_loop3A_187 = arith.index_cast %parallel_loop3A_36 : i32 to index
      %parallel_loop3A_188 = arith.constant 96 : index
      %parallel_loop3A_189 = tpu.vector_load %arg12[%parallel_loop3A_187, %parallel_loop3A_188] {strides = array<i32>} : memref<32x512xi32, #tpu.memory_space<vmem>>, vector<16xi32>,
      %parallel_loop3A_190 = vector.bitcast %parallel_loop3A_189 : vector<16xi32> to vector<32xbf16>
      %parallel_loop3A_191 = tpu.unpack_subelements %parallel_loop3A_190, 0 {pack_format = #tpu.pack_format<interleaved>} : vector<32xbf16> -> vector<16xf32>
      %parallel_loop3A_192 = tpu.unpack_subelements %parallel_loop3A_190, 1 {pack_format = #tpu.pack_format<interleaved>} : vector<32xbf16> -> vector<16xf32>
      %parallel_loop3A_193 = arith.index_cast %parallel_loop3A_36 : i32 to index
      %parallel_loop3A_194 = arith.constant 96 : index
      %parallel_loop3A_195 = tpu.vector_load %arg13[%parallel_loop3A_193, %parallel_loop3A_194] {strides = array<i32>} : memref<32x512xi32, #tpu.memory_space<vmem>>, vector<16xi32>,
      %parallel_loop3A_196 = vector.bitcast %parallel_loop3A_195 : vector<16xi32> to vector<32xbf16>
      %parallel_loop3A_197 = tpu.unpack_subelements %parallel_loop3A_196, 0 {pack_format = #tpu.pack_format<interleaved>} : vector<32xbf16> -> vector<16xf32>
      %parallel_loop3A_198 = tpu.unpack_subelements %parallel_loop3A_196, 1 {pack_format = #tpu.pack_format<interleaved>} : vector<32xbf16> -> vector<16xf32>
      %parallel_loop3A_199 = arith.mulf %parallel_loop3A_39, %parallel_loop3A_191 : vector<16xf32>
      %parallel_loop3A_200 = arith.mulf %parallel_loop3A_42, %parallel_loop3A_197 : vector<16xf32>
      %parallel_loop3A_201 = arith.addf %parallel_loop3A_199, %parallel_loop3A_200 : vector<16xf32>
      %parallel_loop3A_202 = arith.index_cast %parallel_loop3A_36 : i32 to index
      %parallel_loop3A_203 = arith.constant 96 : index
      %parallel_loop3A_204 = tpu.vector_load %arg14[%parallel_loop3A_202, %parallel_loop3A_203] {strides = array<i32>} : memref<32x1024xf32, #tpu.memory_space<vmem>>, vector<16xf32>,
      tpu.vector_store %arg14[%parallel_loop3A_202, %parallel_loop3A_203], %parallel_loop3A_201 {strides = array<i32>} : memref<32x1024xf32, #tpu.memory_space<vmem>>, vector<16xf32>,
      %parallel_loop3A_205 = arith.mulf %parallel_loop3A_39, %parallel_loop3A_192 : vector<16xf32>
      %parallel_loop3A_206 = arith.mulf %parallel_loop3A_42, %parallel_loop3A_198 : vector<16xf32>
      %parallel_loop3A_207 = arith.addf %parallel_loop3A_205, %parallel_loop3A_206 : vector<16xf32>
      %parallel_loop3A_208 = arith.index_cast %parallel_loop3A_36 : i32 to index
      %parallel_loop3A_209 = arith.constant 608 : index
      %parallel_loop3A_210 = tpu.vector_load %arg14[%parallel_loop3A_208, %parallel_loop3A_209] {strides = array<i32>} : memref<32x1024xf32, #tpu.memory_space<vmem>>, vector<16xf32>,
      tpu.vector_store %arg14[%parallel_loop3A_208, %parallel_loop3A_209], %parallel_loop3A_207 {strides = array<i32>} : memref<32x1024xf32, #tpu.memory_space<vmem>>, vector<16xf32>,
      %parallel_loop3A_211 = arith.index_cast %parallel_loop3A_36 : i32 to index
      %parallel_loop3A_212 = arith.constant 112 : index
      %parallel_loop3A_213 = tpu.vector_load %arg12[%parallel_loop3A_211, %parallel_loop3A_212] {strides = array<i32>} : memref<32x512xi32, #tpu.memory_space<vmem>>, vector<16xi32>,
      %parallel_loop3A_214 = vector.bitcast %parallel_loop3A_213 : vector<16xi32> to vector<32xbf16>
      %parallel_loop3A_215 = tpu.unpack_subelements %parallel_loop3A_214, 0 {pack_format = #tpu.pack_format<interleaved>} : vector<32xbf16> -> vector<16xf32>
      %parallel_loop3A_216 = tpu.unpack_subelements %parallel_loop3A_214, 1 {pack_format = #tpu.pack_format<interleaved>} : vector<32xbf16> -> vector<16xf32>
      %parallel_loop3A_217 = arith.index_cast %parallel_loop3A_36 : i32 to index
      %parallel_loop3A_218 = arith.constant 112 : index
      %parallel_loop3A_219 = tpu.vector_load %arg13[%parallel_loop3A_217, %parallel_loop3A_218] {strides = array<i32>} : memref<32x512xi32, #tpu.memory_space<vmem>>, vector<16xi32>,
      %parallel_loop3A_220 = vector.bitcast %parallel_loop3A_219 : vector<16xi32> to vector<32xbf16>
      %parallel_loop3A_221 = tpu.unpack_subelements %parallel_loop3A_220, 0 {pack_format = #tpu.pack_format<interleaved>} : vector<32xbf16> -> vector<16xf32>
      %parallel_loop3A_222 = tpu.unpack_subelements %parallel_loop3A_220, 1 {pack_format = #tpu.pack_format<interleaved>} : vector<32xbf16> -> vector<16xf32>
      %parallel_loop3A_223 = arith.mulf %parallel_loop3A_39, %parallel_loop3A_215 : vector<16xf32>
      %parallel_loop3A_224 = arith.mulf %parallel_loop3A_42, %parallel_loop3A_221 : vector<16xf32>
      %parallel_loop3A_225 = arith.addf %parallel_loop3A_223, %parallel_loop3A_224 : vector<16xf32>
      %parallel_loop3A_226 = arith.index_cast %parallel_loop3A_36 : i32 to index
      %parallel_loop3A_227 = arith.constant 112 : index
      %parallel_loop3A_228 = tpu.vector_load %arg14[%parallel_loop3A_226, %parallel_loop3A_227] {strides = array<i32>} : memref<32x1024xf32, #tpu.memory_space<vmem>>, vector<16xf32>,
      tpu.vector_store %arg14[%parallel_loop3A_226, %parallel_loop3A_227], %parallel_loop3A_225 {strides = array<i32>} : memref<32x1024xf32, #tpu.memory_space<vmem>>, vector<16xf32>,
      %parallel_loop3A_229 = arith.mulf %parallel_loop3A_39, %parallel_loop3A_216 : vector<16xf32>
      %parallel_loop3A_230 = arith.mulf %parallel_loop3A_42, %parallel_loop3A_222 : vector<16xf32>
      %parallel_loop3A_231 = arith.addf %parallel_loop3A_229, %parallel_loop3A_230 : vector<16xf32>
      %parallel_loop3A_232 = arith.index_cast %parallel_loop3A_36 : i32 to index
      %parallel_loop3A_233 = arith.constant 624 : index
      %parallel_loop3A_234 = tpu.vector_load %arg14[%parallel_loop3A_232, %parallel_loop3A_233] {strides = array<i32>} : memref<32x1024xf32, #tpu.memory_space<vmem>>, vector<16xf32>,
      tpu.vector_store %arg14[%parallel_loop3A_232, %parallel_loop3A_233], %parallel_loop3A_231 {strides = array<i32>} : memref<32x1024xf32, #tpu.memory_space<vmem>>, vector<16xf32>,
      %parallel_loop3A_235 = arith.index_cast %parallel_loop3A_36 : i32 to index
      %parallel_loop3A_236 = arith.constant 128 : index
      %parallel_loop3A_237 = tpu.vector_load %arg12[%parallel_loop3A_235, %parallel_loop3A_236] {strides = array<i32>} : memref<32x512xi32, #tpu.memory_space<vmem>>, vector<16xi32>,
      %parallel_loop3A_238 = vector.bitcast %parallel_loop3A_237 : vector<16xi32> to vector<32xbf16>
      %parallel_loop3A_239 = tpu.unpack_subelements %parallel_loop3A_238, 0 {pack_format = #tpu.pack_format<interleaved>} : vector<32xbf16> -> vector<16xf32>
      %parallel_loop3A_240 = tpu.unpack_subelements %parallel_loop3A_238, 1 {pack_format = #tpu.pack_format<interleaved>} : vector<32xbf16> -> vector<16xf32>
      %parallel_loop3A_241 = arith.index_cast %parallel_loop3A_36 : i32 to index
      %parallel_loop3A_242 = arith.constant 128 : index
      %parallel_loop3A_243 = tpu.vector_load %arg13[%parallel_loop3A_241, %parallel_loop3A_242] {strides = array<i32>} : memref<32x512xi32, #tpu.memory_space<vmem>>, vector<16xi32>,
      %parallel_loop3A_244 = vector.bitcast %parallel_loop3A_243 : vector<16xi32> to vector<32xbf16>
      %parallel_loop3A_245 = tpu.unpack_subelements %parallel_loop3A_244, 0 {pack_format = #tpu.pack_format<interleaved>} : vector<32xbf16> -> vector<16xf32>
      %parallel_loop3A_246 = tpu.unpack_subelements %parallel_loop3A_244, 1 {pack_format = #tpu.pack_format<interleaved>} : vector<32xbf16> -> vector<16xf32>
      %parallel_loop3A_247 = arith.mulf %parallel_loop3A_39, %parallel_loop3A_239 : vector<16xf32>
      %parallel_loop3A_248 = arith.mulf %parallel_loop3A_42, %parallel_loop3A_245 : vector<16xf32>
      %parallel_loop3A_249 = arith.addf %parallel_loop3A_247, %parallel_loop3A_248 : vector<16xf32>
      %parallel_loop3A_250 = arith.index_cast %parallel_loop3A_36 : i32 to index
      %parallel_loop3A_251 = arith.constant 128 : index
      %parallel_loop3A_252 = tpu.vector_load %arg14[%parallel_loop3A_250, %parallel_loop3A_251] {strides = array<i32>} : memref<32x1024xf32, #tpu.memory_space<vmem>>, vector<16xf32>,
      tpu.vector_store %arg14[%parallel_loop3A_250, %parallel_loop3A_251], %parallel_loop3A_249 {strides = array<i32>} : memref<32x1024xf32, #tpu.memory_space<vmem>>, vector<16xf32>,
      %parallel_loop3A_253 = arith.mulf %parallel_loop3A_39, %parallel_loop3A_240 : vector<16xf32>
      %parallel_loop3A_254 = arith.mulf %parallel_loop3A_42, %parallel_loop3A_246 : vector<16xf32>
      %parallel_loop3A_255 = arith.addf %parallel_loop3A_253, %parallel_loop3A_254 : vector<16xf32>
      %parallel_loop3A_256 = arith.index_cast %parallel_loop3A_36 : i32 to index
      %parallel_loop3A_257 = arith.constant 640 : index
      %parallel_loop3A_258 = tpu.vector_load %arg14[%parallel_loop3A_256, %parallel_loop3A_257] {strides = array<i32>} : memref<32x1024xf32, #tpu.memory_space<vmem>>, vector<16xf32>,
      tpu.vector_store %arg14[%parallel_loop3A_256, %parallel_loop3A_257], %parallel_loop3A_255 {strides = array<i32>} : memref<32x1024xf32, #tpu.memory_space<vmem>>, vector<16xf32>,
      %parallel_loop3A_259 = arith.index_cast %parallel_loop3A_36 : i32 to index
      %parallel_loop3A_260 = arith.constant 144 : index
      %parallel_loop3A_261 = tpu.vector_load %arg12[%parallel_loop3A_259, %parallel_loop3A_260] {strides = array<i32>} : memref<32x512xi32, #tpu.memory_space<vmem>>, vector<16xi32>,
      %parallel_loop3A_262 = vector.bitcast %parallel_loop3A_261 : vector<16xi32> to vector<32xbf16>
      %parallel_loop3A_263 = tpu.unpack_subelements %parallel_loop3A_262, 0 {pack_format = #tpu.pack_format<interleaved>} : vector<32xbf16> -> vector<16xf32>
      %parallel_loop3A_264 = tpu.unpack_subelements %parallel_loop3A_262, 1 {pack_format = #tpu.pack_format<interleaved>} : vector<32xbf16> -> vector<16xf32>
      %parallel_loop3A_265 = arith.index_cast %parallel_loop3A_36 : i32 to index
      %parallel_loop3A_266 = arith.constant 144 : index
      %parallel_loop3A_267 = tpu.vector_load %arg13[%parallel_loop3A_265, %parallel_loop3A_266] {strides = array<i32>} : memref<32x512xi32, #tpu.memory_space<vmem>>, vector<16xi32>,
      %parallel_loop3A_268 = vector.bitcast %parallel_loop3A_267 : vector<16xi32> to vector<32xbf16>
      %parallel_loop3A_269 = tpu.unpack_subelements %parallel_loop3A_268, 0 {pack_format = #tpu.pack_format<interleaved>} : vector<32xbf16> -> vector<16xf32>
      %parallel_loop3A_270 = tpu.unpack_subelements %parallel_loop3A_268, 1 {pack_format = #tpu.pack_format<interleaved>} : vector<32xbf16> -> vector<16xf32>
      %parallel_loop3A_271 = arith.mulf %parallel_loop3A_39, %parallel_loop3A_263 : vector<16xf32>
      %parallel_loop3A_272 = arith.mulf %parallel_loop3A_42, %parallel_loop3A_269 : vector<16xf32>
      %parallel_loop3A_273 = arith.addf %parallel_loop3A_271, %parallel_loop3A_272 : vector<16xf32>
      %parallel_loop3A_274 = arith.index_cast %parallel_loop3A_36 : i32 to index
      %parallel_loop3A_275 = arith.constant 144 : index
      %parallel_loop3A_276 = tpu.vector_load %arg14[%parallel_loop3A_274, %parallel_loop3A_275] {strides = array<i32>} : memref<32x1024xf32, #tpu.memory_space<vmem>>, vector<16xf32>,
      tpu.vector_store %arg14[%parallel_loop3A_274, %parallel_loop3A_275], %parallel_loop3A_273 {strides = array<i32>} : memref<32x1024xf32, #tpu.memory_space<vmem>>, vector<16xf32>,
      %parallel_loop3A_277 = arith.mulf %parallel_loop3A_39, %parallel_loop3A_264 : vector<16xf32>
      %parallel_loop3A_278 = arith.mulf %parallel_loop3A_42, %parallel_loop3A_270 : vector<16xf32>
      %parallel_loop3A_279 = arith.addf %parallel_loop3A_277, %parallel_loop3A_278 : vector<16xf32>
      %parallel_loop3A_280 = arith.index_cast %parallel_loop3A_36 : i32 to index
      %parallel_loop3A_281 = arith.constant 656 : index
      %parallel_loop3A_282 = tpu.vector_load %arg14[%parallel_loop3A_280, %parallel_loop3A_281] {strides = array<i32>} : memref<32x1024xf32, #tpu.memory_space<vmem>>, vector<16xf32>,
      tpu.vector_store %arg14[%parallel_loop3A_280, %parallel_loop3A_281], %parallel_loop3A_279 {strides = array<i32>} : memref<32x1024xf32, #tpu.memory_space<vmem>>, vector<16xf32>,
      %parallel_loop3A_283 = arith.index_cast %parallel_loop3A_36 : i32 to index
      %parallel_loop3A_284 = arith.constant 160 : index
      %parallel_loop3A_285 = tpu.vector_load %arg12[%parallel_loop3A_283, %parallel_loop3A_284] {strides = array<i32>} : memref<32x512xi32, #tpu.memory_space<vmem>>, vector<16xi32>,
      %parallel_loop3A_286 = vector.bitcast %parallel_loop3A_285 : vector<16xi32> to vector<32xbf16>
      %parallel_loop3A_287 = tpu.unpack_subelements %parallel_loop3A_286, 0 {pack_format = #tpu.pack_format<interleaved>} : vector<32xbf16> -> vector<16xf32>
      %parallel_loop3A_288 = tpu.unpack_subelements %parallel_loop3A_286, 1 {pack_format = #tpu.pack_format<interleaved>} : vector<32xbf16> -> vector<16xf32>
      %parallel_loop3A_289 = arith.index_cast %parallel_loop3A_36 : i32 to index
      %parallel_loop3A_290 = arith.constant 160 : index
      %parallel_loop3A_291 = tpu.vector_load %arg13[%parallel_loop3A_289, %parallel_loop3A_290] {strides = array<i32>} : memref<32x512xi32, #tpu.memory_space<vmem>>, vector<16xi32>,
      %parallel_loop3A_292 = vector.bitcast %parallel_loop3A_291 : vector<16xi32> to vector<32xbf16>
      %parallel_loop3A_293 = tpu.unpack_subelements %parallel_loop3A_292, 0 {pack_format = #tpu.pack_format<interleaved>} : vector<32xbf16> -> vector<16xf32>
      %parallel_loop3A_294 = tpu.unpack_subelements %parallel_loop3A_292, 1 {pack_format = #tpu.pack_format<interleaved>} : vector<32xbf16> -> vector<16xf32>
      %parallel_loop3A_295 = arith.mulf %parallel_loop3A_39, %parallel_loop3A_287 : vector<16xf32>
      %parallel_loop3A_296 = arith.mulf %parallel_loop3A_42, %parallel_loop3A_293 : vector<16xf32>
      %parallel_loop3A_297 = arith.addf %parallel_loop3A_295, %parallel_loop3A_296 : vector<16xf32>
      %parallel_loop3A_298 = arith.index_cast %parallel_loop3A_36 : i32 to index
      %parallel_loop3A_299 = arith.constant 160 : index
      %parallel_loop3A_300 = tpu.vector_load %arg14[%parallel_loop3A_298, %parallel_loop3A_299] {strides = array<i32>} : memref<32x1024xf32, #tpu.memory_space<vmem>>, vector<16xf32>,
      tpu.vector_store %arg14[%parallel_loop3A_298, %parallel_loop3A_299], %parallel_loop3A_297 {strides = array<i32>} : memref<32x1024xf32, #tpu.memory_space<vmem>>, vector<16xf32>,
      %parallel_loop3A_301 = arith.mulf %parallel_loop3A_39, %parallel_loop3A_288 : vector<16xf32>
      %parallel_loop3A_302 = arith.mulf %parallel_loop3A_42, %parallel_loop3A_294 : vector<16xf32>
      %parallel_loop3A_303 = arith.addf %parallel_loop3A_301, %parallel_loop3A_302 : vector<16xf32>
      %parallel_loop3A_304 = arith.index_cast %parallel_loop3A_36 : i32 to index
      %parallel_loop3A_305 = arith.constant 672 : index
      %parallel_loop3A_306 = tpu.vector_load %arg14[%parallel_loop3A_304, %parallel_loop3A_305] {strides = array<i32>} : memref<32x1024xf32, #tpu.memory_space<vmem>>, vector<16xf32>,
      tpu.vector_store %arg14[%parallel_loop3A_304, %parallel_loop3A_305], %parallel_loop3A_303 {strides = array<i32>} : memref<32x1024xf32, #tpu.memory_space<vmem>>, vector<16xf32>,
      %parallel_loop3A_307 = arith.index_cast %parallel_loop3A_36 : i32 to index
      %parallel_loop3A_308 = arith.constant 176 : index
      %parallel_loop3A_309 = tpu.vector_load %arg12[%parallel_loop3A_307, %parallel_loop3A_308] {strides = array<i32>} : memref<32x512xi32, #tpu.memory_space<vmem>>, vector<16xi32>,
      %parallel_loop3A_310 = vector.bitcast %parallel_loop3A_309 : vector<16xi32> to vector<32xbf16>
      %parallel_loop3A_311 = tpu.unpack_subelements %parallel_loop3A_310, 0 {pack_format = #tpu.pack_format<interleaved>} : vector<32xbf16> -> vector<16xf32>
      %parallel_loop3A_312 = tpu.unpack_subelements %parallel_loop3A_310, 1 {pack_format = #tpu.pack_format<interleaved>} : vector<32xbf16> -> vector<16xf32>
      %parallel_loop3A_313 = arith.index_cast %parallel_loop3A_36 : i32 to index
      %parallel_loop3A_314 = arith.constant 176 : index
      %parallel_loop3A_315 = tpu.vector_load %arg13[%parallel_loop3A_313, %parallel_loop3A_314] {strides = array<i32>} : memref<32x512xi32, #tpu.memory_space<vmem>>, vector<16xi32>,
      %parallel_loop3A_316 = vector.bitcast %parallel_loop3A_315 : vector<16xi32> to vector<32xbf16>
      %parallel_loop3A_317 = tpu.unpack_subelements %parallel_loop3A_316, 0 {pack_format = #tpu.pack_format<interleaved>} : vector<32xbf16> -> vector<16xf32>
      %parallel_loop3A_318 = tpu.unpack_subelements %parallel_loop3A_316, 1 {pack_format = #tpu.pack_format<interleaved>} : vector<32xbf16> -> vector<16xf32>
      %parallel_loop3A_319 = arith.mulf %parallel_loop3A_39, %parallel_loop3A_311 : vector<16xf32>
      %parallel_loop3A_320 = arith.mulf %parallel_loop3A_42, %parallel_loop3A_317 : vector<16xf32>
      %parallel_loop3A_321 = arith.addf %parallel_loop3A_319, %parallel_loop3A_320 : vector<16xf32>
      %parallel_loop3A_322 = arith.index_cast %parallel_loop3A_36 : i32 to index
      %parallel_loop3A_323 = arith.constant 176 : index
      %parallel_loop3A_324 = tpu.vector_load %arg14[%parallel_loop3A_322, %parallel_loop3A_323] {strides = array<i32>} : memref<32x1024xf32, #tpu.memory_space<vmem>>, vector<16xf32>,
      tpu.vector_store %arg14[%parallel_loop3A_322, %parallel_loop3A_323], %parallel_loop3A_321 {strides = array<i32>} : memref<32x1024xf32, #tpu.memory_space<vmem>>, vector<16xf32>,
      %parallel_loop3A_325 = arith.mulf %parallel_loop3A_39, %parallel_loop3A_312 : vector<16xf32>
      %parallel_loop3A_326 = arith.mulf %parallel_loop3A_42, %parallel_loop3A_318 : vector<16xf32>
      %parallel_loop3A_327 = arith.addf %parallel_loop3A_325, %parallel_loop3A_326 : vector<16xf32>
      %parallel_loop3A_328 = arith.index_cast %parallel_loop3A_36 : i32 to index
      %parallel_loop3A_329 = arith.constant 688 : index
      %parallel_loop3A_330 = tpu.vector_load %arg14[%parallel_loop3A_328, %parallel_loop3A_329] {strides = array<i32>} : memref<32x1024xf32, #tpu.memory_space<vmem>>, vector<16xf32>,
      tpu.vector_store %arg14[%parallel_loop3A_328, %parallel_loop3A_329], %parallel_loop3A_327 {strides = array<i32>} : memref<32x1024xf32, #tpu.memory_space<vmem>>, vector<16xf32>,
      %parallel_loop3A_331 = arith.index_cast %parallel_loop3A_36 : i32 to index
      %parallel_loop3A_332 = arith.constant 192 : index
      %parallel_loop3A_333 = tpu.vector_load %arg12[%parallel_loop3A_331, %parallel_loop3A_332] {strides = array<i32>} : memref<32x512xi32, #tpu.memory_space<vmem>>, vector<16xi32>,
      %parallel_loop3A_334 = vector.bitcast %parallel_loop3A_333 : vector<16xi32> to vector<32xbf16>
      %parallel_loop3A_335 = tpu.unpack_subelements %parallel_loop3A_334, 0 {pack_format = #tpu.pack_format<interleaved>} : vector<32xbf16> -> vector<16xf32>
      %parallel_loop3A_336 = tpu.unpack_subelements %parallel_loop3A_334, 1 {pack_format = #tpu.pack_format<interleaved>} : vector<32xbf16> -> vector<16xf32>
      %parallel_loop3A_337 = arith.index_cast %parallel_loop3A_36 : i32 to index
      %parallel_loop3A_338 = arith.constant 192 : index
      %parallel_loop3A_339 = tpu.vector_load %arg13[%parallel_loop3A_337, %parallel_loop3A_338] {strides = array<i32>} : memref<32x512xi32, #tpu.memory_space<vmem>>, vector<16xi32>,
      %parallel_loop3A_340 = vector.bitcast %parallel_loop3A_339 : vector<16xi32> to vector<32xbf16>
      %parallel_loop3A_341 = tpu.unpack_subelements %parallel_loop3A_340, 0 {pack_format = #tpu.pack_format<interleaved>} : vector<32xbf16> -> vector<16xf32>
      %parallel_loop3A_342 = tpu.unpack_subelements %parallel_loop3A_340, 1 {pack_format = #tpu.pack_format<interleaved>} : vector<32xbf16> -> vector<16xf32>
      %parallel_loop3A_343 = arith.mulf %parallel_loop3A_39, %parallel_loop3A_335 : vector<16xf32>
      %parallel_loop3A_344 = arith.mulf %parallel_loop3A_42, %parallel_loop3A_341 : vector<16xf32>
      %parallel_loop3A_345 = arith.addf %parallel_loop3A_343, %parallel_loop3A_344 : vector<16xf32>
      %parallel_loop3A_346 = arith.index_cast %parallel_loop3A_36 : i32 to index
      %parallel_loop3A_347 = arith.constant 192 : index
      %parallel_loop3A_348 = tpu.vector_load %arg14[%parallel_loop3A_346, %parallel_loop3A_347] {strides = array<i32>} : memref<32x1024xf32, #tpu.memory_space<vmem>>, vector<16xf32>,
      tpu.vector_store %arg14[%parallel_loop3A_346, %parallel_loop3A_347], %parallel_loop3A_345 {strides = array<i32>} : memref<32x1024xf32, #tpu.memory_space<vmem>>, vector<16xf32>,
      %parallel_loop3A_349 = arith.mulf %parallel_loop3A_39, %parallel_loop3A_336 : vector<16xf32>
      %parallel_loop3A_350 = arith.mulf %parallel_loop3A_42, %parallel_loop3A_342 : vector<16xf32>
      %parallel_loop3A_351 = arith.addf %parallel_loop3A_349, %parallel_loop3A_350 : vector<16xf32>
      %parallel_loop3A_352 = arith.index_cast %parallel_loop3A_36 : i32 to index
      %parallel_loop3A_353 = arith.constant 704 : index
      %parallel_loop3A_354 = tpu.vector_load %arg14[%parallel_loop3A_352, %parallel_loop3A_353] {strides = array<i32>} : memref<32x1024xf32, #tpu.memory_space<vmem>>, vector<16xf32>,
      tpu.vector_store %arg14[%parallel_loop3A_352, %parallel_loop3A_353], %parallel_loop3A_351 {strides = array<i32>} : memref<32x1024xf32, #tpu.memory_space<vmem>>, vector<16xf32>,
      %parallel_loop3A_355 = arith.index_cast %parallel_loop3A_36 : i32 to index
      %parallel_loop3A_356 = arith.constant 208 : index
      %parallel_loop3A_357 = tpu.vector_load %arg12[%parallel_loop3A_355, %parallel_loop3A_356] {strides = array<i32>} : memref<32x512xi32, #tpu.memory_space<vmem>>, vector<16xi32>,
      %parallel_loop3A_358 = vector.bitcast %parallel_loop3A_357 : vector<16xi32> to vector<32xbf16>
      %parallel_loop3A_359 = tpu.unpack_subelements %parallel_loop3A_358, 0 {pack_format = #tpu.pack_format<interleaved>} : vector<32xbf16> -> vector<16xf32>
      %parallel_loop3A_360 = tpu.unpack_subelements %parallel_loop3A_358, 1 {pack_format = #tpu.pack_format<interleaved>} : vector<32xbf16> -> vector<16xf32>
      %parallel_loop3A_361 = arith.index_cast %parallel_loop3A_36 : i32 to index
      %parallel_loop3A_362 = arith.constant 208 : index
      %parallel_loop3A_363 = tpu.vector_load %arg13[%parallel_loop3A_361, %parallel_loop3A_362] {strides = array<i32>} : memref<32x512xi32, #tpu.memory_space<vmem>>, vector<16xi32>,
      %parallel_loop3A_364 = vector.bitcast %parallel_loop3A_363 : vector<16xi32> to vector<32xbf16>
      %parallel_loop3A_365 = tpu.unpack_subelements %parallel_loop3A_364, 0 {pack_format = #tpu.pack_format<interleaved>} : vector<32xbf16> -> vector<16xf32>
      %parallel_loop3A_366 = tpu.unpack_subelements %parallel_loop3A_364, 1 {pack_format = #tpu.pack_format<interleaved>} : vector<32xbf16> -> vector<16xf32>
      %parallel_loop3A_367 = arith.mulf %parallel_loop3A_39, %parallel_loop3A_359 : vector<16xf32>
      %parallel_loop3A_368 = arith.mulf %parallel_loop3A_42, %parallel_loop3A_365 : vector<16xf32>
      %parallel_loop3A_369 = arith.addf %parallel_loop3A_367, %parallel_loop3A_368 : vector<16xf32>
      %parallel_loop3A_370 = arith.index_cast %parallel_loop3A_36 : i32 to index
      %parallel_loop3A_371 = arith.constant 208 : index
      %parallel_loop3A_372 = tpu.vector_load %arg14[%parallel_loop3A_370, %parallel_loop3A_371] {strides = array<i32>} : memref<32x1024xf32, #tpu.memory_space<vmem>>, vector<16xf32>,
      tpu.vector_store %arg14[%parallel_loop3A_370, %parallel_loop3A_371], %parallel_loop3A_369 {strides = array<i32>} : memref<32x1024xf32, #tpu.memory_space<vmem>>, vector<16xf32>,
      %parallel_loop3A_373 = arith.mulf %parallel_loop3A_39, %parallel_loop3A_360 : vector<16xf32>
      %parallel_loop3A_374 = arith.mulf %parallel_loop3A_42, %parallel_loop3A_366 : vector<16xf32>
      %parallel_loop3A_375 = arith.addf %parallel_loop3A_373, %parallel_loop3A_374 : vector<16xf32>
      %parallel_loop3A_376 = arith.index_cast %parallel_loop3A_36 : i32 to index
      %parallel_loop3A_377 = arith.constant 720 : index
      %parallel_loop3A_378 = tpu.vector_load %arg14[%parallel_loop3A_376, %parallel_loop3A_377] {strides = array<i32>} : memref<32x1024xf32, #tpu.memory_space<vmem>>, vector<16xf32>,
      tpu.vector_store %arg14[%parallel_loop3A_376, %parallel_loop3A_377], %parallel_loop3A_375 {strides = array<i32>} : memref<32x1024xf32, #tpu.memory_space<vmem>>, vector<16xf32>,
      %parallel_loop3A_379 = arith.index_cast %parallel_loop3A_36 : i32 to index
      %parallel_loop3A_380 = arith.constant 224 : index
      %parallel_loop3A_381 = tpu.vector_load %arg12[%parallel_loop3A_379, %parallel_loop3A_380] {strides = array<i32>} : memref<32x512xi32, #tpu.memory_space<vmem>>, vector<16xi32>,
      %parallel_loop3A_382 = vector.bitcast %parallel_loop3A_381 : vector<16xi32> to vector<32xbf16>
      %parallel_loop3A_383 = tpu.unpack_subelements %parallel_loop3A_382, 0 {pack_format = #tpu.pack_format<interleaved>} : vector<32xbf16> -> vector<16xf32>
      %parallel_loop3A_384 = tpu.unpack_subelements %parallel_loop3A_382, 1 {pack_format = #tpu.pack_format<interleaved>} : vector<32xbf16> -> vector<16xf32>
      %parallel_loop3A_385 = arith.index_cast %parallel_loop3A_36 : i32 to index
      %parallel_loop3A_386 = arith.constant 224 : index
      %parallel_loop3A_387 = tpu.vector_load %arg13[%parallel_loop3A_385, %parallel_loop3A_386] {strides = array<i32>} : memref<32x512xi32, #tpu.memory_space<vmem>>, vector<16xi32>,
      %parallel_loop3A_388 = vector.bitcast %parallel_loop3A_387 : vector<16xi32> to vector<32xbf16>
      %parallel_loop3A_389 = tpu.unpack_subelements %parallel_loop3A_388, 0 {pack_format = #tpu.pack_format<interleaved>} : vector<32xbf16> -> vector<16xf32>
      %parallel_loop3A_390 = tpu.unpack_subelements %parallel_loop3A_388, 1 {pack_format = #tpu.pack_format<interleaved>} : vector<32xbf16> -> vector<16xf32>
      %parallel_loop3A_391 = arith.mulf %parallel_loop3A_39, %parallel_loop3A_383 : vector<16xf32>
      %parallel_loop3A_392 = arith.mulf %parallel_loop3A_42, %parallel_loop3A_389 : vector<16xf32>
      %parallel_loop3A_393 = arith.addf %parallel_loop3A_391, %parallel_loop3A_392 : vector<16xf32>
      %parallel_loop3A_394 = arith.index_cast %parallel_loop3A_36 : i32 to index
      %parallel_loop3A_395 = arith.constant 224 : index
      %parallel_loop3A_396 = tpu.vector_load %arg14[%parallel_loop3A_394, %parallel_loop3A_395] {strides = array<i32>} : memref<32x1024xf32, #tpu.memory_space<vmem>>, vector<16xf32>,
      tpu.vector_store %arg14[%parallel_loop3A_394, %parallel_loop3A_395], %parallel_loop3A_393 {strides = array<i32>} : memref<32x1024xf32, #tpu.memory_space<vmem>>, vector<16xf32>,
      %parallel_loop3A_397 = arith.mulf %parallel_loop3A_39, %parallel_loop3A_384 : vector<16xf32>
      %parallel_loop3A_398 = arith.mulf %parallel_loop3A_42, %parallel_loop3A_390 : vector<16xf32>
      %parallel_loop3A_399 = arith.addf %parallel_loop3A_397, %parallel_loop3A_398 : vector<16xf32>
      %parallel_loop3A_400 = arith.index_cast %parallel_loop3A_36 : i32 to index
      %parallel_loop3A_401 = arith.constant 736 : index
      %parallel_loop3A_402 = tpu.vector_load %arg14[%parallel_loop3A_400, %parallel_loop3A_401] {strides = array<i32>} : memref<32x1024xf32, #tpu.memory_space<vmem>>, vector<16xf32>,
      tpu.vector_store %arg14[%parallel_loop3A_400, %parallel_loop3A_401], %parallel_loop3A_399 {strides = array<i32>} : memref<32x1024xf32, #tpu.memory_space<vmem>>, vector<16xf32>,
      %parallel_loop3A_403 = arith.index_cast %parallel_loop3A_36 : i32 to index
      %parallel_loop3A_404 = arith.constant 240 : index
      %parallel_loop3A_405 = tpu.vector_load %arg12[%parallel_loop3A_403, %parallel_loop3A_404] {strides = array<i32>} : memref<32x512xi32, #tpu.memory_space<vmem>>, vector<16xi32>,
      %parallel_loop3A_406 = vector.bitcast %parallel_loop3A_405 : vector<16xi32> to vector<32xbf16>
      %parallel_loop3A_407 = tpu.unpack_subelements %parallel_loop3A_406, 0 {pack_format = #tpu.pack_format<interleaved>} : vector<32xbf16> -> vector<16xf32>
      %parallel_loop3A_408 = tpu.unpack_subelements %parallel_loop3A_406, 1 {pack_format = #tpu.pack_format<interleaved>} : vector<32xbf16> -> vector<16xf32>
      %parallel_loop3A_409 = arith.index_cast %parallel_loop3A_36 : i32 to index
      %parallel_loop3A_410 = arith.constant 240 : index
      %parallel_loop3A_411 = tpu.vector_load %arg13[%parallel_loop3A_409, %parallel_loop3A_410] {strides = array<i32>} : memref<32x512xi32, #tpu.memory_space<vmem>>, vector<16xi32>,
      %parallel_loop3A_412 = vector.bitcast %parallel_loop3A_411 : vector<16xi32> to vector<32xbf16>
      %parallel_loop3A_413 = tpu.unpack_subelements %parallel_loop3A_412, 0 {pack_format = #tpu.pack_format<interleaved>} : vector<32xbf16> -> vector<16xf32>
      %parallel_loop3A_414 = tpu.unpack_subelements %parallel_loop3A_412, 1 {pack_format = #tpu.pack_format<interleaved>} : vector<32xbf16> -> vector<16xf32>
      %parallel_loop3A_415 = arith.mulf %parallel_loop3A_39, %parallel_loop3A_407 : vector<16xf32>
      %parallel_loop3A_416 = arith.mulf %parallel_loop3A_42, %parallel_loop3A_413 : vector<16xf32>
      %parallel_loop3A_417 = arith.addf %parallel_loop3A_415, %parallel_loop3A_416 : vector<16xf32>
      %parallel_loop3A_418 = arith.index_cast %parallel_loop3A_36 : i32 to index
      %parallel_loop3A_419 = arith.constant 240 : index
      %parallel_loop3A_420 = tpu.vector_load %arg14[%parallel_loop3A_418, %parallel_loop3A_419] {strides = array<i32>} : memref<32x1024xf32, #tpu.memory_space<vmem>>, vector<16xf32>,
      tpu.vector_store %arg14[%parallel_loop3A_418, %parallel_loop3A_419], %parallel_loop3A_417 {strides = array<i32>} : memref<32x1024xf32, #tpu.memory_space<vmem>>, vector<16xf32>,
      %parallel_loop3A_421 = arith.mulf %parallel_loop3A_39, %parallel_loop3A_408 : vector<16xf32>
      %parallel_loop3A_422 = arith.mulf %parallel_loop3A_42, %parallel_loop3A_414 : vector<16xf32>
      %parallel_loop3A_423 = arith.addf %parallel_loop3A_421, %parallel_loop3A_422 : vector<16xf32>
      %parallel_loop3A_424 = arith.index_cast %parallel_loop3A_36 : i32 to index
      %parallel_loop3A_425 = arith.constant 752 : index
      %parallel_loop3A_426 = tpu.vector_load %arg14[%parallel_loop3A_424, %parallel_loop3A_425] {strides = array<i32>} : memref<32x1024xf32, #tpu.memory_space<vmem>>, vector<16xf32>,
      tpu.vector_store %arg14[%parallel_loop3A_424, %parallel_loop3A_425], %parallel_loop3A_423 {strides = array<i32>} : memref<32x1024xf32, #tpu.memory_space<vmem>>, vector<16xf32>,
      %parallel_loop3A_427 = arith.index_cast %parallel_loop3A_36 : i32 to index
      %parallel_loop3A_428 = arith.constant 256 : index
      %parallel_loop3A_429 = tpu.vector_load %arg12[%parallel_loop3A_427, %parallel_loop3A_428] {strides = array<i32>} : memref<32x512xi32, #tpu.memory_space<vmem>>, vector<16xi32>,
      %parallel_loop3A_430 = vector.bitcast %parallel_loop3A_429 : vector<16xi32> to vector<32xbf16>
      %parallel_loop3A_431 = tpu.unpack_subelements %parallel_loop3A_430, 0 {pack_format = #tpu.pack_format<interleaved>} : vector<32xbf16> -> vector<16xf32>
      %parallel_loop3A_432 = tpu.unpack_subelements %parallel_loop3A_430, 1 {pack_format = #tpu.pack_format<interleaved>} : vector<32xbf16> -> vector<16xf32>
      %parallel_loop3A_433 = arith.index_cast %parallel_loop3A_36 : i32 to index
      %parallel_loop3A_434 = arith.constant 256 : index
      %parallel_loop3A_435 = tpu.vector_load %arg13[%parallel_loop3A_433, %parallel_loop3A_434] {strides = array<i32>} : memref<32x512xi32, #tpu.memory_space<vmem>>, vector<16xi32>,
      %parallel_loop3A_436 = vector.bitcast %parallel_loop3A_435 : vector<16xi32> to vector<32xbf16>
      %parallel_loop3A_437 = tpu.unpack_subelements %parallel_loop3A_436, 0 {pack_format = #tpu.pack_format<interleaved>} : vector<32xbf16> -> vector<16xf32>
      %parallel_loop3A_438 = tpu.unpack_subelements %parallel_loop3A_436, 1 {pack_format = #tpu.pack_format<interleaved>} : vector<32xbf16> -> vector<16xf32>
      %parallel_loop3A_439 = arith.mulf %parallel_loop3A_39, %parallel_loop3A_431 : vector<16xf32>
      %parallel_loop3A_440 = arith.mulf %parallel_loop3A_42, %parallel_loop3A_437 : vector<16xf32>
      %parallel_loop3A_441 = arith.addf %parallel_loop3A_439, %parallel_loop3A_440 : vector<16xf32>
      %parallel_loop3A_442 = arith.index_cast %parallel_loop3A_36 : i32 to index
      %parallel_loop3A_443 = arith.constant 256 : index
      %parallel_loop3A_444 = tpu.vector_load %arg14[%parallel_loop3A_442, %parallel_loop3A_443] {strides = array<i32>} : memref<32x1024xf32, #tpu.memory_space<vmem>>, vector<16xf32>,
      tpu.vector_store %arg14[%parallel_loop3A_442, %parallel_loop3A_443], %parallel_loop3A_441 {strides = array<i32>} : memref<32x1024xf32, #tpu.memory_space<vmem>>, vector<16xf32>,
      %parallel_loop3A_445 = arith.mulf %parallel_loop3A_39, %parallel_loop3A_432 : vector<16xf32>
      %parallel_loop3A_446 = arith.mulf %parallel_loop3A_42, %parallel_loop3A_438 : vector<16xf32>
      %parallel_loop3A_447 = arith.addf %parallel_loop3A_445, %parallel_loop3A_446 : vector<16xf32>
      %parallel_loop3A_448 = arith.index_cast %parallel_loop3A_36 : i32 to index
      %parallel_loop3A_449 = arith.constant 768 : index
      %parallel_loop3A_450 = tpu.vector_load %arg14[%parallel_loop3A_448, %parallel_loop3A_449] {strides = array<i32>} : memref<32x1024xf32, #tpu.memory_space<vmem>>, vector<16xf32>,
      tpu.vector_store %arg14[%parallel_loop3A_448, %parallel_loop3A_449], %parallel_loop3A_447 {strides = array<i32>} : memref<32x1024xf32, #tpu.memory_space<vmem>>, vector<16xf32>,
      %parallel_loop3A_451 = arith.index_cast %parallel_loop3A_36 : i32 to index
      %parallel_loop3A_452 = arith.constant 272 : index
      %parallel_loop3A_453 = tpu.vector_load %arg12[%parallel_loop3A_451, %parallel_loop3A_452] {strides = array<i32>} : memref<32x512xi32, #tpu.memory_space<vmem>>, vector<16xi32>,
      %parallel_loop3A_454 = vector.bitcast %parallel_loop3A_453 : vector<16xi32> to vector<32xbf16>
      %parallel_loop3A_455 = tpu.unpack_subelements %parallel_loop3A_454, 0 {pack_format = #tpu.pack_format<interleaved>} : vector<32xbf16> -> vector<16xf32>
      %parallel_loop3A_456 = tpu.unpack_subelements %parallel_loop3A_454, 1 {pack_format = #tpu.pack_format<interleaved>} : vector<32xbf16> -> vector<16xf32>
      %parallel_loop3A_457 = arith.index_cast %parallel_loop3A_36 : i32 to index
      %parallel_loop3A_458 = arith.constant 272 : index
      %parallel_loop3A_459 = tpu.vector_load %arg13[%parallel_loop3A_457, %parallel_loop3A_458] {strides = array<i32>} : memref<32x512xi32, #tpu.memory_space<vmem>>, vector<16xi32>,
      %parallel_loop3A_460 = vector.bitcast %parallel_loop3A_459 : vector<16xi32> to vector<32xbf16>
      %parallel_loop3A_461 = tpu.unpack_subelements %parallel_loop3A_460, 0 {pack_format = #tpu.pack_format<interleaved>} : vector<32xbf16> -> vector<16xf32>
      %parallel_loop3A_462 = tpu.unpack_subelements %parallel_loop3A_460, 1 {pack_format = #tpu.pack_format<interleaved>} : vector<32xbf16> -> vector<16xf32>
      %parallel_loop3A_463 = arith.mulf %parallel_loop3A_39, %parallel_loop3A_455 : vector<16xf32>
      %parallel_loop3A_464 = arith.mulf %parallel_loop3A_42, %parallel_loop3A_461 : vector<16xf32>
      %parallel_loop3A_465 = arith.addf %parallel_loop3A_463, %parallel_loop3A_464 : vector<16xf32>
      %parallel_loop3A_466 = arith.index_cast %parallel_loop3A_36 : i32 to index
      %parallel_loop3A_467 = arith.constant 272 : index
      %parallel_loop3A_468 = tpu.vector_load %arg14[%parallel_loop3A_466, %parallel_loop3A_467] {strides = array<i32>} : memref<32x1024xf32, #tpu.memory_space<vmem>>, vector<16xf32>,
      tpu.vector_store %arg14[%parallel_loop3A_466, %parallel_loop3A_467], %parallel_loop3A_465 {strides = array<i32>} : memref<32x1024xf32, #tpu.memory_space<vmem>>, vector<16xf32>,
      %parallel_loop3A_469 = arith.mulf %parallel_loop3A_39, %parallel_loop3A_456 : vector<16xf32>
      %parallel_loop3A_470 = arith.mulf %parallel_loop3A_42, %parallel_loop3A_462 : vector<16xf32>
      %parallel_loop3A_471 = arith.addf %parallel_loop3A_469, %parallel_loop3A_470 : vector<16xf32>
      %parallel_loop3A_472 = arith.index_cast %parallel_loop3A_36 : i32 to index
      %parallel_loop3A_473 = arith.constant 784 : index
      %parallel_loop3A_474 = tpu.vector_load %arg14[%parallel_loop3A_472, %parallel_loop3A_473] {strides = array<i32>} : memref<32x1024xf32, #tpu.memory_space<vmem>>, vector<16xf32>,
      tpu.vector_store %arg14[%parallel_loop3A_472, %parallel_loop3A_473], %parallel_loop3A_471 {strides = array<i32>} : memref<32x1024xf32, #tpu.memory_space<vmem>>, vector<16xf32>,
      %parallel_loop3A_475 = arith.index_cast %parallel_loop3A_36 : i32 to index
      %parallel_loop3A_476 = arith.constant 288 : index
      %parallel_loop3A_477 = tpu.vector_load %arg12[%parallel_loop3A_475, %parallel_loop3A_476] {strides = array<i32>} : memref<32x512xi32, #tpu.memory_space<vmem>>, vector<16xi32>,
      %parallel_loop3A_478 = vector.bitcast %parallel_loop3A_477 : vector<16xi32> to vector<32xbf16>
      %parallel_loop3A_479 = tpu.unpack_subelements %parallel_loop3A_478, 0 {pack_format = #tpu.pack_format<interleaved>} : vector<32xbf16> -> vector<16xf32>
      %parallel_loop3A_480 = tpu.unpack_subelements %parallel_loop3A_478, 1 {pack_format = #tpu.pack_format<interleaved>} : vector<32xbf16> -> vector<16xf32>
      %parallel_loop3A_481 = arith.index_cast %parallel_loop3A_36 : i32 to index
      %parallel_loop3A_482 = arith.constant 288 : index
      %parallel_loop3A_483 = tpu.vector_load %arg13[%parallel_loop3A_481, %parallel_loop3A_482] {strides = array<i32>} : memref<32x512xi32, #tpu.memory_space<vmem>>, vector<16xi32>,
      %parallel_loop3A_484 = vector.bitcast %parallel_loop3A_483 : vector<16xi32> to vector<32xbf16>
      %parallel_loop3A_485 = tpu.unpack_subelements %parallel_loop3A_484, 0 {pack_format = #tpu.pack_format<interleaved>} : vector<32xbf16> -> vector<16xf32>
      %parallel_loop3A_486 = tpu.unpack_subelements %parallel_loop3A_484, 1 {pack_format = #tpu.pack_format<interleaved>} : vector<32xbf16> -> vector<16xf32>
      %parallel_loop3A_487 = arith.mulf %parallel_loop3A_39, %parallel_loop3A_479 : vector<16xf32>
      %parallel_loop3A_488 = arith.mulf %parallel_loop3A_42, %parallel_loop3A_485 : vector<16xf32>
      %parallel_loop3A_489 = arith.addf %parallel_loop3A_487, %parallel_loop3A_488 : vector<16xf32>
      %parallel_loop3A_490 = arith.index_cast %parallel_loop3A_36 : i32 to index
      %parallel_loop3A_491 = arith.constant 288 : index
      %parallel_loop3A_492 = tpu.vector_load %arg14[%parallel_loop3A_490, %parallel_loop3A_491] {strides = array<i32>} : memref<32x1024xf32, #tpu.memory_space<vmem>>, vector<16xf32>,
      tpu.vector_store %arg14[%parallel_loop3A_490, %parallel_loop3A_491], %parallel_loop3A_489 {strides = array<i32>} : memref<32x1024xf32, #tpu.memory_space<vmem>>, vector<16xf32>,
      %parallel_loop3A_493 = arith.mulf %parallel_loop3A_39, %parallel_loop3A_480 : vector<16xf32>
      %parallel_loop3A_494 = arith.mulf %parallel_loop3A_42, %parallel_loop3A_486 : vector<16xf32>
      %parallel_loop3A_495 = arith.addf %parallel_loop3A_493, %parallel_loop3A_494 : vector<16xf32>
      %parallel_loop3A_496 = arith.index_cast %parallel_loop3A_36 : i32 to index
      %parallel_loop3A_497 = arith.constant 800 : index
      %parallel_loop3A_498 = tpu.vector_load %arg14[%parallel_loop3A_496, %parallel_loop3A_497] {strides = array<i32>} : memref<32x1024xf32, #tpu.memory_space<vmem>>, vector<16xf32>,
      tpu.vector_store %arg14[%parallel_loop3A_496, %parallel_loop3A_497], %parallel_loop3A_495 {strides = array<i32>} : memref<32x1024xf32, #tpu.memory_space<vmem>>, vector<16xf32>,
      %parallel_loop3A_499 = arith.index_cast %parallel_loop3A_36 : i32 to index
      %parallel_loop3A_500 = arith.constant 304 : index
      %parallel_loop3A_501 = tpu.vector_load %arg12[%parallel_loop3A_499, %parallel_loop3A_500] {strides = array<i32>} : memref<32x512xi32, #tpu.memory_space<vmem>>, vector<16xi32>,
      %parallel_loop3A_502 = vector.bitcast %parallel_loop3A_501 : vector<16xi32> to vector<32xbf16>
      %parallel_loop3A_503 = tpu.unpack_subelements %parallel_loop3A_502, 0 {pack_format = #tpu.pack_format<interleaved>} : vector<32xbf16> -> vector<16xf32>
      %parallel_loop3A_504 = tpu.unpack_subelements %parallel_loop3A_502, 1 {pack_format = #tpu.pack_format<interleaved>} : vector<32xbf16> -> vector<16xf32>
      %parallel_loop3A_505 = arith.index_cast %parallel_loop3A_36 : i32 to index
      %parallel_loop3A_506 = arith.constant 304 : index
      %parallel_loop3A_507 = tpu.vector_load %arg13[%parallel_loop3A_505, %parallel_loop3A_506] {strides = array<i32>} : memref<32x512xi32, #tpu.memory_space<vmem>>, vector<16xi32>,
      %parallel_loop3A_508 = vector.bitcast %parallel_loop3A_507 : vector<16xi32> to vector<32xbf16>
      %parallel_loop3A_509 = tpu.unpack_subelements %parallel_loop3A_508, 0 {pack_format = #tpu.pack_format<interleaved>} : vector<32xbf16> -> vector<16xf32>
      %parallel_loop3A_510 = tpu.unpack_subelements %parallel_loop3A_508, 1 {pack_format = #tpu.pack_format<interleaved>} : vector<32xbf16> -> vector<16xf32>
      %parallel_loop3A_511 = arith.mulf %parallel_loop3A_39, %parallel_loop3A_503 : vector<16xf32>
      %parallel_loop3A_512 = arith.mulf %parallel_loop3A_42, %parallel_loop3A_509 : vector<16xf32>
      %parallel_loop3A_513 = arith.addf %parallel_loop3A_511, %parallel_loop3A_512 : vector<16xf32>
      %parallel_loop3A_514 = arith.index_cast %parallel_loop3A_36 : i32 to index
      %parallel_loop3A_515 = arith.constant 304 : index
      %parallel_loop3A_516 = tpu.vector_load %arg14[%parallel_loop3A_514, %parallel_loop3A_515] {strides = array<i32>} : memref<32x1024xf32, #tpu.memory_space<vmem>>, vector<16xf32>,
      tpu.vector_store %arg14[%parallel_loop3A_514, %parallel_loop3A_515], %parallel_loop3A_513 {strides = array<i32>} : memref<32x1024xf32, #tpu.memory_space<vmem>>, vector<16xf32>,
      %parallel_loop3A_517 = arith.mulf %parallel_loop3A_39, %parallel_loop3A_504 : vector<16xf32>
      %parallel_loop3A_518 = arith.mulf %parallel_loop3A_42, %parallel_loop3A_510 : vector<16xf32>
      %parallel_loop3A_519 = arith.addf %parallel_loop3A_517, %parallel_loop3A_518 : vector<16xf32>
      %parallel_loop3A_520 = arith.index_cast %parallel_loop3A_36 : i32 to index
      %parallel_loop3A_521 = arith.constant 816 : index
      %parallel_loop3A_522 = tpu.vector_load %arg14[%parallel_loop3A_520, %parallel_loop3A_521] {strides = array<i32>} : memref<32x1024xf32, #tpu.memory_space<vmem>>, vector<16xf32>,
      tpu.vector_store %arg14[%parallel_loop3A_520, %parallel_loop3A_521], %parallel_loop3A_519 {strides = array<i32>} : memref<32x1024xf32, #tpu.memory_space<vmem>>, vector<16xf32>,
      %parallel_loop3A_523 = arith.index_cast %parallel_loop3A_36 : i32 to index
      %parallel_loop3A_524 = arith.constant 320 : index
      %parallel_loop3A_525 = tpu.vector_load %arg12[%parallel_loop3A_523, %parallel_loop3A_524] {strides = array<i32>} : memref<32x512xi32, #tpu.memory_space<vmem>>, vector<16xi32>,
      %parallel_loop3A_526 = vector.bitcast %parallel_loop3A_525 : vector<16xi32> to vector<32xbf16>
      %parallel_loop3A_527 = tpu.unpack_subelements %parallel_loop3A_526, 0 {pack_format = #tpu.pack_format<interleaved>} : vector<32xbf16> -> vector<16xf32>
      %parallel_loop3A_528 = tpu.unpack_subelements %parallel_loop3A_526, 1 {pack_format = #tpu.pack_format<interleaved>} : vector<32xbf16> -> vector<16xf32>
      %parallel_loop3A_529 = arith.index_cast %parallel_loop3A_36 : i32 to index
      %parallel_loop3A_530 = arith.constant 320 : index
      %parallel_loop3A_531 = tpu.vector_load %arg13[%parallel_loop3A_529, %parallel_loop3A_530] {strides = array<i32>} : memref<32x512xi32, #tpu.memory_space<vmem>>, vector<16xi32>,
      %parallel_loop3A_532 = vector.bitcast %parallel_loop3A_531 : vector<16xi32> to vector<32xbf16>
      %parallel_loop3A_533 = tpu.unpack_subelements %parallel_loop3A_532, 0 {pack_format = #tpu.pack_format<interleaved>} : vector<32xbf16> -> vector<16xf32>
      %parallel_loop3A_534 = tpu.unpack_subelements %parallel_loop3A_532, 1 {pack_format = #tpu.pack_format<interleaved>} : vector<32xbf16> -> vector<16xf32>
      %parallel_loop3A_535 = arith.mulf %parallel_loop3A_39, %parallel_loop3A_527 : vector<16xf32>
      %parallel_loop3A_536 = arith.mulf %parallel_loop3A_42, %parallel_loop3A_533 : vector<16xf32>
      %parallel_loop3A_537 = arith.addf %parallel_loop3A_535, %parallel_loop3A_536 : vector<16xf32>
      %parallel_loop3A_538 = arith.index_cast %parallel_loop3A_36 : i32 to index
      %parallel_loop3A_539 = arith.constant 320 : index
      %parallel_loop3A_540 = tpu.vector_load %arg14[%parallel_loop3A_538, %parallel_loop3A_539] {strides = array<i32>} : memref<32x1024xf32, #tpu.memory_space<vmem>>, vector<16xf32>,
      tpu.vector_store %arg14[%parallel_loop3A_538, %parallel_loop3A_539], %parallel_loop3A_537 {strides = array<i32>} : memref<32x1024xf32, #tpu.memory_space<vmem>>, vector<16xf32>,
      %parallel_loop3A_541 = arith.mulf %parallel_loop3A_39, %parallel_loop3A_528 : vector<16xf32>
      %parallel_loop3A_542 = arith.mulf %parallel_loop3A_42, %parallel_loop3A_534 : vector<16xf32>
      %parallel_loop3A_543 = arith.addf %parallel_loop3A_541, %parallel_loop3A_542 : vector<16xf32>
      %parallel_loop3A_544 = arith.index_cast %parallel_loop3A_36 : i32 to index
      %parallel_loop3A_545 = arith.constant 832 : index
      %parallel_loop3A_546 = tpu.vector_load %arg14[%parallel_loop3A_544, %parallel_loop3A_545] {strides = array<i32>} : memref<32x1024xf32, #tpu.memory_space<vmem>>, vector<16xf32>,
      tpu.vector_store %arg14[%parallel_loop3A_544, %parallel_loop3A_545], %parallel_loop3A_543 {strides = array<i32>} : memref<32x1024xf32, #tpu.memory_space<vmem>>, vector<16xf32>,
      %parallel_loop3A_547 = arith.index_cast %parallel_loop3A_36 : i32 to index
      %parallel_loop3A_548 = arith.constant 336 : index
      %parallel_loop3A_549 = tpu.vector_load %arg12[%parallel_loop3A_547, %parallel_loop3A_548] {strides = array<i32>} : memref<32x512xi32, #tpu.memory_space<vmem>>, vector<16xi32>,
      %parallel_loop3A_550 = vector.bitcast %parallel_loop3A_549 : vector<16xi32> to vector<32xbf16>
      %parallel_loop3A_551 = tpu.unpack_subelements %parallel_loop3A_550, 0 {pack_format = #tpu.pack_format<interleaved>} : vector<32xbf16> -> vector<16xf32>
      %parallel_loop3A_552 = tpu.unpack_subelements %parallel_loop3A_550, 1 {pack_format = #tpu.pack_format<interleaved>} : vector<32xbf16> -> vector<16xf32>
      %parallel_loop3A_553 = arith.index_cast %parallel_loop3A_36 : i32 to index
      %parallel_loop3A_554 = arith.constant 336 : index
      %parallel_loop3A_555 = tpu.vector_load %arg13[%parallel_loop3A_553, %parallel_loop3A_554] {strides = array<i32>} : memref<32x512xi32, #tpu.memory_space<vmem>>, vector<16xi32>,
      %parallel_loop3A_556 = vector.bitcast %parallel_loop3A_555 : vector<16xi32> to vector<32xbf16>
      %parallel_loop3A_557 = tpu.unpack_subelements %parallel_loop3A_556, 0 {pack_format = #tpu.pack_format<interleaved>} : vector<32xbf16> -> vector<16xf32>
      %parallel_loop3A_558 = tpu.unpack_subelements %parallel_loop3A_556, 1 {pack_format = #tpu.pack_format<interleaved>} : vector<32xbf16> -> vector<16xf32>
      %parallel_loop3A_559 = arith.mulf %parallel_loop3A_39, %parallel_loop3A_551 : vector<16xf32>
      %parallel_loop3A_560 = arith.mulf %parallel_loop3A_42, %parallel_loop3A_557 : vector<16xf32>
      %parallel_loop3A_561 = arith.addf %parallel_loop3A_559, %parallel_loop3A_560 : vector<16xf32>
      %parallel_loop3A_562 = arith.index_cast %parallel_loop3A_36 : i32 to index
      %parallel_loop3A_563 = arith.constant 336 : index
      %parallel_loop3A_564 = tpu.vector_load %arg14[%parallel_loop3A_562, %parallel_loop3A_563] {strides = array<i32>} : memref<32x1024xf32, #tpu.memory_space<vmem>>, vector<16xf32>,
      tpu.vector_store %arg14[%parallel_loop3A_562, %parallel_loop3A_563], %parallel_loop3A_561 {strides = array<i32>} : memref<32x1024xf32, #tpu.memory_space<vmem>>, vector<16xf32>,
      %parallel_loop3A_565 = arith.mulf %parallel_loop3A_39, %parallel_loop3A_552 : vector<16xf32>
      %parallel_loop3A_566 = arith.mulf %parallel_loop3A_42, %parallel_loop3A_558 : vector<16xf32>
      %parallel_loop3A_567 = arith.addf %parallel_loop3A_565, %parallel_loop3A_566 : vector<16xf32>
      %parallel_loop3A_568 = arith.index_cast %parallel_loop3A_36 : i32 to index
      %parallel_loop3A_569 = arith.constant 848 : index
      %parallel_loop3A_570 = tpu.vector_load %arg14[%parallel_loop3A_568, %parallel_loop3A_569] {strides = array<i32>} : memref<32x1024xf32, #tpu.memory_space<vmem>>, vector<16xf32>,
      tpu.vector_store %arg14[%parallel_loop3A_568, %parallel_loop3A_569], %parallel_loop3A_567 {strides = array<i32>} : memref<32x1024xf32, #tpu.memory_space<vmem>>, vector<16xf32>,
      %parallel_loop3A_571 = arith.index_cast %parallel_loop3A_36 : i32 to index
      %parallel_loop3A_572 = arith.constant 352 : index
      %parallel_loop3A_573 = tpu.vector_load %arg12[%parallel_loop3A_571, %parallel_loop3A_572] {strides = array<i32>} : memref<32x512xi32, #tpu.memory_space<vmem>>, vector<16xi32>,
      %parallel_loop3A_574 = vector.bitcast %parallel_loop3A_573 : vector<16xi32> to vector<32xbf16>
      %parallel_loop3A_575 = tpu.unpack_subelements %parallel_loop3A_574, 0 {pack_format = #tpu.pack_format<interleaved>} : vector<32xbf16> -> vector<16xf32>
      %parallel_loop3A_576 = tpu.unpack_subelements %parallel_loop3A_574, 1 {pack_format = #tpu.pack_format<interleaved>} : vector<32xbf16> -> vector<16xf32>
      %parallel_loop3A_577 = arith.index_cast %parallel_loop3A_36 : i32 to index
      %parallel_loop3A_578 = arith.constant 352 : index
      %parallel_loop3A_579 = tpu.vector_load %arg13[%parallel_loop3A_577, %parallel_loop3A_578] {strides = array<i32>} : memref<32x512xi32, #tpu.memory_space<vmem>>, vector<16xi32>,
      %parallel_loop3A_580 = vector.bitcast %parallel_loop3A_579 : vector<16xi32> to vector<32xbf16>
      %parallel_loop3A_581 = tpu.unpack_subelements %parallel_loop3A_580, 0 {pack_format = #tpu.pack_format<interleaved>} : vector<32xbf16> -> vector<16xf32>
      %parallel_loop3A_582 = tpu.unpack_subelements %parallel_loop3A_580, 1 {pack_format = #tpu.pack_format<interleaved>} : vector<32xbf16> -> vector<16xf32>
      %parallel_loop3A_583 = arith.mulf %parallel_loop3A_39, %parallel_loop3A_575 : vector<16xf32>
      %parallel_loop3A_584 = arith.mulf %parallel_loop3A_42, %parallel_loop3A_581 : vector<16xf32>
      %parallel_loop3A_585 = arith.addf %parallel_loop3A_583, %parallel_loop3A_584 : vector<16xf32>
      %parallel_loop3A_586 = arith.index_cast %parallel_loop3A_36 : i32 to index
      %parallel_loop3A_587 = arith.constant 352 : index
      %parallel_loop3A_588 = tpu.vector_load %arg14[%parallel_loop3A_586, %parallel_loop3A_587] {strides = array<i32>} : memref<32x1024xf32, #tpu.memory_space<vmem>>, vector<16xf32>,
      tpu.vector_store %arg14[%parallel_loop3A_586, %parallel_loop3A_587], %parallel_loop3A_585 {strides = array<i32>} : memref<32x1024xf32, #tpu.memory_space<vmem>>, vector<16xf32>,
      %parallel_loop3A_589 = arith.mulf %parallel_loop3A_39, %parallel_loop3A_576 : vector<16xf32>
      %parallel_loop3A_590 = arith.mulf %parallel_loop3A_42, %parallel_loop3A_582 : vector<16xf32>
      %parallel_loop3A_591 = arith.addf %parallel_loop3A_589, %parallel_loop3A_590 : vector<16xf32>
      %parallel_loop3A_592 = arith.index_cast %parallel_loop3A_36 : i32 to index
      %parallel_loop3A_593 = arith.constant 864 : index
      %parallel_loop3A_594 = tpu.vector_load %arg14[%parallel_loop3A_592, %parallel_loop3A_593] {strides = array<i32>} : memref<32x1024xf32, #tpu.memory_space<vmem>>, vector<16xf32>,
      tpu.vector_store %arg14[%parallel_loop3A_592, %parallel_loop3A_593], %parallel_loop3A_591 {strides = array<i32>} : memref<32x1024xf32, #tpu.memory_space<vmem>>, vector<16xf32>,
      %parallel_loop3A_595 = arith.index_cast %parallel_loop3A_36 : i32 to index
      %parallel_loop3A_596 = arith.constant 368 : index
      %parallel_loop3A_597 = tpu.vector_load %arg12[%parallel_loop3A_595, %parallel_loop3A_596] {strides = array<i32>} : memref<32x512xi32, #tpu.memory_space<vmem>>, vector<16xi32>,
      %parallel_loop3A_598 = vector.bitcast %parallel_loop3A_597 : vector<16xi32> to vector<32xbf16>
      %parallel_loop3A_599 = tpu.unpack_subelements %parallel_loop3A_598, 0 {pack_format = #tpu.pack_format<interleaved>} : vector<32xbf16> -> vector<16xf32>
      %parallel_loop3A_600 = tpu.unpack_subelements %parallel_loop3A_598, 1 {pack_format = #tpu.pack_format<interleaved>} : vector<32xbf16> -> vector<16xf32>
      %parallel_loop3A_601 = arith.index_cast %parallel_loop3A_36 : i32 to index
      %parallel_loop3A_602 = arith.constant 368 : index
      %parallel_loop3A_603 = tpu.vector_load %arg13[%parallel_loop3A_601, %parallel_loop3A_602] {strides = array<i32>} : memref<32x512xi32, #tpu.memory_space<vmem>>, vector<16xi32>,
      %parallel_loop3A_604 = vector.bitcast %parallel_loop3A_603 : vector<16xi32> to vector<32xbf16>
      %parallel_loop3A_605 = tpu.unpack_subelements %parallel_loop3A_604, 0 {pack_format = #tpu.pack_format<interleaved>} : vector<32xbf16> -> vector<16xf32>
      %parallel_loop3A_606 = tpu.unpack_subelements %parallel_loop3A_604, 1 {pack_format = #tpu.pack_format<interleaved>} : vector<32xbf16> -> vector<16xf32>
      %parallel_loop3A_607 = arith.mulf %parallel_loop3A_39, %parallel_loop3A_599 : vector<16xf32>
      %parallel_loop3A_608 = arith.mulf %parallel_loop3A_42, %parallel_loop3A_605 : vector<16xf32>
      %parallel_loop3A_609 = arith.addf %parallel_loop3A_607, %parallel_loop3A_608 : vector<16xf32>
      %parallel_loop3A_610 = arith.index_cast %parallel_loop3A_36 : i32 to index
      %parallel_loop3A_611 = arith.constant 368 : index
      %parallel_loop3A_612 = tpu.vector_load %arg14[%parallel_loop3A_610, %parallel_loop3A_611] {strides = array<i32>} : memref<32x1024xf32, #tpu.memory_space<vmem>>, vector<16xf32>,
      tpu.vector_store %arg14[%parallel_loop3A_610, %parallel_loop3A_611], %parallel_loop3A_609 {strides = array<i32>} : memref<32x1024xf32, #tpu.memory_space<vmem>>, vector<16xf32>,
      %parallel_loop3A_613 = arith.mulf %parallel_loop3A_39, %parallel_loop3A_600 : vector<16xf32>
      %parallel_loop3A_614 = arith.mulf %parallel_loop3A_42, %parallel_loop3A_606 : vector<16xf32>
      %parallel_loop3A_615 = arith.addf %parallel_loop3A_613, %parallel_loop3A_614 : vector<16xf32>
      %parallel_loop3A_616 = arith.index_cast %parallel_loop3A_36 : i32 to index
      %parallel_loop3A_617 = arith.constant 880 : index
      %parallel_loop3A_618 = tpu.vector_load %arg14[%parallel_loop3A_616, %parallel_loop3A_617] {strides = array<i32>} : memref<32x1024xf32, #tpu.memory_space<vmem>>, vector<16xf32>,
      tpu.vector_store %arg14[%parallel_loop3A_616, %parallel_loop3A_617], %parallel_loop3A_615 {strides = array<i32>} : memref<32x1024xf32, #tpu.memory_space<vmem>>, vector<16xf32>,
      %parallel_loop3A_619 = arith.index_cast %parallel_loop3A_36 : i32 to index
      %parallel_loop3A_620 = arith.constant 384 : index
      %parallel_loop3A_621 = tpu.vector_load %arg12[%parallel_loop3A_619, %parallel_loop3A_620] {strides = array<i32>} : memref<32x512xi32, #tpu.memory_space<vmem>>, vector<16xi32>,
      %parallel_loop3A_622 = vector.bitcast %parallel_loop3A_621 : vector<16xi32> to vector<32xbf16>
      %parallel_loop3A_623 = tpu.unpack_subelements %parallel_loop3A_622, 0 {pack_format = #tpu.pack_format<interleaved>} : vector<32xbf16> -> vector<16xf32>
      %parallel_loop3A_624 = tpu.unpack_subelements %parallel_loop3A_622, 1 {pack_format = #tpu.pack_format<interleaved>} : vector<32xbf16> -> vector<16xf32>
      %parallel_loop3A_625 = arith.index_cast %parallel_loop3A_36 : i32 to index
      %parallel_loop3A_626 = arith.constant 384 : index
      %parallel_loop3A_627 = tpu.vector_load %arg13[%parallel_loop3A_625, %parallel_loop3A_626] {strides = array<i32>} : memref<32x512xi32, #tpu.memory_space<vmem>>, vector<16xi32>,
      %parallel_loop3A_628 = vector.bitcast %parallel_loop3A_627 : vector<16xi32> to vector<32xbf16>
      %parallel_loop3A_629 = tpu.unpack_subelements %parallel_loop3A_628, 0 {pack_format = #tpu.pack_format<interleaved>} : vector<32xbf16> -> vector<16xf32>
      %parallel_loop3A_630 = tpu.unpack_subelements %parallel_loop3A_628, 1 {pack_format = #tpu.pack_format<interleaved>} : vector<32xbf16> -> vector<16xf32>
      %parallel_loop3A_631 = arith.mulf %parallel_loop3A_39, %parallel_loop3A_623 : vector<16xf32>
      %parallel_loop3A_632 = arith.mulf %parallel_loop3A_42, %parallel_loop3A_629 : vector<16xf32>
      %parallel_loop3A_633 = arith.addf %parallel_loop3A_631, %parallel_loop3A_632 : vector<16xf32>
      %parallel_loop3A_634 = arith.index_cast %parallel_loop3A_36 : i32 to index
      %parallel_loop3A_635 = arith.constant 384 : index
      %parallel_loop3A_636 = tpu.vector_load %arg14[%parallel_loop3A_634, %parallel_loop3A_635] {strides = array<i32>} : memref<32x1024xf32, #tpu.memory_space<vmem>>, vector<16xf32>,
      tpu.vector_store %arg14[%parallel_loop3A_634, %parallel_loop3A_635], %parallel_loop3A_633 {strides = array<i32>} : memref<32x1024xf32, #tpu.memory_space<vmem>>, vector<16xf32>,
      %parallel_loop3A_637 = arith.mulf %parallel_loop3A_39, %parallel_loop3A_624 : vector<16xf32>
      %parallel_loop3A_638 = arith.mulf %parallel_loop3A_42, %parallel_loop3A_630 : vector<16xf32>
      %parallel_loop3A_639 = arith.addf %parallel_loop3A_637, %parallel_loop3A_638 : vector<16xf32>
      %parallel_loop3A_640 = arith.index_cast %parallel_loop3A_36 : i32 to index
      %parallel_loop3A_641 = arith.constant 896 : index
      %parallel_loop3A_642 = tpu.vector_load %arg14[%parallel_loop3A_640, %parallel_loop3A_641] {strides = array<i32>} : memref<32x1024xf32, #tpu.memory_space<vmem>>, vector<16xf32>,
      tpu.vector_store %arg14[%parallel_loop3A_640, %parallel_loop3A_641], %parallel_loop3A_639 {strides = array<i32>} : memref<32x1024xf32, #tpu.memory_space<vmem>>, vector<16xf32>,
      %parallel_loop3A_643 = arith.index_cast %parallel_loop3A_36 : i32 to index
      %parallel_loop3A_644 = arith.constant 400 : index
      %parallel_loop3A_645 = tpu.vector_load %arg12[%parallel_loop3A_643, %parallel_loop3A_644] {strides = array<i32>} : memref<32x512xi32, #tpu.memory_space<vmem>>, vector<16xi32>,
      %parallel_loop3A_646 = vector.bitcast %parallel_loop3A_645 : vector<16xi32> to vector<32xbf16>
      %parallel_loop3A_647 = tpu.unpack_subelements %parallel_loop3A_646, 0 {pack_format = #tpu.pack_format<interleaved>} : vector<32xbf16> -> vector<16xf32>
      %parallel_loop3A_648 = tpu.unpack_subelements %parallel_loop3A_646, 1 {pack_format = #tpu.pack_format<interleaved>} : vector<32xbf16> -> vector<16xf32>
      %parallel_loop3A_649 = arith.index_cast %parallel_loop3A_36 : i32 to index
      %parallel_loop3A_650 = arith.constant 400 : index
      %parallel_loop3A_651 = tpu.vector_load %arg13[%parallel_loop3A_649, %parallel_loop3A_650] {strides = array<i32>} : memref<32x512xi32, #tpu.memory_space<vmem>>, vector<16xi32>,
      %parallel_loop3A_652 = vector.bitcast %parallel_loop3A_651 : vector<16xi32> to vector<32xbf16>
      %parallel_loop3A_653 = tpu.unpack_subelements %parallel_loop3A_652, 0 {pack_format = #tpu.pack_format<interleaved>} : vector<32xbf16> -> vector<16xf32>
      %parallel_loop3A_654 = tpu.unpack_subelements %parallel_loop3A_652, 1 {pack_format = #tpu.pack_format<interleaved>} : vector<32xbf16> -> vector<16xf32>
      %parallel_loop3A_655 = arith.mulf %parallel_loop3A_39, %parallel_loop3A_647 : vector<16xf32>
      %parallel_loop3A_656 = arith.mulf %parallel_loop3A_42, %parallel_loop3A_653 : vector<16xf32>
      %parallel_loop3A_657 = arith.addf %parallel_loop3A_655, %parallel_loop3A_656 : vector<16xf32>
      %parallel_loop3A_658 = arith.index_cast %parallel_loop3A_36 : i32 to index
      %parallel_loop3A_659 = arith.constant 400 : index
      %parallel_loop3A_660 = tpu.vector_load %arg14[%parallel_loop3A_658, %parallel_loop3A_659] {strides = array<i32>} : memref<32x1024xf32, #tpu.memory_space<vmem>>, vector<16xf32>,
      tpu.vector_store %arg14[%parallel_loop3A_658, %parallel_loop3A_659], %parallel_loop3A_657 {strides = array<i32>} : memref<32x1024xf32, #tpu.memory_space<vmem>>, vector<16xf32>,
      %parallel_loop3A_661 = arith.mulf %parallel_loop3A_39, %parallel_loop3A_648 : vector<16xf32>
      %parallel_loop3A_662 = arith.mulf %parallel_loop3A_42, %parallel_loop3A_654 : vector<16xf32>
      %parallel_loop3A_663 = arith.addf %parallel_loop3A_661, %parallel_loop3A_662 : vector<16xf32>
      %parallel_loop3A_664 = arith.index_cast %parallel_loop3A_36 : i32 to index
      %parallel_loop3A_665 = arith.constant 912 : index
      %parallel_loop3A_666 = tpu.vector_load %arg14[%parallel_loop3A_664, %parallel_loop3A_665] {strides = array<i32>} : memref<32x1024xf32, #tpu.memory_space<vmem>>, vector<16xf32>,
      tpu.vector_store %arg14[%parallel_loop3A_664, %parallel_loop3A_665], %parallel_loop3A_663 {strides = array<i32>} : memref<32x1024xf32, #tpu.memory_space<vmem>>, vector<16xf32>,
      %parallel_loop3A_667 = arith.index_cast %parallel_loop3A_36 : i32 to index
      %parallel_loop3A_668 = arith.constant 416 : index
      %parallel_loop3A_669 = tpu.vector_load %arg12[%parallel_loop3A_667, %parallel_loop3A_668] {strides = array<i32>} : memref<32x512xi32, #tpu.memory_space<vmem>>, vector<16xi32>,
      %parallel_loop3A_670 = vector.bitcast %parallel_loop3A_669 : vector<16xi32> to vector<32xbf16>
      %parallel_loop3A_671 = tpu.unpack_subelements %parallel_loop3A_670, 0 {pack_format = #tpu.pack_format<interleaved>} : vector<32xbf16> -> vector<16xf32>
      %parallel_loop3A_672 = tpu.unpack_subelements %parallel_loop3A_670, 1 {pack_format = #tpu.pack_format<interleaved>} : vector<32xbf16> -> vector<16xf32>
      %parallel_loop3A_673 = arith.index_cast %parallel_loop3A_36 : i32 to index
      %parallel_loop3A_674 = arith.constant 416 : index
      %parallel_loop3A_675 = tpu.vector_load %arg13[%parallel_loop3A_673, %parallel_loop3A_674] {strides = array<i32>} : memref<32x512xi32, #tpu.memory_space<vmem>>, vector<16xi32>,
      %parallel_loop3A_676 = vector.bitcast %parallel_loop3A_675 : vector<16xi32> to vector<32xbf16>
      %parallel_loop3A_677 = tpu.unpack_subelements %parallel_loop3A_676, 0 {pack_format = #tpu.pack_format<interleaved>} : vector<32xbf16> -> vector<16xf32>
      %parallel_loop3A_678 = tpu.unpack_subelements %parallel_loop3A_676, 1 {pack_format = #tpu.pack_format<interleaved>} : vector<32xbf16> -> vector<16xf32>
      %parallel_loop3A_679 = arith.mulf %parallel_loop3A_39, %parallel_loop3A_671 : vector<16xf32>
      %parallel_loop3A_680 = arith.mulf %parallel_loop3A_42, %parallel_loop3A_677 : vector<16xf32>
      %parallel_loop3A_681 = arith.addf %parallel_loop3A_679, %parallel_loop3A_680 : vector<16xf32>
      %parallel_loop3A_682 = arith.index_cast %parallel_loop3A_36 : i32 to index
      %parallel_loop3A_683 = arith.constant 416 : index
      %parallel_loop3A_684 = tpu.vector_load %arg14[%parallel_loop3A_682, %parallel_loop3A_683] {strides = array<i32>} : memref<32x1024xf32, #tpu.memory_space<vmem>>, vector<16xf32>,
      tpu.vector_store %arg14[%parallel_loop3A_682, %parallel_loop3A_683], %parallel_loop3A_681 {strides = array<i32>} : memref<32x1024xf32, #tpu.memory_space<vmem>>, vector<16xf32>,
      %parallel_loop3A_685 = arith.mulf %parallel_loop3A_39, %parallel_loop3A_672 : vector<16xf32>
      %parallel_loop3A_686 = arith.mulf %parallel_loop3A_42, %parallel_loop3A_678 : vector<16xf32>
      %parallel_loop3A_687 = arith.addf %parallel_loop3A_685, %parallel_loop3A_686 : vector<16xf32>
      %parallel_loop3A_688 = arith.index_cast %parallel_loop3A_36 : i32 to index
      %parallel_loop3A_689 = arith.constant 928 : index
      %parallel_loop3A_690 = tpu.vector_load %arg14[%parallel_loop3A_688, %parallel_loop3A_689] {strides = array<i32>} : memref<32x1024xf32, #tpu.memory_space<vmem>>, vector<16xf32>,
      tpu.vector_store %arg14[%parallel_loop3A_688, %parallel_loop3A_689], %parallel_loop3A_687 {strides = array<i32>} : memref<32x1024xf32, #tpu.memory_space<vmem>>, vector<16xf32>,
      %parallel_loop3A_691 = arith.index_cast %parallel_loop3A_36 : i32 to index
      %parallel_loop3A_692 = arith.constant 432 : index
      %parallel_loop3A_693 = tpu.vector_load %arg12[%parallel_loop3A_691, %parallel_loop3A_692] {strides = array<i32>} : memref<32x512xi32, #tpu.memory_space<vmem>>, vector<16xi32>,
      %parallel_loop3A_694 = vector.bitcast %parallel_loop3A_693 : vector<16xi32> to vector<32xbf16>
      %parallel_loop3A_695 = tpu.unpack_subelements %parallel_loop3A_694, 0 {pack_format = #tpu.pack_format<interleaved>} : vector<32xbf16> -> vector<16xf32>
      %parallel_loop3A_696 = tpu.unpack_subelements %parallel_loop3A_694, 1 {pack_format = #tpu.pack_format<interleaved>} : vector<32xbf16> -> vector<16xf32>
      %parallel_loop3A_697 = arith.index_cast %parallel_loop3A_36 : i32 to index
      %parallel_loop3A_698 = arith.constant 432 : index
      %parallel_loop3A_699 = tpu.vector_load %arg13[%parallel_loop3A_697, %parallel_loop3A_698] {strides = array<i32>} : memref<32x512xi32, #tpu.memory_space<vmem>>, vector<16xi32>,
      %parallel_loop3A_700 = vector.bitcast %parallel_loop3A_699 : vector<16xi32> to vector<32xbf16>
      %parallel_loop3A_701 = tpu.unpack_subelements %parallel_loop3A_700, 0 {pack_format = #tpu.pack_format<interleaved>} : vector<32xbf16> -> vector<16xf32>
      %parallel_loop3A_702 = tpu.unpack_subelements %parallel_loop3A_700, 1 {pack_format = #tpu.pack_format<interleaved>} : vector<32xbf16> -> vector<16xf32>
      %parallel_loop3A_703 = arith.mulf %parallel_loop3A_39, %parallel_loop3A_695 : vector<16xf32>
      %parallel_loop3A_704 = arith.mulf %parallel_loop3A_42, %parallel_loop3A_701 : vector<16xf32>
      %parallel_loop3A_705 = arith.addf %parallel_loop3A_703, %parallel_loop3A_704 : vector<16xf32>
      %parallel_loop3A_706 = arith.index_cast %parallel_loop3A_36 : i32 to index
      %parallel_loop3A_707 = arith.constant 432 : index
      %parallel_loop3A_708 = tpu.vector_load %arg14[%parallel_loop3A_706, %parallel_loop3A_707] {strides = array<i32>} : memref<32x1024xf32, #tpu.memory_space<vmem>>, vector<16xf32>,
      tpu.vector_store %arg14[%parallel_loop3A_706, %parallel_loop3A_707], %parallel_loop3A_705 {strides = array<i32>} : memref<32x1024xf32, #tpu.memory_space<vmem>>, vector<16xf32>,
      %parallel_loop3A_709 = arith.mulf %parallel_loop3A_39, %parallel_loop3A_696 : vector<16xf32>
      %parallel_loop3A_710 = arith.mulf %parallel_loop3A_42, %parallel_loop3A_702 : vector<16xf32>
      %parallel_loop3A_711 = arith.addf %parallel_loop3A_709, %parallel_loop3A_710 : vector<16xf32>
      %parallel_loop3A_712 = arith.index_cast %parallel_loop3A_36 : i32 to index
      %parallel_loop3A_713 = arith.constant 944 : index
      %parallel_loop3A_714 = tpu.vector_load %arg14[%parallel_loop3A_712, %parallel_loop3A_713] {strides = array<i32>} : memref<32x1024xf32, #tpu.memory_space<vmem>>, vector<16xf32>,
      tpu.vector_store %arg14[%parallel_loop3A_712, %parallel_loop3A_713], %parallel_loop3A_711 {strides = array<i32>} : memref<32x1024xf32, #tpu.memory_space<vmem>>, vector<16xf32>,
      %parallel_loop3A_715 = arith.index_cast %parallel_loop3A_36 : i32 to index
      %parallel_loop3A_716 = arith.constant 448 : index
      %parallel_loop3A_717 = tpu.vector_load %arg12[%parallel_loop3A_715, %parallel_loop3A_716] {strides = array<i32>} : memref<32x512xi32, #tpu.memory_space<vmem>>, vector<16xi32>,
      %parallel_loop3A_718 = vector.bitcast %parallel_loop3A_717 : vector<16xi32> to vector<32xbf16>
      %parallel_loop3A_719 = tpu.unpack_subelements %parallel_loop3A_718, 0 {pack_format = #tpu.pack_format<interleaved>} : vector<32xbf16> -> vector<16xf32>
      %parallel_loop3A_720 = tpu.unpack_subelements %parallel_loop3A_718, 1 {pack_format = #tpu.pack_format<interleaved>} : vector<32xbf16> -> vector<16xf32>
      %parallel_loop3A_721 = arith.index_cast %parallel_loop3A_36 : i32 to index
      %parallel_loop3A_722 = arith.constant 448 : index
      %parallel_loop3A_723 = tpu.vector_load %arg13[%parallel_loop3A_721, %parallel_loop3A_722] {strides = array<i32>} : memref<32x512xi32, #tpu.memory_space<vmem>>, vector<16xi32>,
      %parallel_loop3A_724 = vector.bitcast %parallel_loop3A_723 : vector<16xi32> to vector<32xbf16>
      %parallel_loop3A_725 = tpu.unpack_subelements %parallel_loop3A_724, 0 {pack_format = #tpu.pack_format<interleaved>} : vector<32xbf16> -> vector<16xf32>
      %parallel_loop3A_726 = tpu.unpack_subelements %parallel_loop3A_724, 1 {pack_format = #tpu.pack_format<interleaved>} : vector<32xbf16> -> vector<16xf32>
      %parallel_loop3A_727 = arith.mulf %parallel_loop3A_39, %parallel_loop3A_719 : vector<16xf32>
      %parallel_loop3A_728 = arith.mulf %parallel_loop3A_42, %parallel_loop3A_725 : vector<16xf32>
      %parallel_loop3A_729 = arith.addf %parallel_loop3A_727, %parallel_loop3A_728 : vector<16xf32>
      %parallel_loop3A_730 = arith.index_cast %parallel_loop3A_36 : i32 to index
      %parallel_loop3A_731 = arith.constant 448 : index
      %parallel_loop3A_732 = tpu.vector_load %arg14[%parallel_loop3A_730, %parallel_loop3A_731] {strides = array<i32>} : memref<32x1024xf32, #tpu.memory_space<vmem>>, vector<16xf32>,
      tpu.vector_store %arg14[%parallel_loop3A_730, %parallel_loop3A_731], %parallel_loop3A_729 {strides = array<i32>} : memref<32x1024xf32, #tpu.memory_space<vmem>>, vector<16xf32>,
      %parallel_loop3A_733 = arith.mulf %parallel_loop3A_39, %parallel_loop3A_720 : vector<16xf32>
      %parallel_loop3A_734 = arith.mulf %parallel_loop3A_42, %parallel_loop3A_726 : vector<16xf32>
      %parallel_loop3A_735 = arith.addf %parallel_loop3A_733, %parallel_loop3A_734 : vector<16xf32>
      %parallel_loop3A_736 = arith.index_cast %parallel_loop3A_36 : i32 to index
      %parallel_loop3A_737 = arith.constant 960 : index
      %parallel_loop3A_738 = tpu.vector_load %arg14[%parallel_loop3A_736, %parallel_loop3A_737] {strides = array<i32>} : memref<32x1024xf32, #tpu.memory_space<vmem>>, vector<16xf32>,
      tpu.vector_store %arg14[%parallel_loop3A_736, %parallel_loop3A_737], %parallel_loop3A_735 {strides = array<i32>} : memref<32x1024xf32, #tpu.memory_space<vmem>>, vector<16xf32>,
      %parallel_loop3A_739 = arith.index_cast %parallel_loop3A_36 : i32 to index
      %parallel_loop3A_740 = arith.constant 464 : index
      %parallel_loop3A_741 = tpu.vector_load %arg12[%parallel_loop3A_739, %parallel_loop3A_740] {strides = array<i32>} : memref<32x512xi32, #tpu.memory_space<vmem>>, vector<16xi32>,
      %parallel_loop3A_742 = vector.bitcast %parallel_loop3A_741 : vector<16xi32> to vector<32xbf16>
      %parallel_loop3A_743 = tpu.unpack_subelements %parallel_loop3A_742, 0 {pack_format = #tpu.pack_format<interleaved>} : vector<32xbf16> -> vector<16xf32>
      %parallel_loop3A_744 = tpu.unpack_subelements %parallel_loop3A_742, 1 {pack_format = #tpu.pack_format<interleaved>} : vector<32xbf16> -> vector<16xf32>
      %parallel_loop3A_745 = arith.index_cast %parallel_loop3A_36 : i32 to index
      %parallel_loop3A_746 = arith.constant 464 : index
      %parallel_loop3A_747 = tpu.vector_load %arg13[%parallel_loop3A_745, %parallel_loop3A_746] {strides = array<i32>} : memref<32x512xi32, #tpu.memory_space<vmem>>, vector<16xi32>,
      %parallel_loop3A_748 = vector.bitcast %parallel_loop3A_747 : vector<16xi32> to vector<32xbf16>
      %parallel_loop3A_749 = tpu.unpack_subelements %parallel_loop3A_748, 0 {pack_format = #tpu.pack_format<interleaved>} : vector<32xbf16> -> vector<16xf32>
      %parallel_loop3A_750 = tpu.unpack_subelements %parallel_loop3A_748, 1 {pack_format = #tpu.pack_format<interleaved>} : vector<32xbf16> -> vector<16xf32>
      %parallel_loop3A_751 = arith.mulf %parallel_loop3A_39, %parallel_loop3A_743 : vector<16xf32>
      %parallel_loop3A_752 = arith.mulf %parallel_loop3A_42, %parallel_loop3A_749 : vector<16xf32>
      %parallel_loop3A_753 = arith.addf %parallel_loop3A_751, %parallel_loop3A_752 : vector<16xf32>
      %parallel_loop3A_754 = arith.index_cast %parallel_loop3A_36 : i32 to index
      %parallel_loop3A_755 = arith.constant 464 : index
      %parallel_loop3A_756 = tpu.vector_load %arg14[%parallel_loop3A_754, %parallel_loop3A_755] {strides = array<i32>} : memref<32x1024xf32, #tpu.memory_space<vmem>>, vector<16xf32>,
      tpu.vector_store %arg14[%parallel_loop3A_754, %parallel_loop3A_755], %parallel_loop3A_753 {strides = array<i32>} : memref<32x1024xf32, #tpu.memory_space<vmem>>, vector<16xf32>,
      %parallel_loop3A_757 = arith.mulf %parallel_loop3A_39, %parallel_loop3A_744 : vector<16xf32>
      %parallel_loop3A_758 = arith.mulf %parallel_loop3A_42, %parallel_loop3A_750 : vector<16xf32>
      %parallel_loop3A_759 = arith.addf %parallel_loop3A_757, %parallel_loop3A_758 : vector<16xf32>
      %parallel_loop3A_760 = arith.index_cast %parallel_loop3A_36 : i32 to index
      %parallel_loop3A_761 = arith.constant 976 : index
      %parallel_loop3A_762 = tpu.vector_load %arg14[%parallel_loop3A_760, %parallel_loop3A_761] {strides = array<i32>} : memref<32x1024xf32, #tpu.memory_space<vmem>>, vector<16xf32>,
      tpu.vector_store %arg14[%parallel_loop3A_760, %parallel_loop3A_761], %parallel_loop3A_759 {strides = array<i32>} : memref<32x1024xf32, #tpu.memory_space<vmem>>, vector<16xf32>,
      %parallel_loop3A_763 = arith.index_cast %parallel_loop3A_36 : i32 to index
      %parallel_loop3A_764 = arith.constant 480 : index
      %parallel_loop3A_765 = tpu.vector_load %arg12[%parallel_loop3A_763, %parallel_loop3A_764] {strides = array<i32>} : memref<32x512xi32, #tpu.memory_space<vmem>>, vector<16xi32>,
      %parallel_loop3A_766 = vector.bitcast %parallel_loop3A_765 : vector<16xi32> to vector<32xbf16>
      %parallel_loop3A_767 = tpu.unpack_subelements %parallel_loop3A_766, 0 {pack_format = #tpu.pack_format<interleaved>} : vector<32xbf16> -> vector<16xf32>
      %parallel_loop3A_768 = tpu.unpack_subelements %parallel_loop3A_766, 1 {pack_format = #tpu.pack_format<interleaved>} : vector<32xbf16> -> vector<16xf32>
      %parallel_loop3A_769 = arith.index_cast %parallel_loop3A_36 : i32 to index
      %parallel_loop3A_770 = arith.constant 480 : index
      %parallel_loop3A_771 = tpu.vector_load %arg13[%parallel_loop3A_769, %parallel_loop3A_770] {strides = array<i32>} : memref<32x512xi32, #tpu.memory_space<vmem>>, vector<16xi32>,
      %parallel_loop3A_772 = vector.bitcast %parallel_loop3A_771 : vector<16xi32> to vector<32xbf16>
      %parallel_loop3A_773 = tpu.unpack_subelements %parallel_loop3A_772, 0 {pack_format = #tpu.pack_format<interleaved>} : vector<32xbf16> -> vector<16xf32>
      %parallel_loop3A_774 = tpu.unpack_subelements %parallel_loop3A_772, 1 {pack_format = #tpu.pack_format<interleaved>} : vector<32xbf16> -> vector<16xf32>
      %parallel_loop3A_775 = arith.mulf %parallel_loop3A_39, %parallel_loop3A_767 : vector<16xf32>
      %parallel_loop3A_776 = arith.mulf %parallel_loop3A_42, %parallel_loop3A_773 : vector<16xf32>
      %parallel_loop3A_777 = arith.addf %parallel_loop3A_775, %parallel_loop3A_776 : vector<16xf32>
      %parallel_loop3A_778 = arith.index_cast %parallel_loop3A_36 : i32 to index
      %parallel_loop3A_779 = arith.constant 480 : index
      %parallel_loop3A_780 = tpu.vector_load %arg14[%parallel_loop3A_778, %parallel_loop3A_779] {strides = array<i32>} : memref<32x1024xf32, #tpu.memory_space<vmem>>, vector<16xf32>,
      tpu.vector_store %arg14[%parallel_loop3A_778, %parallel_loop3A_779], %parallel_loop3A_777 {strides = array<i32>} : memref<32x1024xf32, #tpu.memory_space<vmem>>, vector<16xf32>,
      %parallel_loop3A_781 = arith.mulf %parallel_loop3A_39, %parallel_loop3A_768 : vector<16xf32>
      %parallel_loop3A_782 = arith.mulf %parallel_loop3A_42, %parallel_loop3A_774 : vector<16xf32>
      %parallel_loop3A_783 = arith.addf %parallel_loop3A_781, %parallel_loop3A_782 : vector<16xf32>
      %parallel_loop3A_784 = arith.index_cast %parallel_loop3A_36 : i32 to index
      %parallel_loop3A_785 = arith.constant 992 : index
      %parallel_loop3A_786 = tpu.vector_load %arg14[%parallel_loop3A_784, %parallel_loop3A_785] {strides = array<i32>} : memref<32x1024xf32, #tpu.memory_space<vmem>>, vector<16xf32>,
      tpu.vector_store %arg14[%parallel_loop3A_784, %parallel_loop3A_785], %parallel_loop3A_783 {strides = array<i32>} : memref<32x1024xf32, #tpu.memory_space<vmem>>, vector<16xf32>,
      %parallel_loop3A_787 = arith.index_cast %parallel_loop3A_36 : i32 to index
      %parallel_loop3A_788 = arith.constant 496 : index
      %parallel_loop3A_789 = tpu.vector_load %arg12[%parallel_loop3A_787, %parallel_loop3A_788] {strides = array<i32>} : memref<32x512xi32, #tpu.memory_space<vmem>>, vector<16xi32>,
      %parallel_loop3A_790 = vector.bitcast %parallel_loop3A_789 : vector<16xi32> to vector<32xbf16>
      %parallel_loop3A_791 = tpu.unpack_subelements %parallel_loop3A_790, 0 {pack_format = #tpu.pack_format<interleaved>} : vector<32xbf16> -> vector<16xf32>
      %parallel_loop3A_792 = tpu.unpack_subelements %parallel_loop3A_790, 1 {pack_format = #tpu.pack_format<interleaved>} : vector<32xbf16> -> vector<16xf32>
      %parallel_loop3A_793 = arith.index_cast %parallel_loop3A_36 : i32 to index
      %parallel_loop3A_794 = arith.constant 496 : index
      %parallel_loop3A_795 = tpu.vector_load %arg13[%parallel_loop3A_793, %parallel_loop3A_794] {strides = array<i32>} : memref<32x512xi32, #tpu.memory_space<vmem>>, vector<16xi32>,
      %parallel_loop3A_796 = vector.bitcast %parallel_loop3A_795 : vector<16xi32> to vector<32xbf16>
      %parallel_loop3A_797 = tpu.unpack_subelements %parallel_loop3A_796, 0 {pack_format = #tpu.pack_format<interleaved>} : vector<32xbf16> -> vector<16xf32>
      %parallel_loop3A_798 = tpu.unpack_subelements %parallel_loop3A_796, 1 {pack_format = #tpu.pack_format<interleaved>} : vector<32xbf16> -> vector<16xf32>
      %parallel_loop3A_799 = arith.mulf %parallel_loop3A_39, %parallel_loop3A_791 : vector<16xf32>
      %parallel_loop3A_800 = arith.mulf %parallel_loop3A_42, %parallel_loop3A_797 : vector<16xf32>
      %parallel_loop3A_801 = arith.addf %parallel_loop3A_799, %parallel_loop3A_800 : vector<16xf32>
      %parallel_loop3A_802 = arith.index_cast %parallel_loop3A_36 : i32 to index
      %parallel_loop3A_803 = arith.constant 496 : index
      %parallel_loop3A_804 = tpu.vector_load %arg14[%parallel_loop3A_802, %parallel_loop3A_803] {strides = array<i32>} : memref<32x1024xf32, #tpu.memory_space<vmem>>, vector<16xf32>,
      tpu.vector_store %arg14[%parallel_loop3A_802, %parallel_loop3A_803], %parallel_loop3A_801 {strides = array<i32>} : memref<32x1024xf32, #tpu.memory_space<vmem>>, vector<16xf32>,
      %parallel_loop3A_805 = arith.mulf %parallel_loop3A_39, %parallel_loop3A_792 : vector<16xf32>
      %parallel_loop3A_806 = arith.mulf %parallel_loop3A_42, %parallel_loop3A_798 : vector<16xf32>
      %parallel_loop3A_807 = arith.addf %parallel_loop3A_805, %parallel_loop3A_806 : vector<16xf32>
      %parallel_loop3A_808 = arith.index_cast %parallel_loop3A_36 : i32 to index
      %parallel_loop3A_809 = arith.constant 1008 : index
      %parallel_loop3A_810 = tpu.vector_load %arg14[%parallel_loop3A_808, %parallel_loop3A_809] {strides = array<i32>} : memref<32x1024xf32, #tpu.memory_space<vmem>>, vector<16xf32>,
      tpu.vector_store %arg14[%parallel_loop3A_808, %parallel_loop3A_809], %parallel_loop3A_807 {strides = array<i32>} : memref<32x1024xf32, #tpu.memory_space<vmem>>, vector<16xf32>,
    } {sc.loop_unroll_factor = 1 : i64, sc.parallel_access}
    "tpu.region"() ({
      %run_scoped3A = tpu.sem_alloc : memref<!tpu.dma_semaphore, #tpu.memory_space<semaphore_mem>>
      %dma_start3A_36 = arith.constant 0 : i32
      %dma_start3A_37 = tpu.memref_slice %arg7[%add3A_20, %dma_start3A_36] : memref<2048x1024xf32, #tpu.memory_space<hbm>> -> memref<32x1024xf32, #tpu.memory_space<hbm>>
      %dma_start3A_38 = arith.constant 0 : i32
      %dma_start3A_39 = tpu.memref_slice %arg7[%add3A_20, %dma_start3A_38] : memref<2048x1024xf32, #tpu.memory_space<hbm>> -> memref<32x1024xf32, #tpu.memory_space<hbm>>
      tpu.enqueue_dma source(%arg14 : memref<32x1024xf32, #tpu.memory_space<vmem>>) target(%dma_start3A_39 : memref<32x1024xf32, #tpu.memory_space<hbm>>) target_semaphore(%run_scoped3A : memref<!tpu.dma_semaphore, #tpu.memory_space<semaphore_mem>>)
      %dma_wait3A_40 = arith.constant 0 : i32
      %dma_wait3A_41 = tpu.memref_slice %arg7[%add3A_20, %dma_wait3A_40] : memref<2048x1024xf32, #tpu.memory_space<hbm>> -> memref<32x1024xf32, #tpu.memory_space<hbm>>
      %dma_wait3A_42 = arith.constant 0 : i32
      %dma_wait3A_43 = tpu.memref_slice %arg7[%add3A_20, %dma_wait3A_42] : memref<2048x1024xf32, #tpu.memory_space<hbm>> -> memref<32x1024xf32, #tpu.memory_space<hbm>>
      tpu.wait_dma2 semaphore(%run_scoped3A : memref<!tpu.dma_semaphore, #tpu.memory_space<semaphore_mem>>) src(%arg14 : memref<32x1024xf32, #tpu.memory_space<vmem>>) dst(%dma_wait3A_43 : memref<32x1024xf32, #tpu.memory_space<hbm>>)
      tpu.yield
    }) : () -> ()
    return
  }
}

module attributes {stable_mosaic.version = 14 : i64} {
  func.func @_route_body(%arg0: memref<2048x1024xf32, #tpu.memory_space<vmem>>, %arg1: memref<64x1024xf32, #tpu.memory_space<vmem>>, %arg2: memref<2048x512xi32, #tpu.memory_space<vmem>>, %arg3: memref<2048x1xi32, #tpu.memory_space<vmem>>, %arg4: memref<2048x1xi32, #tpu.memory_space<vmem>>, %arg5: memref<2048x32xf32, #tpu.memory_space<vmem>>, %arg6: memref<96x1xi32, #tpu.memory_space<vmem>>, %arg7: memref<1x1xi32, #tpu.memory_space<vmem>>) attributes {dimension_semantics = [], scalar_prefetch = 0 : i64, scratch_operands = 0 : i64, tpu.core_type = #tpu.core_type<tc>} {
    %get3A = arith.constant 0 : index
    %get3A_0 = arith.constant 0 : index
    %get3A_1 = vector.load %arg0[%get3A, %get3A_0] : memref<2048x1024xf32, #tpu.memory_space<vmem>>, vector<2048x1024xf32>
    %get3A_2 = arith.constant 0 : index
    %get3A_3 = arith.constant 0 : index
    %get3A_4 = vector.load %arg1[%get3A_2, %get3A_3] : memref<64x1024xf32, #tpu.memory_space<vmem>>, vector<64x1024xf32>
    %slice3A = vector.extract_strided_slice %get3A_1 {offsets = [0, 0], sizes = [2048, 512], strides = [1, 1]} : vector<2048x1024xf32> to vector<2048x512xf32>
    %convert_element_type3A = arith.truncf %slice3A : vector<2048x512xf32> to vector<2048x512xbf16>
    %bitcast_convert_type3A = tpu.bitcast %convert_element_type3A : vector<2048x512xbf16> -> vector<2048x512xi16>
    %convert_element_type3A_5 = arith.extsi %bitcast_convert_type3A : vector<2048x512xi16> to vector<2048x512xi32>
    %slice3A_6 = vector.extract_strided_slice %get3A_1 {offsets = [0, 512], sizes = [2048, 512], strides = [1, 1]} : vector<2048x1024xf32> to vector<2048x512xf32>
    %convert_element_type3A_7 = arith.truncf %slice3A_6 : vector<2048x512xf32> to vector<2048x512xbf16>
    %bitcast_convert_type3A_8 = tpu.bitcast %convert_element_type3A_7 : vector<2048x512xbf16> -> vector<2048x512xi16>
    %convert_element_type3A_9 = arith.extsi %bitcast_convert_type3A_8 : vector<2048x512xi16> to vector<2048x512xi32>
    %and3A = arith.constant 65535 : i32
    %and3A_10 = vector.broadcast %and3A : i32 to vector<2048x512xi32>
    %and3A_11 = arith.andi %convert_element_type3A_5, %and3A_10 : vector<2048x512xi32>
    %shift_left3A = arith.constant 16 : i32
    %shift_left3A_12 = vector.broadcast %shift_left3A : i32 to vector<2048x512xi32>
    %shift_left3A_13 = arith.shli %convert_element_type3A_9, %shift_left3A_12 : vector<2048x512xi32>
    %or3A = arith.ori %and3A_11, %shift_left3A_13 : vector<2048x512xi32>
    %swap3A = arith.constant 0 : index
    %swap3A_14 = arith.constant 0 : index
    %swap3A_15 = vector.load %arg2[%swap3A, %swap3A_14] : memref<2048x512xi32, #tpu.memory_space<vmem>>, vector<2048x512xi32>
    tpu.vector_store %arg2[%swap3A, %swap3A_14], %or3A {strides = array<i32>} : memref<2048x512xi32, #tpu.memory_space<vmem>>, vector<2048x512xi32>,
    %dot_general3A = arith.constant dense<0.000000e+00> : vector<2048x64xf32>
    %dot_general3A_16 = tpu.matmul %get3A_1, %get3A_4, %dot_general3A {dimension_numbers = #tpu.dot_dimension_numbers<[1], [1], [0], [0], [0, 0, 1, 0], [], []>, transpose_lhs_hint = false} : vector<2048x1024xf32>, vector<64x1024xf32>, vector<2048x64xf32> -> vector<2048x64xf32>
    %reduce_max3A = arith.constant dense<0xFF800000> : vector<2048xf32>
    %reduce_max3A_17 = vector.multi_reduction <maximumf>, %dot_general3A_16, %reduce_max3A [1] : vector<2048x64xf32> to vector<2048xf32>
    %broadcast_in_dim3A = vector.shape_cast %reduce_max3A_17 : vector<2048xf32> to vector<2048x1xf32>
    %sub3A = vector.broadcast %broadcast_in_dim3A : vector<2048x1xf32> to vector<2048x64xf32>
    %sub3A_18 = arith.subf %dot_general3A_16, %sub3A : vector<2048x64xf32>
    %exp3A = math.exp %sub3A_18 : vector<2048x64xf32>
    %reduce_sum3A = arith.constant dense<0.000000e+00> : vector<2048xf32>
    %reduce_sum3A_19 = vector.multi_reduction <add>, %exp3A, %reduce_sum3A [1] : vector<2048x64xf32> to vector<2048xf32>
    %broadcast_in_dim3A_20 = vector.shape_cast %reduce_sum3A_19 : vector<2048xf32> to vector<2048x1xf32>
    %div3A = vector.broadcast %broadcast_in_dim3A_20 : vector<2048x1xf32> to vector<2048x64xf32>
    %div3A_21 = arith.divf %exp3A, %div3A : vector<2048x64xf32>
    %iota3A = tpu.iota {dimensions = array<i32: 1>} : vector<2048x64xi32>
    %reduce_max3A_22 = arith.constant dense<0xFF800000> : vector<2048xf32>
    %reduce_max3A_23 = vector.multi_reduction <maximumf>, %div3A_21, %reduce_max3A_22 [1] : vector<2048x64xf32> to vector<2048xf32>
    %broadcast_in_dim3A_24 = vector.shape_cast %reduce_max3A_23 : vector<2048xf32> to vector<2048x1xf32>
    %eq3A = vector.broadcast %broadcast_in_dim3A_24 : vector<2048x1xf32> to vector<2048x64xf32>
    %eq3A_25 = arith.cmpf oeq, %div3A_21, %eq3A : vector<2048x64xf32>
    %jit3A = arith.constant 64 : i32
    %broadcast_in_dim3A_26 = vector.broadcast %jit3A : i32 to vector<2048x64xi32>
    %select_n3A = arith.select %eq3A_25, %iota3A, %broadcast_in_dim3A_26 : vector<2048x64xi1>, vector<2048x64xi32>
    %reduce_min3A = arith.constant dense<2147483647> : vector<2048xi32>
    %reduce_min3A_27 = vector.multi_reduction <minsi>, %select_n3A, %reduce_min3A [1] : vector<2048x64xi32> to vector<2048xi32>
    %broadcast_in_dim3A_28 = vector.shape_cast %reduce_min3A_27 : vector<2048xi32> to vector<2048x1xi32>
    %eq3A_29 = vector.broadcast %broadcast_in_dim3A_28 : vector<2048x1xi32> to vector<2048x64xi32>
    %eq3A_30 = arith.cmpi eq, %iota3A, %eq3A_29 : vector<2048x64xi32>
    %jit3A_31 = arith.constant 0xFF800000 : f32
    %broadcast_in_dim3A_32 = vector.broadcast %jit3A_31 : f32 to vector<2048x64xf32>
    %select_n3A_33 = arith.select %eq3A_30, %broadcast_in_dim3A_32, %div3A_21 : vector<2048x64xi1>, vector<2048x64xf32>
    %reduce_max3A_34 = arith.constant dense<0xFF800000> : vector<2048xf32>
    %reduce_max3A_35 = vector.multi_reduction <maximumf>, %select_n3A_33, %reduce_max3A_34 [1] : vector<2048x64xf32> to vector<2048xf32>
    %broadcast_in_dim3A_36 = vector.shape_cast %reduce_max3A_35 : vector<2048xf32> to vector<2048x1xf32>
    %eq3A_37 = vector.broadcast %broadcast_in_dim3A_36 : vector<2048x1xf32> to vector<2048x64xf32>
    %eq3A_38 = arith.cmpf oeq, %select_n3A_33, %eq3A_37 : vector<2048x64xf32>
    %jit3A_39 = arith.constant 64 : i32
    %broadcast_in_dim3A_40 = vector.broadcast %jit3A_39 : i32 to vector<2048x64xi32>
    %select_n3A_41 = arith.select %eq3A_38, %iota3A, %broadcast_in_dim3A_40 : vector<2048x64xi1>, vector<2048x64xi32>
    %reduce_min3A_42 = arith.constant dense<2147483647> : vector<2048xi32>
    %reduce_min3A_43 = vector.multi_reduction <minsi>, %select_n3A_41, %reduce_min3A_42 [1] : vector<2048x64xi32> to vector<2048xi32>
    %broadcast_in_dim3A_44 = vector.shape_cast %reduce_min3A_43 : vector<2048xi32> to vector<2048x1xi32>
    %add3A = arith.addf %broadcast_in_dim3A_24, %broadcast_in_dim3A_36 : vector<2048x1xf32>
    %add3A_45 = arith.constant 9.99999968E-21 : f32
    %add3A_46 = vector.broadcast %add3A_45 : f32 to vector<2048x1xf32>
    %add3A_47 = arith.addf %add3A, %add3A_46 : vector<2048x1xf32>
    %div3A_48 = arith.divf %broadcast_in_dim3A_24, %add3A_47 : vector<2048x1xf32>
    %broadcast_in_dim3A_49 = vector.shape_cast %div3A_48 : vector<2048x1xf32> to vector<2048x1xf32>
    %broadcast_in_dim3A_50 = vector.broadcast %broadcast_in_dim3A_49 : vector<2048x1xf32> to vector<2048x16xf32>
    %swap3A_51 = arith.constant 0 : index
    %swap3A_52 = arith.constant 0 : index
    %swap3A_53 = vector.load %arg5[%swap3A_51, %swap3A_52] : memref<2048x32xf32, #tpu.memory_space<vmem>>, vector<2048x16xf32>
    tpu.vector_store %arg5[%swap3A_51, %swap3A_52], %broadcast_in_dim3A_50 {strides = array<i32>} : memref<2048x32xf32, #tpu.memory_space<vmem>>, vector<2048x16xf32>,
    %div3A_54 = arith.divf %broadcast_in_dim3A_36, %add3A_47 : vector<2048x1xf32>
    %broadcast_in_dim3A_55 = vector.shape_cast %div3A_54 : vector<2048x1xf32> to vector<2048x1xf32>
    %broadcast_in_dim3A_56 = vector.broadcast %broadcast_in_dim3A_55 : vector<2048x1xf32> to vector<2048x16xf32>
    %swap3A_57 = arith.constant 0 : index
    %swap3A_58 = arith.constant 16 : index
    %swap3A_59 = vector.load %arg5[%swap3A_57, %swap3A_58] : memref<2048x32xf32, #tpu.memory_space<vmem>>, vector<2048x16xf32>
    tpu.vector_store %arg5[%swap3A_57, %swap3A_58], %broadcast_in_dim3A_56 {strides = array<i32>} : memref<2048x32xf32, #tpu.memory_space<vmem>>, vector<2048x16xf32>,
    %eq3A_60 = vector.broadcast %broadcast_in_dim3A_28 : vector<2048x1xi32> to vector<2048x64xi32>
    %eq3A_61 = arith.cmpi eq, %iota3A, %eq3A_60 : vector<2048x64xi32>
    %convert_element_type3A_62 = arith.extui %eq3A_61 : vector<2048x64xi1> to vector<2048x64xi32>
    %convert_element_type3A_63 = arith.sitofp %convert_element_type3A_62 : vector<2048x64xi32> to vector<2048x64xf32>
    %eq3A_64 = vector.broadcast %broadcast_in_dim3A_44 : vector<2048x1xi32> to vector<2048x64xi32>
    %eq3A_65 = arith.cmpi eq, %iota3A, %eq3A_64 : vector<2048x64xi32>
    %convert_element_type3A_66 = arith.extui %eq3A_65 : vector<2048x64xi1> to vector<2048x64xi32>
    %convert_element_type3A_67 = arith.sitofp %convert_element_type3A_66 : vector<2048x64xi32> to vector<2048x64xf32>
    %add3A_68 = arith.addf %convert_element_type3A_63, %convert_element_type3A_67 : vector<2048x64xf32>
    %reduce_sum3A_69 = arith.constant dense<0.000000e+00> : vector<64xf32>
    %reduce_sum3A_70 = vector.multi_reduction <add>, %add3A_68, %reduce_sum3A_69 [0] : vector<2048x64xf32> to vector<64xf32>
    %broadcast_in_dim3A_71 = vector.shape_cast %reduce_sum3A_70 : vector<64xf32> to vector<1x64xf32>
    %convert_element_type3A_72 = arith.fptosi %broadcast_in_dim3A_71 : vector<1x64xf32> to vector<1x64xi32>
    %add3A_73 = arith.constant 127 : i32
    %add3A_74 = vector.broadcast %add3A_73 : i32 to vector<1x64xi32>
    %add3A_75 = arith.addi %convert_element_type3A_72, %add3A_74 : vector<1x64xi32>
    %jit3A_76 = arith.constant 128 : i32
    %div3A_77 = vector.broadcast %jit3A_76 : i32 to vector<1x64xi32>
    %div3A_78 = arith.divsi %add3A_75, %div3A_77 : vector<1x64xi32>
    %sign3A = arith.constant 0 : i32
    %sign3A_79 = vector.broadcast %sign3A : i32 to vector<1x64xi32>
    %sign3A_80 = arith.cmpi sgt, %add3A_75, %sign3A_79 : vector<1x64xi32>
    %sign3A_81 = arith.extui %sign3A_80 : vector<1x64xi1> to vector<1x64xi32>
    %sign3A_82 = arith.constant 0 : i32
    %sign3A_83 = vector.broadcast %sign3A_82 : i32 to vector<1x64xi32>
    %sign3A_84 = arith.cmpi slt, %add3A_75, %sign3A_83 : vector<1x64xi32>
    %sign3A_85 = arith.extui %sign3A_84 : vector<1x64xi1> to vector<1x64xi32>
    %sign3A_86 = arith.subi %sign3A_81, %sign3A_85 : vector<1x64xi32>
    %sign3A_87 = arith.constant 0 : i32
    %sign3A_88 = arith.cmpi sgt, %jit3A_76, %sign3A_87 : i32
    %sign3A_89 = arith.extui %sign3A_88 : i1 to i32
    %sign3A_90 = arith.constant 0 : i32
    %sign3A_91 = arith.cmpi slt, %jit3A_76, %sign3A_90 : i32
    %sign3A_92 = arith.extui %sign3A_91 : i1 to i32
    %sign3A_93 = arith.subi %sign3A_89, %sign3A_92 : i32
    %ne3A = vector.broadcast %sign3A_93 : i32 to vector<1x64xi32>
    %ne3A_94 = arith.cmpi ne, %sign3A_86, %ne3A : vector<1x64xi32>
    %rem3A = vector.broadcast %jit3A_76 : i32 to vector<1x64xi32>
    %rem3A_95 = arith.remsi %add3A_75, %rem3A : vector<1x64xi32>
    %ne3A_96 = arith.constant 0 : i32
    %ne3A_97 = vector.broadcast %ne3A_96 : i32 to vector<1x64xi32>
    %ne3A_98 = arith.cmpi ne, %rem3A_95, %ne3A_97 : vector<1x64xi32>
    %and3A_99 = arith.andi %ne3A_94, %ne3A_98 : vector<1x64xi1>
    %sub3A_100 = arith.constant 1 : i32
    %sub3A_101 = vector.broadcast %sub3A_100 : i32 to vector<1x64xi32>
    %sub3A_102 = arith.subi %div3A_78, %sub3A_101 : vector<1x64xi32>
    %select_n3A_103 = arith.select %and3A_99, %sub3A_102, %div3A_78 : vector<1x64xi1>, vector<1x64xi32>
    %mul3A = arith.constant 128 : i32
    %mul3A_104 = vector.broadcast %mul3A : i32 to vector<1x64xi32>
    %mul3A_105 = arith.muli %select_n3A_103, %mul3A_104 : vector<1x64xi32>
    %convert_element_type3A_106 = arith.sitofp %mul3A_105 : vector<1x64xi32> to vector<1x64xf32>
    %iota3A_107 = tpu.iota {dimensions = array<i32: 0>} : vector<64x64xi32>
    %iota3A_108 = tpu.iota {dimensions = array<i32: 1>} : vector<64x64xi32>
    %lt3A = arith.cmpi slt, %iota3A_107, %iota3A_108 : vector<64x64xi32>
    %convert_element_type3A_109 = arith.extui %lt3A : vector<64x64xi1> to vector<64x64xi32>
    %convert_element_type3A_110 = arith.sitofp %convert_element_type3A_109 : vector<64x64xi32> to vector<64x64xf32>
    %dot_general3A_111 = arith.constant dense<0.000000e+00> : vector<1x64xf32>
    %dot_general3A_112 = tpu.matmul %convert_element_type3A_106, %convert_element_type3A_110, %dot_general3A_111 {dimension_numbers = #tpu.dot_dimension_numbers<[1], [0], [0], [1], [0, 0, 1, 1], [], []>, transpose_lhs_hint = false} : vector<1x64xf32>, vector<64x64xf32>, vector<1x64xf32> -> vector<1x64xf32>
    %reduce_sum3A_113 = arith.constant dense<0.000000e+00> : vector<1xf32>
    %reduce_sum3A_114 = vector.multi_reduction <add>, %convert_element_type3A_106, %reduce_sum3A_113 [1] : vector<1x64xf32> to vector<1xf32>
    %broadcast_in_dim3A_115 = vector.shape_cast %reduce_sum3A_114 : vector<1xf32> to vector<1x1xf32>
    %iota3A_116 = tpu.iota {dimensions = array<i32: 0>} : vector<512x512xi32>
    %iota3A_117 = tpu.iota {dimensions = array<i32: 1>} : vector<512x512xi32>
    %lt3A_118 = arith.cmpi slt, %iota3A_117, %iota3A_116 : vector<512x512xi32>
    %convert_element_type3A_119 = arith.extui %lt3A_118 : vector<512x512xi1> to vector<512x512xi32>
    %convert_element_type3A_120 = arith.sitofp %convert_element_type3A_119 : vector<512x512xi32> to vector<512x512xf32>
    %broadcast_in_dim3A_121 = arith.constant 0.000000e+00 : f32
    %broadcast_in_dim3A_122 = vector.broadcast %broadcast_in_dim3A_121 : f32 to vector<1x64xf32>
    %slice3A_123 = vector.extract_strided_slice %add3A_68 {offsets = [0, 0], sizes = [512, 64], strides = [1, 1]} : vector<2048x64xf32> to vector<512x64xf32>
    %dot_general3A_124 = arith.constant dense<0.000000e+00> : vector<512x64xf32>
    %dot_general3A_125 = tpu.matmul %convert_element_type3A_120, %slice3A_123, %dot_general3A_124 {dimension_numbers = #tpu.dot_dimension_numbers<[1], [0], [0], [1], [0, 0, 1, 1], [], []>, transpose_lhs_hint = false} : vector<512x512xf32>, vector<512x64xf32>, vector<512x64xf32> -> vector<512x64xf32>
    %add3A_126 = vector.broadcast %broadcast_in_dim3A_122 : vector<1x64xf32> to vector<512x64xf32>
    %add3A_127 = arith.addf %dot_general3A_125, %add3A_126 : vector<512x64xf32>
    %reduce_sum3A_128 = arith.constant dense<0.000000e+00> : vector<64xf32>
    %reduce_sum3A_129 = vector.multi_reduction <add>, %slice3A_123, %reduce_sum3A_128 [0] : vector<512x64xf32> to vector<64xf32>
    %broadcast_in_dim3A_130 = vector.shape_cast %reduce_sum3A_129 : vector<64xf32> to vector<1x64xf32>
    %add3A_131 = arith.addf %broadcast_in_dim3A_122, %broadcast_in_dim3A_130 : vector<1x64xf32>
    %add3A_132 = vector.broadcast %dot_general3A_112 : vector<1x64xf32> to vector<512x64xf32>
    %add3A_133 = arith.addf %add3A_127, %add3A_132 : vector<512x64xf32>
    %slice3A_134 = vector.extract_strided_slice %convert_element_type3A_63 {offsets = [0, 0], sizes = [512, 64], strides = [1, 1]} : vector<2048x64xf32> to vector<512x64xf32>
    %mul3A_135 = arith.mulf %slice3A_134, %add3A_133 : vector<512x64xf32>
    %reduce_sum3A_136 = arith.constant dense<0.000000e+00> : vector<512xf32>
    %reduce_sum3A_137 = vector.multi_reduction <add>, %mul3A_135, %reduce_sum3A_136 [1] : vector<512x64xf32> to vector<512xf32>
    %broadcast_in_dim3A_138 = vector.shape_cast %reduce_sum3A_137 : vector<512xf32> to vector<512x1xf32>
    %convert_element_type3A_139 = arith.fptosi %broadcast_in_dim3A_138 : vector<512x1xf32> to vector<512x1xi32>
    %swap3A_140 = arith.constant 0 : index
    %swap3A_141 = arith.constant 0 : index
    %swap3A_142 = vector.load %arg3[%swap3A_140, %swap3A_141] : memref<2048x1xi32, #tpu.memory_space<vmem>>, vector<512x1xi32>
    tpu.vector_store %arg3[%swap3A_140, %swap3A_141], %convert_element_type3A_139 {strides = array<i32>} : memref<2048x1xi32, #tpu.memory_space<vmem>>, vector<512x1xi32>,
    %slice3A_143 = vector.extract_strided_slice %convert_element_type3A_67 {offsets = [0, 0], sizes = [512, 64], strides = [1, 1]} : vector<2048x64xf32> to vector<512x64xf32>
    %mul3A_144 = arith.mulf %slice3A_143, %add3A_133 : vector<512x64xf32>
    %reduce_sum3A_145 = arith.constant dense<0.000000e+00> : vector<512xf32>
    %reduce_sum3A_146 = vector.multi_reduction <add>, %mul3A_144, %reduce_sum3A_145 [1] : vector<512x64xf32> to vector<512xf32>
    %broadcast_in_dim3A_147 = vector.shape_cast %reduce_sum3A_146 : vector<512xf32> to vector<512x1xf32>
    %convert_element_type3A_148 = arith.fptosi %broadcast_in_dim3A_147 : vector<512x1xf32> to vector<512x1xi32>
    %swap3A_149 = arith.constant 0 : index
    %swap3A_150 = arith.constant 0 : index
    %swap3A_151 = vector.load %arg4[%swap3A_149, %swap3A_150] : memref<2048x1xi32, #tpu.memory_space<vmem>>, vector<512x1xi32>
    tpu.vector_store %arg4[%swap3A_149, %swap3A_150], %convert_element_type3A_148 {strides = array<i32>} : memref<2048x1xi32, #tpu.memory_space<vmem>>, vector<512x1xi32>,
    %slice3A_152 = vector.extract_strided_slice %add3A_68 {offsets = [512, 0], sizes = [512, 64], strides = [1, 1]} : vector<2048x64xf32> to vector<512x64xf32>
    %dot_general3A_153 = arith.constant dense<0.000000e+00> : vector<512x64xf32>
    %dot_general3A_154 = tpu.matmul %convert_element_type3A_120, %slice3A_152, %dot_general3A_153 {dimension_numbers = #tpu.dot_dimension_numbers<[1], [0], [0], [1], [0, 0, 1, 1], [], []>, transpose_lhs_hint = false} : vector<512x512xf32>, vector<512x64xf32>, vector<512x64xf32> -> vector<512x64xf32>
    %add3A_155 = vector.broadcast %add3A_131 : vector<1x64xf32> to vector<512x64xf32>
    %add3A_156 = arith.addf %dot_general3A_154, %add3A_155 : vector<512x64xf32>
    %reduce_sum3A_157 = arith.constant dense<0.000000e+00> : vector<64xf32>
    %reduce_sum3A_158 = vector.multi_reduction <add>, %slice3A_152, %reduce_sum3A_157 [0] : vector<512x64xf32> to vector<64xf32>
    %broadcast_in_dim3A_159 = vector.shape_cast %reduce_sum3A_158 : vector<64xf32> to vector<1x64xf32>
    %add3A_160 = arith.addf %add3A_131, %broadcast_in_dim3A_159 : vector<1x64xf32>
    %add3A_161 = vector.broadcast %dot_general3A_112 : vector<1x64xf32> to vector<512x64xf32>
    %add3A_162 = arith.addf %add3A_156, %add3A_161 : vector<512x64xf32>
    %slice3A_163 = vector.extract_strided_slice %convert_element_type3A_63 {offsets = [512, 0], sizes = [512, 64], strides = [1, 1]} : vector<2048x64xf32> to vector<512x64xf32>
    %mul3A_164 = arith.mulf %slice3A_163, %add3A_162 : vector<512x64xf32>
    %reduce_sum3A_165 = arith.constant dense<0.000000e+00> : vector<512xf32>
    %reduce_sum3A_166 = vector.multi_reduction <add>, %mul3A_164, %reduce_sum3A_165 [1] : vector<512x64xf32> to vector<512xf32>
    %broadcast_in_dim3A_167 = vector.shape_cast %reduce_sum3A_166 : vector<512xf32> to vector<512x1xf32>
    %convert_element_type3A_168 = arith.fptosi %broadcast_in_dim3A_167 : vector<512x1xf32> to vector<512x1xi32>
    %swap3A_169 = arith.constant 512 : index
    %swap3A_170 = arith.constant 0 : index
    %swap3A_171 = vector.load %arg3[%swap3A_169, %swap3A_170] : memref<2048x1xi32, #tpu.memory_space<vmem>>, vector<512x1xi32>
    tpu.vector_store %arg3[%swap3A_169, %swap3A_170], %convert_element_type3A_168 {strides = array<i32>} : memref<2048x1xi32, #tpu.memory_space<vmem>>, vector<512x1xi32>,
    %slice3A_172 = vector.extract_strided_slice %convert_element_type3A_67 {offsets = [512, 0], sizes = [512, 64], strides = [1, 1]} : vector<2048x64xf32> to vector<512x64xf32>
    %mul3A_173 = arith.mulf %slice3A_172, %add3A_162 : vector<512x64xf32>
    %reduce_sum3A_174 = arith.constant dense<0.000000e+00> : vector<512xf32>
    %reduce_sum3A_175 = vector.multi_reduction <add>, %mul3A_173, %reduce_sum3A_174 [1] : vector<512x64xf32> to vector<512xf32>
    %broadcast_in_dim3A_176 = vector.shape_cast %reduce_sum3A_175 : vector<512xf32> to vector<512x1xf32>
    %convert_element_type3A_177 = arith.fptosi %broadcast_in_dim3A_176 : vector<512x1xf32> to vector<512x1xi32>
    %swap3A_178 = arith.constant 512 : index
    %swap3A_179 = arith.constant 0 : index
    %swap3A_180 = vector.load %arg4[%swap3A_178, %swap3A_179] : memref<2048x1xi32, #tpu.memory_space<vmem>>, vector<512x1xi32>
    tpu.vector_store %arg4[%swap3A_178, %swap3A_179], %convert_element_type3A_177 {strides = array<i32>} : memref<2048x1xi32, #tpu.memory_space<vmem>>, vector<512x1xi32>,
    %slice3A_181 = vector.extract_strided_slice %add3A_68 {offsets = [1024, 0], sizes = [512, 64], strides = [1, 1]} : vector<2048x64xf32> to vector<512x64xf32>
    %dot_general3A_182 = arith.constant dense<0.000000e+00> : vector<512x64xf32>
    %dot_general3A_183 = tpu.matmul %convert_element_type3A_120, %slice3A_181, %dot_general3A_182 {dimension_numbers = #tpu.dot_dimension_numbers<[1], [0], [0], [1], [0, 0, 1, 1], [], []>, transpose_lhs_hint = false} : vector<512x512xf32>, vector<512x64xf32>, vector<512x64xf32> -> vector<512x64xf32>
    %add3A_184 = vector.broadcast %add3A_160 : vector<1x64xf32> to vector<512x64xf32>
    %add3A_185 = arith.addf %dot_general3A_183, %add3A_184 : vector<512x64xf32>
    %reduce_sum3A_186 = arith.constant dense<0.000000e+00> : vector<64xf32>
    %reduce_sum3A_187 = vector.multi_reduction <add>, %slice3A_181, %reduce_sum3A_186 [0] : vector<512x64xf32> to vector<64xf32>
    %broadcast_in_dim3A_188 = vector.shape_cast %reduce_sum3A_187 : vector<64xf32> to vector<1x64xf32>
    %add3A_189 = arith.addf %add3A_160, %broadcast_in_dim3A_188 : vector<1x64xf32>
    %add3A_190 = vector.broadcast %dot_general3A_112 : vector<1x64xf32> to vector<512x64xf32>
    %add3A_191 = arith.addf %add3A_185, %add3A_190 : vector<512x64xf32>
    %slice3A_192 = vector.extract_strided_slice %convert_element_type3A_63 {offsets = [1024, 0], sizes = [512, 64], strides = [1, 1]} : vector<2048x64xf32> to vector<512x64xf32>
    %mul3A_193 = arith.mulf %slice3A_192, %add3A_191 : vector<512x64xf32>
    %reduce_sum3A_194 = arith.constant dense<0.000000e+00> : vector<512xf32>
    %reduce_sum3A_195 = vector.multi_reduction <add>, %mul3A_193, %reduce_sum3A_194 [1] : vector<512x64xf32> to vector<512xf32>
    %broadcast_in_dim3A_196 = vector.shape_cast %reduce_sum3A_195 : vector<512xf32> to vector<512x1xf32>
    %convert_element_type3A_197 = arith.fptosi %broadcast_in_dim3A_196 : vector<512x1xf32> to vector<512x1xi32>
    %swap3A_198 = arith.constant 1024 : index
    %swap3A_199 = arith.constant 0 : index
    %swap3A_200 = vector.load %arg3[%swap3A_198, %swap3A_199] : memref<2048x1xi32, #tpu.memory_space<vmem>>, vector<512x1xi32>
    tpu.vector_store %arg3[%swap3A_198, %swap3A_199], %convert_element_type3A_197 {strides = array<i32>} : memref<2048x1xi32, #tpu.memory_space<vmem>>, vector<512x1xi32>,
    %slice3A_201 = vector.extract_strided_slice %convert_element_type3A_67 {offsets = [1024, 0], sizes = [512, 64], strides = [1, 1]} : vector<2048x64xf32> to vector<512x64xf32>
    %mul3A_202 = arith.mulf %slice3A_201, %add3A_191 : vector<512x64xf32>
    %reduce_sum3A_203 = arith.constant dense<0.000000e+00> : vector<512xf32>
    %reduce_sum3A_204 = vector.multi_reduction <add>, %mul3A_202, %reduce_sum3A_203 [1] : vector<512x64xf32> to vector<512xf32>
    %broadcast_in_dim3A_205 = vector.shape_cast %reduce_sum3A_204 : vector<512xf32> to vector<512x1xf32>
    %convert_element_type3A_206 = arith.fptosi %broadcast_in_dim3A_205 : vector<512x1xf32> to vector<512x1xi32>
    %swap3A_207 = arith.constant 1024 : index
    %swap3A_208 = arith.constant 0 : index
    %swap3A_209 = vector.load %arg4[%swap3A_207, %swap3A_208] : memref<2048x1xi32, #tpu.memory_space<vmem>>, vector<512x1xi32>
    tpu.vector_store %arg4[%swap3A_207, %swap3A_208], %convert_element_type3A_206 {strides = array<i32>} : memref<2048x1xi32, #tpu.memory_space<vmem>>, vector<512x1xi32>,
    %slice3A_210 = vector.extract_strided_slice %add3A_68 {offsets = [1536, 0], sizes = [512, 64], strides = [1, 1]} : vector<2048x64xf32> to vector<512x64xf32>
    %dot_general3A_211 = arith.constant dense<0.000000e+00> : vector<512x64xf32>
    %dot_general3A_212 = tpu.matmul %convert_element_type3A_120, %slice3A_210, %dot_general3A_211 {dimension_numbers = #tpu.dot_dimension_numbers<[1], [0], [0], [1], [0, 0, 1, 1], [], []>, transpose_lhs_hint = false} : vector<512x512xf32>, vector<512x64xf32>, vector<512x64xf32> -> vector<512x64xf32>
    %add3A_213 = vector.broadcast %add3A_189 : vector<1x64xf32> to vector<512x64xf32>
    %add3A_214 = arith.addf %dot_general3A_212, %add3A_213 : vector<512x64xf32>
    %add3A_215 = vector.broadcast %dot_general3A_112 : vector<1x64xf32> to vector<512x64xf32>
    %add3A_216 = arith.addf %add3A_214, %add3A_215 : vector<512x64xf32>
    %slice3A_217 = vector.extract_strided_slice %convert_element_type3A_63 {offsets = [1536, 0], sizes = [512, 64], strides = [1, 1]} : vector<2048x64xf32> to vector<512x64xf32>
    %mul3A_218 = arith.mulf %slice3A_217, %add3A_216 : vector<512x64xf32>
    %reduce_sum3A_219 = arith.constant dense<0.000000e+00> : vector<512xf32>
    %reduce_sum3A_220 = vector.multi_reduction <add>, %mul3A_218, %reduce_sum3A_219 [1] : vector<512x64xf32> to vector<512xf32>
    %broadcast_in_dim3A_221 = vector.shape_cast %reduce_sum3A_220 : vector<512xf32> to vector<512x1xf32>
    %convert_element_type3A_222 = arith.fptosi %broadcast_in_dim3A_221 : vector<512x1xf32> to vector<512x1xi32>
    %swap3A_223 = arith.constant 1536 : index
    %swap3A_224 = arith.constant 0 : index
    %swap3A_225 = vector.load %arg3[%swap3A_223, %swap3A_224] : memref<2048x1xi32, #tpu.memory_space<vmem>>, vector<512x1xi32>
    tpu.vector_store %arg3[%swap3A_223, %swap3A_224], %convert_element_type3A_222 {strides = array<i32>} : memref<2048x1xi32, #tpu.memory_space<vmem>>, vector<512x1xi32>,
    %slice3A_226 = vector.extract_strided_slice %convert_element_type3A_67 {offsets = [1536, 0], sizes = [512, 64], strides = [1, 1]} : vector<2048x64xf32> to vector<512x64xf32>
    %mul3A_227 = arith.mulf %slice3A_226, %add3A_216 : vector<512x64xf32>
    %reduce_sum3A_228 = arith.constant dense<0.000000e+00> : vector<512xf32>
    %reduce_sum3A_229 = vector.multi_reduction <add>, %mul3A_227, %reduce_sum3A_228 [1] : vector<512x64xf32> to vector<512xf32>
    %broadcast_in_dim3A_230 = vector.shape_cast %reduce_sum3A_229 : vector<512xf32> to vector<512x1xf32>
    %convert_element_type3A_231 = arith.fptosi %broadcast_in_dim3A_230 : vector<512x1xf32> to vector<512x1xi32>
    %swap3A_232 = arith.constant 1536 : index
    %swap3A_233 = arith.constant 0 : index
    %swap3A_234 = vector.load %arg4[%swap3A_232, %swap3A_233] : memref<2048x1xi32, #tpu.memory_space<vmem>>, vector<512x1xi32>
    tpu.vector_store %arg4[%swap3A_232, %swap3A_233], %convert_element_type3A_231 {strides = array<i32>} : memref<2048x1xi32, #tpu.memory_space<vmem>>, vector<512x1xi32>,
    %iota3A_235 = tpu.iota {dimensions = array<i32: 0>} : vector<96x1xi32>
    %mul3A_236 = arith.constant 128 : i32
    %mul3A_237 = vector.broadcast %mul3A_236 : i32 to vector<96x1xi32>
    %mul3A_238 = arith.muli %iota3A_235, %mul3A_237 : vector<96x1xi32>
    %convert_element_type3A_239 = arith.sitofp %mul3A_238 : vector<96x1xi32> to vector<96x1xf32>
    %sub3A_240 = arith.constant 1.000000e+00 : f32
    %sub3A_241 = vector.broadcast %sub3A_240 : f32 to vector<1x1xf32>
    %sub3A_242 = arith.subf %broadcast_in_dim3A_115, %sub3A_241 : vector<1x1xf32>
    %min3A = vector.broadcast %sub3A_242 : vector<1x1xf32> to vector<96x1xf32>
    %min3A_243 = arith.minimumf %convert_element_type3A_239, %min3A : vector<96x1xf32>
    %le3A = vector.broadcast %dot_general3A_112 : vector<1x64xf32> to vector<96x64xf32>
    %le3A_244 = vector.broadcast %min3A_243 : vector<96x1xf32> to vector<96x64xf32>
    %le3A_245 = arith.cmpf ole, %le3A, %le3A_244 : vector<96x64xf32>
    %convert_element_type3A_246 = arith.extui %le3A_245 : vector<96x64xi1> to vector<96x64xi32>
    %reduce_sum3A_247 = arith.constant dense<0> : vector<96xi32>
    %reduce_sum3A_248 = vector.multi_reduction <add>, %convert_element_type3A_246, %reduce_sum3A_247 [1] : vector<96x64xi32> to vector<96xi32>
    %broadcast_in_dim3A_249 = vector.shape_cast %reduce_sum3A_248 : vector<96xi32> to vector<96x1xi32>
    %sub3A_250 = arith.constant 1 : i32
    %sub3A_251 = vector.broadcast %sub3A_250 : i32 to vector<96x1xi32>
    %sub3A_252 = arith.subi %broadcast_in_dim3A_249, %sub3A_251 : vector<96x1xi32>
    %swap3A_253 = arith.constant 0 : index
    %swap3A_254 = arith.constant 0 : index
    %swap3A_255 = vector.load %arg6[%swap3A_253, %swap3A_254] : memref<96x1xi32, #tpu.memory_space<vmem>>, vector<96x1xi32>
    tpu.vector_store %arg6[%swap3A_253, %swap3A_254], %sub3A_252 {strides = array<i32>} : memref<96x1xi32, #tpu.memory_space<vmem>>, vector<96x1xi32>,
    %convert_element_type3A_256 = arith.fptosi %broadcast_in_dim3A_115 : vector<1x1xf32> to vector<1x1xi32>
    %jit3A_257 = arith.constant 128 : i32
    %div3A_258 = vector.broadcast %jit3A_257 : i32 to vector<1x1xi32>
    %div3A_259 = arith.divsi %convert_element_type3A_256, %div3A_258 : vector<1x1xi32>
    %sign3A_260 = arith.constant 0 : i32
    %sign3A_261 = vector.broadcast %sign3A_260 : i32 to vector<1x1xi32>
    %sign3A_262 = arith.cmpi sgt, %convert_element_type3A_256, %sign3A_261 : vector<1x1xi32>
    %sign3A_263 = arith.extui %sign3A_262 : vector<1x1xi1> to vector<1x1xi32>
    %sign3A_264 = arith.constant 0 : i32
    %sign3A_265 = vector.broadcast %sign3A_264 : i32 to vector<1x1xi32>
    %sign3A_266 = arith.cmpi slt, %convert_element_type3A_256, %sign3A_265 : vector<1x1xi32>
    %sign3A_267 = arith.extui %sign3A_266 : vector<1x1xi1> to vector<1x1xi32>
    %sign3A_268 = arith.subi %sign3A_263, %sign3A_267 : vector<1x1xi32>
    %sign3A_269 = arith.constant 0 : i32
    %sign3A_270 = arith.cmpi sgt, %jit3A_257, %sign3A_269 : i32
    %sign3A_271 = arith.extui %sign3A_270 : i1 to i32
    %sign3A_272 = arith.constant 0 : i32
    %sign3A_273 = arith.cmpi slt, %jit3A_257, %sign3A_272 : i32
    %sign3A_274 = arith.extui %sign3A_273 : i1 to i32
    %sign3A_275 = arith.subi %sign3A_271, %sign3A_274 : i32
    %ne3A_276 = vector.broadcast %sign3A_275 : i32 to vector<1x1xi32>
    %ne3A_277 = arith.cmpi ne, %sign3A_268, %ne3A_276 : vector<1x1xi32>
    %rem3A_278 = vector.broadcast %jit3A_257 : i32 to vector<1x1xi32>
    %rem3A_279 = arith.remsi %convert_element_type3A_256, %rem3A_278 : vector<1x1xi32>
    %ne3A_280 = arith.constant 0 : i32
    %ne3A_281 = vector.broadcast %ne3A_280 : i32 to vector<1x1xi32>
    %ne3A_282 = arith.cmpi ne, %rem3A_279, %ne3A_281 : vector<1x1xi32>
    %and3A_283 = arith.andi %ne3A_277, %ne3A_282 : vector<1x1xi1>
    %sub3A_284 = arith.constant 1 : i32
    %sub3A_285 = vector.broadcast %sub3A_284 : i32 to vector<1x1xi32>
    %sub3A_286 = arith.subi %div3A_259, %sub3A_285 : vector<1x1xi32>
    %select_n3A_287 = arith.select %and3A_283, %sub3A_286, %div3A_259 : vector<1x1xi1>, vector<1x1xi32>
    %swap3A_288 = arith.constant 0 : index
    %swap3A_289 = arith.constant 0 : index
    %swap3A_290 = vector.load %arg7[%swap3A_288, %swap3A_289] : memref<1x1xi32, #tpu.memory_space<vmem>>, vector<1x1xi32>
    tpu.vector_store %arg7[%swap3A_288, %swap3A_289], %select_n3A_287 {strides = array<i32>} : memref<1x1xi32, #tpu.memory_space<vmem>>, vector<1x1xi32>,
    return
  }
}

module attributes {stable_mosaic.version = 14 : i64} {
  func.func @_gemm_body(%arg0: i32, %arg1: memref<96xi32, #tpu.memory_space<smem>>, %arg2: memref<1xi32, #tpu.memory_space<smem>>, %arg3: memref<128x512xi32, #tpu.memory_space<vmem>>, %arg4: memref<1x512x1024xf32, #tpu.memory_space<vmem>>, %arg5: memref<1x512x1024xf32, #tpu.memory_space<vmem>>, %arg6: memref<1x1024x512xf32, #tpu.memory_space<vmem>>, %arg7: memref<128x512xi32, #tpu.memory_space<vmem>>) attributes {dimension_semantics = [#tpu.dimension_semantics<arbitrary>], iteration_bounds = array<i64: 96>, scalar_prefetch = 2 : i64, scratch_operands = 0 : i64, tpu.core_type = #tpu.core_type<tc>, window_params = [{transform_indices = @transform_0, window_bounds = array<i64: 128, 512>}, {transform_indices = @transform_1, window_bounds = array<i64: 1, 512, 1024>}, {transform_indices = @transform_2, window_bounds = array<i64: 1, 512, 1024>}, {transform_indices = @transform_3, window_bounds = array<i64: 1, 1024, 512>}, {transform_indices = @transform_4, window_bounds = array<i64: 128, 512>}]} {
    %get3A = arith.constant 0 : index
    %get3A_0 = memref.load %arg2[%get3A] : memref<1xi32, #tpu.memory_space<smem>>
    %lt3A = arith.cmpi slt, %arg0, %get3A_0 : i32
    %convert_element_type3A = arith.extui %lt3A : i1 to i32
    %cond3A = arith.constant 0 : i32
    %cond3A_1 = arith.cmpi ne, %convert_element_type3A, %cond3A : i32
    scf.if %cond3A_1 {
      %get3A_2 = arith.constant 0 : index
      %get3A_3 = arith.constant 0 : index
      %get3A_4 = vector.load %arg3[%get3A_2, %get3A_3] : memref<128x512xi32, #tpu.memory_space<vmem>>, vector<128x512xi32>
      %convert_element_type3A_5 = arith.trunci %get3A_4 : vector<128x512xi32> to vector<128x512xi16>
      %bitcast_convert_type3A = tpu.bitcast %convert_element_type3A_5 : vector<128x512xi16> -> vector<128x512xbf16>
      %convert_element_type3A_6 = arith.extf %bitcast_convert_type3A : vector<128x512xbf16> to vector<128x512xf32>
      %shift_right_arithmetic3A = arith.constant 16 : i32
      %shift_right_arithmetic3A_7 = vector.broadcast %shift_right_arithmetic3A : i32 to vector<128x512xi32>
      %shift_right_arithmetic3A_8 = arith.shrsi %get3A_4, %shift_right_arithmetic3A_7 : vector<128x512xi32>
      %convert_element_type3A_9 = arith.trunci %shift_right_arithmetic3A_8 : vector<128x512xi32> to vector<128x512xi16>
      %bitcast_convert_type3A_10 = tpu.bitcast %convert_element_type3A_9 : vector<128x512xi16> -> vector<128x512xbf16>
      %convert_element_type3A_11 = arith.extf %bitcast_convert_type3A_10 : vector<128x512xbf16> to vector<128x512xf32>
      %concatenate3A = tpu.concatenate %convert_element_type3A_6, %convert_element_type3A_11 in 1 : vector<128x512xf32>, vector<128x512xf32> -> vector<128x1024xf32>
      %get3A_12 = arith.constant 0 : index
      %get3A_13 = arith.constant 0 : index
      %get3A_14 = arith.constant 0 : index
      %get3A_15 = vector.load %arg4[%get3A_12, %get3A_13, %get3A_14] : memref<1x512x1024xf32, #tpu.memory_space<vmem>>, vector<1x512x1024xf32>
      %get3A_16 = vector.shape_cast %get3A_15 : vector<1x512x1024xf32> to vector<512x1024xf32>
      %dot_general3A = arith.constant dense<0.000000e+00> : vector<128x512xf32>
      %dot_general3A_17 = tpu.matmul %concatenate3A, %get3A_16, %dot_general3A {dimension_numbers = #tpu.dot_dimension_numbers<[1], [1], [0], [0], [0, 0, 1, 0], [], []>, transpose_lhs_hint = false} : vector<128x1024xf32>, vector<512x1024xf32>, vector<128x512xf32> -> vector<128x512xf32>
      %get3A_18 = arith.constant 0 : index
      %get3A_19 = arith.constant 0 : index
      %get3A_20 = arith.constant 0 : index
      %get3A_21 = vector.load %arg5[%get3A_18, %get3A_19, %get3A_20] : memref<1x512x1024xf32, #tpu.memory_space<vmem>>, vector<1x512x1024xf32>
      %get3A_22 = vector.shape_cast %get3A_21 : vector<1x512x1024xf32> to vector<512x1024xf32>
      %dot_general3A_23 = arith.constant dense<0.000000e+00> : vector<128x512xf32>
      %dot_general3A_24 = tpu.matmul %concatenate3A, %get3A_22, %dot_general3A_23 {dimension_numbers = #tpu.dot_dimension_numbers<[1], [1], [0], [0], [0, 0, 1, 0], [], []>, transpose_lhs_hint = false} : vector<128x1024xf32>, vector<512x1024xf32>, vector<128x512xf32> -> vector<128x512xf32>
      %neg3A = arith.constant 0.000000e+00 : f32
      %neg3A_25 = vector.broadcast %neg3A : f32 to vector<128x512xf32>
      %neg3A_26 = arith.subf %neg3A_25, %dot_general3A_17 : vector<128x512xf32>
      %exp3A = math.exp %neg3A_26 : vector<128x512xf32>
      %add3A = arith.constant 1.000000e+00 : f32
      %add3A_27 = vector.broadcast %add3A : f32 to vector<128x512xf32>
      %add3A_28 = arith.addf %add3A_27, %exp3A : vector<128x512xf32>
      %div3A = arith.constant 1.000000e+00 : f32
      %div3A_29 = vector.broadcast %div3A : f32 to vector<128x512xf32>
      %div3A_30 = arith.divf %div3A_29, %add3A_28 : vector<128x512xf32>
      %mul3A = arith.mulf %dot_general3A_17, %div3A_30 : vector<128x512xf32>
      %mul3A_31 = arith.mulf %mul3A, %dot_general3A_24 : vector<128x512xf32>
      %get3A_32 = arith.constant 0 : index
      %get3A_33 = arith.constant 0 : index
      %get3A_34 = arith.constant 0 : index
      %get3A_35 = vector.load %arg6[%get3A_32, %get3A_33, %get3A_34] : memref<1x1024x512xf32, #tpu.memory_space<vmem>>, vector<1x1024x512xf32>
      %get3A_36 = vector.shape_cast %get3A_35 : vector<1x1024x512xf32> to vector<1024x512xf32>
      %dot_general3A_37 = arith.constant dense<0.000000e+00> : vector<128x1024xf32>
      %dot_general3A_38 = tpu.matmul %mul3A_31, %get3A_36, %dot_general3A_37 {dimension_numbers = #tpu.dot_dimension_numbers<[1], [1], [0], [0], [0, 0, 1, 0], [], []>, transpose_lhs_hint = false} : vector<128x512xf32>, vector<1024x512xf32>, vector<128x1024xf32> -> vector<128x1024xf32>
      %slice3A = vector.extract_strided_slice %dot_general3A_38 {offsets = [0, 0], sizes = [128, 512], strides = [1, 1]} : vector<128x1024xf32> to vector<128x512xf32>
      %convert_element_type3A_39 = arith.truncf %slice3A : vector<128x512xf32> to vector<128x512xbf16>
      %bitcast_convert_type3A_40 = tpu.bitcast %convert_element_type3A_39 : vector<128x512xbf16> -> vector<128x512xi16>
      %convert_element_type3A_41 = arith.extsi %bitcast_convert_type3A_40 : vector<128x512xi16> to vector<128x512xi32>
      %slice3A_42 = vector.extract_strided_slice %dot_general3A_38 {offsets = [0, 512], sizes = [128, 512], strides = [1, 1]} : vector<128x1024xf32> to vector<128x512xf32>
      %convert_element_type3A_43 = arith.truncf %slice3A_42 : vector<128x512xf32> to vector<128x512xbf16>
      %bitcast_convert_type3A_44 = tpu.bitcast %convert_element_type3A_43 : vector<128x512xbf16> -> vector<128x512xi16>
      %convert_element_type3A_45 = arith.extsi %bitcast_convert_type3A_44 : vector<128x512xi16> to vector<128x512xi32>
      %and3A = arith.constant 65535 : i32
      %and3A_46 = vector.broadcast %and3A : i32 to vector<128x512xi32>
      %and3A_47 = arith.andi %convert_element_type3A_41, %and3A_46 : vector<128x512xi32>
      %shift_left3A = arith.constant 16 : i32
      %shift_left3A_48 = vector.broadcast %shift_left3A : i32 to vector<128x512xi32>
      %shift_left3A_49 = arith.shli %convert_element_type3A_45, %shift_left3A_48 : vector<128x512xi32>
      %or3A = arith.ori %and3A_47, %shift_left3A_49 : vector<128x512xi32>
      %swap3A = arith.constant 0 : index
      %swap3A_50 = arith.constant 0 : index
      %swap3A_51 = vector.load %arg7[%swap3A, %swap3A_50] : memref<128x512xi32, #tpu.memory_space<vmem>>, vector<128x512xi32>
      tpu.vector_store %arg7[%swap3A, %swap3A_50], %or3A {strides = array<i32>} : memref<128x512xi32, #tpu.memory_space<vmem>>, vector<128x512xi32>,
    } else {
    }
    return
  }
  func.func @transform_0(%arg0: i32, %arg1: memref<96xi32, #tpu.memory_space<smem>>, %arg2: memref<1xi32, #tpu.memory_space<smem>>) -> (i32, i32) {
    %get3A = arith.constant 0 : index
    %get3A_0 = memref.load %arg2[%get3A] : memref<1xi32, #tpu.memory_space<smem>>
    %sub3A = arith.constant 1 : i32
    %sub3A_1 = arith.subi %get3A_0, %sub3A : i32
    %min3A = arith.minsi %arg0, %sub3A_1 : i32
    %c0_i32 = arith.constant 0 : i32
    %c0_i32_2 = arith.constant 0 : i32
    return %min3A, %c0_i32 : i32, i32
  }
  func.func @transform_1(%arg0: i32, %arg1: memref<96xi32, #tpu.memory_space<smem>>, %arg2: memref<1xi32, #tpu.memory_space<smem>>) -> (i32, i32, i32) {
    %get3A = arith.index_cast %arg0 : i32 to index
    %get3A_0 = memref.load %arg1[%get3A] : memref<96xi32, #tpu.memory_space<smem>>
    %c0_i32 = arith.constant 0 : i32
    %c0_i32_1 = arith.constant 0 : i32
    %c0_i32_2 = arith.constant 0 : i32
    return %get3A_0, %c0_i32, %c0_i32_1 : i32, i32, i32
  }
  func.func @transform_2(%arg0: i32, %arg1: memref<96xi32, #tpu.memory_space<smem>>, %arg2: memref<1xi32, #tpu.memory_space<smem>>) -> (i32, i32, i32) {
    %get3A = arith.index_cast %arg0 : i32 to index
    %get3A_0 = memref.load %arg1[%get3A] : memref<96xi32, #tpu.memory_space<smem>>
    %c0_i32 = arith.constant 0 : i32
    %c0_i32_1 = arith.constant 0 : i32
    %c0_i32_2 = arith.constant 0 : i32
    return %get3A_0, %c0_i32, %c0_i32_1 : i32, i32, i32
  }
  func.func @transform_3(%arg0: i32, %arg1: memref<96xi32, #tpu.memory_space<smem>>, %arg2: memref<1xi32, #tpu.memory_space<smem>>) -> (i32, i32, i32) {
    %get3A = arith.index_cast %arg0 : i32 to index
    %get3A_0 = memref.load %arg1[%get3A] : memref<96xi32, #tpu.memory_space<smem>>
    %c0_i32 = arith.constant 0 : i32
    %c0_i32_1 = arith.constant 0 : i32
    %c0_i32_2 = arith.constant 0 : i32
    return %get3A_0, %c0_i32, %c0_i32_1 : i32, i32, i32
  }
  func.func @transform_4(%arg0: i32, %arg1: memref<96xi32, #tpu.memory_space<smem>>, %arg2: memref<1xi32, #tpu.memory_space<smem>>) -> (i32, i32) {
    %get3A = arith.constant 0 : index
    %get3A_0 = memref.load %arg2[%get3A] : memref<1xi32, #tpu.memory_space<smem>>
    %lt3A = arith.cmpi slt, %arg0, %get3A_0 : i32
    %jit3A = arith.constant 95 : i32
    %select_n3A = arith.select %lt3A, %arg0, %jit3A : i32
    %c0_i32 = arith.constant 0 : i32
    %c0_i32_1 = arith.constant 0 : i32
    return %select_n3A, %c0_i32 : i32, i32
  }
}

</mosaic_0001>

<sc_bundles>
// kernel: kernel.6.cloned.1.call-start
scs
__scs_entry_jumppad:
0x0: {  	(pc) =	sbr.rel $0x88, $3  }
0x1: {  	(tag) =	ssettag $0x0;
	lr =	simm.s32 $0x1  }
0x2: {  	[smem:$0x3F9C] =	sst lr;
	_ =	strace $0xD0000000  }
0x3: {  	_ = 	snop  }
0x4: {  	_ = 	snop  }
0x5: {  	_ = 	snop  }
0x6: {  	_ = 	snop  }
0x7: {  	_ = 	snop  }
__scs_overlays_trampoline_lowered:
0x8: {  	[smem:$0x3FAB] =	sst s0  }
0x9: {  	[smem:$0x3FAC] =	sst s1  }
0xa: {  	[smem:$0x3FAD] =	sst s2  }
0xb: {  	[smem:$0x3FAE] =	sst s3  }
0xc: {  	[smem:$0x3FAF] =	sst s4  }
0xd: {  	[smem:$0x3FB0] =	sst s5  }
0xe: {  	[smem:$0x3FB1] =	sst s6  }
0xf: {  	[smem:$0x3FB2] =	sst s7  }
0x10: {  	[smem:$0x3FB3] =	sst s8  }
0x11: {  	[smem:$0x3FB4] =	sst s9;
	s0 =	simm.s32 @!p0 $0x0  }
0x12: {  	s1 =	sld [smem:$0x3F9A];
	s0 =	simm.s32 @p0 $0x1  }
0x13: {  	[smem:$0x3FB5] =	sst s0;
	s0 =	simm.s32 @!p1 $0x0  }
0x14: {  	s2 =	sld [smem:$0x3F99];
	s0 =	simm.s32 @p1 $0x1  }
0x15: {  	[smem:$0x3FB6] =	sst s0;
	s0 =	simm.s32 @!p2 $0x0  }
0x16: {  	s3 =	sld [smem:$0x3FDB];
	s0 =	simm.s32 @p2 $0x1  }
0x17: {  	s4 =	simm.s32 $0x1BF5;
	[smem:$0x3FB8] =	sst s0  }
0x18: {  	s0 =	sld [smem:$0x3F9B];
	_ =	swait.ge [sflag:s4], $0x0  }
0x19: {  	s7 =	sld [smem:$0x3F9C]  }
0x1a: {  	s8 =	sadd.s32 $0xFFFFE003, lr  }
0x1b: {  	s9 =	sadd.s32 $0xFFFFFEF7, lr;
	s5 =	simm.s32 $0xFFFFFFFF;
	p2 =	slt.u32 s8, $0xFFFFF086  }
0x1c: {  	p1 =	slt.u32 s9, $0xF7A;
	s5 =	simm.s32 @!p2 $0x0  }
0x1d: {  	s5 =	simm.s32 @p1 $0x1;
	p0 =	seq.s32 s7, s2  }
0x1e: {  	s7 =	smul.u32 @!p0 $0xF7A, s2;
	p2 =	seq.s32 @!p0 s5, $0x0  }
0x1f: {  	s9 =	smul.u32 $0xF7A, s1;
	s8 =	simm.s32 @!p0 $0x1BF5;
	p2 =	por !p2, p0  }
0x20: {  	[sflag:s8] =	ssyncset.s32 @!p0 $0xFFFFF086;
	s6 =	sadd.s32 @!p0 s3, s7;
	s7 =	simm.s32 @!p0 $0x108  }
0x21: {  	s3 =	sadd.s32 s3, s9;
	s6 =	sadd.s32 @!p0 $0x88, s6;
	s7 =	simm.s32 @p2 $0x1082  }
0x22: {  	[simem:s7], [sflag:s8] =	dma.local @!p0 [hbm:s6], $0xF7A  }
0x23: {  	s9 =	sor.u32 $0xD0000000, s2;
	s6 =	simm.s32 $0x108;
	_ =	swait.ge @!p0 [sflag:s8], $0x0  }
0x24: {  	s3 =	sadd.s32 $0x88, s3;
	s6 =	simm.s32 @!p1 $0x1082;
	[sflag:s4] =	ssyncset.s32 $0xFFFFF086  }
0x25: {  	[simem:s6], [sflag:s4] =	dma.local [hbm:s3], $0xF7A  }
0x26: {  	[smem:$0x3F9C] =	sst s1;
	(tag) =	ssettag s2;
	_ =	strace s9  }
0x27: {  	s1 =	sld [smem:$0x3FAC]  }
0x28: {  	s2 =	sld [smem:$0x3FAD]  }
0x29: {  	s4 =	sld [smem:$0x3FAF]  }
0x2a: {  	p0 =	seq.s32 s5, $0x0;
	s5 =	sld [smem:$0x3FB0]  }
0x2b: {  	s6 =	sld [smem:$0x3FB1]  }
0x2c: {  	s7 =	sld [smem:$0x3FB2]  }
0x2d: {  	s3 =	simm.s32 $0x108;
	s8 =	sld [smem:$0x3FB3]  }
0x2e: {  	s3 =	simm.s32 @!p0 $0x1082;
	s9 =	sld [smem:$0x3FB4]  }
0x2f: {  	lr =	sadd.s32 s0, s3;
	s0 =	sld [smem:$0x3FAB]  }
0x30: {  	s3 =	sld [smem:$0x3FAE]  }
0x31: {  	[smem:$0x3FB7] =	sst s10  }
0x32: {  	s10 =	sld [smem:$0x3FB5];
	_ =	sdelay $0x3  }
0x33: {  	p0 =	seq.s32 s10, $0x1;
	s10 =	sld [smem:$0x3FB7];
	_ =	sdelay $0x3  }
0x34: {  	[smem:$0x3FB7] =	sst s10  }
0x35: {  	s10 =	sld [smem:$0x3FB6];
	_ =	sdelay $0x3  }
0x36: {  	p1 =	seq.s32 s10, $0x1;
	s10 =	sld [smem:$0x3FB7];
	_ =	sdelay $0x3  }
0x37: {  	[smem:$0x3FB7] =	sst s10  }
0x38: {  	s10 =	sld [smem:$0x3FB8]  }
0x39: {  	_ = 	snop;
	(pc) =	sbr.ind lr, $3  }
0x3a: {  	_ = 	snop  }
0x3b: {  	_ = 	snop  }
0x3c: {  	p2 =	seq.s32 s10, $0x1;
	s10 =	sld [smem:$0x3FB7]  }
0x3d: {  	_ =	shalt  }
0x3e: {  	_ =	shalt  }
0x3f: {  	_ =	shalt  }
0x40: {  	_ =	shalt  }
0x41: {  	_ =	shalt  }
0x42: {  	_ =	shalt  }
0x43: {  	_ =	shalt  }
0x44: {  	_ =	shalt  }
0x45: {  	_ =	shalt  }
0x46: {  	_ =	shalt  }
0x47: {  	_ =	shalt  }
0x48: {  	_ =	shalt  }
0x49: {  	_ =	shalt  }
0x4a: {  	_ =	shalt  }
0x4b: {  	_ =	shalt  }
0x4c: {  	_ =	shalt  }
0x4d: {  	_ =	shalt  }
0x4e: {  	_ =	shalt  }
0x4f: {  	_ =	shalt  }
0x50: {  	_ =	shalt  }
0x51: {  	_ =	shalt  }
0x52: {  	_ =	shalt  }
0x53: {  	_ =	shalt  }
0x54: {  	_ =	shalt  }
0x55: {  	_ =	shalt  }
0x56: {  	_ =	shalt  }
0x57: {  	_ =	shalt  }
0x58: {  	_ =	shalt  }
0x59: {  	_ =	shalt  }
0x5a: {  	_ =	shalt  }
0x5b: {  	_ =	shalt  }
0x5c: {  	_ =	shalt  }
0x5d: {  	_ =	shalt  }
0x5e: {  	_ =	shalt  }
0x5f: {  	_ =	shalt  }
0x60: {  	_ =	shalt  }
0x61: {  	_ =	shalt  }
0x62: {  	_ =	shalt  }
0x63: {  	_ =	shalt  }
0x64: {  	_ =	shalt  }
0x65: {  	_ =	shalt  }
0x66: {  	_ =	shalt  }
0x67: {  	_ =	shalt  }
0x68: {  	_ =	shalt  }
0x69: {  	_ =	shalt  }
0x6a: {  	_ =	shalt  }
0x6b: {  	_ =	shalt  }
0x6c: {  	_ =	shalt  }
0x6d: {  	_ =	shalt  }
0x6e: {  	_ =	shalt  }
0x6f: {  	_ =	shalt  }
0x70: {  	_ =	shalt  }
0x71: {  	_ =	shalt  }
0x72: {  	_ =	shalt  }
0x73: {  	_ =	shalt  }
0x74: {  	_ =	shalt  }
0x75: {  	_ =	shalt  }
0x76: {  	_ =	shalt  }
0x77: {  	_ =	shalt  }
0x78: {  	_ =	shalt  }
0x79: {  	_ =	shalt  }
0x7a: {  	_ =	shalt  }
0x7b: {  	_ =	shalt  }
0x7c: {  	_ =	shalt  }
0x7d: {  	_ =	shalt  }
0x7e: {  	_ =	shalt  }
0x7f: {  	_ =	shalt  }
0x80: {  	_ =	shalt  }
0x81: {  	_ =	shalt  }
0x82: {  	_ =	shalt  }
0x83: {  	_ =	shalt  }
0x84: {  	_ =	shalt  }
0x85: {  	_ =	shalt  }
0x86: {  	_ =	shalt  }
0x87: {  	_ =	shalt  }
.Lfunc_end0:
.L_simem_size_0:
called_computation_lowered:
.L_overlay_start_0:
0x88: {  	s2 =	sld [smem:$0x3FD9]  }
0x89: {  	s3 =	sld [smem:$0x3FFE];
	_ =	sdelay $0x1  }
0x8a: {  	s1 =	srdreg.scid  }
0x8b: {  	s0 =	sand.u32 $0x1, s1  }
0x8c: {  	s17 =	sshll.u32 s0, $0xA;
	s2 =	sadd.s32 s3, s2  }
0x8d: {  	s2 =	sadd.s32 s2, s17  }
0x8e: {  	[smem:$0x3FC3] =	sst s2  }
0x8f: {  	_ = 	snop  }
0x90: {  	s2 =	sld [smem:$0x3FD0];
	(tm) =	ssettm $0x1  }
0x91: {  	s18 =	sld [smem:$0x3FFB];
	_ =	sdelay $0x3  }
0x92: {  	_ =	strace s18  }
0x93: {  	s3 =	sld [smem:$0x3FFC];
	_ =	sdelay $0x3  }
0x94: {  	_ =	strace s3  }
0x95: {  	s3 =	sld [smem:$0x3FFD];
	_ =	sdelay $0x3  }
0x96: {  	_ =	strace s3  }
0x97: {  	_ =	strace $0x8FFFFFFF  }
0x98: {  	s19 =	sld [smem:$0x3FDB];
	_ =	sdelay $0x1  }
0x99: {  	s4 =	simm.s32 $_scs_section_size  }
0x9a: {  	s5 =	simm.s32 $_size__tile_overlayer_lowered;
	s6 =	simm.s32 $_tile_overlayer_lowered  }
0x9b: {  	s22 =	simm.s32 $0x1BFF;
	s21 =	sshll.u32 s6, $0x1;
	s3 =	sadd.s32 s4, s19  }
0x9c: {  	s7 =	simm.s32 $0x0;
	s20 =	sshll.u32 s5, $0x1;
	s5 =	sadd.s32 s21, s3  }
0x9d: {  	[timem:s7], [sflag:s22] =	dma.local [hbm:s5], s20  }
0x9e: {  	_ =	swait.ge [sflag:s22], s20  }
0x9f: {  	s4 =	ssub.s32 $0x0, s20;
	[sflag:s22] =	ssyncset.done $0x0  }
0xa0: {  	[sflag:s22] =	ssyncadd.s32 s4;
	_ =	sdelay $0x1  }
0xa1: {  	s23 =	simm.s32 $0x1B8B  }
0xa2: {  	_ =	swait.ge [sflag:s23], $0x1  }
0xa3: {  	[sflag:s23] =	ssyncset.done $0x0  }
0xa4: {  	s25 =	simm.s32 $0x1B8E;
	s24 =	sld [smem:$0x3FFE];
	[sflag:s23] =	ssyncadd.s32 $0xFFFFFFFF  }
0xa5: {  	s26 =	simm.s32 $execute0_lowered;
	[smem:$0x3FD2] =	sst s25  }
0xa6: {  	s5 =	sshll.u32 s26, $0x1;
	_ =	strace $0x80000046;
	[dreg:$0x1] =	wrdreg $0xFFFFFFFF  }
0xa7: {  	s28 =	simm.s32 $_size_execute0_lowered;
	s3 =	sadd.s32 s3, s5;
	[dreg:$0x0] =	wrdreg $0x0  }
0xa8: {  	s5 =	sshll.u32 s28, $0x1;
	[dreg:$0x2] =	wrdreg s3  }
0xa9: {  	[dreg:$0x3] =	wrdreg s5  }
0xaa: {  	[dreg:$0x4] =	wrdreg $0xC0  }
0xab: {  	_ =	task [dreg:s7], $0x5FFFF  }
0xac: {  	[dreg:$0x1] =	wrdreg $0xFFFFFFFF  }
0xad: {  	[dreg:$0x0] =	wrdreg $0x60  }
0xae: {  	[dreg:$0x2] =	wrdreg s2  }
0xaf: {  	[dreg:$0x3] =	wrdreg s24  }
0xb0: {  	[dreg:$0x4] =	wrdreg $0x9  }
0xb1: {  	_ =	task.clear_ibuf [dreg:s7], $0x5FFFF;
	_ =	strace $0x90000046  }
0xb2: {  	s29 =	simm.s32 $0x9;
	_ =	strace $0x80000048  }
0xb3: {  	_ =	swait.ge [sflag:s29], $0x1  }
0xb4: {  	[sflag:s29] =	ssyncadd.s32 $0xFFFFFFFF  }
0xb5: {  	_ =	strace $0x90000048  }
0xb6: {  	_ =	sfence  }
0xb7: {  	s30 =	sld [smem:$0x0];
	_ =	sdelay $0x2  }
0xb8: {  	s31 =	sshll.u32 s1, $0xD;
	s1 =	sshrl.u32 s1, $0x2  }
0xb9: {  	s3 =	sand.u32 $0x4000, s31;
	s1 =	sadd.s32 s1, s30  }
0xba: {  	s0 =	sor.u32 s3, s0;
	s1 =	sshll.u32 s1, $0x11  }
0xbb: {  	s0 =	sor.u32 s1, s0  }
0xbc: {  	s0 =	sadd.s32 $0x8F2B, s0  }
0xbd: {  	[sflag:s0] =	ssyncadd.remote.s32 $0x1  }
0xbe: {  	_ =	sfence.sel $0xFFFF  }
0xbf: {  	[dreg:$0x0] =	wrdreg $0xFFFFFFFF;
	(pc) =	sbr.abs _section_cstart, $3  }
0xc0: {  	[dreg:$0x1] =	wrdreg $0xFFFFFFFF  }
0xc1: {  	_ =	task.clear_ibuf [dreg:s7], $0x2FFFF;
	_ =	strace $0x9FFFFFFF  }
0xc2: {  	(tm) =	ssettm $0x7FFFFFFF  }
0xc3: {  	_ =	shalt  }
tec
execute0_lowered:
.L_overlay_start_1:
0x0: {  	(tag) =	ssettag $0x1  }
0x1: {  	s1 =	srdreg.scid;
	s6 =	rddreg [dreg:$0x0]  }
0x2: {  	s0 =	stileid.u32;
	s7 =	rddreg [dreg:$0x1]  }
0x3: {  	s2 =	simm.s32 $0x0;
	s10 =	simm.s32 $0x80;
	s11 =	simm.s32 $0x100  }
0x4: {  	s12 =	simm.s32 $0x900;
	s13 =	simm.s32 $0x1100;
	s14 =	simm.s32 $0x1900  }
0x5: {  	s15 =	simm.s32 $0x2100;
	s16 =	simm.s32 $0x2900;
	s17 =	simm.s32 $0x3100  }
0x6: {  	s18 =	simm.s32 $0x3900;
	s19 =	simm.s32 $0x4100;
	s20 =	simm.s32 $0x4900  }
0x7: {  	s21 =	simm.s32 $0x5100;
	s22 =	simm.s32 $0x5900;
	s23 =	simm.s32 $0x6100  }
0x8: {  	s24 =	simm.s32 $0x6900;
	s25 =	simm.s32 $0x7100;
	s26 =	simm.s32 $0x7900  }
0x9: {  	s28 =	simm.s32 $0x1;
	s3 =	sand.u32 $0x1, s1;
	s1 =	rddreg [dreg:$0x2]  }
0xa: {  	s4 =	sshll.u32 s0, $0x7;
	[smem:$0x7FF] =	sst s2;
	s5 =	sshll.u32 s3, $0x6  }
0xb: {  	s8 =	ssub.s32 $0x2, s3;
	_ =	strace $0x80000047;
	s4 =	sor.u32 s5, s4  }
0xc: {  	s3 =	sadd.s32 $0x800, s7;
	s9 =	sshrl.u32 s8, $0x1;
	s5 =	sshrl.u32 s4, $0x3  }
0xd: {  	v2 =	vlaneseq.u32;
	s8 =	ssub.s32 s8, s9;
	s31 =	sshll.u32 s4, $0x6;
	s9 =	simm.s32 $0x2  }
0xe: {  	vm0 =	vmmov $0xffff;
	v1 =	vshrl.u32 v2, $0x3;
	s5 =	sadd.s32 s5, s7;
	s6 =	sadd.s32 s6, s31;
	s7 =	sadd.s32 $0x900, s7  }
0xf: {  	v0 =	vand.u32 $0x7, v2;
	v2 =	vor.u32 $0x8, v2;
	v1 =	vmul.u32 $0x8, v1;
	s8 =	smax.u32 s8, $0x1;
	s4 =	sadd.s32 $0x400, s5;
	s5 =	sadd.s32 $0x600, s5  }
.LBB2_1:
0x10: {  	[tilespmem:s2], [sflag:$0x2] =	stream.linear.gather [hbm4b:s4+s2], $0x40, $0x38;
	[tilespmem:$0x8100] =	vst v63  }
0x11: {  	_ =	swait.ge [sflag:s9], $0x40  }
0x12: {  	[sflag:s9] =	ssyncset.done $0x0  }
0x13: {  	[sflag:s9] =	ssyncadd.s32 $0xFFFFFFC0  }
0x14: {  	[tilespmem:s10], [sflag:$0x2] =	stream.linear.gather [hbm4b:s5+s2], $0x40, $0x38;
	[tilespmem:$0x8100] =	vst v63  }
0x15: {  	_ =	swait.ge [sflag:s9], $0x40  }
0x16: {  	[sflag:s9] =	ssyncset.done $0x0  }
0x17: {  	[sflag:s9] =	ssyncadd.s32 $0xFFFFFFC0  }
0x18: {  	[tilespmem:s11], [sflag:$0x2] =	stream.linear.gather [hbm4b:s6+s2], $0x8000, $0x38;
	[tilespmem:$0x8100] =	vst v63  }
0x19: {  	_ =	swait.ge [sflag:s9], $0x8000  }
0x1a: {  	[sflag:s9] =	ssyncset.done $0x0  }
0x1b: {  	[sflag:s9] =	ssyncadd.s32 $0xFFFF8000  }
0x1c: {  	v3 =	vld [tilespmem:$0x0];
	_ =	sdelay $0x4  }
0x1d: {  	v4 =	vshll.u32 v3, $0x2  }
0x1e: {  	v3 =	vand.u32 $0x7, v3;
	v4 =	vand.u32 $0xFFFFFFE0, v4  }
0x1f: {  	v3 =	vor.u32 v3, v4  }
0x20: {  	v4 =	vperm.xlane v3, v0;
	_ =	sdelay $0x1  }
0x21: {  	v4 =	vadd.s32 v1, v4;
	_ =	sdelay $0x1  }
0x22: {  	v3 =	vperm.xlane v3, v2;
	_ =	sdelay $0x1  }
0x23: {  	v3 =	vadd.s32 v1, v3  }
0x24: {  	[hbm4b:s3+s2] =	stream.indirect_vreg.scatter [tilespmem:s11], [sflag:$0x1], $0x80, v4, vm0, $0xb8;
	[tilespmem:$0x8100] =	vst v63  }
0x25: {  	_ = 	snop  }
0x26: {  	[hbm4b:s7+s2] =	stream.indirect_vreg.scatter [tilespmem:s12], [sflag:$0x1], $0x80, v4, vm0, $0xb8;
	[tilespmem:$0x8100] =	vst v63  }
0x27: {  	_ = 	snop  }
0x28: {  	[hbm4b:s3+s2] =	stream.indirect_vreg.scatter [tilespmem:s13], [sflag:$0x1], $0x80, v3, vm0, $0xb8;
	[tilespmem:$0x8100] =	vst v63  }
0x29: {  	_ = 	snop  }
0x2a: {  	[hbm4b:s7+s2] =	stream.indirect_vreg.scatter [tilespmem:s14], [sflag:$0x1], $0x80, v3, vm0, $0xb8;
	[tilespmem:$0x8100] =	vst v63  }
0x2b: {  	v3 =	vld [tilespmem:$0x10];
	_ =	sdelay $0x4  }
0x2c: {  	v57 =	vshll.u32 v3, $0x2  }
0x2d: {  	v3 =	vand.u32 $0x7, v3;
	v4 =	vand.u32 $0xFFFFFFE0, v57  }
0x2e: {  	v3 =	vor.u32 v3, v4  }
0x2f: {  	v4 =	vperm.xlane v3, v0;
	_ =	sdelay $0x1  }
0x30: {  	v4 =	vadd.s32 v1, v4;
	_ =	sdelay $0x1  }
0x31: {  	v3 =	vperm.xlane v3, v2;
	_ =	sdelay $0x1  }
0x32: {  	v3 =	vadd.s32 v1, v3  }
0x33: {  	[hbm4b:s3+s2] =	stream.indirect_vreg.scatter [tilespmem:s15], [sflag:$0x1], $0x80, v4, vm0, $0xb8;
	[tilespmem:$0x8100] =	vst v63  }
0x34: {  	_ = 	snop  }
0x35: {  	[hbm4b:s7+s2] =	stream.indirect_vreg.scatter [tilespmem:s16], [sflag:$0x1], $0x80, v4, vm0, $0xb8;
	[tilespmem:$0x8100] =	vst v63  }
0x36: {  	_ = 	snop  }
0x37: {  	[hbm4b:s3+s2] =	stream.indirect_vreg.scatter [tilespmem:s17], [sflag:$0x1], $0x80, v3, vm0, $0xb8;
	[tilespmem:$0x8100] =	vst v63  }
0x38: {  	_ = 	snop  }
0x39: {  	[hbm4b:s7+s2] =	stream.indirect_vreg.scatter [tilespmem:s18], [sflag:$0x1], $0x80, v3, vm0, $0xb8;
	[tilespmem:$0x8100] =	vst v63  }
0x3a: {  	v3 =	vld [tilespmem:$0x20];
	_ =	sdelay $0x4  }
0x3b: {  	v58 =	vshll.u32 v3, $0x2  }
0x3c: {  	v3 =	vand.u32 $0x7, v3;
	v4 =	vand.u32 $0xFFFFFFE0, v58  }
0x3d: {  	v3 =	vor.u32 v3, v4  }
0x3e: {  	v4 =	vperm.xlane v3, v0;
	_ =	sdelay $0x1  }
0x3f: {  	v4 =	vadd.s32 v1, v4;
	_ =	sdelay $0x1  }
0x40: {  	v3 =	vperm.xlane v3, v2;
	_ =	sdelay $0x1  }
0x41: {  	v3 =	vadd.s32 v1, v3  }
0x42: {  	[hbm4b:s3+s2] =	stream.indirect_vreg.scatter [tilespmem:s19], [sflag:$0x1], $0x80, v4, vm0, $0xb8;
	[tilespmem:$0x8100] =	vst v63  }
0x43: {  	_ = 	snop  }
0x44: {  	[hbm4b:s7+s2] =	stream.indirect_vreg.scatter [tilespmem:s20], [sflag:$0x1], $0x80, v4, vm0, $0xb8;
	[tilespmem:$0x8100] =	vst v63  }
0x45: {  	_ = 	snop  }
0x46: {  	[hbm4b:s3+s2] =	stream.indirect_vreg.scatter [tilespmem:s21], [sflag:$0x1], $0x80, v3, vm0, $0xb8;
	[tilespmem:$0x8100] =	vst v63  }
0x47: {  	_ = 	snop  }
0x48: {  	[hbm4b:s7+s2] =	stream.indirect_vreg.scatter [tilespmem:s22], [sflag:$0x1], $0x80, v3, vm0, $0xb8;
	[tilespmem:$0x8100] =	vst v63  }
0x49: {  	v3 =	vld [tilespmem:$0x30];
	_ =	sdelay $0x4  }
0x4a: {  	v59 =	vshll.u32 v3, $0x2  }
0x4b: {  	v3 =	vand.u32 $0x7, v3;
	v4 =	vand.u32 $0xFFFFFFE0, v59  }
0x4c: {  	v3 =	vor.u32 v3, v4  }
0x4d: {  	v4 =	vperm.xlane v3, v0;
	_ =	sdelay $0x1  }
0x4e: {  	v4 =	vadd.s32 v1, v4;
	_ =	sdelay $0x1  }
0x4f: {  	v3 =	vperm.xlane v3, v2;
	_ =	sdelay $0x1  }
0x50: {  	v3 =	vadd.s32 v1, v3  }
0x51: {  	[hbm4b:s3+s2] =	stream.indirect_vreg.scatter [tilespmem:s23], [sflag:$0x1], $0x80, v4, vm0, $0xb8;
	[tilespmem:$0x8100] =	vst v63  }
0x52: {  	_ = 	snop  }
0x53: {  	[hbm4b:s7+s2] =	stream.indirect_vreg.scatter [tilespmem:s24], [sflag:$0x1], $0x80, v4, vm0, $0xb8;
	[tilespmem:$0x8100] =	vst v63  }
0x54: {  	_ = 	snop  }
0x55: {  	[hbm4b:s3+s2] =	stream.indirect_vreg.scatter [tilespmem:s25], [sflag:$0x1], $0x80, v3, vm0, $0xb8;
	[tilespmem:$0x8100] =	vst v63  }
0x56: {  	_ = 	snop  }
0x57: {  	[hbm4b:s7+s2] =	stream.indirect_vreg.scatter [tilespmem:s26], [sflag:$0x1], $0x80, v3, vm0, $0xb8;
	[tilespmem:$0x8100] =	vst v63  }
0x58: {  	v3 =	vld [tilespmem:$0x80];
	_ =	sdelay $0x4  }
0x59: {  	v60 =	vshll.u32 v3, $0x2  }
0x5a: {  	v3 =	vand.u32 $0x7, v3;
	v4 =	vand.u32 $0xFFFFFFE0, v60  }
0x5b: {  	v3 =	vor.u32 v3, v4  }
0x5c: {  	v4 =	vperm.xlane v3, v0;
	_ =	sdelay $0x1  }
0x5d: {  	v4 =	vadd.s32 v1, v4;
	_ =	sdelay $0x1  }
0x5e: {  	v3 =	vperm.xlane v3, v2;
	_ =	sdelay $0x1  }
0x5f: {  	v3 =	vadd.s32 v1, v3  }
0x60: {  	[hbm4b:s3+s2] =	stream.indirect_vreg.scatter [tilespmem:s11], [sflag:$0x1], $0x80, v4, vm0, $0xb8;
	[tilespmem:$0x8100] =	vst v63  }
0x61: {  	_ = 	snop  }
0x62: {  	[hbm4b:s7+s2] =	stream.indirect_vreg.scatter [tilespmem:s12], [sflag:$0x1], $0x80, v4, vm0, $0xb8;
	[tilespmem:$0x8100] =	vst v63  }
0x63: {  	_ = 	snop  }
0x64: {  	[hbm4b:s3+s2] =	stream.indirect_vreg.scatter [tilespmem:s13], [sflag:$0x1], $0x80, v3, vm0, $0xb8;
	[tilespmem:$0x8100] =	vst v63  }
0x65: {  	_ = 	snop  }
0x66: {  	[hbm4b:s7+s2] =	stream.indirect_vreg.scatter [tilespmem:s14], [sflag:$0x1], $0x80, v3, vm0, $0xb8;
	[tilespmem:$0x8100] =	vst v63  }
0x67: {  	v3 =	vld [tilespmem:$0x90];
	_ =	sdelay $0x4  }
0x68: {  	v61 =	vshll.u32 v3, $0x2  }
0x69: {  	v3 =	vand.u32 $0x7, v3;
	v4 =	vand.u32 $0xFFFFFFE0, v61  }
0x6a: {  	v3 =	vor.u32 v3, v4  }
0x6b: {  	v4 =	vperm.xlane v3, v0;
	_ =	sdelay $0x1  }
0x6c: {  	v4 =	vadd.s32 v1, v4;
	_ =	sdelay $0x1  }
0x6d: {  	v3 =	vperm.xlane v3, v2;
	_ =	sdelay $0x1  }
0x6e: {  	v3 =	vadd.s32 v1, v3  }
0x6f: {  	[hbm4b:s3+s2] =	stream.indirect_vreg.scatter [tilespmem:s15], [sflag:$0x1], $0x80, v4, vm0, $0xb8;
	[tilespmem:$0x8100] =	vst v63  }
0x70: {  	_ = 	snop  }
0x71: {  	[hbm4b:s7+s2] =	stream.indirect_vreg.scatter [tilespmem:s16], [sflag:$0x1], $0x80, v4, vm0, $0xb8;
	[tilespmem:$0x8100] =	vst v63  }
0x72: {  	_ = 	snop  }
0x73: {  	[hbm4b:s3+s2] =	stream.indirect_vreg.scatter [tilespmem:s17], [sflag:$0x1], $0x80, v3, vm0, $0xb8;
	[tilespmem:$0x8100] =	vst v63  }
0x74: {  	_ = 	snop  }
0x75: {  	[hbm4b:s7+s2] =	stream.indirect_vreg.scatter [tilespmem:s18], [sflag:$0x1], $0x80, v3, vm0, $0xb8;
	[tilespmem:$0x8100] =	vst v63  }
0x76: {  	v3 =	vld [tilespmem:$0xA0];
	_ =	sdelay $0x4  }
0x77: {  	v62 =	vshll.u32 v3, $0x2  }
0x78: {  	v3 =	vand.u32 $0x7, v3;
	v4 =	vand.u32 $0xFFFFFFE0, v62  }
0x79: {  	v3 =	vor.u32 v3, v4  }
0x7a: {  	v4 =	vperm.xlane v3, v0;
	_ =	sdelay $0x1  }
0x7b: {  	v4 =	vadd.s32 v1, v4;
	_ =	sdelay $0x1  }
0x7c: {  	v3 =	vperm.xlane v3, v2;
	_ =	sdelay $0x1  }
0x7d: {  	v3 =	vadd.s32 v1, v3  }
0x7e: {  	[hbm4b:s3+s2] =	stream.indirect_vreg.scatter [tilespmem:s19], [sflag:$0x1], $0x80, v4, vm0, $0xb8;
	[tilespmem:$0x8100] =	vst v63  }
0x7f: {  	_ = 	snop  }
0x80: {  	[hbm4b:s7+s2] =	stream.indirect_vreg.scatter [tilespmem:s20], [sflag:$0x1], $0x80, v4, vm0, $0xb8;
	[tilespmem:$0x8100] =	vst v63  }
0x81: {  	_ = 	snop  }
0x82: {  	[hbm4b:s3+s2] =	stream.indirect_vreg.scatter [tilespmem:s21], [sflag:$0x1], $0x80, v3, vm0, $0xb8;
	[tilespmem:$0x8100] =	vst v63  }
0x83: {  	_ = 	snop  }
0x84: {  	[hbm4b:s7+s2] =	stream.indirect_vreg.scatter [tilespmem:s22], [sflag:$0x1], $0x80, v3, vm0, $0xb8;
	[tilespmem:$0x8100] =	vst v63  }
0x85: {  	v3 =	vld [tilespmem:$0xB0];
	_ =	sdelay $0x4  }
0x86: {  	v63 =	vshll.u32 v3, $0x2  }
0x87: {  	v3 =	vand.u32 $0x7, v3;
	v4 =	vand.u32 $0xFFFFFFE0, v63  }
0x88: {  	v3 =	vor.u32 v3, v4  }
0x89: {  	v4 =	vperm.xlane v3, v0;
	_ =	sdelay $0x1  }
0x8a: {  	v4 =	vadd.s32 v1, v4;
	_ =	sdelay $0x1  }
0x8b: {  	v3 =	vperm.xlane v3, v2;
	_ =	sdelay $0x1  }
0x8c: {  	v3 =	vadd.s32 v1, v3  }
0x8d: {  	[hbm4b:s3+s2] =	stream.indirect_vreg.scatter [tilespmem:s23], [sflag:$0x1], $0x80, v4, vm0, $0xb8;
	[tilespmem:$0x8100] =	vst v63  }
0x8e: {  	_ = 	snop  }
0x8f: {  	[hbm4b:s7+s2] =	stream.indirect_vreg.scatter [tilespmem:s24], [sflag:$0x1], $0x80, v4, vm0, $0xb8;
	[tilespmem:$0x8100] =	vst v63  }
0x90: {  	_ = 	snop  }
0x91: {  	[hbm4b:s3+s2] =	stream.indirect_vreg.scatter [tilespmem:s25], [sflag:$0x1], $0x80, v3, vm0, $0xb8;
	[tilespmem:$0x8100] =	vst v63  }
0x92: {  	_ = 	snop  }
0x93: {  	[hbm4b:s7+s2] =	stream.indirect_vreg.scatter [tilespmem:s26], [sflag:$0x1], $0x80, v3, vm0, $0xb8;
	[tilespmem:$0x8100] =	vst v63  }
0x94: {  	p0 =	sne.s32 s8, $0x1;
	_ =	swait.ge [sflag:s28], $0x8000  }
.Ltmp0:
0x95: {  	[sflag:s28] =	ssyncset.done $0x0;
	(pc) =	sbr.rel @p0 .LBB2_1-.Ltmp0, $4  }
0x96: {  	[sflag:s28] =	ssyncadd.s32 $0xFFFF8000  }
0x97: {  	_ =	swait.ge [sflag:s28], $0x8000  }
0x98: {  	[sflag:s28] =	ssyncset.done $0x0  }
0x99: {  	s8 =	sadd.s32 $0xFFFFFFFF, s8;
	[sflag:s28] =	ssyncadd.s32 $0xFFFF8000  }
0x9a: {  	_ =	sfence.sel $0x180000  }
0x9b: {  	[bflag:$0x0] =	sbarrier.arrive $0xFFFF  }
0x9c: {  	p0 =	sne.s32 s0, $0x0;
	_ =	strace $0x90000047  }
0x9d: {  	s0 =	sadd.s32 @!p0 $0x100000, s1;
	[bflag:$0x2] =	sbarrier.arrive $0xFFFF  }
0x9e: {  	[sflag:s0] =	ssyncadd.tile.s32 @!p0 $0x1;
	_ =	shalt  }
.Lfunc_end2:
_tile_overlayer_lowered:
.L_overlay_start_2:
0x9f: {  	(tag) =	ssettag $0x2  }
0xa0: {  	s0 =	rddreg [dreg:$0x0];
	s2 =	stileid.u32  }
0xa1: {  	s1 =	rddreg [dreg:$0x1];
	p0 =	sne.s32 s2, $0x0  }
0xa2: {  	s3 =	rddreg [dreg:$0x2];
	[bflag:$0x3] =	sbarrier.arrive $0xFFFF;
	s2 =	simm.s32 @!p0 $0x1C02  }
0xa3: {  	[timem:s3], [sflag:s2] =	dma.local @!p0 [hbm:s0], s1  }
0xa4: {  	s0 =	simm.s32 @!p0 $0x2  }
0xa5: {  	_ =	swait.ge @!p0 [sflag:s0], s1  }
0xa6: {  	s1 =	ssub.s32 @!p0 $0x0, s1;
	[sflag:s0] =	ssyncset.done @!p0 $0x0  }
0xa7: {  	[sflag:s0] =	ssyncadd.s32 @!p0 s1  }
0xa8: {  	[bflag:$0x3] =	sbarrier.arrive $0xFFFF  }
0xa9: {  	_ =	shalt  }

// kernel: kernel.9.cloned.1.call-start
scs
__scs_entry_jumppad:
0x0: {  	(pc) =	sbr.rel $0x88, $3  }
0x1: {  	(tag) =	ssettag $0x0;
	lr =	simm.s32 $0x1  }
0x2: {  	[smem:$0x3F9C] =	sst lr;
	_ =	strace $0xD0000000  }
0x3: {  	_ = 	snop  }
0x4: {  	_ = 	snop  }
0x5: {  	_ = 	snop  }
0x6: {  	_ = 	snop  }
0x7: {  	_ = 	snop  }
__scs_overlays_trampoline_lowered:
0x8: {  	[smem:$0x3FAB] =	sst s0  }
0x9: {  	[smem:$0x3FAC] =	sst s1  }
0xa: {  	[smem:$0x3FAD] =	sst s2  }
0xb: {  	[smem:$0x3FAE] =	sst s3  }
0xc: {  	[smem:$0x3FAF] =	sst s4  }
0xd: {  	[smem:$0x3FB0] =	sst s5  }
0xe: {  	[smem:$0x3FB1] =	sst s6  }
0xf: {  	[smem:$0x3FB2] =	sst s7  }
0x10: {  	[smem:$0x3FB3] =	sst s8  }
0x11: {  	[smem:$0x3FB4] =	sst s9;
	s0 =	simm.s32 @!p0 $0x0  }
0x12: {  	s1 =	sld [smem:$0x3F9A];
	s0 =	simm.s32 @p0 $0x1  }
0x13: {  	[smem:$0x3FB5] =	sst s0;
	s0 =	simm.s32 @!p1 $0x0  }
0x14: {  	s2 =	sld [smem:$0x3F99];
	s0 =	simm.s32 @p1 $0x1  }
0x15: {  	[smem:$0x3FB6] =	sst s0;
	s0 =	simm.s32 @!p2 $0x0  }
0x16: {  	s3 =	sld [smem:$0x3FDB];
	s0 =	simm.s32 @p2 $0x1  }
0x17: {  	s4 =	simm.s32 $0x1BF5;
	[smem:$0x3FB8] =	sst s0  }
0x18: {  	s0 =	sld [smem:$0x3F9B];
	_ =	swait.ge [sflag:s4], $0x0  }
0x19: {  	s7 =	sld [smem:$0x3F9C]  }
0x1a: {  	s8 =	sadd.s32 $0xFFFFE003, lr  }
0x1b: {  	s9 =	sadd.s32 $0xFFFFFEF7, lr;
	s5 =	simm.s32 $0xFFFFFFFF;
	p2 =	slt.u32 s8, $0xFFFFF086  }
0x1c: {  	p1 =	slt.u32 s9, $0xF7A;
	s5 =	simm.s32 @!p2 $0x0  }
0x1d: {  	s5 =	simm.s32 @p1 $0x1;
	p0 =	seq.s32 s7, s2  }
0x1e: {  	s7 =	smul.u32 @!p0 $0xF7A, s2;
	p2 =	seq.s32 @!p0 s5, $0x0  }
0x1f: {  	s9 =	smul.u32 $0xF7A, s1;
	s8 =	simm.s32 @!p0 $0x1BF5;
	p2 =	por !p2, p0  }
0x20: {  	[sflag:s8] =	ssyncset.s32 @!p0 $0xFFFFF086;
	s6 =	sadd.s32 @!p0 s3, s7;
	s7 =	simm.s32 @!p0 $0x108  }
0x21: {  	s3 =	sadd.s32 s3, s9;
	s6 =	sadd.s32 @!p0 $0x88, s6;
	s7 =	simm.s32 @p2 $0x1082  }
0x22: {  	[simem:s7], [sflag:s8] =	dma.local @!p0 [hbm:s6], $0xF7A  }
0x23: {  	s9 =	sor.u32 $0xD0000000, s2;
	s6 =	simm.s32 $0x108;
	_ =	swait.ge @!p0 [sflag:s8], $0x0  }
0x24: {  	s3 =	sadd.s32 $0x88, s3;
	s6 =	simm.s32 @!p1 $0x1082;
	[sflag:s4] =	ssyncset.s32 $0xFFFFF086  }
0x25: {  	[simem:s6], [sflag:s4] =	dma.local [hbm:s3], $0xF7A  }
0x26: {  	[smem:$0x3F9C] =	sst s1;
	(tag) =	ssettag s2;
	_ =	strace s9  }
0x27: {  	s1 =	sld [smem:$0x3FAC]  }
0x28: {  	s2 =	sld [smem:$0x3FAD]  }
0x29: {  	s4 =	sld [smem:$0x3FAF]  }
0x2a: {  	p0 =	seq.s32 s5, $0x0;
	s5 =	sld [smem:$0x3FB0]  }
0x2b: {  	s6 =	sld [smem:$0x3FB1]  }
0x2c: {  	s7 =	sld [smem:$0x3FB2]  }
0x2d: {  	s3 =	simm.s32 $0x108;
	s8 =	sld [smem:$0x3FB3]  }
0x2e: {  	s3 =	simm.s32 @!p0 $0x1082;
	s9 =	sld [smem:$0x3FB4]  }
0x2f: {  	lr =	sadd.s32 s0, s3;
	s0 =	sld [smem:$0x3FAB]  }
0x30: {  	s3 =	sld [smem:$0x3FAE]  }
0x31: {  	[smem:$0x3FB7] =	sst s10  }
0x32: {  	s10 =	sld [smem:$0x3FB5];
	_ =	sdelay $0x3  }
0x33: {  	p0 =	seq.s32 s10, $0x1;
	s10 =	sld [smem:$0x3FB7];
	_ =	sdelay $0x3  }
0x34: {  	[smem:$0x3FB7] =	sst s10  }
0x35: {  	s10 =	sld [smem:$0x3FB6];
	_ =	sdelay $0x3  }
0x36: {  	p1 =	seq.s32 s10, $0x1;
	s10 =	sld [smem:$0x3FB7];
	_ =	sdelay $0x3  }
0x37: {  	[smem:$0x3FB7] =	sst s10  }
0x38: {  	s10 =	sld [smem:$0x3FB8]  }
0x39: {  	_ = 	snop;
	(pc) =	sbr.ind lr, $3  }
0x3a: {  	_ = 	snop  }
0x3b: {  	_ = 	snop  }
0x3c: {  	p2 =	seq.s32 s10, $0x1;
	s10 =	sld [smem:$0x3FB7]  }
0x3d: {  	_ =	shalt  }
0x3e: {  	_ =	shalt  }
0x3f: {  	_ =	shalt  }
0x40: {  	_ =	shalt  }
0x41: {  	_ =	shalt  }
0x42: {  	_ =	shalt  }
0x43: {  	_ =	shalt  }
0x44: {  	_ =	shalt  }
0x45: {  	_ =	shalt  }
0x46: {  	_ =	shalt  }
0x47: {  	_ =	shalt  }
0x48: {  	_ =	shalt  }
0x49: {  	_ =	shalt  }
0x4a: {  	_ =	shalt  }
0x4b: {  	_ =	shalt  }
0x4c: {  	_ =	shalt  }
0x4d: {  	_ =	shalt  }
0x4e: {  	_ =	shalt  }
0x4f: {  	_ =	shalt  }
0x50: {  	_ =	shalt  }
0x51: {  	_ =	shalt  }
0x52: {  	_ =	shalt  }
0x53: {  	_ =	shalt  }
0x54: {  	_ =	shalt  }
0x55: {  	_ =	shalt  }
0x56: {  	_ =	shalt  }
0x57: {  	_ =	shalt  }
0x58: {  	_ =	shalt  }
0x59: {  	_ =	shalt  }
0x5a: {  	_ =	shalt  }
0x5b: {  	_ =	shalt  }
0x5c: {  	_ =	shalt  }
0x5d: {  	_ =	shalt  }
0x5e: {  	_ =	shalt  }
0x5f: {  	_ =	shalt  }
0x60: {  	_ =	shalt  }
0x61: {  	_ =	shalt  }
0x62: {  	_ =	shalt  }
0x63: {  	_ =	shalt  }
0x64: {  	_ =	shalt  }
0x65: {  	_ =	shalt  }
0x66: {  	_ =	shalt  }
0x67: {  	_ =	shalt  }
0x68: {  	_ =	shalt  }
0x69: {  	_ =	shalt  }
0x6a: {  	_ =	shalt  }
0x6b: {  	_ =	shalt  }
0x6c: {  	_ =	shalt  }
0x6d: {  	_ =	shalt  }
0x6e: {  	_ =	shalt  }
0x6f: {  	_ =	shalt  }
0x70: {  	_ =	shalt  }
0x71: {  	_ =	shalt  }
0x72: {  	_ =	shalt  }
0x73: {  	_ =	shalt  }
0x74: {  	_ =	shalt  }
0x75: {  	_ =	shalt  }
0x76: {  	_ =	shalt  }
0x77: {  	_ =	shalt  }
0x78: {  	_ =	shalt  }
0x79: {  	_ =	shalt  }
0x7a: {  	_ =	shalt  }
0x7b: {  	_ =	shalt  }
0x7c: {  	_ =	shalt  }
0x7d: {  	_ =	shalt  }
0x7e: {  	_ =	shalt  }
0x7f: {  	_ =	shalt  }
0x80: {  	_ =	shalt  }
0x81: {  	_ =	shalt  }
0x82: {  	_ =	shalt  }
0x83: {  	_ =	shalt  }
0x84: {  	_ =	shalt  }
0x85: {  	_ =	shalt  }
0x86: {  	_ =	shalt  }
0x87: {  	_ =	shalt  }
.Lfunc_end0:
.L_simem_size_0:
called_computation.1_lowered:
.L_overlay_start_0:
0x88: {  	s2 =	sld [smem:$0x3FD9]  }
0x89: {  	s3 =	sld [smem:$0x3FFE];
	_ =	sdelay $0x1  }
0x8a: {  	s1 =	srdreg.scid  }
0x8b: {  	s0 =	sand.u32 $0x1, s1  }
0x8c: {  	s17 =	sshll.u32 s0, $0xA;
	s2 =	sadd.s32 s3, s2  }
0x8d: {  	s2 =	sadd.s32 s2, s17  }
0x8e: {  	[smem:$0x3FC3] =	sst s2  }
0x8f: {  	_ = 	snop  }
0x90: {  	s2 =	sld [smem:$0x3FD0];
	(tm) =	ssettm $0x1  }
0x91: {  	s18 =	sld [smem:$0x3FFB];
	_ =	sdelay $0x3  }
0x92: {  	_ =	strace s18  }
0x93: {  	s3 =	sld [smem:$0x3FFC];
	_ =	sdelay $0x3  }
0x94: {  	_ =	strace s3  }
0x95: {  	s3 =	sld [smem:$0x3FFD];
	_ =	sdelay $0x3  }
0x96: {  	_ =	strace s3  }
0x97: {  	_ =	strace $0x8FFFFFFF  }
0x98: {  	s19 =	sld [smem:$0x3FDB];
	_ =	sdelay $0x1  }
0x99: {  	s4 =	simm.s32 $_scs_section_size  }
0x9a: {  	s5 =	simm.s32 $_size__tile_overlayer_lowered;
	s6 =	simm.s32 $_tile_overlayer_lowered  }
0x9b: {  	s22 =	simm.s32 $0x1BFF;
	s21 =	sshll.u32 s6, $0x1;
	s3 =	sadd.s32 s4, s19  }
0x9c: {  	s7 =	simm.s32 $0x0;
	s20 =	sshll.u32 s5, $0x1;
	s5 =	sadd.s32 s21, s3  }
0x9d: {  	[timem:s7], [sflag:s22] =	dma.local [hbm:s5], s20  }
0x9e: {  	_ =	swait.ge [sflag:s22], s20  }
0x9f: {  	s4 =	ssub.s32 $0x0, s20;
	[sflag:s22] =	ssyncset.done $0x0  }
0xa0: {  	[sflag:s22] =	ssyncadd.s32 s4;
	_ =	sdelay $0x1  }
0xa1: {  	s23 =	simm.s32 $0x1B8B  }
0xa2: {  	_ =	swait.ge [sflag:s23], $0x1  }
0xa3: {  	[sflag:s23] =	ssyncset.done $0x0  }
0xa4: {  	s25 =	simm.s32 $0x1B8E;
	s24 =	sld [smem:$0x3FFE];
	[sflag:s23] =	ssyncadd.s32 $0xFFFFFFFF  }
0xa5: {  	s26 =	simm.s32 $execute0_lowered;
	[smem:$0x3FD2] =	sst s25  }
0xa6: {  	s5 =	sshll.u32 s26, $0x1;
	_ =	strace $0x80000049;
	[dreg:$0x1] =	wrdreg $0xFFFFFFFF  }
0xa7: {  	s28 =	simm.s32 $_size_execute0_lowered;
	s3 =	sadd.s32 s3, s5;
	[dreg:$0x0] =	wrdreg $0x0  }
0xa8: {  	s5 =	sshll.u32 s28, $0x1;
	[dreg:$0x2] =	wrdreg s3  }
0xa9: {  	[dreg:$0x3] =	wrdreg s5  }
0xaa: {  	[dreg:$0x4] =	wrdreg $0xC0  }
0xab: {  	_ =	task [dreg:s7], $0x5FFFF  }
0xac: {  	[dreg:$0x1] =	wrdreg $0xFFFFFFFF  }
0xad: {  	[dreg:$0x0] =	wrdreg $0x60  }
0xae: {  	[dreg:$0x2] =	wrdreg s24  }
0xaf: {  	[dreg:$0x3] =	wrdreg s2  }
0xb0: {  	[dreg:$0x4] =	wrdreg $0x9  }
0xb1: {  	_ =	task.clear_ibuf [dreg:s7], $0x5FFFF;
	_ =	strace $0x90000049  }
0xb2: {  	s29 =	simm.s32 $0x9;
	_ =	strace $0x8000004B  }
0xb3: {  	_ =	swait.ge [sflag:s29], $0x1  }
0xb4: {  	[sflag:s29] =	ssyncadd.s32 $0xFFFFFFFF  }
0xb5: {  	_ =	strace $0x9000004B  }
0xb6: {  	_ =	sfence  }
0xb7: {  	s30 =	sld [smem:$0x0];
	_ =	sdelay $0x2  }
0xb8: {  	s31 =	sshll.u32 s1, $0xD;
	s1 =	sshrl.u32 s1, $0x2  }
0xb9: {  	s3 =	sand.u32 $0x4000, s31;
	s1 =	sadd.s32 s1, s30  }
0xba: {  	s0 =	sor.u32 s3, s0;
	s1 =	sshll.u32 s1, $0x11  }
0xbb: {  	s0 =	sor.u32 s1, s0  }
0xbc: {  	s0 =	sadd.s32 $0x8F2B, s0  }
0xbd: {  	[sflag:s0] =	ssyncadd.remote.s32 $0x1  }
0xbe: {  	_ =	sfence.sel $0xFFFF  }
0xbf: {  	[dreg:$0x0] =	wrdreg $0xFFFFFFFF;
	(pc) =	sbr.abs _section_cstart, $3  }
0xc0: {  	[dreg:$0x1] =	wrdreg $0xFFFFFFFF  }
0xc1: {  	_ =	task.clear_ibuf [dreg:s7], $0x2FFFF;
	_ =	strace $0x9FFFFFFF  }
0xc2: {  	(tm) =	ssettm $0x7FFFFFFF  }
0xc3: {  	_ =	shalt  }
tec
execute0_lowered:
.L_overlay_start_1:
0x0: {  	(tag) =	ssettag $0x1  }
0x1: {  	s0 =	rddreg [dreg:$0x0]  }
0x2: {  	s3 =	rddreg [dreg:$0x1];
	s1 =	simm.s32 $0x0  }
0x3: {  	s4 =	srdreg.scid;
	s6 =	stileid.u32;
	s16 =	simm.s32 $0x3  }
0x4: {  	s18 =	simm.s32 $0x1;
	s19 =	simm.s32 $0x2;
	s21 =	simm.s32 $0x0  }
0x5: {  	[smem:$0x7FF] =	sst s1;
	s2 =	sadd.s32 $0xD0800, s0;
	s10 =	sadd.s32 $0x400, s0  }
0x6: {  	s11 =	sadd.s32 $0x600, s0;
	s12 =	sadd.s32 $0xC8800, s0;
	s4 =	sand.u32 $0x1, s4  }
0x7: {  	s6 =	sshll.u32 s6, $0x7;
	s5 =	ssub.s32 $0x2, s4;
	s4 =	sshll.u32 s4, $0x6  }
0x8: {  	s13 =	sadd.s32 $0xC0800, s0;
	s7 =	sshrl.u32 s5, $0x1;
	s8 =	sor.u32 s4, s6  }
0x9: {  	_ =	strace $0x8000004A;
	s15 =	ssub.s32 s5, s7;
	s26 =	sshrl.u32 s8, $0x3  }
0xa: {  	s28 =	sshll.u32 s8, $0x4;
	s9 =	sshll.u32 s8, $0x7;
	s14 =	sor.u32 $0x20, s8  }
0xb: {  	s8 =	sadd.s32 $0xD0900, s0;
	s4 =	sadd.s32 s10, s26;
	s5 =	sadd.s32 s11, s26  }
0xc: {  	s6 =	sadd.s32 s12, s28;
	s7 =	sadd.s32 s13, s28;
	s9 =	sadd.s32 s3, s9  }
0xd: {  	v2 =	vlaneseq.u32;
	s29 =	sshrl.u32 s14, $0x3;
	s30 =	sshll.u32 s14, $0x4;
	s31 =	sshll.u32 s14, $0x7  }
0xe: {  	vm0 =	vmmov $0xffff;
	v1 =	vshrl.u32 v2, $0x3;
	s15 =	smax.u32 s15, $0x1;
	s10 =	sadd.s32 s10, s29;
	s11 =	sadd.s32 s11, s29  }
0xf: {  	v0 =	vand.u32 $0x7, v2;
	v2 =	vor.u32 $0x8, v2;
	v1 =	vmul.u32 $0x8, v1;
	s12 =	sadd.s32 s12, s30;
	s13 =	sadd.s32 s13, s30;
	s14 =	sadd.s32 s3, s31  }
.LBB2_1:
0x10: {  	[tilespmem:s1], [sflag:$0x3] =	stream.linear.gather [hbm4b:s4+s1], $0x20, $0x38;
	[tilespmem:$0x12100] =	vst v63  }
0x11: {  	_ =	swait.ge [sflag:s16], $0x20  }
0x12: {  	[sflag:s16] =	ssyncset.done $0x0  }
0x13: {  	s0 =	simm.s32 $0x80;
	[sflag:s16] =	ssyncadd.s32 $0xFFFFFFE0  }
0x14: {  	[tilespmem:s0], [sflag:$0x3] =	stream.linear.gather [hbm4b:s5+s1], $0x20, $0x38;
	[tilespmem:$0x12100] =	vst v63  }
0x15: {  	_ =	swait.ge [sflag:s16], $0x20  }
0x16: {  	[sflag:s16] =	ssyncset.done $0x0  }
0x17: {  	s0 =	simm.s32 $0x100;
	[sflag:s16] =	ssyncadd.s32 $0xFFFFFFE0  }
0x18: {  	[tilespmem:s0], [sflag:$0x3] =	stream.linear.gather [hbm4b:s6+s1], $0x1000, $0x38;
	[tilespmem:$0x12100] =	vst v63  }
0x19: {  	_ =	swait.ge [sflag:s16], $0x1000  }
0x1a: {  	[sflag:s16] =	ssyncset.done $0x0  }
0x1b: {  	s3 =	simm.s32 $0x1100;
	[sflag:s16] =	ssyncadd.s32 $0xFFFFF000  }
0x1c: {  	[tilespmem:s3], [sflag:$0x3] =	stream.linear.gather [hbm4b:s7+s1], $0x1000, $0x38;
	[tilespmem:$0x12100] =	vst v63  }
0x1d: {  	_ =	swait.ge [sflag:s16], $0x1000  }
0x1e: {  	[sflag:s16] =	ssyncset.done $0x0  }
0x1f: {  	[sflag:s16] =	ssyncadd.s32 $0xFFFFF000  }
0x20: {  	v3 =	vld [tilespmem:$0x0];
	_ =	sdelay $0x4  }
0x21: {  	v4 =	vshll.u32 v3, $0x2  }
0x22: {  	v3 =	vand.u32 $0x7, v3;
	v4 =	vand.u32 $0xFFFFFFE0, v4  }
0x23: {  	v3 =	vor.u32 v3, v4  }
0x24: {  	v4 =	vperm.xlane v3, v0;
	_ =	sdelay $0x1  }
0x25: {  	v4 =	vadd.s32 v1, v4;
	_ =	sdelay $0x1  }
0x26: {  	v3 =	vperm.xlane v3, v2;
	_ =	sdelay $0x1  }
0x27: {  	s17 =	simm.s32 $0x2100;
	v3 =	vadd.s32 v1, v3  }
0x28: {  	[tilespmem:s17], [sflag:$0x1] =	stream.indirect_vreg.gather [hbm4b:s2+s1], $0x80, v4, vm0, $0xb8;
	[tilespmem:$0x12100] =	vst v63  }
0x29: {  	s22 =	simm.s32 $0x2900  }
0x2a: {  	[tilespmem:s22], [sflag:$0x1] =	stream.indirect_vreg.gather [hbm4b:s8+s1], $0x80, v4, vm0, $0xb8;
	[tilespmem:$0x12100] =	vst v63  }
0x2b: {  	s23 =	simm.s32 $0x3100  }
0x2c: {  	[tilespmem:s23], [sflag:$0x1] =	stream.indirect_vreg.gather [hbm4b:s2+s1], $0x80, v3, vm0, $0xb8;
	[tilespmem:$0x12100] =	vst v63  }
0x2d: {  	s24 =	simm.s32 $0x3900  }
0x2e: {  	[tilespmem:s24], [sflag:$0x1] =	stream.indirect_vreg.gather [hbm4b:s8+s1], $0x80, v3, vm0, $0xb8;
	[tilespmem:$0x12100] =	vst v63  }
0x2f: {  	v3 =	vld [tilespmem:$0x10];
	_ =	sdelay $0x4  }
0x30: {  	v4 =	vshll.u32 v3, $0x2  }
0x31: {  	v3 =	vand.u32 $0x7, v3;
	v4 =	vand.u32 $0xFFFFFFE0, v4  }
0x32: {  	v3 =	vor.u32 v3, v4  }
0x33: {  	v4 =	vperm.xlane v3, v0;
	_ =	sdelay $0x1  }
0x34: {  	v4 =	vadd.s32 v1, v4;
	_ =	sdelay $0x1  }
0x35: {  	v3 =	vperm.xlane v3, v2;
	_ =	sdelay $0x1  }
0x36: {  	s25 =	simm.s32 $0x4100;
	v3 =	vadd.s32 v1, v3  }
0x37: {  	[tilespmem:s25], [sflag:$0x1] =	stream.indirect_vreg.gather [hbm4b:s2+s1], $0x80, v4, vm0, $0xb8;
	[tilespmem:$0x12100] =	vst v63  }
0x38: {  	s26 =	simm.s32 $0x4900  }
0x39: {  	[tilespmem:s26], [sflag:$0x1] =	stream.indirect_vreg.gather [hbm4b:s8+s1], $0x80, v4, vm0, $0xb8;
	[tilespmem:$0x12100] =	vst v63  }
0x3a: {  	s20 =	simm.s32 $0x5100  }
0x3b: {  	[tilespmem:s20], [sflag:$0x1] =	stream.indirect_vreg.gather [hbm4b:s2+s1], $0x80, v3, vm0, $0xb8;
	[tilespmem:$0x12100] =	vst v63  }
0x3c: {  	s22 =	simm.s32 $0x5900  }
0x3d: {  	[tilespmem:s22], [sflag:$0x1] =	stream.indirect_vreg.gather [hbm4b:s8+s1], $0x80, v3, vm0, $0xb8;
	[tilespmem:$0x12100] =	vst v63  }
0x3e: {  	v3 =	vld [tilespmem:$0x80];
	_ =	sdelay $0x4  }
0x3f: {  	v4 =	vshll.u32 v3, $0x2  }
0x40: {  	v3 =	vand.u32 $0x7, v3;
	v4 =	vand.u32 $0xFFFFFFE0, v4  }
0x41: {  	v3 =	vor.u32 v3, v4  }
0x42: {  	v4 =	vperm.xlane v3, v0;
	_ =	sdelay $0x1  }
0x43: {  	v4 =	vadd.s32 v1, v4;
	_ =	sdelay $0x1  }
0x44: {  	v3 =	vperm.xlane v3, v2;
	_ =	sdelay $0x1  }
0x45: {  	s23 =	simm.s32 $0x6100;
	v3 =	vadd.s32 v1, v3  }
0x46: {  	[tilespmem:s23], [sflag:$0x2] =	stream.indirect_vreg.gather [hbm4b:s2+s1], $0x80, v4, vm0, $0xb8;
	[tilespmem:$0x12100] =	vst v63  }
0x47: {  	s24 =	simm.s32 $0x6900  }
0x48: {  	[tilespmem:s24], [sflag:$0x2] =	stream.indirect_vreg.gather [hbm4b:s8+s1], $0x80, v4, vm0, $0xb8;
	[tilespmem:$0x12100] =	vst v63  }
0x49: {  	s25 =	simm.s32 $0x7100  }
0x4a: {  	[tilespmem:s25], [sflag:$0x2] =	stream.indirect_vreg.gather [hbm4b:s2+s1], $0x80, v3, vm0, $0xb8;
	[tilespmem:$0x12100] =	vst v63  }
0x4b: {  	s26 =	simm.s32 $0x7900  }
0x4c: {  	[tilespmem:s26], [sflag:$0x2] =	stream.indirect_vreg.gather [hbm4b:s8+s1], $0x80, v3, vm0, $0xb8;
	[tilespmem:$0x12100] =	vst v63  }
0x4d: {  	v3 =	vld [tilespmem:$0x90];
	_ =	sdelay $0x4  }
0x4e: {  	v4 =	vshll.u32 v3, $0x2  }
0x4f: {  	v3 =	vand.u32 $0x7, v3;
	v4 =	vand.u32 $0xFFFFFFE0, v4  }
0x50: {  	v3 =	vor.u32 v3, v4  }
0x51: {  	v4 =	vperm.xlane v3, v0;
	_ =	sdelay $0x1  }
0x52: {  	v4 =	vadd.s32 v1, v4;
	_ =	sdelay $0x1  }
0x53: {  	v3 =	vperm.xlane v3, v2;
	_ =	sdelay $0x1  }
0x54: {  	s20 =	simm.s32 $0x8100;
	v3 =	vadd.s32 v1, v3  }
0x55: {  	[tilespmem:s20], [sflag:$0x2] =	stream.indirect_vreg.gather [hbm4b:s2+s1], $0x80, v4, vm0, $0xb8;
	[tilespmem:$0x12100] =	vst v63  }
0x56: {  	s22 =	simm.s32 $0x8900  }
0x57: {  	[tilespmem:s22], [sflag:$0x2] =	stream.indirect_vreg.gather [hbm4b:s8+s1], $0x80, v4, vm0, $0xb8;
	[tilespmem:$0x12100] =	vst v63  }
0x58: {  	s23 =	simm.s32 $0x9100  }
0x59: {  	[tilespmem:s23], [sflag:$0x2] =	stream.indirect_vreg.gather [hbm4b:s2+s1], $0x80, v3, vm0, $0xb8;
	[tilespmem:$0x12100] =	vst v63  }
0x5a: {  	s24 =	simm.s32 $0x9900  }
0x5b: {  	[tilespmem:s24], [sflag:$0x2] =	stream.indirect_vreg.gather [hbm4b:s8+s1], $0x80, v3, vm0, $0xb8;
	[tilespmem:$0x12100] =	vst v63  }
0x5c: {  	_ =	swait.ge [sflag:s18], $0x4000  }
0x5d: {  	[sflag:s18] =	ssyncset.done $0x0  }
0x5e: {  	[sflag:s18] =	ssyncadd.s32 $0xFFFFC000  }
0x5f: {  	s25 =	simm.s32 $0x0;
	_ =	swait.ge [sflag:s19], $0x4000  }
0x60: {  	s17 =	sand.u32 $0xFFFFF000, s25;
	s22 =	sand.u32 $0x380, s1;
	[sflag:s19] =	ssyncset.done $0x0  }
0x61: {  	s23 =	sor.u32 s22, s17;
	[sflag:s19] =	ssyncadd.s32 $0xFFFFC000  }
0x62: {  	v5 =	vld [tilespmem:s23+$0x2100]  }
0x63: {  	v3 =	vld [tilespmem:s0+$0x0]  }
0x64: {  	v6 =	vld [tilespmem:s23+$0x6100]  }
0x65: {  	v4 =	vld [tilespmem:s3+$0x0];
	_ =	sdelay $0x3  }
0x66: {  	v7 =	vunpack.i.u.bf16.f32 v5;
	v5 =	vunpack.i.l.bf16.f32 v5;
	v8 =	vunpack.i.l.bf16.f32 v6  }
0x67: {  	v6 =	vunpack.i.u.bf16.f32 v6;
	v5 =	vmul.f32 v5, v3;
	v8 =	vmul.f32 v8, v4  }
0x68: {  	s26 =	simm.s32 $0x0;
	v7 =	vmul.f32 v7, v3;
	v6 =	vmul.f32 v6, v4  }
0x69: {  	s0 =	sand.u32 $0x3FFFE000, s26;
	v5 =	vadd.f32 v8, v5  }
0x6a: {  	s22 =	sor.u32 s22, s0;
	v6 =	vadd.f32 v6, v7  }
0x6b: {  	[tilespmem:s22+$0xA100] =	vst v5  }
0x6c: {  	[tilespmem:s22+$0xB100] =	vst v6  }
0x6d: {  	v5 =	vld [tilespmem:s23+$0x2110]  }
0x6e: {  	v6 =	vld [tilespmem:s23+$0x6110];
	_ =	sdelay $0x4  }
0x6f: {  	v7 =	vunpack.i.u.bf16.f32 v5;
	v5 =	vunpack.i.l.bf16.f32 v5;
	v8 =	vunpack.i.l.bf16.f32 v6  }
0x70: {  	v6 =	vunpack.i.u.bf16.f32 v6;
	v5 =	vmul.f32 v5, v3;
	v8 =	vmul.f32 v8, v4  }
0x71: {  	v7 =	vmul.f32 v7, v3;
	v6 =	vmul.f32 v6, v4  }
0x72: {  	v5 =	vadd.f32 v8, v5  }
0x73: {  	v6 =	vadd.f32 v6, v7  }
0x74: {  	[tilespmem:s22+$0xA110] =	vst v5  }
0x75: {  	[tilespmem:s22+$0xB110] =	vst v6  }
0x76: {  	v5 =	vld [tilespmem:s23+$0x2120]  }
0x77: {  	v6 =	vld [tilespmem:s23+$0x6120];
	_ =	sdelay $0x4  }
0x78: {  	v7 =	vunpack.i.u.bf16.f32 v5;
	v5 =	vunpack.i.l.bf16.f32 v5;
	v8 =	vunpack.i.l.bf16.f32 v6  }
0x79: {  	v6 =	vunpack.i.u.bf16.f32 v6;
	v5 =	vmul.f32 v5, v3;
	v8 =	vmul.f32 v8, v4  }
0x7a: {  	v7 =	vmul.f32 v7, v3;
	v6 =	vmul.f32 v6, v4  }
0x7b: {  	v5 =	vadd.f32 v8, v5  }
0x7c: {  	v6 =	vadd.f32 v6, v7  }
0x7d: {  	[tilespmem:s22+$0xA120] =	vst v5  }
0x7e: {  	[tilespmem:s22+$0xB120] =	vst v6  }
0x7f: {  	v5 =	vld [tilespmem:s23+$0x2130]  }
0x80: {  	v6 =	vld [tilespmem:s23+$0x6130];
	_ =	sdelay $0x4  }
0x81: {  	v7 =	vunpack.i.u.bf16.f32 v5;
	v5 =	vunpack.i.l.bf16.f32 v5;
	v8 =	vunpack.i.l.bf16.f32 v6  }
0x82: {  	v6 =	vunpack.i.u.bf16.f32 v6;
	v5 =	vmul.f32 v5, v3;
	v8 =	vmul.f32 v8, v4  }
0x83: {  	v7 =	vmul.f32 v7, v3;
	v6 =	vmul.f32 v6, v4  }
0x84: {  	v5 =	vadd.f32 v8, v5  }
0x85: {  	v6 =	vadd.f32 v6, v7  }
0x86: {  	[tilespmem:s22+$0xA130] =	vst v5  }
0x87: {  	[tilespmem:s22+$0xB130] =	vst v6  }
0x88: {  	v5 =	vld [tilespmem:s23+$0x2140]  }
0x89: {  	v6 =	vld [tilespmem:s23+$0x6140];
	_ =	sdelay $0x4  }
0x8a: {  	v7 =	vunpack.i.u.bf16.f32 v5;
	v5 =	vunpack.i.l.bf16.f32 v5;
	v8 =	vunpack.i.l.bf16.f32 v6  }
0x8b: {  	v6 =	vunpack.i.u.bf16.f32 v6;
	v5 =	vmul.f32 v5, v3;
	v8 =	vmul.f32 v8, v4  }
0x8c: {  	v7 =	vmul.f32 v7, v3;
	v6 =	vmul.f32 v6, v4  }
0x8d: {  	v5 =	vadd.f32 v8, v5  }
0x8e: {  	v6 =	vadd.f32 v6, v7  }
0x8f: {  	[tilespmem:s22+$0xA140] =	vst v5  }
0x90: {  	[tilespmem:s22+$0xB140] =	vst v6  }
0x91: {  	v5 =	vld [tilespmem:s23+$0x2150]  }
0x92: {  	v6 =	vld [tilespmem:s23+$0x6150];
	_ =	sdelay $0x4  }
0x93: {  	v7 =	vunpack.i.u.bf16.f32 v5;
	v5 =	vunpack.i.l.bf16.f32 v5;
	v8 =	vunpack.i.l.bf16.f32 v6  }
0x94: {  	v6 =	vunpack.i.u.bf16.f32 v6;
	v5 =	vmul.f32 v5, v3;
	v8 =	vmul.f32 v8, v4  }
0x95: {  	v7 =	vmul.f32 v7, v3;
	v6 =	vmul.f32 v6, v4  }
0x96: {  	v5 =	vadd.f32 v8, v5  }
0x97: {  	v6 =	vadd.f32 v6, v7  }
0x98: {  	[tilespmem:s22+$0xA150] =	vst v5  }
0x99: {  	[tilespmem:s22+$0xB150] =	vst v6  }
0x9a: {  	v5 =	vld [tilespmem:s23+$0x2160]  }
0x9b: {  	v6 =	vld [tilespmem:s23+$0x6160];
	_ =	sdelay $0x4  }
0x9c: {  	v7 =	vunpack.i.u.bf16.f32 v5;
	v5 =	vunpack.i.l.bf16.f32 v5;
	v8 =	vunpack.i.l.bf16.f32 v6  }
0x9d: {  	v6 =	vunpack.i.u.bf16.f32 v6;
	v5 =	vmul.f32 v5, v3;
	v8 =	vmul.f32 v8, v4  }
0x9e: {  	v7 =	vmul.f32 v7, v3;
	v6 =	vmul.f32 v6, v4  }
0x9f: {  	v5 =	vadd.f32 v8, v5  }
0xa0: {  	v6 =	vadd.f32 v6, v7  }
0xa1: {  	[tilespmem:s22+$0xA160] =	vst v5  }
0xa2: {  	[tilespmem:s22+$0xB160] =	vst v6  }
0xa3: {  	v5 =	vld [tilespmem:s23+$0x2170]  }
0xa4: {  	v6 =	vld [tilespmem:s23+$0x6170];
	_ =	sdelay $0x4  }
0xa5: {  	v7 =	vunpack.i.u.bf16.f32 v5;
	v5 =	vunpack.i.l.bf16.f32 v5;
	v8 =	vunpack.i.l.bf16.f32 v6  }
0xa6: {  	v6 =	vunpack.i.u.bf16.f32 v6;
	v5 =	vmul.f32 v5, v3;
	v8 =	vmul.f32 v8, v4  }
0xa7: {  	v7 =	vmul.f32 v7, v3;
	v6 =	vmul.f32 v6, v4  }
0xa8: {  	v5 =	vadd.f32 v8, v5  }
0xa9: {  	v6 =	vadd.f32 v6, v7  }
0xaa: {  	[tilespmem:s22+$0xA170] =	vst v5  }
0xab: {  	[tilespmem:s22+$0xB170] =	vst v6  }
0xac: {  	v5 =	vld [tilespmem:s23+$0x2500]  }
0xad: {  	v6 =	vld [tilespmem:s23+$0x6500];
	_ =	sdelay $0x4  }
0xae: {  	v7 =	vunpack.i.u.bf16.f32 v5;
	v5 =	vunpack.i.l.bf16.f32 v5;
	v8 =	vunpack.i.l.bf16.f32 v6  }
0xaf: {  	v6 =	vunpack.i.u.bf16.f32 v6;
	v5 =	vmul.f32 v5, v3;
	v8 =	vmul.f32 v8, v4  }
0xb0: {  	v7 =	vmul.f32 v7, v3;
	v6 =	vmul.f32 v6, v4  }
0xb1: {  	v5 =	vadd.f32 v8, v5  }
0xb2: {  	v6 =	vadd.f32 v6, v7  }
0xb3: {  	[tilespmem:s22+$0xA500] =	vst v5  }
0xb4: {  	[tilespmem:s22+$0xB500] =	vst v6  }
0xb5: {  	s17 =	simm.s32 $0x80;
	s3 =	simm.s32 $0x200;
	v7 =	vld [tilespmem:s23+$0x2510]  }
0xb6: {  	s0 =	sand.u32 $0xFFFFF000, s3;
	s3 =	sand.u32 $0x380, s17;
	v8 =	vld [tilespmem:s23+$0x6510]  }
0xb7: {  	s25 =	sor.u32 s3, s0  }
0xb8: {  	v9 =	vld [tilespmem:s25+$0x2100]  }
0xb9: {  	s20 =	simm.s32 $0x180;
	v10 =	vld [tilespmem:s25+$0x6100]  }
0xba: {  	s24 =	simm.s32 $0x1180;
	v5 =	vld [tilespmem:s20+$0x0]  }
0xbb: {  	v6 =	vld [tilespmem:s24+$0x0];
	v11 =	vunpack.i.u.bf16.f32 v7;
	v7 =	vunpack.i.l.bf16.f32 v7;
	v12 =	vunpack.i.l.bf16.f32 v8  }
0xbc: {  	v8 =	vunpack.i.u.bf16.f32 v8;
	v7 =	vmul.f32 v7, v3;
	v12 =	vmul.f32 v12, v4  }
0xbd: {  	v11 =	vmul.f32 v11, v3;
	v8 =	vmul.f32 v8, v4  }
0xbe: {  	v13 =	vunpack.i.u.bf16.f32 v9;
	v7 =	vadd.f32 v12, v7  }
0xbf: {  	v9 =	vunpack.i.l.bf16.f32 v9;
	v12 =	vunpack.i.l.bf16.f32 v10;
	v8 =	vadd.f32 v8, v11  }
0xc0: {  	v9 =	vmul.f32 v9, v5;
	v10 =	vunpack.i.u.bf16.f32 v10;
	v11 =	vmul.f32 v12, v6;
	[tilespmem:s22+$0xA510] =	vst v7  }
0xc1: {  	s26 =	simm.s32 $0x400;
	v10 =	vmul.f32 v10, v6;
	v7 =	vmul.f32 v13, v5;
	[tilespmem:s22+$0xB510] =	vst v8  }
0xc2: {  	s0 =	sand.u32 $0x3FFFE000, s26;
	v8 =	vadd.f32 v11, v9;
	v9 =	vld [tilespmem:s23+$0x2520]  }
0xc3: {  	s24 =	sor.u32 s3, s0;
	v7 =	vadd.f32 v10, v7;
	v10 =	vld [tilespmem:s23+$0x6520]  }
0xc4: {  	[tilespmem:s24+$0xA100] =	vst v8  }
0xc5: {  	[tilespmem:s24+$0xB100] =	vst v7  }
0xc6: {  	v7 =	vld [tilespmem:s25+$0x2110]  }
0xc7: {  	v8 =	vld [tilespmem:s25+$0x6110]  }
0xc8: {  	v11 =	vunpack.i.u.bf16.f32 v9;
	v9 =	vunpack.i.l.bf16.f32 v9;
	v12 =	vunpack.i.l.bf16.f32 v10  }
0xc9: {  	v10 =	vunpack.i.u.bf16.f32 v10;
	v9 =	vmul.f32 v9, v3;
	v12 =	vmul.f32 v12, v4  }
0xca: {  	v11 =	vmul.f32 v11, v3;
	v10 =	vmul.f32 v10, v4  }
0xcb: {  	v13 =	vunpack.i.u.bf16.f32 v7;
	v9 =	vadd.f32 v12, v9  }
0xcc: {  	v7 =	vunpack.i.l.bf16.f32 v7;
	v12 =	vunpack.i.l.bf16.f32 v8;
	v10 =	vadd.f32 v10, v11  }
0xcd: {  	v8 =	vunpack.i.u.bf16.f32 v8;
	v7 =	vmul.f32 v7, v5;
	v11 =	vmul.f32 v12, v6;
	[tilespmem:s22+$0xA520] =	vst v9  }
0xce: {  	v8 =	vmul.f32 v8, v6;
	v9 =	vmul.f32 v13, v5;
	[tilespmem:s22+$0xB520] =	vst v10  }
0xcf: {  	v7 =	vadd.f32 v11, v7;
	v10 =	vld [tilespmem:s23+$0x2530]  }
0xd0: {  	v8 =	vadd.f32 v8, v9;
	v9 =	vld [tilespmem:s23+$0x6530]  }
0xd1: {  	[tilespmem:s24+$0xA110] =	vst v7  }
0xd2: {  	[tilespmem:s24+$0xB110] =	vst v8  }
0xd3: {  	v7 =	vld [tilespmem:s25+$0x2120]  }
0xd4: {  	v8 =	vld [tilespmem:s25+$0x6120]  }
0xd5: {  	v11 =	vunpack.i.u.bf16.f32 v10;
	v10 =	vunpack.i.l.bf16.f32 v10;
	v12 =	vunpack.i.l.bf16.f32 v9  }
0xd6: {  	v9 =	vunpack.i.u.bf16.f32 v9;
	v10 =	vmul.f32 v10, v3;
	v12 =	vmul.f32 v12, v4  }
0xd7: {  	v11 =	vmul.f32 v11, v3;
	v9 =	vmul.f32 v9, v4  }
0xd8: {  	v13 =	vunpack.i.u.bf16.f32 v7;
	v10 =	vadd.f32 v12, v10  }
0xd9: {  	v7 =	vunpack.i.l.bf16.f32 v7;
	v12 =	vunpack.i.l.bf16.f32 v8;
	v9 =	vadd.f32 v9, v11  }
0xda: {  	v8 =	vunpack.i.u.bf16.f32 v8;
	v7 =	vmul.f32 v7, v5;
	v11 =	vmul.f32 v12, v6;
	[tilespmem:s22+$0xA530] =	vst v10  }
0xdb: {  	v8 =	vmul.f32 v8, v6;
	v10 =	vmul.f32 v13, v5;
	[tilespmem:s22+$0xB530] =	vst v9  }
0xdc: {  	v7 =	vadd.f32 v11, v7;
	v9 =	vld [tilespmem:s23+$0x2540]  }
0xdd: {  	v8 =	vadd.f32 v8, v10;
	v10 =	vld [tilespmem:s23+$0x6540]  }
0xde: {  	[tilespmem:s24+$0xA120] =	vst v7  }
0xdf: {  	[tilespmem:s24+$0xB120] =	vst v8  }
0xe0: {  	v7 =	vld [tilespmem:s25+$0x2130]  }
0xe1: {  	v8 =	vld [tilespmem:s25+$0x6130]  }
0xe2: {  	v11 =	vunpack.i.u.bf16.f32 v9;
	v9 =	vunpack.i.l.bf16.f32 v9;
	v12 =	vunpack.i.l.bf16.f32 v10  }
0xe3: {  	v10 =	vunpack.i.u.bf16.f32 v10;
	v9 =	vmul.f32 v9, v3;
	v12 =	vmul.f32 v12, v4  }
0xe4: {  	v11 =	vmul.f32 v11, v3;
	v10 =	vmul.f32 v10, v4  }
0xe5: {  	v13 =	vunpack.i.u.bf16.f32 v7;
	v9 =	vadd.f32 v12, v9  }
0xe6: {  	v7 =	vunpack.i.l.bf16.f32 v7;
	v12 =	vunpack.i.l.bf16.f32 v8;
	v10 =	vadd.f32 v10, v11  }
0xe7: {  	v8 =	vunpack.i.u.bf16.f32 v8;
	v7 =	vmul.f32 v7, v5;
	v11 =	vmul.f32 v12, v6;
	[tilespmem:s22+$0xA540] =	vst v9  }
0xe8: {  	v8 =	vmul.f32 v8, v6;
	v9 =	vmul.f32 v13, v5;
	[tilespmem:s22+$0xB540] =	vst v10  }
0xe9: {  	v7 =	vadd.f32 v11, v7;
	v10 =	vld [tilespmem:s23+$0x2550]  }
0xea: {  	v8 =	vadd.f32 v8, v9;
	v9 =	vld [tilespmem:s23+$0x6550]  }
0xeb: {  	[tilespmem:s24+$0xA130] =	vst v7  }
0xec: {  	[tilespmem:s24+$0xB130] =	vst v8  }
0xed: {  	v7 =	vld [tilespmem:s25+$0x2140]  }
0xee: {  	v8 =	vld [tilespmem:s25+$0x6140]  }
0xef: {  	v11 =	vunpack.i.u.bf16.f32 v10;
	v10 =	vunpack.i.l.bf16.f32 v10;
	v12 =	vunpack.i.l.bf16.f32 v9  }
0xf0: {  	v9 =	vunpack.i.u.bf16.f32 v9;
	v10 =	vmul.f32 v10, v3;
	v12 =	vmul.f32 v12, v4  }
0xf1: {  	v11 =	vmul.f32 v11, v3;
	v9 =	vmul.f32 v9, v4  }
0xf2: {  	v13 =	vunpack.i.u.bf16.f32 v7;
	v10 =	vadd.f32 v12, v10  }
0xf3: {  	v7 =	vunpack.i.l.bf16.f32 v7;
	v12 =	vunpack.i.l.bf16.f32 v8;
	v9 =	vadd.f32 v9, v11  }
0xf4: {  	v8 =	vunpack.i.u.bf16.f32 v8;
	v7 =	vmul.f32 v7, v5;
	v11 =	vmul.f32 v12, v6;
	[tilespmem:s22+$0xA550] =	vst v10  }
0xf5: {  	v8 =	vmul.f32 v8, v6;
	v10 =	vmul.f32 v13, v5;
	[tilespmem:s22+$0xB550] =	vst v9  }
0xf6: {  	v7 =	vadd.f32 v11, v7;
	v9 =	vld [tilespmem:s23+$0x2560]  }
0xf7: {  	v8 =	vadd.f32 v8, v10;
	v10 =	vld [tilespmem:s23+$0x6560]  }
0xf8: {  	[tilespmem:s24+$0xA140] =	vst v7  }
0xf9: {  	[tilespmem:s24+$0xB140] =	vst v8  }
0xfa: {  	v7 =	vld [tilespmem:s25+$0x2150]  }
0xfb: {  	v8 =	vld [tilespmem:s25+$0x6150]  }
0xfc: {  	v11 =	vunpack.i.u.bf16.f32 v9;
	v9 =	vunpack.i.l.bf16.f32 v9;
	v12 =	vunpack.i.l.bf16.f32 v10  }
0xfd: {  	v10 =	vunpack.i.u.bf16.f32 v10;
	v9 =	vmul.f32 v9, v3;
	v12 =	vmul.f32 v12, v4  }
0xfe: {  	v11 =	vmul.f32 v11, v3;
	v10 =	vmul.f32 v10, v4  }
0xff: {  	v13 =	vunpack.i.u.bf16.f32 v7;
	v9 =	vadd.f32 v12, v9  }
0x100: {  	v7 =	vunpack.i.l.bf16.f32 v7;
	v12 =	vunpack.i.l.bf16.f32 v8;
	v10 =	vadd.f32 v10, v11  }
0x101: {  	v8 =	vunpack.i.u.bf16.f32 v8;
	v7 =	vmul.f32 v7, v5;
	v11 =	vmul.f32 v12, v6;
	[tilespmem:s22+$0xA560] =	vst v9  }
0x102: {  	v8 =	vmul.f32 v8, v6;
	v9 =	vmul.f32 v13, v5;
	[tilespmem:s22+$0xB560] =	vst v10  }
0x103: {  	v7 =	vadd.f32 v11, v7;
	v10 =	vld [tilespmem:s23+$0x2570]  }
0x104: {  	v8 =	vadd.f32 v8, v9;
	v9 =	vld [tilespmem:s23+$0x6570]  }
0x105: {  	[tilespmem:s24+$0xA150] =	vst v7  }
0x106: {  	[tilespmem:s24+$0xB150] =	vst v8  }
0x107: {  	v7 =	vld [tilespmem:s25+$0x2160]  }
0x108: {  	v8 =	vld [tilespmem:s25+$0x6160]  }
0x109: {  	v11 =	vunpack.i.u.bf16.f32 v10;
	v10 =	vunpack.i.l.bf16.f32 v10;
	v12 =	vunpack.i.l.bf16.f32 v9  }
0x10a: {  	v9 =	vunpack.i.u.bf16.f32 v9;
	v10 =	vmul.f32 v10, v3;
	v12 =	vmul.f32 v12, v4  }
0x10b: {  	v11 =	vmul.f32 v11, v3;
	v9 =	vmul.f32 v9, v4  }
0x10c: {  	v13 =	vunpack.i.u.bf16.f32 v7;
	v10 =	vadd.f32 v12, v10  }
0x10d: {  	v7 =	vunpack.i.l.bf16.f32 v7;
	v12 =	vunpack.i.l.bf16.f32 v8;
	v9 =	vadd.f32 v9, v11  }
0x10e: {  	v8 =	vunpack.i.u.bf16.f32 v8;
	v7 =	vmul.f32 v7, v5;
	v11 =	vmul.f32 v12, v6;
	[tilespmem:s22+$0xA570] =	vst v10  }
0x10f: {  	v8 =	vmul.f32 v8, v6;
	v10 =	vmul.f32 v13, v5;
	[tilespmem:s22+$0xB570] =	vst v9  }
0x110: {  	v7 =	vadd.f32 v11, v7;
	v9 =	vld [tilespmem:s23+$0x2900]  }
0x111: {  	v8 =	vadd.f32 v8, v10;
	v10 =	vld [tilespmem:s23+$0x6900]  }
0x112: {  	[tilespmem:s24+$0xA160] =	vst v7  }
0x113: {  	[tilespmem:s24+$0xB160] =	vst v8  }
0x114: {  	v7 =	vld [tilespmem:s25+$0x2170]  }
0x115: {  	v8 =	vld [tilespmem:s25+$0x6170]  }
0x116: {  	v11 =	vunpack.i.u.bf16.f32 v9;
	v9 =	vunpack.i.l.bf16.f32 v9;
	v12 =	vunpack.i.l.bf16.f32 v10  }
0x117: {  	v10 =	vunpack.i.u.bf16.f32 v10;
	v9 =	vmul.f32 v9, v3;
	v12 =	vmul.f32 v12, v4  }
0x118: {  	v11 =	vmul.f32 v11, v3;
	v10 =	vmul.f32 v10, v4  }
0x119: {  	v13 =	vunpack.i.u.bf16.f32 v7;
	v9 =	vadd.f32 v12, v9  }
0x11a: {  	v7 =	vunpack.i.l.bf16.f32 v7;
	v12 =	vunpack.i.l.bf16.f32 v8;
	v10 =	vadd.f32 v10, v11  }
0x11b: {  	v8 =	vunpack.i.u.bf16.f32 v8;
	v7 =	vmul.f32 v7, v5;
	v11 =	vmul.f32 v12, v6;
	[tilespmem:s22+$0xA900] =	vst v9  }
0x11c: {  	v8 =	vmul.f32 v8, v6;
	v9 =	vmul.f32 v13, v5;
	[tilespmem:s22+$0xB900] =	vst v10  }
0x11d: {  	v7 =	vadd.f32 v11, v7;
	v10 =	vld [tilespmem:s23+$0x2910]  }
0x11e: {  	v8 =	vadd.f32 v8, v9;
	v9 =	vld [tilespmem:s23+$0x6910]  }
0x11f: {  	[tilespmem:s24+$0xA170] =	vst v7  }
0x120: {  	[tilespmem:s24+$0xB170] =	vst v8  }
0x121: {  	v7 =	vld [tilespmem:s25+$0x2500]  }
0x122: {  	v8 =	vld [tilespmem:s25+$0x6500]  }
0x123: {  	v11 =	vunpack.i.u.bf16.f32 v10;
	v10 =	vunpack.i.l.bf16.f32 v10;
	v12 =	vunpack.i.l.bf16.f32 v9  }
0x124: {  	v9 =	vunpack.i.u.bf16.f32 v9;
	v10 =	vmul.f32 v10, v3;
	v12 =	vmul.f32 v12, v4  }
0x125: {  	v11 =	vmul.f32 v11, v3;
	v9 =	vmul.f32 v9, v4  }
0x126: {  	v13 =	vunpack.i.u.bf16.f32 v7;
	v10 =	vadd.f32 v12, v10  }
0x127: {  	v7 =	vunpack.i.l.bf16.f32 v7;
	v12 =	vunpack.i.l.bf16.f32 v8;
	v9 =	vadd.f32 v9, v11  }
0x128: {  	v8 =	vunpack.i.u.bf16.f32 v8;
	v7 =	vmul.f32 v7, v5;
	v11 =	vmul.f32 v12, v6;
	[tilespmem:s22+$0xA910] =	vst v10  }
0x129: {  	v8 =	vmul.f32 v8, v6;
	v10 =	vmul.f32 v13, v5;
	[tilespmem:s22+$0xB910] =	vst v9  }
0x12a: {  	v7 =	vadd.f32 v11, v7;
	v9 =	vld [tilespmem:s23+$0x2920]  }
0x12b: {  	v8 =	vadd.f32 v8, v10;
	v10 =	vld [tilespmem:s23+$0x6920]  }
0x12c: {  	[tilespmem:s24+$0xA500] =	vst v7  }
0x12d: {  	[tilespmem:s24+$0xB500] =	vst v8  }
0x12e: {  	s29 =	simm.s32 $0x100;
	s3 =	simm.s32 $0x400;
	v11 =	vld [tilespmem:s25+$0x2510]  }
0x12f: {  	s17 =	sand.u32 $0x380, s29;
	s0 =	sand.u32 $0xFFFFF000, s3;
	v12 =	vld [tilespmem:s25+$0x6510]  }
0x130: {  	s26 =	sor.u32 s17, s0;
	v8 =	vunpack.i.u.bf16.f32 v9;
	v7 =	vunpack.i.l.bf16.f32 v9;
	v9 =	vunpack.i.l.bf16.f32 v10  }
0x131: {  	v16 =	vld [tilespmem:s26+$0x6100];
	v10 =	vunpack.i.u.bf16.f32 v10;
	v14 =	vmul.f32 v7, v3;
	v9 =	vmul.f32 v9, v4  }
0x132: {  	s30 =	simm.s32 $0x200;
	v13 =	vld [tilespmem:s26+$0x2100];
	v15 =	vmul.f32 v8, v3;
	v10 =	vmul.f32 v10, v4  }
0x133: {  	s31 =	simm.s32 $0x1200;
	v7 =	vld [tilespmem:s30+$0x0];
	v17 =	vunpack.i.u.bf16.f32 v11;
	v9 =	vadd.f32 v9, v14  }
0x134: {  	v8 =	vld [tilespmem:s31+$0x0];
	v11 =	vunpack.i.l.bf16.f32 v11;
	v14 =	vunpack.i.l.bf16.f32 v12;
	v10 =	vadd.f32 v10, v15  }
0x135: {  	v12 =	vunpack.i.u.bf16.f32 v12;
	v11 =	vmul.f32 v11, v5;
	v14 =	vmul.f32 v14, v6;
	[tilespmem:s22+$0xA920] =	vst v9  }
0x136: {  	v12 =	vmul.f32 v12, v6;
	v9 =	vmul.f32 v17, v5;
	[tilespmem:s22+$0xB920] =	vst v10  }
0x137: {  	v15 =	vunpack.i.l.bf16.f32 v16;
	v11 =	vadd.f32 v14, v11;
	v14 =	vld [tilespmem:s23+$0x2930]  }
0x138: {  	v10 =	vunpack.i.u.bf16.f32 v13;
	v13 =	vunpack.i.l.bf16.f32 v13;
	v9 =	vadd.f32 v12, v9;
	v12 =	vld [tilespmem:s23+$0x6930]  }
0x139: {  	v16 =	vunpack.i.u.bf16.f32 v16;
	v15 =	vmul.f32 v15, v8;
	v13 =	vmul.f32 v13, v7;
	[tilespmem:s24+$0xA510] =	vst v11  }
0x13a: {  	s20 =	simm.s32 $0x800;
	v10 =	vmul.f32 v10, v7;
	v11 =	vmul.f32 v16, v8;
	[tilespmem:s24+$0xB510] =	vst v9  }
0x13b: {  	s0 =	sand.u32 $0x3FFFE000, s20;
	v9 =	vadd.f32 v15, v13;
	v13 =	vld [tilespmem:s25+$0x2520]  }
0x13c: {  	s28 =	sor.u32 s17, s0;
	v10 =	vadd.f32 v11, v10;
	v11 =	vld [tilespmem:s25+$0x6520]  }
0x13d: {  	[tilespmem:s28+$0xA100] =	vst v9;
	v9 =	vunpack.i.u.bf16.f32 v14;
	v14 =	vunpack.i.l.bf16.f32 v14;
	v15 =	vunpack.i.l.bf16.f32 v12  }
0x13e: {  	[tilespmem:s28+$0xB100] =	vst v10;
	v10 =	vunpack.i.u.bf16.f32 v12;
	v12 =	vmul.f32 v14, v3;
	v14 =	vmul.f32 v15, v4  }
0x13f: {  	v9 =	vmul.f32 v9, v3;
	v15 =	vld [tilespmem:s26+$0x2110];
	v10 =	vmul.f32 v10, v4  }
0x140: {  	v54 =	vld [tilespmem:s26+$0x6110];
	v55 =	vunpack.i.u.bf16.f32 v13;
	v12 =	vadd.f32 v14, v12  }
0x141: {  	v13 =	vunpack.i.l.bf16.f32 v13;
	v14 =	vunpack.i.l.bf16.f32 v11;
	v9 =	vadd.f32 v10, v9  }
0x142: {  	v10 =	vunpack.i.u.bf16.f32 v11;
	v11 =	vmul.f32 v13, v5;
	v13 =	vmul.f32 v14, v6;
	[tilespmem:s22+$0xA930] =	vst v12  }
0x143: {  	v10 =	vmul.f32 v10, v6;
	v12 =	vmul.f32 v55, v5;
	[tilespmem:s22+$0xB930] =	vst v9  }
0x144: {  	v9 =	vunpack.i.u.bf16.f32 v15;
	v11 =	vadd.f32 v13, v11;
	v13 =	vld [tilespmem:s23+$0x2940]  }
0x145: {  	v14 =	vunpack.i.l.bf16.f32 v15;
	v15 =	vunpack.i.l.bf16.f32 v54;
	v10 =	vadd.f32 v10, v12;
	v12 =	vld [tilespmem:s23+$0x6940]  }
0x146: {  	v16 =	vunpack.i.u.bf16.f32 v54;
	v14 =	vmul.f32 v14, v7;
	v15 =	vmul.f32 v15, v8;
	[tilespmem:s24+$0xA520] =	vst v11  }
0x147: {  	v9 =	vmul.f32 v9, v7;
	v11 =	vmul.f32 v16, v8;
	[tilespmem:s24+$0xB520] =	vst v10  }
0x148: {  	v10 =	vadd.f32 v15, v14;
	v14 =	vld [tilespmem:s25+$0x2530]  }
0x149: {  	v9 =	vadd.f32 v11, v9;
	v11 =	vld [tilespmem:s25+$0x6530]  }
0x14a: {  	[tilespmem:s28+$0xA110] =	vst v10;
	v10 =	vunpack.i.u.bf16.f32 v13;
	v13 =	vunpack.i.l.bf16.f32 v13;
	v15 =	vunpack.i.l.bf16.f32 v12  }
0x14b: {  	[tilespmem:s28+$0xB110] =	vst v9;
	v9 =	vunpack.i.u.bf16.f32 v12;
	v12 =	vmul.f32 v13, v3;
	v13 =	vmul.f32 v15, v4  }
0x14c: {  	v10 =	vmul.f32 v10, v3;
	v15 =	vld [tilespmem:s26+$0x2120];
	v9 =	vmul.f32 v9, v4  }
0x14d: {  	v56 =	vld [tilespmem:s26+$0x6120];
	v57 =	vunpack.i.u.bf16.f32 v14;
	v12 =	vadd.f32 v13, v12  }
0x14e: {  	v13 =	vunpack.i.l.bf16.f32 v14;
	v14 =	vunpack.i.l.bf16.f32 v11;
	v9 =	vadd.f32 v9, v10  }
0x14f: {  	v10 =	vunpack.i.u.bf16.f32 v11;
	v11 =	vmul.f32 v13, v5;
	v13 =	vmul.f32 v14, v6;
	[tilespmem:s22+$0xA940] =	vst v12  }
0x150: {  	v10 =	vmul.f32 v10, v6;
	v12 =	vmul.f32 v57, v5;
	[tilespmem:s22+$0xB940] =	vst v9  }
0x151: {  	v9 =	vunpack.i.u.bf16.f32 v15;
	v11 =	vadd.f32 v13, v11;
	v13 =	vld [tilespmem:s23+$0x2950]  }
0x152: {  	v14 =	vunpack.i.l.bf16.f32 v15;
	v15 =	vunpack.i.l.bf16.f32 v56;
	v10 =	vadd.f32 v10, v12;
	v12 =	vld [tilespmem:s23+$0x6950]  }
0x153: {  	v16 =	vunpack.i.u.bf16.f32 v56;
	v14 =	vmul.f32 v14, v7;
	v15 =	vmul.f32 v15, v8;
	[tilespmem:s24+$0xA530] =	vst v11  }
0x154: {  	v9 =	vmul.f32 v9, v7;
	v11 =	vmul.f32 v16, v8;
	[tilespmem:s24+$0xB530] =	vst v10  }
0x155: {  	v10 =	vadd.f32 v15, v14;
	v14 =	vld [tilespmem:s25+$0x2540]  }
0x156: {  	v9 =	vadd.f32 v11, v9;
	v11 =	vld [tilespmem:s25+$0x6540]  }
0x157: {  	[tilespmem:s28+$0xA120] =	vst v10;
	v10 =	vunpack.i.u.bf16.f32 v13;
	v13 =	vunpack.i.l.bf16.f32 v13;
	v15 =	vunpack.i.l.bf16.f32 v12  }
0x158: {  	[tilespmem:s28+$0xB120] =	vst v9;
	v9 =	vunpack.i.u.bf16.f32 v12;
	v12 =	vmul.f32 v13, v3;
	v13 =	vmul.f32 v15, v4  }
0x159: {  	v10 =	vmul.f32 v10, v3;
	v15 =	vld [tilespmem:s26+$0x2130];
	v9 =	vmul.f32 v9, v4  }
0x15a: {  	v58 =	vld [tilespmem:s26+$0x6130];
	v59 =	vunpack.i.u.bf16.f32 v14;
	v12 =	vadd.f32 v13, v12  }
0x15b: {  	v13 =	vunpack.i.l.bf16.f32 v14;
	v14 =	vunpack.i.l.bf16.f32 v11;
	v9 =	vadd.f32 v9, v10  }
0x15c: {  	v10 =	vunpack.i.u.bf16.f32 v11;
	v11 =	vmul.f32 v13, v5;
	v13 =	vmul.f32 v14, v6;
	[tilespmem:s22+$0xA950] =	vst v12  }
0x15d: {  	v10 =	vmul.f32 v10, v6;
	v12 =	vmul.f32 v59, v5;
	[tilespmem:s22+$0xB950] =	vst v9  }
0x15e: {  	v14 =	vunpack.i.u.bf16.f32 v15;
	v9 =	vadd.f32 v13, v11;
	v11 =	vunpack.i.l.bf16.f32 v15;
	v15 =	vld [tilespmem:s23+$0x2960]  }
0x15f: {  	v13 =	vunpack.i.l.bf16.f32 v58;
	v60 =	vld [tilespmem:s23+$0x6960];
	v10 =	vadd.f32 v10, v12  }
0x160: {  	v12 =	vunpack.i.u.bf16.f32 v58;
	v11 =	vmul.f32 v11, v7;
	v13 =	vmul.f32 v13, v8;
	[tilespmem:s24+$0xA540] =	vst v9  }
0x161: {  	v9 =	vmul.f32 v14, v7;
	v12 =	vmul.f32 v12, v8;
	[tilespmem:s24+$0xB540] =	vst v10  }
0x162: {  	v10 =	vadd.f32 v13, v11;
	v11 =	vld [tilespmem:s25+$0x2550]  }
0x163: {  	v9 =	vadd.f32 v12, v9;
	v12 =	vld [tilespmem:s25+$0x6550]  }
0x164: {  	[tilespmem:s28+$0xA130] =	vst v10;
	v10 =	vunpack.i.l.bf16.f32 v15;
	v13 =	vunpack.i.l.bf16.f32 v60  }
0x165: {  	v10 =	vmul.f32 v10, v3;
	v13 =	vmul.f32 v13, v4  }
0x166: {  	v14 =	vunpack.i.u.bf16.f32 v60;
	[tilespmem:s28+$0xB130] =	vst v9;
	v9 =	vunpack.i.u.bf16.f32 v15  }
0x167: {  	v14 =	vmul.f32 v14, v4;
	v15 =	vld [tilespmem:s26+$0x2140];
	v9 =	vmul.f32 v9, v3;
	v10 =	vadd.f32 v13, v10  }
0x168: {  	v61 =	vld [tilespmem:s26+$0x6140];
	v62 =	vunpack.i.u.bf16.f32 v11;
	v11 =	vunpack.i.l.bf16.f32 v11;
	v13 =	vunpack.i.l.bf16.f32 v12  }
0x169: {  	v9 =	vadd.f32 v14, v9;
	v11 =	vmul.f32 v11, v5;
	v13 =	vmul.f32 v13, v6  }
0x16a: {  	v12 =	vunpack.i.u.bf16.f32 v12;
	[tilespmem:s22+$0xA960] =	vst v10  }
0x16b: {  	v14 =	vmul.f32 v62, v5;
	v12 =	vmul.f32 v12, v6;
	[tilespmem:s22+$0xB960] =	vst v9;
	v10 =	vadd.f32 v13, v11  }
0x16c: {  	v63 =	vunpack.i.u.bf16.f32 v15;
	v9 =	vld [tilespmem:s23+$0x2970]  }
0x16d: {  	v11 =	vunpack.i.l.bf16.f32 v15;
	v13 =	vunpack.i.l.bf16.f32 v61;
	v15 =	vadd.f32 v12, v14;
	[tilespmem:s24+$0xA550] =	vst v10;
	v10 =	vld [tilespmem:s23+$0x6970]  }
0x16e: {  	v14 =	vunpack.i.u.bf16.f32 v61;
	v11 =	vmul.f32 v11, v7;
	v12 =	vmul.f32 v13, v8  }
0x16f: {  	s0 =	simm.s32 $0x3;
	v13 =	vmul.f32 v63, v7;
	v14 =	vmul.f32 v14, v8;
	[tilespmem:s24+$0xB550] =	vst v15  }
.LBB2_2:
0x170: {  	p0 =	sne.s32 s0, $0x1F;
	v11 =	vadd.f32 v12, v11;
	v12 =	vld [tilespmem:s25+$0x2560]  }
0x171: {  	v13 =	vadd.f32 v14, v13;
	v14 =	vld [tilespmem:s25+$0x6560]  }
0x172: {  	[tilespmem:s28+$0xA140] =	vst v11;
	v11 =	vunpack.i.u.bf16.f32 v9;
	v9 =	vunpack.i.l.bf16.f32 v9;
	v15 =	vunpack.i.l.bf16.f32 v10  }
0x173: {  	v10 =	vunpack.i.u.bf16.f32 v10;
	[tilespmem:s28+$0xB140] =	vst v13;
	v9 =	vmul.f32 v9, v3;
	v13 =	vmul.f32 v15, v4  }
0x174: {  	v11 =	vmul.f32 v11, v3;
	v10 =	vmul.f32 v10, v4;
	v15 =	vld [tilespmem:s26+$0x2150]  }
0x175: {  	v16 =	vld [tilespmem:s26+$0x6150];
	v17 =	vunpack.i.u.bf16.f32 v12;
	v9 =	vadd.f32 v13, v9  }
0x176: {  	v12 =	vunpack.i.l.bf16.f32 v12;
	v10 =	vadd.f32 v10, v11;
	v13 =	vunpack.i.l.bf16.f32 v14  }
0x177: {  	v11 =	vunpack.i.u.bf16.f32 v14;
	v12 =	vmul.f32 v12, v5;
	v13 =	vmul.f32 v13, v6;
	[tilespmem:s22+$0xA970] =	vst v9  }
0x178: {  	v9 =	vmul.f32 v17, v5;
	v11 =	vmul.f32 v11, v6;
	[tilespmem:s22+$0xB970] =	vst v10  }
0x179: {  	v10 =	vunpack.i.u.bf16.f32 v15;
	v12 =	vadd.f32 v13, v12;
	v13 =	vld [tilespmem:s23+$0x2D00]  }
0x17a: {  	v14 =	vunpack.i.l.bf16.f32 v15;
	v9 =	vadd.f32 v11, v9;
	v15 =	vunpack.i.l.bf16.f32 v16;
	v11 =	vld [tilespmem:s23+$0x6D00]  }
0x17b: {  	v16 =	vunpack.i.u.bf16.f32 v16;
	v14 =	vmul.f32 v14, v7;
	v15 =	vmul.f32 v15, v8;
	[tilespmem:s24+$0xA560] =	vst v12  }
0x17c: {  	v10 =	vmul.f32 v10, v7;
	v12 =	vmul.f32 v16, v8;
	[tilespmem:s24+$0xB560] =	vst v9  }
0x17d: {  	s3 =	sshll.u32 s0, $0x9;
	s29 =	sadd.s32 $0x80, s29;
	v9 =	vadd.f32 v15, v14;
	v14 =	vld [tilespmem:s25+$0x2570]  }
0x17e: {  	s3 =	sand.u32 $0xFFFFF000, s3;
	s17 =	sand.u32 $0x380, s29;
	v10 =	vadd.f32 v12, v10;
	v12 =	vld [tilespmem:s25+$0x6570]  }
0x17f: {  	s3 =	sor.u32 s17, s3;
	[tilespmem:s28+$0xA150] =	vst v9;
	v9 =	vunpack.i.u.bf16.f32 v13;
	v13 =	vunpack.i.l.bf16.f32 v13;
	v15 =	vunpack.i.l.bf16.f32 v11  }
0x180: {  	v16 =	vld [tilespmem:s3+$0x2100];
	[tilespmem:s28+$0xB150] =	vst v10;
	v10 =	vunpack.i.u.bf16.f32 v11;
	v11 =	vmul.f32 v13, v3;
	v13 =	vmul.f32 v15, v4  }
0x181: {  	v9 =	vmul.f32 v9, v3;
	v15 =	vld [tilespmem:s26+$0x2160];
	v17 =	vmul.f32 v10, v4  }
0x182: {  	s30 =	sadd.s32 $0x80, s30;
	v18 =	vld [tilespmem:s26+$0x6160];
	v19 =	vunpack.i.u.bf16.f32 v14;
	v11 =	vadd.f32 v13, v11  }
0x183: {  	s31 =	sadd.s32 $0x80, s31;
	v13 =	vunpack.i.l.bf16.f32 v14;
	v10 =	vld [tilespmem:s30+$0x0];
	v14 =	vunpack.i.l.bf16.f32 v12;
	v17 =	vadd.f32 v17, v9  }
0x184: {  	v12 =	vunpack.i.u.bf16.f32 v12;
	v13 =	vmul.f32 v13, v5;
	v9 =	vld [tilespmem:s31+$0x0];
	v14 =	vmul.f32 v14, v6;
	[tilespmem:s22+$0xAD00] =	vst v11  }
0x185: {  	v19 =	vmul.f32 v19, v5;
	v12 =	vmul.f32 v12, v6;
	v11 =	vld [tilespmem:s3+$0x6100];
	[tilespmem:s22+$0xBD00] =	vst v17  }
0x186: {  	v17 =	vunpack.i.u.bf16.f32 v16;
	v20 =	vunpack.i.u.bf16.f32 v15;
	v13 =	vadd.f32 v14, v13;
	v14 =	vld [tilespmem:s23+$0x2D10]  }
0x187: {  	v15 =	vunpack.i.l.bf16.f32 v15;
	v12 =	vadd.f32 v12, v19;
	v21 =	vunpack.i.l.bf16.f32 v18;
	v19 =	vld [tilespmem:s23+$0x6D10]  }
0x188: {  	v18 =	vunpack.i.u.bf16.f32 v18;
	v15 =	vmul.f32 v15, v7;
	v21 =	vmul.f32 v21, v8;
	[tilespmem:s24+$0xA570] =	vst v13  }
0x189: {  	v13 =	vunpack.i.l.bf16.f32 v16;
	v16 =	vmul.f32 v20, v7;
	v18 =	vmul.f32 v18, v8;
	[tilespmem:s24+$0xB570] =	vst v12  }
0x18a: {  	v13 =	vmul.f32 v13, v10;
	v12 =	vunpack.i.l.bf16.f32 v11;
	v15 =	vadd.f32 v21, v15;
	v20 =	vld [tilespmem:s25+$0x2900]  }
0x18b: {  	v17 =	vmul.f32 v17, v10;
	v16 =	vadd.f32 v18, v16;
	v12 =	vmul.f32 v12, v9;
	v18 =	vld [tilespmem:s25+$0x6900]  }
0x18c: {  	[tilespmem:s28+$0xA160] =	vst v15;
	v15 =	vunpack.i.u.bf16.f32 v14;
	v14 =	vunpack.i.l.bf16.f32 v14;
	v21 =	vunpack.i.l.bf16.f32 v19  }
0x18d: {  	[tilespmem:s28+$0xB160] =	vst v16;
	v16 =	vunpack.i.u.bf16.f32 v19;
	v14 =	vmul.f32 v14, v3;
	v19 =	vmul.f32 v21, v4  }
0x18e: {  	v11 =	vunpack.i.u.bf16.f32 v11;
	v15 =	vmul.f32 v15, v3;
	v21 =	vld [tilespmem:s26+$0x2170];
	v16 =	vmul.f32 v16, v4  }
0x18f: {  	v11 =	vmul.f32 v11, v9;
	v22 =	vld [tilespmem:s26+$0x6170];
	v23 =	vunpack.i.u.bf16.f32 v20;
	v14 =	vadd.f32 v19, v14  }
0x190: {  	v19 =	vunpack.i.l.bf16.f32 v20;
	v20 =	vunpack.i.l.bf16.f32 v18;
	v15 =	vadd.f32 v16, v15  }
0x191: {  	v16 =	vunpack.i.u.bf16.f32 v18;
	v18 =	vmul.f32 v19, v5;
	v19 =	vmul.f32 v20, v6;
	[tilespmem:s22+$0xAD10] =	vst v14  }
0x192: {  	v14 =	vmul.f32 v23, v5;
	v16 =	vmul.f32 v16, v6;
	[tilespmem:s22+$0xBD10] =	vst v15  }
0x193: {  	v12 =	vadd.f32 v12, v13;
	v13 =	vunpack.i.u.bf16.f32 v21;
	v15 =	vadd.f32 v19, v18;
	v18 =	vld [tilespmem:s23+$0x2D20]  }
0x194: {  	s20 =	sshll.u32 s0, $0xA;
	v19 =	vunpack.i.l.bf16.f32 v21;
	v14 =	vadd.f32 v16, v14;
	v20 =	vunpack.i.l.bf16.f32 v22;
	v16 =	vld [tilespmem:s23+$0x6D20]  }
0x195: {  	s20 =	sand.u32 $0x3FFFE000, s20;
	v21 =	vunpack.i.u.bf16.f32 v22;
	v19 =	vmul.f32 v19, v7;
	v20 =	vmul.f32 v20, v8;
	[tilespmem:s24+$0xA900] =	vst v15  }
0x196: {  	s17 =	sor.u32 s17, s20;
	v11 =	vadd.f32 v11, v17;
	v13 =	vmul.f32 v13, v7;
	v15 =	vmul.f32 v21, v8;
	[tilespmem:s24+$0xB900] =	vst v14  }
0x197: {  	[tilespmem:s17+$0xA100] =	vst v12;
	v12 =	vadd.f32 v20, v19;
	v14 =	vld [tilespmem:s25+$0x2910]  }
0x198: {  	[tilespmem:s17+$0xB100] =	vst v11;
	v11 =	vadd.f32 v15, v13;
	v13 =	vld [tilespmem:s25+$0x6910]  }
0x199: {  	v15 =	vunpack.i.l.bf16.f32 v18;
	[tilespmem:s28+$0xA170] =	vst v12;
	v12 =	vunpack.i.u.bf16.f32 v18;
	v17 =	vunpack.i.l.bf16.f32 v16  }
0x19a: {  	v15 =	vmul.f32 v15, v3;
	v18 =	vld [tilespmem:s3+$0x2110];
	[tilespmem:s28+$0xB170] =	vst v11;
	v11 =	vunpack.i.u.bf16.f32 v16;
	v16 =	vmul.f32 v17, v4  }
0x19b: {  	v12 =	vmul.f32 v12, v3;
	v17 =	vld [tilespmem:s26+$0x2500];
	v11 =	vmul.f32 v11, v4  }
0x19c: {  	v19 =	vld [tilespmem:s26+$0x6500];
	v20 =	vunpack.i.u.bf16.f32 v14;
	v15 =	vadd.f32 v16, v15  }
0x19d: {  	v14 =	vunpack.i.l.bf16.f32 v14;
	v16 =	vunpack.i.l.bf16.f32 v13;
	v11 =	vadd.f32 v11, v12  }
0x19e: {  	v12 =	vunpack.i.u.bf16.f32 v13;
	v13 =	vmul.f32 v14, v5;
	v14 =	vmul.f32 v16, v6;
	[tilespmem:s22+$0xAD20] =	vst v15  }
0x19f: {  	v16 =	vmul.f32 v20, v5;
	v12 =	vmul.f32 v12, v6;
	v15 =	vld [tilespmem:s3+$0x6110];
	[tilespmem:s22+$0xBD20] =	vst v11  }
0x1a0: {  	v11 =	vunpack.i.u.bf16.f32 v18;
	v20 =	vunpack.i.u.bf16.f32 v17;
	v13 =	vadd.f32 v14, v13;
	v14 =	vld [tilespmem:s23+$0x2D30]  }
0x1a1: {  	v17 =	vunpack.i.l.bf16.f32 v17;
	v12 =	vadd.f32 v12, v16;
	v21 =	vunpack.i.l.bf16.f32 v19;
	v16 =	vld [tilespmem:s23+$0x6D30]  }
0x1a2: {  	v19 =	vunpack.i.u.bf16.f32 v19;
	v17 =	vmul.f32 v17, v7;
	v21 =	vmul.f32 v21, v8;
	[tilespmem:s24+$0xA910] =	vst v13  }
0x1a3: {  	v13 =	vunpack.i.l.bf16.f32 v18;
	v18 =	vmul.f32 v20, v7;
	v19 =	vmul.f32 v19, v8;
	[tilespmem:s24+$0xB910] =	vst v12  }
0x1a4: {  	v13 =	vmul.f32 v13, v10;
	v12 =	vunpack.i.l.bf16.f32 v15;
	v17 =	vadd.f32 v21, v17;
	v20 =	vld [tilespmem:s25+$0x2920]  }
0x1a5: {  	v11 =	vmul.f32 v11, v10;
	v18 =	vadd.f32 v19, v18;
	v12 =	vmul.f32 v12, v9;
	v19 =	vld [tilespmem:s25+$0x6920]  }
0x1a6: {  	[tilespmem:s28+$0xA500] =	vst v17;
	v17 =	vunpack.i.u.bf16.f32 v14;
	v14 =	vunpack.i.l.bf16.f32 v14;
	v21 =	vunpack.i.l.bf16.f32 v16  }
0x1a7: {  	v16 =	vunpack.i.u.bf16.f32 v16;
	[tilespmem:s28+$0xB500] =	vst v18;
	v14 =	vmul.f32 v14, v3;
	v18 =	vmul.f32 v21, v4  }
0x1a8: {  	v15 =	vunpack.i.u.bf16.f32 v15;
	v17 =	vmul.f32 v17, v3;
	v16 =	vmul.f32 v16, v4;
	v21 =	vld [tilespmem:s26+$0x2510]  }
0x1a9: {  	v15 =	vmul.f32 v15, v9;
	v22 =	vld [tilespmem:s26+$0x6510];
	v23 =	vunpack.i.u.bf16.f32 v20;
	v14 =	vadd.f32 v18, v14  }
0x1aa: {  	v18 =	vunpack.i.l.bf16.f32 v20;
	v16 =	vadd.f32 v16, v17;
	v20 =	vunpack.i.l.bf16.f32 v19  }
0x1ab: {  	v17 =	vunpack.i.u.bf16.f32 v19;
	v18 =	vmul.f32 v18, v5;
	v19 =	vmul.f32 v20, v6;
	[tilespmem:s22+$0xAD30] =	vst v14  }
0x1ac: {  	v14 =	vmul.f32 v23, v5;
	v17 =	vmul.f32 v17, v6;
	[tilespmem:s22+$0xBD30] =	vst v16  }
0x1ad: {  	v12 =	vadd.f32 v12, v13;
	v13 =	vunpack.i.u.bf16.f32 v21;
	v16 =	vadd.f32 v19, v18;
	v18 =	vld [tilespmem:s23+$0x2D40]  }
0x1ae: {  	v19 =	vunpack.i.l.bf16.f32 v21;
	v14 =	vadd.f32 v17, v14;
	v20 =	vunpack.i.l.bf16.f32 v22;
	v17 =	vld [tilespmem:s23+$0x6D40]  }
0x1af: {  	v21 =	vunpack.i.u.bf16.f32 v22;
	v19 =	vmul.f32 v19, v7;
	v20 =	vmul.f32 v20, v8;
	[tilespmem:s24+$0xA920] =	vst v16  }
0x1b0: {  	v11 =	vadd.f32 v15, v11;
	v13 =	vmul.f32 v13, v7;
	v15 =	vmul.f32 v21, v8;
	[tilespmem:s24+$0xB920] =	vst v14  }
0x1b1: {  	[tilespmem:s17+$0xA110] =	vst v12;
	v12 =	vadd.f32 v20, v19;
	v14 =	vld [tilespmem:s25+$0x2930]  }
0x1b2: {  	[tilespmem:s17+$0xB110] =	vst v11;
	v11 =	vadd.f32 v15, v13;
	v13 =	vld [tilespmem:s25+$0x6930]  }
0x1b3: {  	v15 =	vunpack.i.l.bf16.f32 v18;
	[tilespmem:s28+$0xA510] =	vst v12;
	v12 =	vunpack.i.u.bf16.f32 v18;
	v16 =	vunpack.i.l.bf16.f32 v17  }
0x1b4: {  	v15 =	vmul.f32 v15, v3;
	v18 =	vld [tilespmem:s3+$0x2120];
	[tilespmem:s28+$0xB510] =	vst v11;
	v11 =	vunpack.i.u.bf16.f32 v17;
	v16 =	vmul.f32 v16, v4  }
0x1b5: {  	v12 =	vmul.f32 v12, v3;
	v17 =	vld [tilespmem:s26+$0x2520];
	v11 =	vmul.f32 v11, v4  }
0x1b6: {  	v19 =	vld [tilespmem:s26+$0x6520];
	v20 =	vunpack.i.u.bf16.f32 v14;
	v15 =	vadd.f32 v16, v15  }
0x1b7: {  	v14 =	vunpack.i.l.bf16.f32 v14;
	v16 =	vunpack.i.l.bf16.f32 v13;
	v11 =	vadd.f32 v11, v12  }
0x1b8: {  	v12 =	vunpack.i.u.bf16.f32 v13;
	v13 =	vmul.f32 v14, v5;
	v14 =	vmul.f32 v16, v6;
	[tilespmem:s22+$0xAD40] =	vst v15  }
0x1b9: {  	v16 =	vmul.f32 v20, v5;
	v12 =	vmul.f32 v12, v6;
	v15 =	vld [tilespmem:s3+$0x6120];
	[tilespmem:s22+$0xBD40] =	vst v11  }
0x1ba: {  	v11 =	vunpack.i.u.bf16.f32 v18;
	v20 =	vunpack.i.u.bf16.f32 v17;
	v13 =	vadd.f32 v14, v13;
	v14 =	vld [tilespmem:s23+$0x2D50]  }
0x1bb: {  	v17 =	vunpack.i.l.bf16.f32 v17;
	v12 =	vadd.f32 v12, v16;
	v21 =	vunpack.i.l.bf16.f32 v19;
	v16 =	vld [tilespmem:s23+$0x6D50]  }
0x1bc: {  	v19 =	vunpack.i.u.bf16.f32 v19;
	v17 =	vmul.f32 v17, v7;
	v21 =	vmul.f32 v21, v8;
	[tilespmem:s24+$0xA930] =	vst v13  }
0x1bd: {  	v13 =	vunpack.i.l.bf16.f32 v18;
	v18 =	vmul.f32 v20, v7;
	v19 =	vmul.f32 v19, v8;
	[tilespmem:s24+$0xB930] =	vst v12  }
0x1be: {  	v13 =	vmul.f32 v13, v10;
	v12 =	vunpack.i.l.bf16.f32 v15;
	v17 =	vadd.f32 v21, v17;
	v20 =	vld [tilespmem:s25+$0x2940]  }
0x1bf: {  	v11 =	vmul.f32 v11, v10;
	v18 =	vadd.f32 v19, v18;
	v12 =	vmul.f32 v12, v9;
	v19 =	vld [tilespmem:s25+$0x6940]  }
0x1c0: {  	[tilespmem:s28+$0xA520] =	vst v17;
	v17 =	vunpack.i.u.bf16.f32 v14;
	v14 =	vunpack.i.l.bf16.f32 v14;
	v21 =	vunpack.i.l.bf16.f32 v16  }
0x1c1: {  	v16 =	vunpack.i.u.bf16.f32 v16;
	[tilespmem:s28+$0xB520] =	vst v18;
	v14 =	vmul.f32 v14, v3;
	v18 =	vmul.f32 v21, v4  }
0x1c2: {  	v15 =	vunpack.i.u.bf16.f32 v15;
	v17 =	vmul.f32 v17, v3;
	v16 =	vmul.f32 v16, v4;
	v21 =	vld [tilespmem:s26+$0x2530]  }
0x1c3: {  	v15 =	vmul.f32 v15, v9;
	v22 =	vld [tilespmem:s26+$0x6530];
	v23 =	vunpack.i.u.bf16.f32 v20;
	v14 =	vadd.f32 v18, v14  }
0x1c4: {  	v18 =	vunpack.i.l.bf16.f32 v20;
	v16 =	vadd.f32 v16, v17;
	v20 =	vunpack.i.l.bf16.f32 v19  }
0x1c5: {  	v17 =	vunpack.i.u.bf16.f32 v19;
	v18 =	vmul.f32 v18, v5;
	v19 =	vmul.f32 v20, v6;
	[tilespmem:s22+$0xAD50] =	vst v14  }
0x1c6: {  	v14 =	vmul.f32 v23, v5;
	v17 =	vmul.f32 v17, v6;
	[tilespmem:s22+$0xBD50] =	vst v16  }
0x1c7: {  	v12 =	vadd.f32 v12, v13;
	v13 =	vunpack.i.u.bf16.f32 v21;
	v16 =	vadd.f32 v19, v18;
	v18 =	vld [tilespmem:s23+$0x2D60]  }
0x1c8: {  	v19 =	vunpack.i.l.bf16.f32 v21;
	v14 =	vadd.f32 v17, v14;
	v20 =	vunpack.i.l.bf16.f32 v22;
	v17 =	vld [tilespmem:s23+$0x6D60]  }
0x1c9: {  	v21 =	vunpack.i.u.bf16.f32 v22;
	v19 =	vmul.f32 v19, v7;
	v20 =	vmul.f32 v20, v8;
	[tilespmem:s24+$0xA940] =	vst v16  }
0x1ca: {  	v11 =	vadd.f32 v15, v11;
	v13 =	vmul.f32 v13, v7;
	v15 =	vmul.f32 v21, v8;
	[tilespmem:s24+$0xB940] =	vst v14  }
0x1cb: {  	[tilespmem:s17+$0xA120] =	vst v12;
	v12 =	vadd.f32 v20, v19;
	v14 =	vld [tilespmem:s25+$0x2950]  }
0x1cc: {  	[tilespmem:s17+$0xB120] =	vst v11;
	v11 =	vadd.f32 v15, v13;
	v13 =	vld [tilespmem:s25+$0x6950]  }
0x1cd: {  	v15 =	vunpack.i.l.bf16.f32 v18;
	[tilespmem:s28+$0xA530] =	vst v12;
	v12 =	vunpack.i.u.bf16.f32 v18;
	v16 =	vunpack.i.l.bf16.f32 v17  }
0x1ce: {  	v15 =	vmul.f32 v15, v3;
	v18 =	vld [tilespmem:s3+$0x2130];
	[tilespmem:s28+$0xB530] =	vst v11;
	v11 =	vunpack.i.u.bf16.f32 v17;
	v16 =	vmul.f32 v16, v4  }
0x1cf: {  	v12 =	vmul.f32 v12, v3;
	v17 =	vld [tilespmem:s26+$0x2540];
	v11 =	vmul.f32 v11, v4  }
0x1d0: {  	v19 =	vld [tilespmem:s26+$0x6540];
	v20 =	vunpack.i.u.bf16.f32 v14;
	v15 =	vadd.f32 v16, v15  }
0x1d1: {  	v14 =	vunpack.i.l.bf16.f32 v14;
	v16 =	vunpack.i.l.bf16.f32 v13;
	v11 =	vadd.f32 v11, v12  }
0x1d2: {  	v13 =	vunpack.i.u.bf16.f32 v13;
	v14 =	vmul.f32 v14, v5;
	v12 =	vld [tilespmem:s3+$0x6130];
	v16 =	vmul.f32 v16, v6;
	[tilespmem:s22+$0xAD60] =	vst v15  }
0x1d3: {  	v20 =	vmul.f32 v20, v5;
	v13 =	vmul.f32 v13, v6;
	v15 =	vunpack.i.u.bf16.f32 v18;
	[tilespmem:s22+$0xBD60] =	vst v11  }
0x1d4: {  	v11 =	vunpack.i.l.bf16.f32 v18;
	v18 =	vunpack.i.u.bf16.f32 v17;
	v14 =	vadd.f32 v16, v14;
	v16 =	vld [tilespmem:s23+$0x2D70]  }
0x1d5: {  	v17 =	vunpack.i.l.bf16.f32 v17;
	v13 =	vadd.f32 v13, v20;
	v21 =	vunpack.i.l.bf16.f32 v19;
	v20 =	vld [tilespmem:s23+$0x6D70];
	s23 =	smov.u32 s25;
	s25 =	smov.u32 s26;
	s26 =	smov.u32 s3  }
0x1d6: {  	v19 =	vunpack.i.u.bf16.f32 v19;
	v17 =	vmul.f32 v17, v7;
	v21 =	vmul.f32 v21, v8;
	[tilespmem:s24+$0xA950] =	vst v14  }
0x1d7: {  	v18 =	vmul.f32 v18, v7;
	v19 =	vmul.f32 v19, v8;
	v14 =	vunpack.i.u.bf16.f32 v12;
	[tilespmem:s24+$0xB950] =	vst v13  }
0x1d8: {  	v11 =	vmul.f32 v11, v10;
	v12 =	vunpack.i.l.bf16.f32 v12;
	v13 =	vadd.f32 v21, v17;
	v17 =	vld [tilespmem:s23+$0x2960]  }
0x1d9: {  	v15 =	vmul.f32 v15, v10;
	v12 =	vmul.f32 v12, v9;
	v18 =	vadd.f32 v19, v18;
	v19 =	vld [tilespmem:s23+$0x6960]  }
0x1da: {  	v14 =	vmul.f32 v14, v9;
	[tilespmem:s28+$0xA540] =	vst v13;
	v13 =	vunpack.i.u.bf16.f32 v16;
	v21 =	vunpack.i.u.bf16.f32 v20  }
0x1db: {  	v11 =	vadd.f32 v12, v11;
	[tilespmem:s28+$0xB540] =	vst v18;
	v12 =	vmul.f32 v13, v3;
	v13 =	vmul.f32 v21, v4  }
0x1dc: {  	v14 =	vadd.f32 v14, v15;
	v16 =	vunpack.i.l.bf16.f32 v16;
	v18 =	vunpack.i.l.bf16.f32 v20;
	v15 =	vld [tilespmem:s25+$0x2550]  }
0x1dd: {  	v16 =	vmul.f32 v16, v3;
	v20 =	vmul.f32 v18, v4;
	[tilespmem:s17+$0xA130] =	vst v11;
	v11 =	vld [tilespmem:s25+$0x6550];
	v12 =	vadd.f32 v13, v12  }
0x1de: {  	v3 =	vmovc v5;
	v5 =	vmovc v7;
	v13 =	vunpack.i.u.bf16.f32 v17;
	[tilespmem:s17+$0xB130] =	vst v14;
	v14 =	vunpack.i.l.bf16.f32 v17;
	v17 =	vunpack.i.l.bf16.f32 v19  }
0x1df: {  	v7 =	vmovc v10;
	v18 =	vunpack.i.u.bf16.f32 v19;
	v14 =	vmul.f32 v14, v3;
	v17 =	vmul.f32 v17, v6;
	[tilespmem:s22+$0xBD70] =	vst v12  }
0x1e0: {  	v4 =	vmovc v6;
	v16 =	vadd.f32 v20, v16;
	v12 =	vmul.f32 v13, v3;
	v13 =	vmul.f32 v18, v6;
	v10 =	vld [tilespmem:s26+$0x2140]  }
0x1e1: {  	v6 =	vmovc v8;
	v8 =	vmov v9;
	v18 =	vld [tilespmem:s26+$0x6140];
	v19 =	vunpack.i.u.bf16.f32 v15;
	v14 =	vadd.f32 v17, v14  }
0x1e2: {  	v9 =	vunpack.i.l.bf16.f32 v15;
	v12 =	vadd.f32 v13, v12;
	v15 =	vunpack.i.l.bf16.f32 v11;
	[tilespmem:s22+$0xAD70] =	vst v16;
	s22 =	smov.u32 s24;
	s24 =	smov.u32 s28;
	s28 =	smov.u32 s17  }
0x1e3: {  	v11 =	vunpack.i.u.bf16.f32 v11;
	v9 =	vmul.f32 v9, v5;
	v13 =	vmul.f32 v15, v6;
	[tilespmem:s22+$0xA960] =	vst v14  }
.Ltmp0:
0x1e4: {  	v14 =	vmul.f32 v19, v5;
	v11 =	vmul.f32 v11, v6;
	[tilespmem:s22+$0xB960] =	vst v12;
	(pc) =	sbr.rel @p0 .LBB2_2-.Ltmp0, $4  }
0x1e5: {  	v15 =	vunpack.i.u.bf16.f32 v10;
	v13 =	vadd.f32 v13, v9;
	v9 =	vld [tilespmem:s23+$0x2970]  }
0x1e6: {  	v12 =	vunpack.i.l.bf16.f32 v10;
	v17 =	vadd.f32 v11, v14;
	v16 =	vunpack.i.l.bf16.f32 v18;
	v10 =	vld [tilespmem:s23+$0x6970]  }
0x1e7: {  	v14 =	vunpack.i.u.bf16.f32 v18;
	v11 =	vmul.f32 v12, v7;
	v12 =	vmul.f32 v16, v8;
	[tilespmem:s24+$0xA550] =	vst v13  }
0x1e8: {  	s0 =	sadd.s32 $0x1, s0;
	v13 =	vmul.f32 v15, v7;
	v14 =	vmul.f32 v14, v8;
	[tilespmem:s24+$0xB550] =	vst v17  }
0x1e9: {  	v11 =	vadd.f32 v12, v11  }
0x1ea: {  	v12 =	vadd.f32 v14, v13  }
0x1eb: {  	[tilespmem:s28+$0xA140] =	vst v11  }
0x1ec: {  	[tilespmem:s28+$0xB140] =	vst v12  }
0x1ed: {  	v11 =	vld [tilespmem:s26+$0x2150]  }
0x1ee: {  	v12 =	vld [tilespmem:s26+$0x6150];
	_ =	sdelay $0x4  }
0x1ef: {  	v13 =	vunpack.i.u.bf16.f32 v11;
	v11 =	vunpack.i.l.bf16.f32 v11;
	v14 =	vunpack.i.l.bf16.f32 v12  }
0x1f0: {  	v12 =	vunpack.i.u.bf16.f32 v12;
	v11 =	vmul.f32 v11, v7;
	v14 =	vmul.f32 v14, v8  }
0x1f1: {  	v13 =	vmul.f32 v13, v7;
	v12 =	vmul.f32 v12, v8  }
0x1f2: {  	v11 =	vadd.f32 v14, v11  }
0x1f3: {  	v12 =	vadd.f32 v12, v13  }
0x1f4: {  	[tilespmem:s28+$0xA150] =	vst v11  }
0x1f5: {  	[tilespmem:s28+$0xB150] =	vst v12  }
0x1f6: {  	v11 =	vld [tilespmem:s26+$0x2160]  }
0x1f7: {  	v12 =	vld [tilespmem:s26+$0x6160];
	_ =	sdelay $0x4  }
0x1f8: {  	v13 =	vunpack.i.u.bf16.f32 v11;
	v11 =	vunpack.i.l.bf16.f32 v11;
	v14 =	vunpack.i.l.bf16.f32 v12  }
0x1f9: {  	v12 =	vunpack.i.u.bf16.f32 v12;
	v11 =	vmul.f32 v11, v7;
	v14 =	vmul.f32 v14, v8  }
0x1fa: {  	v13 =	vmul.f32 v13, v7;
	v12 =	vmul.f32 v12, v8  }
0x1fb: {  	v11 =	vadd.f32 v14, v11  }
0x1fc: {  	v12 =	vadd.f32 v12, v13  }
0x1fd: {  	[tilespmem:s28+$0xA160] =	vst v11  }
0x1fe: {  	[tilespmem:s28+$0xB160] =	vst v12  }
0x1ff: {  	v11 =	vld [tilespmem:s26+$0x2170]  }
0x200: {  	v12 =	vld [tilespmem:s26+$0x6170];
	_ =	sdelay $0x4  }
0x201: {  	v13 =	vunpack.i.u.bf16.f32 v11;
	v11 =	vunpack.i.l.bf16.f32 v11;
	v14 =	vunpack.i.l.bf16.f32 v12  }
0x202: {  	v12 =	vunpack.i.u.bf16.f32 v12;
	v11 =	vmul.f32 v11, v7;
	v14 =	vmul.f32 v14, v8  }
0x203: {  	v13 =	vmul.f32 v13, v7;
	v12 =	vmul.f32 v12, v8  }
0x204: {  	v11 =	vadd.f32 v14, v11  }
0x205: {  	v12 =	vadd.f32 v12, v13  }
0x206: {  	[tilespmem:s28+$0xA170] =	vst v11  }
0x207: {  	[tilespmem:s28+$0xB170] =	vst v12  }
0x208: {  	v11 =	vld [tilespmem:s26+$0x2500]  }
0x209: {  	v12 =	vld [tilespmem:s26+$0x6500];
	_ =	sdelay $0x4  }
0x20a: {  	v13 =	vunpack.i.u.bf16.f32 v11;
	v11 =	vunpack.i.l.bf16.f32 v11;
	v14 =	vunpack.i.l.bf16.f32 v12  }
0x20b: {  	v12 =	vunpack.i.u.bf16.f32 v12;
	v11 =	vmul.f32 v11, v7;
	v14 =	vmul.f32 v14, v8  }
0x20c: {  	v13 =	vmul.f32 v13, v7;
	v12 =	vmul.f32 v12, v8  }
0x20d: {  	v11 =	vadd.f32 v14, v11  }
0x20e: {  	v12 =	vadd.f32 v12, v13  }
0x20f: {  	[tilespmem:s28+$0xA500] =	vst v11  }
0x210: {  	[tilespmem:s28+$0xB500] =	vst v12  }
0x211: {  	v11 =	vld [tilespmem:s26+$0x2510]  }
0x212: {  	v12 =	vld [tilespmem:s26+$0x6510];
	_ =	sdelay $0x4  }
0x213: {  	v13 =	vunpack.i.u.bf16.f32 v11;
	v11 =	vunpack.i.l.bf16.f32 v11;
	v14 =	vunpack.i.l.bf16.f32 v12  }
0x214: {  	v12 =	vunpack.i.u.bf16.f32 v12;
	v11 =	vmul.f32 v11, v7;
	v14 =	vmul.f32 v14, v8  }
0x215: {  	v13 =	vmul.f32 v13, v7;
	v12 =	vmul.f32 v12, v8  }
0x216: {  	v11 =	vadd.f32 v14, v11  }
0x217: {  	v12 =	vadd.f32 v12, v13  }
0x218: {  	[tilespmem:s28+$0xA510] =	vst v11  }
0x219: {  	[tilespmem:s28+$0xB510] =	vst v12  }
0x21a: {  	v11 =	vld [tilespmem:s26+$0x2520]  }
0x21b: {  	v12 =	vld [tilespmem:s26+$0x6520];
	_ =	sdelay $0x4  }
0x21c: {  	v13 =	vunpack.i.u.bf16.f32 v11;
	v11 =	vunpack.i.l.bf16.f32 v11;
	v14 =	vunpack.i.l.bf16.f32 v12  }
0x21d: {  	v12 =	vunpack.i.u.bf16.f32 v12;
	v11 =	vmul.f32 v11, v7;
	v14 =	vmul.f32 v14, v8  }
0x21e: {  	v13 =	vmul.f32 v13, v7;
	v12 =	vmul.f32 v12, v8  }
0x21f: {  	v11 =	vadd.f32 v14, v11  }
0x220: {  	v12 =	vadd.f32 v12, v13  }
0x221: {  	[tilespmem:s28+$0xA520] =	vst v11  }
0x222: {  	[tilespmem:s28+$0xB520] =	vst v12  }
0x223: {  	v11 =	vld [tilespmem:s26+$0x2530]  }
0x224: {  	v12 =	vld [tilespmem:s26+$0x6530];
	_ =	sdelay $0x4  }
0x225: {  	v13 =	vunpack.i.u.bf16.f32 v11;
	v11 =	vunpack.i.l.bf16.f32 v11;
	v14 =	vunpack.i.l.bf16.f32 v12  }
0x226: {  	v12 =	vunpack.i.u.bf16.f32 v12;
	v11 =	vmul.f32 v11, v7;
	v14 =	vmul.f32 v14, v8  }
0x227: {  	v13 =	vmul.f32 v13, v7;
	v12 =	vmul.f32 v12, v8  }
0x228: {  	v11 =	vadd.f32 v14, v11  }
0x229: {  	v12 =	vadd.f32 v12, v13  }
0x22a: {  	[tilespmem:s28+$0xA530] =	vst v11  }
0x22b: {  	[tilespmem:s28+$0xB530] =	vst v12  }
0x22c: {  	v11 =	vld [tilespmem:s26+$0x2540]  }
0x22d: {  	v12 =	vld [tilespmem:s26+$0x6540];
	_ =	sdelay $0x4  }
0x22e: {  	v13 =	vunpack.i.u.bf16.f32 v11;
	v11 =	vunpack.i.l.bf16.f32 v11;
	v14 =	vunpack.i.l.bf16.f32 v12  }
0x22f: {  	v12 =	vunpack.i.u.bf16.f32 v12;
	v11 =	vmul.f32 v11, v7;
	v14 =	vmul.f32 v14, v8  }
0x230: {  	v13 =	vmul.f32 v13, v7;
	v12 =	vmul.f32 v12, v8  }
0x231: {  	v11 =	vadd.f32 v14, v11  }
0x232: {  	v12 =	vadd.f32 v12, v13  }
0x233: {  	[tilespmem:s28+$0xA540] =	vst v11  }
0x234: {  	[tilespmem:s28+$0xB540] =	vst v12  }
0x235: {  	v11 =	vld [tilespmem:s26+$0x2550]  }
0x236: {  	v12 =	vld [tilespmem:s26+$0x6550];
	_ =	sdelay $0x4  }
0x237: {  	v13 =	vunpack.i.u.bf16.f32 v11;
	v11 =	vunpack.i.l.bf16.f32 v11;
	v14 =	vunpack.i.l.bf16.f32 v12  }
0x238: {  	v12 =	vunpack.i.u.bf16.f32 v12;
	v11 =	vmul.f32 v11, v7;
	v14 =	vmul.f32 v14, v8  }
0x239: {  	v15 =	vld [tilespmem:s25+$0x2560];
	v13 =	vmul.f32 v13, v7;
	v12 =	vmul.f32 v12, v8  }
0x23a: {  	v16 =	vld [tilespmem:s25+$0x6560];
	v11 =	vadd.f32 v14, v11  }
0x23b: {  	v12 =	vadd.f32 v12, v13  }
0x23c: {  	[tilespmem:s28+$0xA550] =	vst v11  }
0x23d: {  	[tilespmem:s28+$0xB550] =	vst v12  }
0x23e: {  	v11 =	vld [tilespmem:s26+$0x2560]  }
0x23f: {  	v13 =	vunpack.i.l.bf16.f32 v15;
	v14 =	vunpack.i.l.bf16.f32 v16;
	v12 =	vunpack.i.u.bf16.f32 v15;
	v15 =	vld [tilespmem:s26+$0x6560]  }
0x240: {  	v16 =	vunpack.i.u.bf16.f32 v16;
	v13 =	vmul.f32 v13, v5;
	v14 =	vmul.f32 v14, v6  }
0x241: {  	v16 =	vmul.f32 v16, v6;
	v12 =	vmul.f32 v12, v5  }
0x242: {  	v13 =	vadd.f32 v14, v13  }
0x243: {  	v12 =	vadd.f32 v16, v12  }
0x244: {  	[tilespmem:s24+$0xA560] =	vst v13;
	v13 =	vunpack.i.u.bf16.f32 v11;
	v11 =	vunpack.i.l.bf16.f32 v11;
	v14 =	vunpack.i.l.bf16.f32 v15  }
0x245: {  	[tilespmem:s24+$0xB560] =	vst v12;
	v12 =	vunpack.i.u.bf16.f32 v15;
	v11 =	vmul.f32 v11, v7;
	v14 =	vmul.f32 v14, v8  }
0x246: {  	v15 =	vld [tilespmem:s25+$0x2570];
	v13 =	vmul.f32 v13, v7;
	v12 =	vmul.f32 v12, v8  }
0x247: {  	v22 =	vld [tilespmem:s25+$0x6570];
	v11 =	vadd.f32 v14, v11  }
0x248: {  	v12 =	vadd.f32 v12, v13  }
0x249: {  	[tilespmem:s28+$0xA560] =	vst v11  }
0x24a: {  	[tilespmem:s28+$0xB560] =	vst v12  }
0x24b: {  	v11 =	vld [tilespmem:s26+$0x2570]  }
0x24c: {  	v12 =	vunpack.i.u.bf16.f32 v15;
	v13 =	vunpack.i.l.bf16.f32 v15;
	v14 =	vunpack.i.l.bf16.f32 v22;
	v15 =	vld [tilespmem:s26+$0x6570]  }
0x24d: {  	v16 =	vunpack.i.u.bf16.f32 v22;
	v13 =	vmul.f32 v13, v5;
	v14 =	vmul.f32 v14, v6  }
0x24e: {  	v12 =	vmul.f32 v12, v5;
	v16 =	vmul.f32 v16, v6  }
0x24f: {  	v13 =	vadd.f32 v14, v13  }
0x250: {  	v12 =	vadd.f32 v16, v12  }
0x251: {  	[tilespmem:s24+$0xA570] =	vst v13;
	v13 =	vunpack.i.u.bf16.f32 v11;
	v11 =	vunpack.i.l.bf16.f32 v11;
	v14 =	vunpack.i.l.bf16.f32 v15  }
0x252: {  	[tilespmem:s24+$0xB570] =	vst v12;
	v12 =	vunpack.i.u.bf16.f32 v15;
	v11 =	vmul.f32 v11, v7;
	v14 =	vmul.f32 v14, v8  }
0x253: {  	v15 =	vld [tilespmem:s25+$0x2900];
	v13 =	vmul.f32 v13, v7;
	v12 =	vmul.f32 v12, v8  }
0x254: {  	v23 =	vld [tilespmem:s25+$0x6900];
	v11 =	vadd.f32 v14, v11  }
0x255: {  	v12 =	vadd.f32 v12, v13  }
0x256: {  	[tilespmem:s28+$0xA570] =	vst v11  }
0x257: {  	[tilespmem:s28+$0xB570] =	vst v12  }
0x258: {  	v11 =	vld [tilespmem:s26+$0x2900]  }
0x259: {  	v12 =	vunpack.i.u.bf16.f32 v15;
	v13 =	vunpack.i.l.bf16.f32 v15;
	v14 =	vunpack.i.l.bf16.f32 v23;
	v15 =	vld [tilespmem:s26+$0x6900]  }
0x25a: {  	v16 =	vunpack.i.u.bf16.f32 v23;
	v13 =	vmul.f32 v13, v5;
	v14 =	vmul.f32 v14, v6  }
0x25b: {  	v12 =	vmul.f32 v12, v5;
	v16 =	vmul.f32 v16, v6  }
0x25c: {  	v13 =	vadd.f32 v14, v13  }
0x25d: {  	v12 =	vadd.f32 v16, v12  }
0x25e: {  	[tilespmem:s24+$0xA900] =	vst v13;
	v13 =	vunpack.i.u.bf16.f32 v11;
	v11 =	vunpack.i.l.bf16.f32 v11;
	v14 =	vunpack.i.l.bf16.f32 v15  }
0x25f: {  	[tilespmem:s24+$0xB900] =	vst v12;
	v12 =	vunpack.i.u.bf16.f32 v15;
	v11 =	vmul.f32 v11, v7;
	v14 =	vmul.f32 v14, v8  }
0x260: {  	v15 =	vld [tilespmem:s25+$0x2910];
	v13 =	vmul.f32 v13, v7;
	v12 =	vmul.f32 v12, v8  }
0x261: {  	v24 =	vld [tilespmem:s25+$0x6910];
	v11 =	vadd.f32 v14, v11  }
0x262: {  	v12 =	vadd.f32 v12, v13  }
0x263: {  	[tilespmem:s28+$0xA900] =	vst v11  }
0x264: {  	[tilespmem:s28+$0xB900] =	vst v12  }
0x265: {  	v11 =	vld [tilespmem:s26+$0x2910]  }
0x266: {  	v12 =	vunpack.i.u.bf16.f32 v15;
	v13 =	vunpack.i.l.bf16.f32 v15;
	v14 =	vunpack.i.l.bf16.f32 v24;
	v15 =	vld [tilespmem:s26+$0x6910]  }
0x267: {  	v16 =	vunpack.i.u.bf16.f32 v24;
	v13 =	vmul.f32 v13, v5;
	v14 =	vmul.f32 v14, v6  }
0x268: {  	v12 =	vmul.f32 v12, v5;
	v16 =	vmul.f32 v16, v6  }
0x269: {  	v13 =	vadd.f32 v14, v13  }
0x26a: {  	v12 =	vadd.f32 v16, v12  }
0x26b: {  	[tilespmem:s24+$0xA910] =	vst v13;
	v13 =	vunpack.i.u.bf16.f32 v11;
	v11 =	vunpack.i.l.bf16.f32 v11;
	v14 =	vunpack.i.l.bf16.f32 v15  }
0x26c: {  	[tilespmem:s24+$0xB910] =	vst v12;
	v12 =	vunpack.i.u.bf16.f32 v15;
	v11 =	vmul.f32 v11, v7;
	v14 =	vmul.f32 v14, v8  }
0x26d: {  	v15 =	vld [tilespmem:s25+$0x2920];
	v13 =	vmul.f32 v13, v7;
	v12 =	vmul.f32 v12, v8  }
0x26e: {  	v25 =	vld [tilespmem:s25+$0x6920];
	v11 =	vadd.f32 v14, v11  }
0x26f: {  	v12 =	vadd.f32 v12, v13  }
0x270: {  	[tilespmem:s28+$0xA910] =	vst v11  }
0x271: {  	[tilespmem:s28+$0xB910] =	vst v12  }
0x272: {  	v11 =	vld [tilespmem:s26+$0x2920]  }
0x273: {  	v12 =	vunpack.i.u.bf16.f32 v15;
	v13 =	vunpack.i.l.bf16.f32 v15;
	v14 =	vunpack.i.l.bf16.f32 v25;
	v15 =	vld [tilespmem:s26+$0x6920]  }
0x274: {  	v16 =	vunpack.i.u.bf16.f32 v25;
	v13 =	vmul.f32 v13, v5;
	v14 =	vmul.f32 v14, v6  }
0x275: {  	v12 =	vmul.f32 v12, v5;
	v16 =	vmul.f32 v16, v6  }
0x276: {  	v13 =	vadd.f32 v14, v13  }
0x277: {  	v12 =	vadd.f32 v16, v12  }
0x278: {  	[tilespmem:s24+$0xA920] =	vst v13;
	v13 =	vunpack.i.u.bf16.f32 v11;
	v11 =	vunpack.i.l.bf16.f32 v11;
	v14 =	vunpack.i.l.bf16.f32 v15  }
0x279: {  	[tilespmem:s24+$0xB920] =	vst v12;
	v12 =	vunpack.i.u.bf16.f32 v15;
	v11 =	vmul.f32 v11, v7;
	v14 =	vmul.f32 v14, v8  }
0x27a: {  	v15 =	vld [tilespmem:s25+$0x2930];
	v13 =	vmul.f32 v13, v7;
	v12 =	vmul.f32 v12, v8  }
0x27b: {  	v26 =	vld [tilespmem:s25+$0x6930];
	v11 =	vadd.f32 v14, v11  }
0x27c: {  	v12 =	vadd.f32 v12, v13  }
0x27d: {  	[tilespmem:s28+$0xA920] =	vst v11  }
0x27e: {  	[tilespmem:s28+$0xB920] =	vst v12  }
0x27f: {  	v11 =	vld [tilespmem:s26+$0x2930]  }
0x280: {  	v12 =	vunpack.i.u.bf16.f32 v15;
	v13 =	vunpack.i.l.bf16.f32 v15;
	v14 =	vunpack.i.l.bf16.f32 v26;
	v15 =	vld [tilespmem:s26+$0x6930]  }
0x281: {  	v16 =	vunpack.i.u.bf16.f32 v26;
	v13 =	vmul.f32 v13, v5;
	v14 =	vmul.f32 v14, v6  }
0x282: {  	v12 =	vmul.f32 v12, v5;
	v16 =	vmul.f32 v16, v6  }
0x283: {  	v13 =	vadd.f32 v14, v13  }
0x284: {  	v12 =	vadd.f32 v16, v12  }
0x285: {  	[tilespmem:s24+$0xA930] =	vst v13;
	v13 =	vunpack.i.u.bf16.f32 v11;
	v11 =	vunpack.i.l.bf16.f32 v11;
	v14 =	vunpack.i.l.bf16.f32 v15  }
0x286: {  	[tilespmem:s24+$0xB930] =	vst v12;
	v12 =	vunpack.i.u.bf16.f32 v15;
	v11 =	vmul.f32 v11, v7;
	v14 =	vmul.f32 v14, v8  }
0x287: {  	v15 =	vld [tilespmem:s25+$0x2940];
	v13 =	vmul.f32 v13, v7;
	v12 =	vmul.f32 v12, v8  }
0x288: {  	v27 =	vld [tilespmem:s25+$0x6940];
	v11 =	vadd.f32 v14, v11  }
0x289: {  	v12 =	vadd.f32 v12, v13  }
0x28a: {  	[tilespmem:s28+$0xA930] =	vst v11  }
0x28b: {  	[tilespmem:s28+$0xB930] =	vst v12  }
0x28c: {  	v11 =	vld [tilespmem:s26+$0x2940]  }
0x28d: {  	v12 =	vunpack.i.u.bf16.f32 v15;
	v13 =	vunpack.i.l.bf16.f32 v15;
	v14 =	vunpack.i.l.bf16.f32 v27;
	v15 =	vld [tilespmem:s26+$0x6940]  }
0x28e: {  	v16 =	vunpack.i.u.bf16.f32 v27;
	v13 =	vmul.f32 v13, v5;
	v14 =	vmul.f32 v14, v6  }
0x28f: {  	v12 =	vmul.f32 v12, v5;
	v16 =	vmul.f32 v16, v6  }
0x290: {  	v13 =	vadd.f32 v14, v13  }
0x291: {  	v17 =	vunpack.i.l.bf16.f32 v10;
	v12 =	vadd.f32 v16, v12  }
0x292: {  	[tilespmem:s24+$0xA940] =	vst v13;
	v13 =	vunpack.i.u.bf16.f32 v11;
	v11 =	vunpack.i.l.bf16.f32 v11;
	v28 =	vunpack.i.l.bf16.f32 v15  }
0x293: {  	[tilespmem:s24+$0xB940] =	vst v12;
	v12 =	vunpack.i.u.bf16.f32 v15;
	v11 =	vmul.f32 v11, v7;
	v15 =	vmul.f32 v28, v8  }
0x294: {  	v10 =	vunpack.i.u.bf16.f32 v10;
	v29 =	vld [tilespmem:s25+$0x2950];
	v13 =	vmul.f32 v13, v7;
	v12 =	vmul.f32 v12, v8  }
0x295: {  	v14 =	vunpack.i.u.bf16.f32 v9;
	v9 =	vunpack.i.l.bf16.f32 v9;
	v18 =	vld [tilespmem:s25+$0x6950];
	v11 =	vadd.f32 v15, v11  }
0x296: {  	v10 =	vmul.f32 v10, v4;
	v9 =	vmul.f32 v9, v3;
	v12 =	vadd.f32 v12, v13  }
0x297: {  	v15 =	vmul.f32 v17, v4;
	v13 =	vmul.f32 v14, v3;
	[tilespmem:s28+$0xA940] =	vst v11  }
0x298: {  	[tilespmem:s28+$0xB940] =	vst v12  }
0x299: {  	v9 =	vadd.f32 v15, v9;
	v10 =	vadd.f32 v10, v13;
	v11 =	vld [tilespmem:s26+$0x2950]  }
0x29a: {  	v12 =	vunpack.i.u.bf16.f32 v29;
	v13 =	vunpack.i.l.bf16.f32 v29;
	v14 =	vunpack.i.l.bf16.f32 v18;
	v15 =	vld [tilespmem:s26+$0x6950]  }
0x29b: {  	v13 =	vmul.f32 v13, v5;
	v14 =	vmul.f32 v14, v6;
	[tilespmem:s22+$0xA970] =	vst v9;
	v9 =	vunpack.i.u.bf16.f32 v18  }
0x29c: {  	[tilespmem:s22+$0xB970] =	vst v10;
	v10 =	vmul.f32 v12, v5;
	v9 =	vmul.f32 v9, v6  }
0x29d: {  	v12 =	vld [tilespmem:s23+$0x2D00];
	v13 =	vadd.f32 v14, v13  }
0x29e: {  	v14 =	vld [tilespmem:s23+$0x6D00];
	v9 =	vadd.f32 v9, v10  }
0x29f: {  	[tilespmem:s24+$0xA950] =	vst v13;
	v10 =	vunpack.i.u.bf16.f32 v11;
	v11 =	vunpack.i.l.bf16.f32 v11;
	v13 =	vunpack.i.l.bf16.f32 v15  }
0x2a0: {  	[tilespmem:s24+$0xB950] =	vst v9;
	v9 =	vunpack.i.u.bf16.f32 v15;
	v11 =	vmul.f32 v11, v7;
	v13 =	vmul.f32 v13, v8  }
0x2a1: {  	v10 =	vmul.f32 v10, v7;
	v15 =	vld [tilespmem:s25+$0x2960];
	v9 =	vmul.f32 v9, v8  }
0x2a2: {  	v30 =	vld [tilespmem:s25+$0x6960];
	v11 =	vadd.f32 v13, v11  }
0x2a3: {  	v31 =	vunpack.i.l.bf16.f32 v14;
	v13 =	vunpack.i.l.bf16.f32 v12;
	v9 =	vadd.f32 v9, v10  }
0x2a4: {  	v10 =	vmul.f32 v13, v3;
	v13 =	vmul.f32 v31, v4;
	[tilespmem:s28+$0xA950] =	vst v11  }
0x2a5: {  	v11 =	vunpack.i.u.bf16.f32 v12;
	v12 =	vunpack.i.u.bf16.f32 v14;
	[tilespmem:s28+$0xB950] =	vst v9  }
0x2a6: {  	v9 =	vmul.f32 v11, v3;
	v11 =	vmul.f32 v12, v4;
	v10 =	vadd.f32 v13, v10;
	v12 =	vld [tilespmem:s26+$0x2960]  }
0x2a7: {  	v13 =	vunpack.i.u.bf16.f32 v15;
	v14 =	vunpack.i.l.bf16.f32 v15;
	v15 =	vunpack.i.l.bf16.f32 v30;
	v32 =	vld [tilespmem:s26+$0x6960]  }
0x2a8: {  	v16 =	vunpack.i.u.bf16.f32 v30;
	v14 =	vmul.f32 v14, v5;
	v15 =	vmul.f32 v15, v6  }
0x2a9: {  	v9 =	vadd.f32 v11, v9;
	v11 =	vmul.f32 v13, v5;
	v13 =	vmul.f32 v16, v6  }
0x2aa: {  	[tilespmem:s22+$0xAD00] =	vst v10;
	v10 =	vadd.f32 v15, v14  }
0x2ab: {  	[tilespmem:s22+$0xBD00] =	vst v9;
	v9 =	vadd.f32 v13, v11  }
0x2ac: {  	v11 =	vld [tilespmem:s23+$0x2D10];
	[tilespmem:s24+$0xA960] =	vst v10;
	v10 =	vunpack.i.u.bf16.f32 v12;
	v12 =	vunpack.i.l.bf16.f32 v12;
	v13 =	vunpack.i.l.bf16.f32 v32  }
0x2ad: {  	v14 =	vld [tilespmem:s23+$0x6D10];
	[tilespmem:s24+$0xB960] =	vst v9;
	v9 =	vunpack.i.u.bf16.f32 v32;
	v12 =	vmul.f32 v12, v7;
	v13 =	vmul.f32 v13, v8  }
0x2ae: {  	v15 =	vld [tilespmem:s25+$0x2970];
	v10 =	vmul.f32 v10, v7;
	v9 =	vmul.f32 v9, v8  }
0x2af: {  	v33 =	vld [tilespmem:s25+$0x6970];
	v12 =	vadd.f32 v13, v12  }
0x2b0: {  	v9 =	vadd.f32 v9, v10  }
0x2b1: {  	[tilespmem:s28+$0xA960] =	vst v12  }
0x2b2: {  	v10 =	vunpack.i.l.bf16.f32 v11;
	v12 =	vunpack.i.l.bf16.f32 v14;
	[tilespmem:s28+$0xB960] =	vst v9  }
0x2b3: {  	v9 =	vmul.f32 v10, v3;
	v10 =	vmul.f32 v12, v4;
	v12 =	vld [tilespmem:s26+$0x2970]  }
0x2b4: {  	v13 =	vunpack.i.u.bf16.f32 v15;
	v15 =	vunpack.i.l.bf16.f32 v15;
	v34 =	vunpack.i.l.bf16.f32 v33;
	v35 =	vld [tilespmem:s26+$0x6970]  }
0x2b5: {  	v16 =	vunpack.i.u.bf16.f32 v33;
	v15 =	vmul.f32 v15, v5;
	v17 =	vmul.f32 v34, v6  }
0x2b6: {  	v11 =	vunpack.i.u.bf16.f32 v11;
	v13 =	vmul.f32 v13, v5;
	v16 =	vmul.f32 v16, v6  }
0x2b7: {  	v14 =	vunpack.i.u.bf16.f32 v14;
	v11 =	vmul.f32 v11, v3;
	v15 =	vadd.f32 v17, v15  }
0x2b8: {  	v14 =	vmul.f32 v14, v4;
	v9 =	vadd.f32 v10, v9;
	v10 =	vadd.f32 v16, v13  }
0x2b9: {  	[tilespmem:s24+$0xA970] =	vst v15;
	v13 =	vunpack.i.u.bf16.f32 v12;
	v12 =	vunpack.i.l.bf16.f32 v12;
	v15 =	vunpack.i.l.bf16.f32 v35  }
0x2ba: {  	[tilespmem:s24+$0xB970] =	vst v10;
	v10 =	vunpack.i.u.bf16.f32 v35;
	v12 =	vmul.f32 v12, v7;
	v15 =	vmul.f32 v15, v8  }
0x2bb: {  	v11 =	vadd.f32 v14, v11;
	v14 =	vld [tilespmem:s25+$0x2D00];
	v13 =	vmul.f32 v13, v7;
	v10 =	vmul.f32 v10, v8  }
0x2bc: {  	[tilespmem:s22+$0xAD10] =	vst v9;
	v9 =	vld [tilespmem:s25+$0x6D00];
	v12 =	vadd.f32 v15, v12  }
0x2bd: {  	[tilespmem:s22+$0xBD10] =	vst v11;
	v10 =	vadd.f32 v10, v13  }
0x2be: {  	[tilespmem:s28+$0xA970] =	vst v12  }
0x2bf: {  	v36 =	vld [tilespmem:s23+$0x6D20];
	[tilespmem:s28+$0xB970] =	vst v10  }
0x2c0: {  	v10 =	vld [tilespmem:s26+$0x2D00]  }
0x2c1: {  	v12 =	vunpack.i.u.bf16.f32 v14;
	v13 =	vunpack.i.l.bf16.f32 v14;
	v14 =	vunpack.i.l.bf16.f32 v9;
	v15 =	vld [tilespmem:s26+$0x6D00]  }
0x2c2: {  	v9 =	vunpack.i.u.bf16.f32 v9;
	v13 =	vmul.f32 v13, v5;
	v14 =	vmul.f32 v14, v6  }
0x2c3: {  	v12 =	vmul.f32 v12, v5;
	v9 =	vmul.f32 v9, v6  }
0x2c4: {  	v11 =	vld [tilespmem:s23+$0x2D20];
	v13 =	vadd.f32 v14, v13  }
0x2c5: {  	v37 =	vunpack.i.l.bf16.f32 v36;
	v9 =	vadd.f32 v9, v12  }
0x2c6: {  	[tilespmem:s24+$0xAD00] =	vst v13;
	v12 =	vunpack.i.u.bf16.f32 v10;
	v10 =	vunpack.i.l.bf16.f32 v10;
	v13 =	vunpack.i.l.bf16.f32 v15  }
0x2c7: {  	[tilespmem:s24+$0xBD00] =	vst v9;
	v9 =	vunpack.i.u.bf16.f32 v15;
	v10 =	vmul.f32 v10, v7;
	v13 =	vmul.f32 v13, v8  }
0x2c8: {  	v16 =	vunpack.i.u.bf16.f32 v36;
	v15 =	vld [tilespmem:s25+$0x2D10];
	v12 =	vmul.f32 v12, v7;
	v9 =	vmul.f32 v9, v8  }
0x2c9: {  	v14 =	vunpack.i.u.bf16.f32 v11;
	v11 =	vunpack.i.l.bf16.f32 v11;
	v38 =	vld [tilespmem:s25+$0x6D10];
	v10 =	vadd.f32 v13, v10  }
0x2ca: {  	v11 =	vmul.f32 v11, v3;
	v13 =	vmul.f32 v37, v4;
	v9 =	vadd.f32 v9, v12  }
0x2cb: {  	v12 =	vmul.f32 v14, v3;
	v14 =	vmul.f32 v16, v4;
	[tilespmem:s28+$0xAD00] =	vst v10  }
0x2cc: {  	[tilespmem:s28+$0xBD00] =	vst v9  }
0x2cd: {  	v9 =	vadd.f32 v13, v11;
	v10 =	vadd.f32 v14, v12;
	v11 =	vld [tilespmem:s26+$0x2D10]  }
0x2ce: {  	v12 =	vunpack.i.u.bf16.f32 v15;
	v13 =	vunpack.i.l.bf16.f32 v15;
	v14 =	vunpack.i.l.bf16.f32 v38;
	v15 =	vld [tilespmem:s26+$0x6D10]  }
0x2cf: {  	[tilespmem:s22+$0xAD20] =	vst v9;
	v9 =	vunpack.i.u.bf16.f32 v38;
	v13 =	vmul.f32 v13, v5;
	v14 =	vmul.f32 v14, v6  }
0x2d0: {  	[tilespmem:s22+$0xBD20] =	vst v10;
	v10 =	vmul.f32 v12, v5;
	v9 =	vmul.f32 v9, v6  }
0x2d1: {  	v12 =	vld [tilespmem:s23+$0x2D30];
	v13 =	vadd.f32 v14, v13  }
0x2d2: {  	v14 =	vld [tilespmem:s23+$0x6D30];
	v9 =	vadd.f32 v9, v10  }
0x2d3: {  	[tilespmem:s24+$0xAD10] =	vst v13;
	v10 =	vunpack.i.u.bf16.f32 v11;
	v11 =	vunpack.i.l.bf16.f32 v11;
	v13 =	vunpack.i.l.bf16.f32 v15  }
0x2d4: {  	[tilespmem:s24+$0xBD10] =	vst v9;
	v9 =	vunpack.i.u.bf16.f32 v15;
	v11 =	vmul.f32 v11, v7;
	v13 =	vmul.f32 v13, v8  }
0x2d5: {  	v10 =	vmul.f32 v10, v7;
	v15 =	vld [tilespmem:s25+$0x2D20];
	v9 =	vmul.f32 v9, v8  }
0x2d6: {  	v39 =	vld [tilespmem:s25+$0x6D20];
	v11 =	vadd.f32 v13, v11  }
0x2d7: {  	v13 =	vunpack.i.l.bf16.f32 v12;
	v40 =	vunpack.i.l.bf16.f32 v14;
	v9 =	vadd.f32 v9, v10  }
0x2d8: {  	v10 =	vmul.f32 v13, v3;
	v13 =	vmul.f32 v40, v4;
	[tilespmem:s28+$0xAD10] =	vst v11  }
0x2d9: {  	v11 =	vunpack.i.u.bf16.f32 v12;
	v12 =	vunpack.i.u.bf16.f32 v14;
	[tilespmem:s28+$0xBD10] =	vst v9  }
0x2da: {  	v9 =	vmul.f32 v11, v3;
	v11 =	vmul.f32 v12, v4;
	v10 =	vadd.f32 v13, v10;
	v12 =	vld [tilespmem:s26+$0x2D20]  }
0x2db: {  	v13 =	vunpack.i.u.bf16.f32 v15;
	v14 =	vunpack.i.l.bf16.f32 v15;
	v15 =	vunpack.i.l.bf16.f32 v39;
	v41 =	vld [tilespmem:s26+$0x6D20]  }
0x2dc: {  	v16 =	vunpack.i.u.bf16.f32 v39;
	v14 =	vmul.f32 v14, v5;
	v15 =	vmul.f32 v15, v6  }
0x2dd: {  	v9 =	vadd.f32 v11, v9;
	v11 =	vmul.f32 v13, v5;
	v13 =	vmul.f32 v16, v6  }
0x2de: {  	[tilespmem:s22+$0xAD30] =	vst v10;
	v10 =	vadd.f32 v15, v14  }
0x2df: {  	[tilespmem:s22+$0xBD30] =	vst v9;
	v9 =	vadd.f32 v13, v11  }
0x2e0: {  	v11 =	vld [tilespmem:s23+$0x2D40];
	[tilespmem:s24+$0xAD20] =	vst v10;
	v10 =	vunpack.i.u.bf16.f32 v12;
	v12 =	vunpack.i.l.bf16.f32 v12;
	v13 =	vunpack.i.l.bf16.f32 v41  }
0x2e1: {  	v14 =	vld [tilespmem:s23+$0x6D40];
	[tilespmem:s24+$0xBD20] =	vst v9;
	v9 =	vunpack.i.u.bf16.f32 v41;
	v12 =	vmul.f32 v12, v7;
	v13 =	vmul.f32 v13, v8  }
0x2e2: {  	v15 =	vld [tilespmem:s25+$0x2D30];
	v10 =	vmul.f32 v10, v7;
	v9 =	vmul.f32 v9, v8  }
0x2e3: {  	v42 =	vld [tilespmem:s25+$0x6D30];
	v12 =	vadd.f32 v13, v12  }
0x2e4: {  	v9 =	vadd.f32 v9, v10  }
0x2e5: {  	[tilespmem:s28+$0xAD20] =	vst v12  }
0x2e6: {  	v10 =	vunpack.i.l.bf16.f32 v11;
	v12 =	vunpack.i.l.bf16.f32 v14;
	[tilespmem:s28+$0xBD20] =	vst v9  }
0x2e7: {  	v9 =	vmul.f32 v10, v3;
	v10 =	vmul.f32 v12, v4;
	v12 =	vld [tilespmem:s26+$0x2D30]  }
0x2e8: {  	v13 =	vunpack.i.u.bf16.f32 v15;
	v15 =	vunpack.i.l.bf16.f32 v15;
	v43 =	vunpack.i.l.bf16.f32 v42;
	v44 =	vld [tilespmem:s26+$0x6D30]  }
0x2e9: {  	v16 =	vunpack.i.u.bf16.f32 v42;
	v15 =	vmul.f32 v15, v5;
	v17 =	vmul.f32 v43, v6  }
0x2ea: {  	v11 =	vunpack.i.u.bf16.f32 v11;
	v13 =	vmul.f32 v13, v5;
	v16 =	vmul.f32 v16, v6  }
0x2eb: {  	v14 =	vunpack.i.u.bf16.f32 v14;
	v11 =	vmul.f32 v11, v3;
	v15 =	vadd.f32 v17, v15  }
0x2ec: {  	v14 =	vmul.f32 v14, v4;
	v9 =	vadd.f32 v10, v9;
	v10 =	vadd.f32 v16, v13  }
0x2ed: {  	[tilespmem:s24+$0xAD30] =	vst v15;
	v13 =	vunpack.i.u.bf16.f32 v12;
	v12 =	vunpack.i.l.bf16.f32 v12;
	v15 =	vunpack.i.l.bf16.f32 v44  }
0x2ee: {  	[tilespmem:s24+$0xBD30] =	vst v10;
	v10 =	vunpack.i.u.bf16.f32 v44;
	v12 =	vmul.f32 v12, v7;
	v15 =	vmul.f32 v15, v8  }
0x2ef: {  	v11 =	vadd.f32 v14, v11;
	v14 =	vld [tilespmem:s25+$0x2D40];
	v13 =	vmul.f32 v13, v7;
	v10 =	vmul.f32 v10, v8  }
0x2f0: {  	[tilespmem:s22+$0xAD40] =	vst v9;
	v9 =	vld [tilespmem:s25+$0x6D40];
	v12 =	vadd.f32 v15, v12  }
0x2f1: {  	[tilespmem:s22+$0xBD40] =	vst v11;
	v10 =	vadd.f32 v10, v13  }
0x2f2: {  	[tilespmem:s28+$0xAD30] =	vst v12  }
0x2f3: {  	v45 =	vld [tilespmem:s23+$0x6D50];
	[tilespmem:s28+$0xBD30] =	vst v10  }
0x2f4: {  	v10 =	vld [tilespmem:s26+$0x2D40]  }
0x2f5: {  	v12 =	vunpack.i.u.bf16.f32 v14;
	v13 =	vunpack.i.l.bf16.f32 v14;
	v14 =	vunpack.i.l.bf16.f32 v9;
	v15 =	vld [tilespmem:s26+$0x6D40]  }
0x2f6: {  	v9 =	vunpack.i.u.bf16.f32 v9;
	v13 =	vmul.f32 v13, v5;
	v14 =	vmul.f32 v14, v6  }
0x2f7: {  	v12 =	vmul.f32 v12, v5;
	v9 =	vmul.f32 v9, v6  }
0x2f8: {  	v11 =	vld [tilespmem:s23+$0x2D50];
	v13 =	vadd.f32 v14, v13  }
0x2f9: {  	v46 =	vunpack.i.l.bf16.f32 v45;
	v9 =	vadd.f32 v9, v12  }
0x2fa: {  	[tilespmem:s24+$0xAD40] =	vst v13;
	v12 =	vunpack.i.u.bf16.f32 v10;
	v10 =	vunpack.i.l.bf16.f32 v10;
	v13 =	vunpack.i.l.bf16.f32 v15  }
0x2fb: {  	[tilespmem:s24+$0xBD40] =	vst v9;
	v9 =	vunpack.i.u.bf16.f32 v15;
	v10 =	vmul.f32 v10, v7;
	v13 =	vmul.f32 v13, v8  }
0x2fc: {  	v16 =	vunpack.i.u.bf16.f32 v45;
	v15 =	vld [tilespmem:s25+$0x2D50];
	v12 =	vmul.f32 v12, v7;
	v9 =	vmul.f32 v9, v8  }
0x2fd: {  	v14 =	vunpack.i.u.bf16.f32 v11;
	v11 =	vunpack.i.l.bf16.f32 v11;
	v47 =	vld [tilespmem:s25+$0x6D50];
	v10 =	vadd.f32 v13, v10  }
0x2fe: {  	v11 =	vmul.f32 v11, v3;
	v13 =	vmul.f32 v46, v4;
	v9 =	vadd.f32 v9, v12  }
0x2ff: {  	v12 =	vmul.f32 v14, v3;
	v14 =	vmul.f32 v16, v4;
	[tilespmem:s28+$0xAD40] =	vst v10  }
0x300: {  	[tilespmem:s28+$0xBD40] =	vst v9  }
0x301: {  	v9 =	vadd.f32 v13, v11;
	v10 =	vadd.f32 v14, v12;
	v11 =	vld [tilespmem:s26+$0x2D50]  }
0x302: {  	v12 =	vunpack.i.u.bf16.f32 v15;
	v13 =	vunpack.i.l.bf16.f32 v15;
	v14 =	vunpack.i.l.bf16.f32 v47;
	v15 =	vld [tilespmem:s26+$0x6D50]  }
0x303: {  	[tilespmem:s22+$0xAD50] =	vst v9;
	v9 =	vunpack.i.u.bf16.f32 v47;
	v13 =	vmul.f32 v13, v5;
	v14 =	vmul.f32 v14, v6  }
0x304: {  	[tilespmem:s22+$0xBD50] =	vst v10;
	v10 =	vmul.f32 v12, v5;
	v9 =	vmul.f32 v9, v6  }
0x305: {  	v12 =	vld [tilespmem:s23+$0x2D60];
	v13 =	vadd.f32 v14, v13  }
0x306: {  	v14 =	vld [tilespmem:s23+$0x6D60];
	v9 =	vadd.f32 v9, v10  }
0x307: {  	[tilespmem:s24+$0xAD50] =	vst v13;
	v10 =	vunpack.i.u.bf16.f32 v11;
	v11 =	vunpack.i.l.bf16.f32 v11;
	v13 =	vunpack.i.l.bf16.f32 v15  }
0x308: {  	[tilespmem:s24+$0xBD50] =	vst v9;
	v9 =	vunpack.i.u.bf16.f32 v15;
	v11 =	vmul.f32 v11, v7;
	v13 =	vmul.f32 v13, v8  }
0x309: {  	v10 =	vmul.f32 v10, v7;
	v15 =	vld [tilespmem:s25+$0x2D60];
	v9 =	vmul.f32 v9, v8  }
0x30a: {  	v48 =	vld [tilespmem:s25+$0x6D60];
	v11 =	vadd.f32 v13, v11  }
0x30b: {  	v13 =	vunpack.i.l.bf16.f32 v12;
	v49 =	vunpack.i.l.bf16.f32 v14;
	v9 =	vadd.f32 v9, v10  }
0x30c: {  	v10 =	vmul.f32 v13, v3;
	v13 =	vmul.f32 v49, v4;
	[tilespmem:s28+$0xAD50] =	vst v11  }
0x30d: {  	v11 =	vunpack.i.u.bf16.f32 v12;
	v12 =	vunpack.i.u.bf16.f32 v14;
	[tilespmem:s28+$0xBD50] =	vst v9  }
0x30e: {  	v9 =	vmul.f32 v11, v3;
	v11 =	vmul.f32 v12, v4;
	v10 =	vadd.f32 v13, v10;
	v12 =	vld [tilespmem:s26+$0x2D60]  }
0x30f: {  	v13 =	vunpack.i.u.bf16.f32 v15;
	v14 =	vunpack.i.l.bf16.f32 v15;
	v15 =	vunpack.i.l.bf16.f32 v48;
	v50 =	vld [tilespmem:s26+$0x6D60]  }
0x310: {  	v16 =	vunpack.i.u.bf16.f32 v48;
	v14 =	vmul.f32 v14, v5;
	v15 =	vmul.f32 v15, v6  }
0x311: {  	v9 =	vadd.f32 v11, v9;
	v11 =	vmul.f32 v13, v5;
	v13 =	vmul.f32 v16, v6  }
0x312: {  	[tilespmem:s22+$0xAD60] =	vst v10  }
0x313: {  	[tilespmem:s22+$0xBD60] =	vst v9;
	v9 =	vadd.f32 v15, v14;
	v10 =	vadd.f32 v13, v11  }
0x314: {  	v11 =	vld [tilespmem:s23+$0x2D70];
	v13 =	vunpack.i.u.bf16.f32 v12;
	v12 =	vunpack.i.l.bf16.f32 v12;
	v14 =	vunpack.i.l.bf16.f32 v50  }
0x315: {  	v15 =	vld [tilespmem:s23+$0x6D70];
	v51 =	vunpack.i.u.bf16.f32 v50;
	v12 =	vmul.f32 v12, v7;
	v14 =	vmul.f32 v14, v8  }
0x316: {  	[tilespmem:s24+$0xAD60] =	vst v9;
	v9 =	vmul.f32 v13, v7;
	v13 =	vmul.f32 v51, v8  }
0x317: {  	[tilespmem:s24+$0xBD60] =	vst v10;
	v10 =	vadd.f32 v14, v12  }
0x318: {  	v12 =	vld [tilespmem:s25+$0x2D70];
	v9 =	vadd.f32 v13, v9  }
0x319: {  	v14 =	vld [tilespmem:s25+$0x6D70];
	v13 =	vunpack.i.u.bf16.f32 v11;
	[tilespmem:s28+$0xAD60] =	vst v10  }
0x31a: {  	v10 =	vunpack.i.u.bf16.f32 v15;
	v13 =	vmul.f32 v13, v3;
	[tilespmem:s28+$0xBD60] =	vst v9  }
0x31b: {  	v9 =	vmul.f32 v10, v4;
	v10 =	vunpack.i.l.bf16.f32 v11;
	v11 =	vunpack.i.l.bf16.f32 v15;
	v15 =	vld [tilespmem:s26+$0x2D70]  }
0x31c: {  	v3 =	vmul.f32 v10, v3;
	v4 =	vmul.f32 v11, v4;
	v10 =	vld [tilespmem:s26+$0x6D70]  }
0x31d: {  	v9 =	vadd.f32 v9, v13;
	v11 =	vunpack.i.u.bf16.f32 v12  }
0x31e: {  	v12 =	vunpack.i.l.bf16.f32 v12;
	v3 =	vadd.f32 v4, v3;
	v4 =	vunpack.i.u.bf16.f32 v14  }
0x31f: {  	v13 =	vunpack.i.l.bf16.f32 v14;
	v11 =	vmul.f32 v11, v5;
	v4 =	vmul.f32 v4, v6  }
0x320: {  	v5 =	vmul.f32 v12, v5;
	v6 =	vmul.f32 v13, v6;
	v12 =	vunpack.i.u.bf16.f32 v15  }
0x321: {  	v4 =	vadd.f32 v4, v11;
	v11 =	vunpack.i.u.bf16.f32 v10;
	v12 =	vmul.f32 v12, v7  }
0x322: {  	[tilespmem:s22+$0xBD70] =	vst v9;
	v10 =	vunpack.i.l.bf16.f32 v10;
	v9 =	vmul.f32 v11, v8;
	v11 =	vunpack.i.l.bf16.f32 v15  }
0x323: {  	[tilespmem:s22+$0xAD70] =	vst v3;
	v3 =	vadd.f32 v6, v5;
	v6 =	vmul.f32 v10, v8;
	v5 =	vmul.f32 v11, v7  }
0x324: {  	[tilespmem:s24+$0xBD70] =	vst v4;
	v4 =	vadd.f32 v9, v12  }
0x325: {  	[tilespmem:s24+$0xAD70] =	vst v3;
	v3 =	vadd.f32 v6, v5  }
0x326: {  	[tilespmem:s28+$0xBD70] =	vst v4  }
0x327: {  	s0 =	simm.s32 $0x0;
	s3 =	simm.s32 $0xA100;
	[tilespmem:s28+$0xAD70] =	vst v3  }
0x328: {  	[hbm4b:s9+s0] =	stream.linear.scatter [tilespmem:s3], [sflag:$0x3], $0x8000, $0x38;
	[tilespmem:$0x12100] =	vst v63  }
0x329: {  	_ =	swait.ge [sflag:s16], $0x8000  }
0x32a: {  	[sflag:s16] =	ssyncset.done $0x0  }
0x32b: {  	[sflag:s16] =	ssyncadd.s32 $0xFFFF8000  }
0x32c: {  	[tilespmem:s0], [sflag:$0x3] =	stream.linear.gather [hbm4b:s10+s0], $0x20, $0x38;
	[tilespmem:$0x12100] =	vst v63  }
0x32d: {  	_ =	swait.ge [sflag:s16], $0x20  }
0x32e: {  	[sflag:s16] =	ssyncset.done $0x0  }
0x32f: {  	s24 =	simm.s32 $0x80;
	[sflag:s16] =	ssyncadd.s32 $0xFFFFFFE0  }
0x330: {  	[tilespmem:s24], [sflag:$0x3] =	stream.linear.gather [hbm4b:s11+s0], $0x20, $0x38;
	[tilespmem:$0x12100] =	vst v63  }
0x331: {  	_ =	swait.ge [sflag:s16], $0x20  }
0x332: {  	[sflag:s16] =	ssyncset.done $0x0  }
0x333: {  	s3 =	simm.s32 $0x100;
	[sflag:s16] =	ssyncadd.s32 $0xFFFFFFE0  }
0x334: {  	[tilespmem:s3], [sflag:$0x3] =	stream.linear.gather [hbm4b:s12+s0], $0x1000, $0x38;
	[tilespmem:$0x12100] =	vst v63  }
0x335: {  	_ =	swait.ge [sflag:s16], $0x1000  }
0x336: {  	[sflag:s16] =	ssyncset.done $0x0  }
0x337: {  	s17 =	simm.s32 $0x1100;
	[sflag:s16] =	ssyncadd.s32 $0xFFFFF000  }
0x338: {  	[tilespmem:s17], [sflag:$0x3] =	stream.linear.gather [hbm4b:s13+s0], $0x1000, $0x38;
	[tilespmem:$0x12100] =	vst v63  }
0x339: {  	_ =	swait.ge [sflag:s16], $0x1000  }
0x33a: {  	[sflag:s16] =	ssyncset.done $0x0  }
0x33b: {  	[sflag:s16] =	ssyncadd.s32 $0xFFFFF000  }
0x33c: {  	v3 =	vld [tilespmem:$0x0];
	_ =	sdelay $0x4  }
0x33d: {  	v4 =	vshll.u32 v3, $0x2  }
0x33e: {  	v3 =	vand.u32 $0x7, v3;
	v4 =	vand.u32 $0xFFFFFFE0, v4  }
0x33f: {  	v3 =	vor.u32 v3, v4  }
0x340: {  	v4 =	vperm.xlane v3, v0;
	_ =	sdelay $0x1  }
0x341: {  	v4 =	vadd.s32 v1, v4;
	_ =	sdelay $0x1  }
0x342: {  	v3 =	vperm.xlane v3, v2;
	_ =	sdelay $0x1  }
0x343: {  	s20 =	simm.s32 $0x2100;
	v3 =	vadd.s32 v1, v3  }
0x344: {  	[tilespmem:s20], [sflag:$0x1] =	stream.indirect_vreg.gather [hbm4b:s2+s0], $0x80, v4, vm0, $0xb8;
	[tilespmem:$0x12100] =	vst v63  }
0x345: {  	s25 =	simm.s32 $0x2900  }
0x346: {  	[tilespmem:s25], [sflag:$0x1] =	stream.indirect_vreg.gather [hbm4b:s8+s0], $0x80, v4, vm0, $0xb8;
	[tilespmem:$0x12100] =	vst v63  }
0x347: {  	s26 =	simm.s32 $0x3100  }
0x348: {  	[tilespmem:s26], [sflag:$0x1] =	stream.indirect_vreg.gather [hbm4b:s2+s0], $0x80, v3, vm0, $0xb8;
	[tilespmem:$0x12100] =	vst v63  }
0x349: {  	s22 =	simm.s32 $0x3900  }
0x34a: {  	[tilespmem:s22], [sflag:$0x1] =	stream.indirect_vreg.gather [hbm4b:s8+s0], $0x80, v3, vm0, $0xb8;
	[tilespmem:$0x12100] =	vst v63  }
0x34b: {  	v3 =	vld [tilespmem:$0x10];
	_ =	sdelay $0x4  }
0x34c: {  	v4 =	vshll.u32 v3, $0x2  }
0x34d: {  	v3 =	vand.u32 $0x7, v3;
	v4 =	vand.u32 $0xFFFFFFE0, v4  }
0x34e: {  	v3 =	vor.u32 v3, v4  }
0x34f: {  	v4 =	vperm.xlane v3, v0;
	_ =	sdelay $0x1  }
0x350: {  	v4 =	vadd.s32 v1, v4;
	_ =	sdelay $0x1  }
0x351: {  	v3 =	vperm.xlane v3, v2;
	_ =	sdelay $0x1  }
0x352: {  	s23 =	simm.s32 $0x4100;
	v3 =	vadd.s32 v1, v3  }
0x353: {  	[tilespmem:s23], [sflag:$0x1] =	stream.indirect_vreg.gather [hbm4b:s2+s0], $0x80, v4, vm0, $0xb8;
	[tilespmem:$0x12100] =	vst v63  }
0x354: {  	s24 =	simm.s32 $0x4900  }
0x355: {  	[tilespmem:s24], [sflag:$0x1] =	stream.indirect_vreg.gather [hbm4b:s8+s0], $0x80, v4, vm0, $0xb8;
	[tilespmem:$0x12100] =	vst v63  }
0x356: {  	s25 =	simm.s32 $0x5100  }
0x357: {  	[tilespmem:s25], [sflag:$0x1] =	stream.indirect_vreg.gather [hbm4b:s2+s0], $0x80, v3, vm0, $0xb8;
	[tilespmem:$0x12100] =	vst v63  }
0x358: {  	s26 =	simm.s32 $0x5900  }
0x359: {  	[tilespmem:s26], [sflag:$0x1] =	stream.indirect_vreg.gather [hbm4b:s8+s0], $0x80, v3, vm0, $0xb8;
	[tilespmem:$0x12100] =	vst v63  }
0x35a: {  	v3 =	vld [tilespmem:$0x80];
	_ =	sdelay $0x4  }
0x35b: {  	v4 =	vshll.u32 v3, $0x2  }
0x35c: {  	v3 =	vand.u32 $0x7, v3;
	v4 =	vand.u32 $0xFFFFFFE0, v4  }
0x35d: {  	v3 =	vor.u32 v3, v4  }
0x35e: {  	v4 =	vperm.xlane v3, v0;
	_ =	sdelay $0x1  }
0x35f: {  	v4 =	vadd.s32 v1, v4;
	_ =	sdelay $0x1  }
0x360: {  	v3 =	vperm.xlane v3, v2;
	_ =	sdelay $0x1  }
0x361: {  	s22 =	simm.s32 $0x6100;
	v3 =	vadd.s32 v1, v3  }
0x362: {  	[tilespmem:s22], [sflag:$0x2] =	stream.indirect_vreg.gather [hbm4b:s2+s0], $0x80, v4, vm0, $0xb8;
	[tilespmem:$0x12100] =	vst v63  }
0x363: {  	s23 =	simm.s32 $0x6900  }
0x364: {  	[tilespmem:s23], [sflag:$0x2] =	stream.indirect_vreg.gather [hbm4b:s8+s0], $0x80, v4, vm0, $0xb8;
	[tilespmem:$0x12100] =	vst v63  }
0x365: {  	s24 =	simm.s32 $0x7100  }
0x366: {  	[tilespmem:s24], [sflag:$0x2] =	stream.indirect_vreg.gather [hbm4b:s2+s0], $0x80, v3, vm0, $0xb8;
	[tilespmem:$0x12100] =	vst v63  }
0x367: {  	s25 =	simm.s32 $0x7900  }
0x368: {  	[tilespmem:s25], [sflag:$0x2] =	stream.indirect_vreg.gather [hbm4b:s8+s0], $0x80, v3, vm0, $0xb8;
	[tilespmem:$0x12100] =	vst v63  }
0x369: {  	v3 =	vld [tilespmem:$0x90];
	_ =	sdelay $0x4  }
0x36a: {  	v4 =	vshll.u32 v3, $0x2  }
0x36b: {  	v3 =	vand.u32 $0x7, v3;
	v4 =	vand.u32 $0xFFFFFFE0, v4  }
0x36c: {  	v3 =	vor.u32 v3, v4  }
0x36d: {  	v4 =	vperm.xlane v3, v0;
	_ =	sdelay $0x1  }
0x36e: {  	v4 =	vadd.s32 v1, v4;
	_ =	sdelay $0x1  }
0x36f: {  	v3 =	vperm.xlane v3, v2;
	_ =	sdelay $0x1  }
0x370: {  	s26 =	simm.s32 $0x8100;
	v3 =	vadd.s32 v1, v3  }
0x371: {  	[tilespmem:s26], [sflag:$0x2] =	stream.indirect_vreg.gather [hbm4b:s2+s0], $0x80, v4, vm0, $0xb8;
	[tilespmem:$0x12100] =	vst v63  }
0x372: {  	s22 =	simm.s32 $0x8900  }
0x373: {  	[tilespmem:s22], [sflag:$0x2] =	stream.indirect_vreg.gather [hbm4b:s8+s0], $0x80, v4, vm0, $0xb8;
	[tilespmem:$0x12100] =	vst v63  }
0x374: {  	s23 =	simm.s32 $0x9100  }
0x375: {  	[tilespmem:s23], [sflag:$0x2] =	stream.indirect_vreg.gather [hbm4b:s2+s0], $0x80, v3, vm0, $0xb8;
	[tilespmem:$0x12100] =	vst v63  }
0x376: {  	s24 =	simm.s32 $0x9900  }
0x377: {  	[tilespmem:s24], [sflag:$0x2] =	stream.indirect_vreg.gather [hbm4b:s8+s0], $0x80, v3, vm0, $0xb8;
	[tilespmem:$0x12100] =	vst v63  }
0x378: {  	_ =	swait.ge [sflag:s18], $0x4000  }
0x379: {  	[sflag:s18] =	ssyncset.done $0x0  }
0x37a: {  	[sflag:s18] =	ssyncadd.s32 $0xFFFFC000  }
0x37b: {  	s25 =	simm.s32 $0x0;
	_ =	swait.ge [sflag:s19], $0x4000  }
0x37c: {  	s20 =	sand.u32 $0xFFFFF000, s25;
	s0 =	sand.u32 $0x380, s0;
	[sflag:s19] =	ssyncset.done $0x0  }
0x37d: {  	s23 =	sor.u32 s0, s20;
	[sflag:s19] =	ssyncadd.s32 $0xFFFFC000  }
0x37e: {  	v5 =	vld [tilespmem:s23+$0x2100]  }
0x37f: {  	v3 =	vld [tilespmem:s3+$0x0]  }
0x380: {  	v6 =	vld [tilespmem:s23+$0x6100]  }
0x381: {  	v4 =	vld [tilespmem:s17+$0x0];
	_ =	sdelay $0x3  }
0x382: {  	v7 =	vunpack.i.u.bf16.f32 v5;
	v5 =	vunpack.i.l.bf16.f32 v5;
	v8 =	vunpack.i.l.bf16.f32 v6  }
0x383: {  	v6 =	vunpack.i.u.bf16.f32 v6;
	v5 =	vmul.f32 v5, v3;
	v8 =	vmul.f32 v8, v4  }
0x384: {  	s26 =	simm.s32 $0x0;
	v7 =	vmul.f32 v7, v3;
	v6 =	vmul.f32 v6, v4  }
0x385: {  	s3 =	sand.u32 $0x3FFFE000, s26;
	v5 =	vadd.f32 v8, v5  }
0x386: {  	s22 =	sor.u32 s0, s3;
	v6 =	vadd.f32 v6, v7  }
0x387: {  	[tilespmem:s22+$0xA100] =	vst v5  }
0x388: {  	[tilespmem:s22+$0xB100] =	vst v6  }
0x389: {  	v5 =	vld [tilespmem:s23+$0x2110]  }
0x38a: {  	v6 =	vld [tilespmem:s23+$0x6110];
	_ =	sdelay $0x4  }
0x38b: {  	v7 =	vunpack.i.u.bf16.f32 v5;
	v5 =	vunpack.i.l.bf16.f32 v5;
	v8 =	vunpack.i.l.bf16.f32 v6  }
0x38c: {  	v6 =	vunpack.i.u.bf16.f32 v6;
	v5 =	vmul.f32 v5, v3;
	v8 =	vmul.f32 v8, v4  }
0x38d: {  	v7 =	vmul.f32 v7, v3;
	v6 =	vmul.f32 v6, v4  }
0x38e: {  	v5 =	vadd.f32 v8, v5  }
0x38f: {  	v6 =	vadd.f32 v6, v7  }
0x390: {  	[tilespmem:s22+$0xA110] =	vst v5  }
0x391: {  	[tilespmem:s22+$0xB110] =	vst v6  }
0x392: {  	v5 =	vld [tilespmem:s23+$0x2120]  }
0x393: {  	v6 =	vld [tilespmem:s23+$0x6120];
	_ =	sdelay $0x4  }
0x394: {  	v7 =	vunpack.i.u.bf16.f32 v5;
	v5 =	vunpack.i.l.bf16.f32 v5;
	v8 =	vunpack.i.l.bf16.f32 v6  }
0x395: {  	v6 =	vunpack.i.u.bf16.f32 v6;
	v5 =	vmul.f32 v5, v3;
	v8 =	vmul.f32 v8, v4  }
0x396: {  	v7 =	vmul.f32 v7, v3;
	v6 =	vmul.f32 v6, v4  }
0x397: {  	v5 =	vadd.f32 v8, v5  }
0x398: {  	v6 =	vadd.f32 v6, v7  }
0x399: {  	[tilespmem:s22+$0xA120] =	vst v5  }
0x39a: {  	[tilespmem:s22+$0xB120] =	vst v6  }
0x39b: {  	v5 =	vld [tilespmem:s23+$0x2130]  }
0x39c: {  	v6 =	vld [tilespmem:s23+$0x6130];
	_ =	sdelay $0x4  }
0x39d: {  	v7 =	vunpack.i.u.bf16.f32 v5;
	v5 =	vunpack.i.l.bf16.f32 v5;
	v8 =	vunpack.i.l.bf16.f32 v6  }
0x39e: {  	v6 =	vunpack.i.u.bf16.f32 v6;
	v5 =	vmul.f32 v5, v3;
	v8 =	vmul.f32 v8, v4  }
0x39f: {  	v7 =	vmul.f32 v7, v3;
	v6 =	vmul.f32 v6, v4  }
0x3a0: {  	v5 =	vadd.f32 v8, v5  }
0x3a1: {  	v6 =	vadd.f32 v6, v7  }
0x3a2: {  	[tilespmem:s22+$0xA130] =	vst v5  }
0x3a3: {  	[tilespmem:s22+$0xB130] =	vst v6  }
0x3a4: {  	v5 =	vld [tilespmem:s23+$0x2140]  }
0x3a5: {  	v6 =	vld [tilespmem:s23+$0x6140];
	_ =	sdelay $0x4  }
0x3a6: {  	v7 =	vunpack.i.u.bf16.f32 v5;
	v5 =	vunpack.i.l.bf16.f32 v5;
	v8 =	vunpack.i.l.bf16.f32 v6  }
0x3a7: {  	v6 =	vunpack.i.u.bf16.f32 v6;
	v5 =	vmul.f32 v5, v3;
	v8 =	vmul.f32 v8, v4  }
0x3a8: {  	v7 =	vmul.f32 v7, v3;
	v6 =	vmul.f32 v6, v4  }
0x3a9: {  	v5 =	vadd.f32 v8, v5  }
0x3aa: {  	v6 =	vadd.f32 v6, v7  }
0x3ab: {  	[tilespmem:s22+$0xA140] =	vst v5  }
0x3ac: {  	[tilespmem:s22+$0xB140] =	vst v6  }
0x3ad: {  	v5 =	vld [tilespmem:s23+$0x2150]  }
0x3ae: {  	v6 =	vld [tilespmem:s23+$0x6150];
	_ =	sdelay $0x4  }
0x3af: {  	v7 =	vunpack.i.u.bf16.f32 v5;
	v5 =	vunpack.i.l.bf16.f32 v5;
	v8 =	vunpack.i.l.bf16.f32 v6  }
0x3b0: {  	v6 =	vunpack.i.u.bf16.f32 v6;
	v5 =	vmul.f32 v5, v3;
	v8 =	vmul.f32 v8, v4  }
0x3b1: {  	v7 =	vmul.f32 v7, v3;
	v6 =	vmul.f32 v6, v4  }
0x3b2: {  	v5 =	vadd.f32 v8, v5  }
0x3b3: {  	v6 =	vadd.f32 v6, v7  }
0x3b4: {  	[tilespmem:s22+$0xA150] =	vst v5  }
0x3b5: {  	[tilespmem:s22+$0xB150] =	vst v6  }
0x3b6: {  	v5 =	vld [tilespmem:s23+$0x2160]  }
0x3b7: {  	v6 =	vld [tilespmem:s23+$0x6160];
	_ =	sdelay $0x4  }
0x3b8: {  	v7 =	vunpack.i.u.bf16.f32 v5;
	v5 =	vunpack.i.l.bf16.f32 v5;
	v8 =	vunpack.i.l.bf16.f32 v6  }
0x3b9: {  	v6 =	vunpack.i.u.bf16.f32 v6;
	v5 =	vmul.f32 v5, v3;
	v8 =	vmul.f32 v8, v4  }
0x3ba: {  	v7 =	vmul.f32 v7, v3;
	v6 =	vmul.f32 v6, v4  }
0x3bb: {  	v5 =	vadd.f32 v8, v5  }
0x3bc: {  	v6 =	vadd.f32 v6, v7  }
0x3bd: {  	[tilespmem:s22+$0xA160] =	vst v5  }
0x3be: {  	[tilespmem:s22+$0xB160] =	vst v6  }
0x3bf: {  	v5 =	vld [tilespmem:s23+$0x2170]  }
0x3c0: {  	v6 =	vld [tilespmem:s23+$0x6170];
	_ =	sdelay $0x4  }
0x3c1: {  	v7 =	vunpack.i.u.bf16.f32 v5;
	v5 =	vunpack.i.l.bf16.f32 v5;
	v8 =	vunpack.i.l.bf16.f32 v6  }
0x3c2: {  	v6 =	vunpack.i.u.bf16.f32 v6;
	v5 =	vmul.f32 v5, v3;
	v8 =	vmul.f32 v8, v4  }
0x3c3: {  	v7 =	vmul.f32 v7, v3;
	v6 =	vmul.f32 v6, v4  }
0x3c4: {  	v5 =	vadd.f32 v8, v5  }
0x3c5: {  	v6 =	vadd.f32 v6, v7  }
0x3c6: {  	[tilespmem:s22+$0xA170] =	vst v5  }
0x3c7: {  	[tilespmem:s22+$0xB170] =	vst v6  }
0x3c8: {  	v5 =	vld [tilespmem:s23+$0x2500]  }
0x3c9: {  	v6 =	vld [tilespmem:s23+$0x6500];
	_ =	sdelay $0x4  }
0x3ca: {  	v7 =	vunpack.i.u.bf16.f32 v5;
	v5 =	vunpack.i.l.bf16.f32 v5;
	v8 =	vunpack.i.l.bf16.f32 v6  }
0x3cb: {  	v6 =	vunpack.i.u.bf16.f32 v6;
	v5 =	vmul.f32 v5, v3;
	v8 =	vmul.f32 v8, v4  }
0x3cc: {  	v7 =	vmul.f32 v7, v3;
	v6 =	vmul.f32 v6, v4  }
0x3cd: {  	v5 =	vadd.f32 v8, v5  }
0x3ce: {  	v6 =	vadd.f32 v6, v7  }
0x3cf: {  	[tilespmem:s22+$0xA500] =	vst v5  }
0x3d0: {  	[tilespmem:s22+$0xB500] =	vst v6  }
0x3d1: {  	s17 =	simm.s32 $0x80;
	s3 =	simm.s32 $0x200;
	v7 =	vld [tilespmem:s23+$0x2510]  }
0x3d2: {  	s0 =	sand.u32 $0xFFFFF000, s3;
	s3 =	sand.u32 $0x380, s17;
	v8 =	vld [tilespmem:s23+$0x6510]  }
0x3d3: {  	s25 =	sor.u32 s3, s0  }
0x3d4: {  	v9 =	vld [tilespmem:s25+$0x2100]  }
0x3d5: {  	s20 =	simm.s32 $0x180;
	v10 =	vld [tilespmem:s25+$0x6100]  }
0x3d6: {  	s24 =	simm.s32 $0x1180;
	v5 =	vld [tilespmem:s20+$0x0]  }
0x3d7: {  	v6 =	vld [tilespmem:s24+$0x0];
	v11 =	vunpack.i.u.bf16.f32 v7;
	v7 =	vunpack.i.l.bf16.f32 v7;
	v12 =	vunpack.i.l.bf16.f32 v8  }
0x3d8: {  	v8 =	vunpack.i.u.bf16.f32 v8;
	v7 =	vmul.f32 v7, v3;
	v12 =	vmul.f32 v12, v4  }
0x3d9: {  	v11 =	vmul.f32 v11, v3;
	v8 =	vmul.f32 v8, v4  }
0x3da: {  	v13 =	vunpack.i.u.bf16.f32 v9;
	v7 =	vadd.f32 v12, v7  }
0x3db: {  	v9 =	vunpack.i.l.bf16.f32 v9;
	v12 =	vunpack.i.l.bf16.f32 v10;
	v8 =	vadd.f32 v8, v11  }
0x3dc: {  	v9 =	vmul.f32 v9, v5;
	v10 =	vunpack.i.u.bf16.f32 v10;
	v11 =	vmul.f32 v12, v6;
	[tilespmem:s22+$0xA510] =	vst v7  }
0x3dd: {  	s26 =	simm.s32 $0x400;
	v10 =	vmul.f32 v10, v6;
	v7 =	vmul.f32 v13, v5;
	[tilespmem:s22+$0xB510] =	vst v8  }
0x3de: {  	s0 =	sand.u32 $0x3FFFE000, s26;
	v8 =	vadd.f32 v11, v9;
	v9 =	vld [tilespmem:s23+$0x2520]  }
0x3df: {  	s24 =	sor.u32 s3, s0;
	v7 =	vadd.f32 v10, v7;
	v10 =	vld [tilespmem:s23+$0x6520]  }
0x3e0: {  	[tilespmem:s24+$0xA100] =	vst v8  }
0x3e1: {  	[tilespmem:s24+$0xB100] =	vst v7  }
0x3e2: {  	v7 =	vld [tilespmem:s25+$0x2110]  }
0x3e3: {  	v8 =	vld [tilespmem:s25+$0x6110]  }
0x3e4: {  	v11 =	vunpack.i.u.bf16.f32 v9;
	v9 =	vunpack.i.l.bf16.f32 v9;
	v12 =	vunpack.i.l.bf16.f32 v10  }
0x3e5: {  	v10 =	vunpack.i.u.bf16.f32 v10;
	v9 =	vmul.f32 v9, v3;
	v12 =	vmul.f32 v12, v4  }
0x3e6: {  	v11 =	vmul.f32 v11, v3;
	v10 =	vmul.f32 v10, v4  }
0x3e7: {  	v13 =	vunpack.i.u.bf16.f32 v7;
	v9 =	vadd.f32 v12, v9  }
0x3e8: {  	v7 =	vunpack.i.l.bf16.f32 v7;
	v12 =	vunpack.i.l.bf16.f32 v8;
	v10 =	vadd.f32 v10, v11  }
0x3e9: {  	v8 =	vunpack.i.u.bf16.f32 v8;
	v7 =	vmul.f32 v7, v5;
	v11 =	vmul.f32 v12, v6;
	[tilespmem:s22+$0xA520] =	vst v9  }
0x3ea: {  	v8 =	vmul.f32 v8, v6;
	v9 =	vmul.f32 v13, v5;
	[tilespmem:s22+$0xB520] =	vst v10  }
0x3eb: {  	v7 =	vadd.f32 v11, v7;
	v10 =	vld [tilespmem:s23+$0x2530]  }
0x3ec: {  	v8 =	vadd.f32 v8, v9;
	v9 =	vld [tilespmem:s23+$0x6530]  }
0x3ed: {  	[tilespmem:s24+$0xA110] =	vst v7  }
0x3ee: {  	[tilespmem:s24+$0xB110] =	vst v8  }
0x3ef: {  	v7 =	vld [tilespmem:s25+$0x2120]  }
0x3f0: {  	v8 =	vld [tilespmem:s25+$0x6120]  }
0x3f1: {  	v11 =	vunpack.i.u.bf16.f32 v10;
	v10 =	vunpack.i.l.bf16.f32 v10;
	v12 =	vunpack.i.l.bf16.f32 v9  }
0x3f2: {  	v9 =	vunpack.i.u.bf16.f32 v9;
	v10 =	vmul.f32 v10, v3;
	v12 =	vmul.f32 v12, v4  }
0x3f3: {  	v11 =	vmul.f32 v11, v3;
	v9 =	vmul.f32 v9, v4  }
0x3f4: {  	v13 =	vunpack.i.u.bf16.f32 v7;
	v10 =	vadd.f32 v12, v10  }
0x3f5: {  	v7 =	vunpack.i.l.bf16.f32 v7;
	v12 =	vunpack.i.l.bf16.f32 v8;
	v9 =	vadd.f32 v9, v11  }
0x3f6: {  	v8 =	vunpack.i.u.bf16.f32 v8;
	v7 =	vmul.f32 v7, v5;
	v11 =	vmul.f32 v12, v6;
	[tilespmem:s22+$0xA530] =	vst v10  }
0x3f7: {  	v8 =	vmul.f32 v8, v6;
	v10 =	vmul.f32 v13, v5;
	[tilespmem:s22+$0xB530] =	vst v9  }
0x3f8: {  	v7 =	vadd.f32 v11, v7;
	v9 =	vld [tilespmem:s23+$0x2540]  }
0x3f9: {  	v8 =	vadd.f32 v8, v10;
	v10 =	vld [tilespmem:s23+$0x6540]  }
0x3fa: {  	[tilespmem:s24+$0xA120] =	vst v7  }
0x3fb: {  	[tilespmem:s24+$0xB120] =	vst v8  }
0x3fc: {  	v7 =	vld [tilespmem:s25+$0x2130]  }
0x3fd: {  	v8 =	vld [tilespmem:s25+$0x6130]  }
0x3fe: {  	v11 =	vunpack.i.u.bf16.f32 v9;
	v9 =	vunpack.i.l.bf16.f32 v9;
	v12 =	vunpack.i.l.bf16.f32 v10  }
0x3ff: {  	v10 =	vunpack.i.u.bf16.f32 v10;
	v9 =	vmul.f32 v9, v3;
	v12 =	vmul.f32 v12, v4  }
0x400: {  	v11 =	vmul.f32 v11, v3;
	v10 =	vmul.f32 v10, v4  }
0x401: {  	v13 =	vunpack.i.u.bf16.f32 v7;
	v9 =	vadd.f32 v12, v9  }
0x402: {  	v7 =	vunpack.i.l.bf16.f32 v7;
	v12 =	vunpack.i.l.bf16.f32 v8;
	v10 =	vadd.f32 v10, v11  }
0x403: {  	v8 =	vunpack.i.u.bf16.f32 v8;
	v7 =	vmul.f32 v7, v5;
	v11 =	vmul.f32 v12, v6;
	[tilespmem:s22+$0xA540] =	vst v9  }
0x404: {  	v8 =	vmul.f32 v8, v6;
	v9 =	vmul.f32 v13, v5;
	[tilespmem:s22+$0xB540] =	vst v10  }
0x405: {  	v7 =	vadd.f32 v11, v7;
	v10 =	vld [tilespmem:s23+$0x2550]  }
0x406: {  	v8 =	vadd.f32 v8, v9;
	v9 =	vld [tilespmem:s23+$0x6550]  }
0x407: {  	[tilespmem:s24+$0xA130] =	vst v7  }
0x408: {  	[tilespmem:s24+$0xB130] =	vst v8  }
0x409: {  	v7 =	vld [tilespmem:s25+$0x2140]  }
0x40a: {  	v8 =	vld [tilespmem:s25+$0x6140]  }
0x40b: {  	v11 =	vunpack.i.u.bf16.f32 v10;
	v10 =	vunpack.i.l.bf16.f32 v10;
	v12 =	vunpack.i.l.bf16.f32 v9  }
0x40c: {  	v9 =	vunpack.i.u.bf16.f32 v9;
	v10 =	vmul.f32 v10, v3;
	v12 =	vmul.f32 v12, v4  }
0x40d: {  	v11 =	vmul.f32 v11, v3;
	v9 =	vmul.f32 v9, v4  }
0x40e: {  	v13 =	vunpack.i.u.bf16.f32 v7;
	v10 =	vadd.f32 v12, v10  }
0x40f: {  	v7 =	vunpack.i.l.bf16.f32 v7;
	v12 =	vunpack.i.l.bf16.f32 v8;
	v9 =	vadd.f32 v9, v11  }
0x410: {  	v8 =	vunpack.i.u.bf16.f32 v8;
	v7 =	vmul.f32 v7, v5;
	v11 =	vmul.f32 v12, v6;
	[tilespmem:s22+$0xA550] =	vst v10  }
0x411: {  	v8 =	vmul.f32 v8, v6;
	v10 =	vmul.f32 v13, v5;
	[tilespmem:s22+$0xB550] =	vst v9  }
0x412: {  	v7 =	vadd.f32 v11, v7;
	v9 =	vld [tilespmem:s23+$0x2560]  }
0x413: {  	v8 =	vadd.f32 v8, v10;
	v10 =	vld [tilespmem:s23+$0x6560]  }
0x414: {  	[tilespmem:s24+$0xA140] =	vst v7  }
0x415: {  	[tilespmem:s24+$0xB140] =	vst v8  }
0x416: {  	v7 =	vld [tilespmem:s25+$0x2150]  }
0x417: {  	v8 =	vld [tilespmem:s25+$0x6150]  }
0x418: {  	v11 =	vunpack.i.u.bf16.f32 v9;
	v9 =	vunpack.i.l.bf16.f32 v9;
	v12 =	vunpack.i.l.bf16.f32 v10  }
0x419: {  	v10 =	vunpack.i.u.bf16.f32 v10;
	v9 =	vmul.f32 v9, v3;
	v12 =	vmul.f32 v12, v4  }
0x41a: {  	v11 =	vmul.f32 v11, v3;
	v10 =	vmul.f32 v10, v4  }
0x41b: {  	v13 =	vunpack.i.u.bf16.f32 v7;
	v9 =	vadd.f32 v12, v9  }
0x41c: {  	v7 =	vunpack.i.l.bf16.f32 v7;
	v12 =	vunpack.i.l.bf16.f32 v8;
	v10 =	vadd.f32 v10, v11  }
0x41d: {  	v8 =	vunpack.i.u.bf16.f32 v8;
	v7 =	vmul.f32 v7, v5;
	v11 =	vmul.f32 v12, v6;
	[tilespmem:s22+$0xA560] =	vst v9  }
0x41e: {  	v8 =	vmul.f32 v8, v6;
	v9 =	vmul.f32 v13, v5;
	[tilespmem:s22+$0xB560] =	vst v10  }
0x41f: {  	v7 =	vadd.f32 v11, v7;
	v10 =	vld [tilespmem:s23+$0x2570]  }
0x420: {  	v8 =	vadd.f32 v8, v9;
	v9 =	vld [tilespmem:s23+$0x6570]  }
0x421: {  	[tilespmem:s24+$0xA150] =	vst v7  }
0x422: {  	[tilespmem:s24+$0xB150] =	vst v8  }
0x423: {  	v7 =	vld [tilespmem:s25+$0x2160]  }
0x424: {  	v8 =	vld [tilespmem:s25+$0x6160]  }
0x425: {  	v11 =	vunpack.i.u.bf16.f32 v10;
	v10 =	vunpack.i.l.bf16.f32 v10;
	v12 =	vunpack.i.l.bf16.f32 v9  }
0x426: {  	v9 =	vunpack.i.u.bf16.f32 v9;
	v10 =	vmul.f32 v10, v3;
	v12 =	vmul.f32 v12, v4  }
0x427: {  	v11 =	vmul.f32 v11, v3;
	v9 =	vmul.f32 v9, v4  }
0x428: {  	v13 =	vunpack.i.u.bf16.f32 v7;
	v10 =	vadd.f32 v12, v10  }
0x429: {  	v7 =	vunpack.i.l.bf16.f32 v7;
	v12 =	vunpack.i.l.bf16.f32 v8;
	v9 =	vadd.f32 v9, v11  }
0x42a: {  	v8 =	vunpack.i.u.bf16.f32 v8;
	v7 =	vmul.f32 v7, v5;
	v11 =	vmul.f32 v12, v6;
	[tilespmem:s22+$0xA570] =	vst v10  }
0x42b: {  	v8 =	vmul.f32 v8, v6;
	v10 =	vmul.f32 v13, v5;
	[tilespmem:s22+$0xB570] =	vst v9  }
0x42c: {  	v7 =	vadd.f32 v11, v7;
	v9 =	vld [tilespmem:s23+$0x2900]  }
0x42d: {  	v8 =	vadd.f32 v8, v10;
	v10 =	vld [tilespmem:s23+$0x6900]  }
0x42e: {  	[tilespmem:s24+$0xA160] =	vst v7  }
0x42f: {  	[tilespmem:s24+$0xB160] =	vst v8  }
0x430: {  	v7 =	vld [tilespmem:s25+$0x2170]  }
0x431: {  	v8 =	vld [tilespmem:s25+$0x6170]  }
0x432: {  	v11 =	vunpack.i.u.bf16.f32 v9;
	v9 =	vunpack.i.l.bf16.f32 v9;
	v12 =	vunpack.i.l.bf16.f32 v10  }
0x433: {  	v10 =	vunpack.i.u.bf16.f32 v10;
	v9 =	vmul.f32 v9, v3;
	v12 =	vmul.f32 v12, v4  }
0x434: {  	v11 =	vmul.f32 v11, v3;
	v10 =	vmul.f32 v10, v4  }
0x435: {  	v13 =	vunpack.i.u.bf16.f32 v7;
	v9 =	vadd.f32 v12, v9  }
0x436: {  	v7 =	vunpack.i.l.bf16.f32 v7;
	v12 =	vunpack.i.l.bf16.f32 v8;
	v10 =	vadd.f32 v10, v11  }
0x437: {  	v8 =	vunpack.i.u.bf16.f32 v8;
	v7 =	vmul.f32 v7, v5;
	v11 =	vmul.f32 v12, v6;
	[tilespmem:s22+$0xA900] =	vst v9  }
0x438: {  	v8 =	vmul.f32 v8, v6;
	v9 =	vmul.f32 v13, v5;
	[tilespmem:s22+$0xB900] =	vst v10  }
0x439: {  	v7 =	vadd.f32 v11, v7;
	v10 =	vld [tilespmem:s23+$0x2910]  }
0x43a: {  	v8 =	vadd.f32 v8, v9;
	v9 =	vld [tilespmem:s23+$0x6910]  }
0x43b: {  	[tilespmem:s24+$0xA170] =	vst v7  }
0x43c: {  	[tilespmem:s24+$0xB170] =	vst v8  }
0x43d: {  	v7 =	vld [tilespmem:s25+$0x2500]  }
0x43e: {  	v8 =	vld [tilespmem:s25+$0x6500]  }
0x43f: {  	v11 =	vunpack.i.u.bf16.f32 v10;
	v10 =	vunpack.i.l.bf16.f32 v10;
	v12 =	vunpack.i.l.bf16.f32 v9  }
0x440: {  	v9 =	vunpack.i.u.bf16.f32 v9;
	v10 =	vmul.f32 v10, v3;
	v12 =	vmul.f32 v12, v4  }
0x441: {  	v11 =	vmul.f32 v11, v3;
	v9 =	vmul.f32 v9, v4  }
0x442: {  	v13 =	vunpack.i.u.bf16.f32 v7;
	v10 =	vadd.f32 v12, v10  }
0x443: {  	v7 =	vunpack.i.l.bf16.f32 v7;
	v12 =	vunpack.i.l.bf16.f32 v8;
	v9 =	vadd.f32 v9, v11  }
0x444: {  	v8 =	vunpack.i.u.bf16.f32 v8;
	v7 =	vmul.f32 v7, v5;
	v11 =	vmul.f32 v12, v6;
	[tilespmem:s22+$0xA910] =	vst v10  }
0x445: {  	v8 =	vmul.f32 v8, v6;
	v10 =	vmul.f32 v13, v5;
	[tilespmem:s22+$0xB910] =	vst v9  }
0x446: {  	v7 =	vadd.f32 v11, v7;
	v9 =	vld [tilespmem:s23+$0x2920]  }
0x447: {  	v8 =	vadd.f32 v8, v10;
	v10 =	vld [tilespmem:s23+$0x6920]  }
0x448: {  	[tilespmem:s24+$0xA500] =	vst v7  }
0x449: {  	[tilespmem:s24+$0xB500] =	vst v8  }
0x44a: {  	s29 =	simm.s32 $0x100;
	s3 =	simm.s32 $0x400;
	v11 =	vld [tilespmem:s25+$0x2510]  }
0x44b: {  	s17 =	sand.u32 $0x380, s29;
	s0 =	sand.u32 $0xFFFFF000, s3;
	v12 =	vld [tilespmem:s25+$0x6510]  }
0x44c: {  	s26 =	sor.u32 s17, s0;
	v8 =	vunpack.i.u.bf16.f32 v9;
	v7 =	vunpack.i.l.bf16.f32 v9;
	v9 =	vunpack.i.l.bf16.f32 v10  }
0x44d: {  	v52 =	vld [tilespmem:s26+$0x6100];
	v10 =	vunpack.i.u.bf16.f32 v10;
	v14 =	vmul.f32 v7, v3;
	v9 =	vmul.f32 v9, v4  }
0x44e: {  	s30 =	simm.s32 $0x200;
	v13 =	vld [tilespmem:s26+$0x2100];
	v15 =	vmul.f32 v8, v3;
	v10 =	vmul.f32 v10, v4  }
0x44f: {  	s31 =	simm.s32 $0x1200;
	v7 =	vld [tilespmem:s30+$0x0];
	v53 =	vunpack.i.u.bf16.f32 v11;
	v9 =	vadd.f32 v9, v14  }
0x450: {  	v8 =	vld [tilespmem:s31+$0x0];
	v11 =	vunpack.i.l.bf16.f32 v11;
	v14 =	vunpack.i.l.bf16.f32 v12;
	v10 =	vadd.f32 v10, v15  }
0x451: {  	v12 =	vunpack.i.u.bf16.f32 v12;
	v11 =	vmul.f32 v11, v5;
	v14 =	vmul.f32 v14, v6;
	[tilespmem:s22+$0xA920] =	vst v9  }
0x452: {  	v12 =	vmul.f32 v12, v6;
	v9 =	vmul.f32 v53, v5;
	[tilespmem:s22+$0xB920] =	vst v10  }
0x453: {  	v15 =	vunpack.i.l.bf16.f32 v52;
	v11 =	vadd.f32 v14, v11;
	v14 =	vld [tilespmem:s23+$0x2930]  }
0x454: {  	v10 =	vunpack.i.u.bf16.f32 v13;
	v13 =	vunpack.i.l.bf16.f32 v13;
	v9 =	vadd.f32 v12, v9;
	v12 =	vld [tilespmem:s23+$0x6930]  }
0x455: {  	v16 =	vunpack.i.u.bf16.f32 v52;
	v15 =	vmul.f32 v15, v8;
	v13 =	vmul.f32 v13, v7;
	[tilespmem:s24+$0xA510] =	vst v11  }
0x456: {  	s20 =	simm.s32 $0x800;
	v10 =	vmul.f32 v10, v7;
	v11 =	vmul.f32 v16, v8;
	[tilespmem:s24+$0xB510] =	vst v9  }
0x457: {  	s0 =	sand.u32 $0x3FFFE000, s20;
	v9 =	vadd.f32 v15, v13;
	v13 =	vld [tilespmem:s25+$0x2520]  }
0x458: {  	s28 =	sor.u32 s17, s0;
	v10 =	vadd.f32 v11, v10;
	v11 =	vld [tilespmem:s25+$0x6520]  }
0x459: {  	[tilespmem:s28+$0xA100] =	vst v9;
	v9 =	vunpack.i.u.bf16.f32 v14;
	v14 =	vunpack.i.l.bf16.f32 v14;
	v15 =	vunpack.i.l.bf16.f32 v12  }
0x45a: {  	[tilespmem:s28+$0xB100] =	vst v10;
	v10 =	vunpack.i.u.bf16.f32 v12;
	v12 =	vmul.f32 v14, v3;
	v14 =	vmul.f32 v15, v4  }
0x45b: {  	v9 =	vmul.f32 v9, v3;
	v15 =	vld [tilespmem:s26+$0x2110];
	v10 =	vmul.f32 v10, v4  }
0x45c: {  	v54 =	vld [tilespmem:s26+$0x6110];
	v55 =	vunpack.i.u.bf16.f32 v13;
	v12 =	vadd.f32 v14, v12  }
0x45d: {  	v13 =	vunpack.i.l.bf16.f32 v13;
	v14 =	vunpack.i.l.bf16.f32 v11;
	v9 =	vadd.f32 v10, v9  }
0x45e: {  	v10 =	vunpack.i.u.bf16.f32 v11;
	v11 =	vmul.f32 v13, v5;
	v13 =	vmul.f32 v14, v6;
	[tilespmem:s22+$0xA930] =	vst v12  }
0x45f: {  	v10 =	vmul.f32 v10, v6;
	v12 =	vmul.f32 v55, v5;
	[tilespmem:s22+$0xB930] =	vst v9  }
0x460: {  	v9 =	vunpack.i.u.bf16.f32 v15;
	v11 =	vadd.f32 v13, v11;
	v13 =	vld [tilespmem:s23+$0x2940]  }
0x461: {  	v14 =	vunpack.i.l.bf16.f32 v15;
	v15 =	vunpack.i.l.bf16.f32 v54;
	v10 =	vadd.f32 v10, v12;
	v12 =	vld [tilespmem:s23+$0x6940]  }
0x462: {  	v16 =	vunpack.i.u.bf16.f32 v54;
	v14 =	vmul.f32 v14, v7;
	v15 =	vmul.f32 v15, v8;
	[tilespmem:s24+$0xA520] =	vst v11  }
0x463: {  	v9 =	vmul.f32 v9, v7;
	v11 =	vmul.f32 v16, v8;
	[tilespmem:s24+$0xB520] =	vst v10  }
0x464: {  	v10 =	vadd.f32 v15, v14;
	v14 =	vld [tilespmem:s25+$0x2530]  }
0x465: {  	v9 =	vadd.f32 v11, v9;
	v11 =	vld [tilespmem:s25+$0x6530]  }
0x466: {  	[tilespmem:s28+$0xA110] =	vst v10;
	v10 =	vunpack.i.u.bf16.f32 v13;
	v13 =	vunpack.i.l.bf16.f32 v13;
	v15 =	vunpack.i.l.bf16.f32 v12  }
0x467: {  	[tilespmem:s28+$0xB110] =	vst v9;
	v9 =	vunpack.i.u.bf16.f32 v12;
	v12 =	vmul.f32 v13, v3;
	v13 =	vmul.f32 v15, v4  }
0x468: {  	v10 =	vmul.f32 v10, v3;
	v15 =	vld [tilespmem:s26+$0x2120];
	v9 =	vmul.f32 v9, v4  }
0x469: {  	v56 =	vld [tilespmem:s26+$0x6120];
	v57 =	vunpack.i.u.bf16.f32 v14;
	v12 =	vadd.f32 v13, v12  }
0x46a: {  	v13 =	vunpack.i.l.bf16.f32 v14;
	v14 =	vunpack.i.l.bf16.f32 v11;
	v9 =	vadd.f32 v9, v10  }
0x46b: {  	v10 =	vunpack.i.u.bf16.f32 v11;
	v11 =	vmul.f32 v13, v5;
	v13 =	vmul.f32 v14, v6;
	[tilespmem:s22+$0xA940] =	vst v12  }
0x46c: {  	v10 =	vmul.f32 v10, v6;
	v12 =	vmul.f32 v57, v5;
	[tilespmem:s22+$0xB940] =	vst v9  }
0x46d: {  	v9 =	vunpack.i.u.bf16.f32 v15;
	v11 =	vadd.f32 v13, v11;
	v13 =	vld [tilespmem:s23+$0x2950]  }
0x46e: {  	v14 =	vunpack.i.l.bf16.f32 v15;
	v15 =	vunpack.i.l.bf16.f32 v56;
	v10 =	vadd.f32 v10, v12;
	v12 =	vld [tilespmem:s23+$0x6950]  }
0x46f: {  	v16 =	vunpack.i.u.bf16.f32 v56;
	v14 =	vmul.f32 v14, v7;
	v15 =	vmul.f32 v15, v8;
	[tilespmem:s24+$0xA530] =	vst v11  }
0x470: {  	v9 =	vmul.f32 v9, v7;
	v11 =	vmul.f32 v16, v8;
	[tilespmem:s24+$0xB530] =	vst v10  }
0x471: {  	v10 =	vadd.f32 v15, v14;
	v14 =	vld [tilespmem:s25+$0x2540]  }
0x472: {  	v9 =	vadd.f32 v11, v9;
	v11 =	vld [tilespmem:s25+$0x6540]  }
0x473: {  	[tilespmem:s28+$0xA120] =	vst v10;
	v10 =	vunpack.i.u.bf16.f32 v13;
	v13 =	vunpack.i.l.bf16.f32 v13;
	v15 =	vunpack.i.l.bf16.f32 v12  }
0x474: {  	[tilespmem:s28+$0xB120] =	vst v9;
	v9 =	vunpack.i.u.bf16.f32 v12;
	v12 =	vmul.f32 v13, v3;
	v13 =	vmul.f32 v15, v4  }
0x475: {  	v10 =	vmul.f32 v10, v3;
	v15 =	vld [tilespmem:s26+$0x2130];
	v9 =	vmul.f32 v9, v4  }
0x476: {  	v58 =	vld [tilespmem:s26+$0x6130];
	v59 =	vunpack.i.u.bf16.f32 v14;
	v12 =	vadd.f32 v13, v12  }
0x477: {  	v13 =	vunpack.i.l.bf16.f32 v14;
	v14 =	vunpack.i.l.bf16.f32 v11;
	v9 =	vadd.f32 v9, v10  }
0x478: {  	v10 =	vunpack.i.u.bf16.f32 v11;
	v11 =	vmul.f32 v13, v5;
	v13 =	vmul.f32 v14, v6;
	[tilespmem:s22+$0xA950] =	vst v12  }
0x479: {  	v10 =	vmul.f32 v10, v6;
	v12 =	vmul.f32 v59, v5;
	[tilespmem:s22+$0xB950] =	vst v9  }
0x47a: {  	v14 =	vunpack.i.u.bf16.f32 v15;
	v9 =	vadd.f32 v13, v11;
	v11 =	vunpack.i.l.bf16.f32 v15;
	v15 =	vld [tilespmem:s23+$0x2960]  }
0x47b: {  	v13 =	vunpack.i.l.bf16.f32 v58;
	v60 =	vld [tilespmem:s23+$0x6960];
	v10 =	vadd.f32 v10, v12  }
0x47c: {  	v12 =	vunpack.i.u.bf16.f32 v58;
	v11 =	vmul.f32 v11, v7;
	v13 =	vmul.f32 v13, v8;
	[tilespmem:s24+$0xA540] =	vst v9  }
0x47d: {  	v9 =	vmul.f32 v14, v7;
	v12 =	vmul.f32 v12, v8;
	[tilespmem:s24+$0xB540] =	vst v10  }
0x47e: {  	v10 =	vadd.f32 v13, v11;
	v11 =	vld [tilespmem:s25+$0x2550]  }
0x47f: {  	v9 =	vadd.f32 v12, v9;
	v12 =	vld [tilespmem:s25+$0x6550]  }
0x480: {  	[tilespmem:s28+$0xA130] =	vst v10;
	v10 =	vunpack.i.l.bf16.f32 v15;
	v13 =	vunpack.i.l.bf16.f32 v60  }
0x481: {  	v10 =	vmul.f32 v10, v3;
	v13 =	vmul.f32 v13, v4  }
0x482: {  	v14 =	vunpack.i.u.bf16.f32 v60;
	[tilespmem:s28+$0xB130] =	vst v9;
	v9 =	vunpack.i.u.bf16.f32 v15  }
0x483: {  	v14 =	vmul.f32 v14, v4;
	v15 =	vld [tilespmem:s26+$0x2140];
	v9 =	vmul.f32 v9, v3;
	v10 =	vadd.f32 v13, v10  }
0x484: {  	v61 =	vld [tilespmem:s26+$0x6140];
	v62 =	vunpack.i.u.bf16.f32 v11;
	v11 =	vunpack.i.l.bf16.f32 v11;
	v13 =	vunpack.i.l.bf16.f32 v12  }
0x485: {  	v9 =	vadd.f32 v14, v9;
	v11 =	vmul.f32 v11, v5;
	v13 =	vmul.f32 v13, v6  }
0x486: {  	v12 =	vunpack.i.u.bf16.f32 v12;
	[tilespmem:s22+$0xA960] =	vst v10  }
0x487: {  	v14 =	vmul.f32 v62, v5;
	v12 =	vmul.f32 v12, v6;
	[tilespmem:s22+$0xB960] =	vst v9;
	v10 =	vadd.f32 v13, v11  }
0x488: {  	v63 =	vunpack.i.u.bf16.f32 v15;
	v9 =	vld [tilespmem:s23+$0x2970]  }
0x489: {  	v11 =	vunpack.i.l.bf16.f32 v15;
	v13 =	vunpack.i.l.bf16.f32 v61;
	v15 =	vadd.f32 v12, v14;
	[tilespmem:s24+$0xA550] =	vst v10;
	v10 =	vld [tilespmem:s23+$0x6970]  }
0x48a: {  	v14 =	vunpack.i.u.bf16.f32 v61;
	v11 =	vmul.f32 v11, v7;
	v12 =	vmul.f32 v13, v8  }
0x48b: {  	s0 =	simm.s32 $0x3;
	v13 =	vmul.f32 v63, v7;
	v14 =	vmul.f32 v14, v8;
	[tilespmem:s24+$0xB550] =	vst v15  }
.LBB2_4:
0x48c: {  	p0 =	sne.s32 s0, $0x1F;
	v11 =	vadd.f32 v12, v11;
	v12 =	vld [tilespmem:s25+$0x2560]  }
0x48d: {  	v13 =	vadd.f32 v14, v13;
	v14 =	vld [tilespmem:s25+$0x6560]  }
0x48e: {  	[tilespmem:s28+$0xA140] =	vst v11;
	v11 =	vunpack.i.u.bf16.f32 v9;
	v9 =	vunpack.i.l.bf16.f32 v9;
	v15 =	vunpack.i.l.bf16.f32 v10  }
0x48f: {  	v10 =	vunpack.i.u.bf16.f32 v10;
	[tilespmem:s28+$0xB140] =	vst v13;
	v9 =	vmul.f32 v9, v3;
	v13 =	vmul.f32 v15, v4  }
0x490: {  	v11 =	vmul.f32 v11, v3;
	v10 =	vmul.f32 v10, v4;
	v15 =	vld [tilespmem:s26+$0x2150]  }
0x491: {  	v16 =	vld [tilespmem:s26+$0x6150];
	v17 =	vunpack.i.u.bf16.f32 v12;
	v9 =	vadd.f32 v13, v9  }
0x492: {  	v12 =	vunpack.i.l.bf16.f32 v12;
	v10 =	vadd.f32 v10, v11;
	v13 =	vunpack.i.l.bf16.f32 v14  }
0x493: {  	v11 =	vunpack.i.u.bf16.f32 v14;
	v12 =	vmul.f32 v12, v5;
	v13 =	vmul.f32 v13, v6;
	[tilespmem:s22+$0xA970] =	vst v9  }
0x494: {  	v9 =	vmul.f32 v17, v5;
	v11 =	vmul.f32 v11, v6;
	[tilespmem:s22+$0xB970] =	vst v10  }
0x495: {  	v10 =	vunpack.i.u.bf16.f32 v15;
	v12 =	vadd.f32 v13, v12;
	v13 =	vld [tilespmem:s23+$0x2D00]  }
0x496: {  	v14 =	vunpack.i.l.bf16.f32 v15;
	v9 =	vadd.f32 v11, v9;
	v15 =	vunpack.i.l.bf16.f32 v16;
	v11 =	vld [tilespmem:s23+$0x6D00]  }
0x497: {  	v16 =	vunpack.i.u.bf16.f32 v16;
	v14 =	vmul.f32 v14, v7;
	v15 =	vmul.f32 v15, v8;
	[tilespmem:s24+$0xA560] =	vst v12  }
0x498: {  	v10 =	vmul.f32 v10, v7;
	v12 =	vmul.f32 v16, v8;
	[tilespmem:s24+$0xB560] =	vst v9  }
0x499: {  	s3 =	sshll.u32 s0, $0x9;
	s29 =	sadd.s32 $0x80, s29;
	v9 =	vadd.f32 v15, v14;
	v14 =	vld [tilespmem:s25+$0x2570]  }
0x49a: {  	s3 =	sand.u32 $0xFFFFF000, s3;
	s17 =	sand.u32 $0x380, s29;
	v10 =	vadd.f32 v12, v10;
	v12 =	vld [tilespmem:s25+$0x6570]  }
0x49b: {  	s3 =	sor.u32 s17, s3;
	[tilespmem:s28+$0xA150] =	vst v9;
	v9 =	vunpack.i.u.bf16.f32 v13;
	v13 =	vunpack.i.l.bf16.f32 v13;
	v15 =	vunpack.i.l.bf16.f32 v11  }
0x49c: {  	v16 =	vld [tilespmem:s3+$0x2100];
	[tilespmem:s28+$0xB150] =	vst v10;
	v10 =	vunpack.i.u.bf16.f32 v11;
	v11 =	vmul.f32 v13, v3;
	v13 =	vmul.f32 v15, v4  }
0x49d: {  	v9 =	vmul.f32 v9, v3;
	v15 =	vld [tilespmem:s26+$0x2160];
	v17 =	vmul.f32 v10, v4  }
0x49e: {  	s30 =	sadd.s32 $0x80, s30;
	v18 =	vld [tilespmem:s26+$0x6160];
	v19 =	vunpack.i.u.bf16.f32 v14;
	v11 =	vadd.f32 v13, v11  }
0x49f: {  	s31 =	sadd.s32 $0x80, s31;
	v13 =	vunpack.i.l.bf16.f32 v14;
	v10 =	vld [tilespmem:s30+$0x0];
	v14 =	vunpack.i.l.bf16.f32 v12;
	v17 =	vadd.f32 v17, v9  }
0x4a0: {  	v12 =	vunpack.i.u.bf16.f32 v12;
	v13 =	vmul.f32 v13, v5;
	v9 =	vld [tilespmem:s31+$0x0];
	v14 =	vmul.f32 v14, v6;
	[tilespmem:s22+$0xAD00] =	vst v11  }
0x4a1: {  	v19 =	vmul.f32 v19, v5;
	v12 =	vmul.f32 v12, v6;
	v11 =	vld [tilespmem:s3+$0x6100];
	[tilespmem:s22+$0xBD00] =	vst v17  }
0x4a2: {  	v17 =	vunpack.i.u.bf16.f32 v16;
	v20 =	vunpack.i.u.bf16.f32 v15;
	v13 =	vadd.f32 v14, v13;
	v14 =	vld [tilespmem:s23+$0x2D10]  }
0x4a3: {  	v15 =	vunpack.i.l.bf16.f32 v15;
	v12 =	vadd.f32 v12, v19;
	v21 =	vunpack.i.l.bf16.f32 v18;
	v19 =	vld [tilespmem:s23+$0x6D10]  }
0x4a4: {  	v18 =	vunpack.i.u.bf16.f32 v18;
	v15 =	vmul.f32 v15, v7;
	v21 =	vmul.f32 v21, v8;
	[tilespmem:s24+$0xA570] =	vst v13  }
0x4a5: {  	v13 =	vunpack.i.l.bf16.f32 v16;
	v16 =	vmul.f32 v20, v7;
	v18 =	vmul.f32 v18, v8;
	[tilespmem:s24+$0xB570] =	vst v12  }
0x4a6: {  	v13 =	vmul.f32 v13, v10;
	v12 =	vunpack.i.l.bf16.f32 v11;
	v15 =	vadd.f32 v21, v15;
	v20 =	vld [tilespmem:s25+$0x2900]  }
0x4a7: {  	v17 =	vmul.f32 v17, v10;
	v16 =	vadd.f32 v18, v16;
	v12 =	vmul.f32 v12, v9;
	v18 =	vld [tilespmem:s25+$0x6900]  }
0x4a8: {  	[tilespmem:s28+$0xA160] =	vst v15;
	v15 =	vunpack.i.u.bf16.f32 v14;
	v14 =	vunpack.i.l.bf16.f32 v14;
	v21 =	vunpack.i.l.bf16.f32 v19  }
0x4a9: {  	[tilespmem:s28+$0xB160] =	vst v16;
	v16 =	vunpack.i.u.bf16.f32 v19;
	v14 =	vmul.f32 v14, v3;
	v19 =	vmul.f32 v21, v4  }
0x4aa: {  	v11 =	vunpack.i.u.bf16.f32 v11;
	v15 =	vmul.f32 v15, v3;
	v21 =	vld [tilespmem:s26+$0x2170];
	v16 =	vmul.f32 v16, v4  }
0x4ab: {  	v11 =	vmul.f32 v11, v9;
	v22 =	vld [tilespmem:s26+$0x6170];
	v23 =	vunpack.i.u.bf16.f32 v20;
	v14 =	vadd.f32 v19, v14  }
0x4ac: {  	v19 =	vunpack.i.l.bf16.f32 v20;
	v20 =	vunpack.i.l.bf16.f32 v18;
	v15 =	vadd.f32 v16, v15  }
0x4ad: {  	v16 =	vunpack.i.u.bf16.f32 v18;
	v18 =	vmul.f32 v19, v5;
	v19 =	vmul.f32 v20, v6;
	[tilespmem:s22+$0xAD10] =	vst v14  }
0x4ae: {  	v14 =	vmul.f32 v23, v5;
	v16 =	vmul.f32 v16, v6;
	[tilespmem:s22+$0xBD10] =	vst v15  }
0x4af: {  	v12 =	vadd.f32 v12, v13;
	v13 =	vunpack.i.u.bf16.f32 v21;
	v15 =	vadd.f32 v19, v18;
	v18 =	vld [tilespmem:s23+$0x2D20]  }
0x4b0: {  	s20 =	sshll.u32 s0, $0xA;
	v19 =	vunpack.i.l.bf16.f32 v21;
	v14 =	vadd.f32 v16, v14;
	v20 =	vunpack.i.l.bf16.f32 v22;
	v16 =	vld [tilespmem:s23+$0x6D20]  }
0x4b1: {  	s20 =	sand.u32 $0x3FFFE000, s20;
	v21 =	vunpack.i.u.bf16.f32 v22;
	v19 =	vmul.f32 v19, v7;
	v20 =	vmul.f32 v20, v8;
	[tilespmem:s24+$0xA900] =	vst v15  }
0x4b2: {  	s17 =	sor.u32 s17, s20;
	v11 =	vadd.f32 v11, v17;
	v13 =	vmul.f32 v13, v7;
	v15 =	vmul.f32 v21, v8;
	[tilespmem:s24+$0xB900] =	vst v14  }
0x4b3: {  	[tilespmem:s17+$0xA100] =	vst v12;
	v12 =	vadd.f32 v20, v19;
	v14 =	vld [tilespmem:s25+$0x2910]  }
0x4b4: {  	[tilespmem:s17+$0xB100] =	vst v11;
	v11 =	vadd.f32 v15, v13;
	v13 =	vld [tilespmem:s25+$0x6910]  }
0x4b5: {  	v15 =	vunpack.i.l.bf16.f32 v18;
	[tilespmem:s28+$0xA170] =	vst v12;
	v12 =	vunpack.i.u.bf16.f32 v18;
	v17 =	vunpack.i.l.bf16.f32 v16  }
0x4b6: {  	v15 =	vmul.f32 v15, v3;
	v18 =	vld [tilespmem:s3+$0x2110];
	[tilespmem:s28+$0xB170] =	vst v11;
	v11 =	vunpack.i.u.bf16.f32 v16;
	v16 =	vmul.f32 v17, v4  }
0x4b7: {  	v12 =	vmul.f32 v12, v3;
	v17 =	vld [tilespmem:s26+$0x2500];
	v11 =	vmul.f32 v11, v4  }
0x4b8: {  	v19 =	vld [tilespmem:s26+$0x6500];
	v20 =	vunpack.i.u.bf16.f32 v14;
	v15 =	vadd.f32 v16, v15  }
0x4b9: {  	v14 =	vunpack.i.l.bf16.f32 v14;
	v16 =	vunpack.i.l.bf16.f32 v13;
	v11 =	vadd.f32 v11, v12  }
0x4ba: {  	v12 =	vunpack.i.u.bf16.f32 v13;
	v13 =	vmul.f32 v14, v5;
	v14 =	vmul.f32 v16, v6;
	[tilespmem:s22+$0xAD20] =	vst v15  }
0x4bb: {  	v16 =	vmul.f32 v20, v5;
	v12 =	vmul.f32 v12, v6;
	v15 =	vld [tilespmem:s3+$0x6110];
	[tilespmem:s22+$0xBD20] =	vst v11  }
0x4bc: {  	v11 =	vunpack.i.u.bf16.f32 v18;
	v20 =	vunpack.i.u.bf16.f32 v17;
	v13 =	vadd.f32 v14, v13;
	v14 =	vld [tilespmem:s23+$0x2D30]  }
0x4bd: {  	v17 =	vunpack.i.l.bf16.f32 v17;
	v12 =	vadd.f32 v12, v16;
	v21 =	vunpack.i.l.bf16.f32 v19;
	v16 =	vld [tilespmem:s23+$0x6D30]  }
0x4be: {  	v19 =	vunpack.i.u.bf16.f32 v19;
	v17 =	vmul.f32 v17, v7;
	v21 =	vmul.f32 v21, v8;
	[tilespmem:s24+$0xA910] =	vst v13  }
0x4bf: {  	v13 =	vunpack.i.l.bf16.f32 v18;
	v18 =	vmul.f32 v20, v7;
	v19 =	vmul.f32 v19, v8;
	[tilespmem:s24+$0xB910] =	vst v12  }
0x4c0: {  	v13 =	vmul.f32 v13, v10;
	v12 =	vunpack.i.l.bf16.f32 v15;
	v17 =	vadd.f32 v21, v17;
	v20 =	vld [tilespmem:s25+$0x2920]  }
0x4c1: {  	v11 =	vmul.f32 v11, v10;
	v18 =	vadd.f32 v19, v18;
	v12 =	vmul.f32 v12, v9;
	v19 =	vld [tilespmem:s25+$0x6920]  }
0x4c2: {  	[tilespmem:s28+$0xA500] =	vst v17;
	v17 =	vunpack.i.u.bf16.f32 v14;
	v14 =	vunpack.i.l.bf16.f32 v14;
	v21 =	vunpack.i.l.bf16.f32 v16  }
0x4c3: {  	v16 =	vunpack.i.u.bf16.f32 v16;
	[tilespmem:s28+$0xB500] =	vst v18;
	v14 =	vmul.f32 v14, v3;
	v18 =	vmul.f32 v21, v4  }
0x4c4: {  	v15 =	vunpack.i.u.bf16.f32 v15;
	v17 =	vmul.f32 v17, v3;
	v16 =	vmul.f32 v16, v4;
	v21 =	vld [tilespmem:s26+$0x2510]  }
0x4c5: {  	v15 =	vmul.f32 v15, v9;
	v22 =	vld [tilespmem:s26+$0x6510];
	v23 =	vunpack.i.u.bf16.f32 v20;
	v14 =	vadd.f32 v18, v14  }
0x4c6: {  	v18 =	vunpack.i.l.bf16.f32 v20;
	v16 =	vadd.f32 v16, v17;
	v20 =	vunpack.i.l.bf16.f32 v19  }
0x4c7: {  	v17 =	vunpack.i.u.bf16.f32 v19;
	v18 =	vmul.f32 v18, v5;
	v19 =	vmul.f32 v20, v6;
	[tilespmem:s22+$0xAD30] =	vst v14  }
0x4c8: {  	v14 =	vmul.f32 v23, v5;
	v17 =	vmul.f32 v17, v6;
	[tilespmem:s22+$0xBD30] =	vst v16  }
0x4c9: {  	v12 =	vadd.f32 v12, v13;
	v13 =	vunpack.i.u.bf16.f32 v21;
	v16 =	vadd.f32 v19, v18;
	v18 =	vld [tilespmem:s23+$0x2D40]  }
0x4ca: {  	v19 =	vunpack.i.l.bf16.f32 v21;
	v14 =	vadd.f32 v17, v14;
	v20 =	vunpack.i.l.bf16.f32 v22;
	v17 =	vld [tilespmem:s23+$0x6D40]  }
0x4cb: {  	v21 =	vunpack.i.u.bf16.f32 v22;
	v19 =	vmul.f32 v19, v7;
	v20 =	vmul.f32 v20, v8;
	[tilespmem:s24+$0xA920] =	vst v16  }
0x4cc: {  	v11 =	vadd.f32 v15, v11;
	v13 =	vmul.f32 v13, v7;
	v15 =	vmul.f32 v21, v8;
	[tilespmem:s24+$0xB920] =	vst v14  }
0x4cd: {  	[tilespmem:s17+$0xA110] =	vst v12;
	v12 =	vadd.f32 v20, v19;
	v14 =	vld [tilespmem:s25+$0x2930]  }
0x4ce: {  	[tilespmem:s17+$0xB110] =	vst v11;
	v11 =	vadd.f32 v15, v13;
	v13 =	vld [tilespmem:s25+$0x6930]  }
0x4cf: {  	v15 =	vunpack.i.l.bf16.f32 v18;
	[tilespmem:s28+$0xA510] =	vst v12;
	v12 =	vunpack.i.u.bf16.f32 v18;
	v16 =	vunpack.i.l.bf16.f32 v17  }
0x4d0: {  	v15 =	vmul.f32 v15, v3;
	v18 =	vld [tilespmem:s3+$0x2120];
	[tilespmem:s28+$0xB510] =	vst v11;
	v11 =	vunpack.i.u.bf16.f32 v17;
	v16 =	vmul.f32 v16, v4  }
0x4d1: {  	v12 =	vmul.f32 v12, v3;
	v17 =	vld [tilespmem:s26+$0x2520];
	v11 =	vmul.f32 v11, v4  }
0x4d2: {  	v19 =	vld [tilespmem:s26+$0x6520];
	v20 =	vunpack.i.u.bf16.f32 v14;
	v15 =	vadd.f32 v16, v15  }
0x4d3: {  	v14 =	vunpack.i.l.bf16.f32 v14;
	v16 =	vunpack.i.l.bf16.f32 v13;
	v11 =	vadd.f32 v11, v12  }
0x4d4: {  	v12 =	vunpack.i.u.bf16.f32 v13;
	v13 =	vmul.f32 v14, v5;
	v14 =	vmul.f32 v16, v6;
	[tilespmem:s22+$0xAD40] =	vst v15  }
0x4d5: {  	v16 =	vmul.f32 v20, v5;
	v12 =	vmul.f32 v12, v6;
	v15 =	vld [tilespmem:s3+$0x6120];
	[tilespmem:s22+$0xBD40] =	vst v11  }
0x4d6: {  	v11 =	vunpack.i.u.bf16.f32 v18;
	v20 =	vunpack.i.u.bf16.f32 v17;
	v13 =	vadd.f32 v14, v13;
	v14 =	vld [tilespmem:s23+$0x2D50]  }
0x4d7: {  	v17 =	vunpack.i.l.bf16.f32 v17;
	v12 =	vadd.f32 v12, v16;
	v21 =	vunpack.i.l.bf16.f32 v19;
	v16 =	vld [tilespmem:s23+$0x6D50]  }
0x4d8: {  	v19 =	vunpack.i.u.bf16.f32 v19;
	v17 =	vmul.f32 v17, v7;
	v21 =	vmul.f32 v21, v8;
	[tilespmem:s24+$0xA930] =	vst v13  }
0x4d9: {  	v13 =	vunpack.i.l.bf16.f32 v18;
	v18 =	vmul.f32 v20, v7;
	v19 =	vmul.f32 v19, v8;
	[tilespmem:s24+$0xB930] =	vst v12  }
0x4da: {  	v13 =	vmul.f32 v13, v10;
	v12 =	vunpack.i.l.bf16.f32 v15;
	v17 =	vadd.f32 v21, v17;
	v20 =	vld [tilespmem:s25+$0x2940]  }
0x4db: {  	v11 =	vmul.f32 v11, v10;
	v18 =	vadd.f32 v19, v18;
	v12 =	vmul.f32 v12, v9;
	v19 =	vld [tilespmem:s25+$0x6940]  }
0x4dc: {  	[tilespmem:s28+$0xA520] =	vst v17;
	v17 =	vunpack.i.u.bf16.f32 v14;
	v14 =	vunpack.i.l.bf16.f32 v14;
	v21 =	vunpack.i.l.bf16.f32 v16  }
0x4dd: {  	v16 =	vunpack.i.u.bf16.f32 v16;
	[tilespmem:s28+$0xB520] =	vst v18;
	v14 =	vmul.f32 v14, v3;
	v18 =	vmul.f32 v21, v4  }
0x4de: {  	v15 =	vunpack.i.u.bf16.f32 v15;
	v17 =	vmul.f32 v17, v3;
	v16 =	vmul.f32 v16, v4;
	v21 =	vld [tilespmem:s26+$0x2530]  }
0x4df: {  	v15 =	vmul.f32 v15, v9;
	v22 =	vld [tilespmem:s26+$0x6530];
	v23 =	vunpack.i.u.bf16.f32 v20;
	v14 =	vadd.f32 v18, v14  }
0x4e0: {  	v18 =	vunpack.i.l.bf16.f32 v20;
	v16 =	vadd.f32 v16, v17;
	v20 =	vunpack.i.l.bf16.f32 v19  }
0x4e1: {  	v17 =	vunpack.i.u.bf16.f32 v19;
	v18 =	vmul.f32 v18, v5;
	v19 =	vmul.f32 v20, v6;
	[tilespmem:s22+$0xAD50] =	vst v14  }
0x4e2: {  	v14 =	vmul.f32 v23, v5;
	v17 =	vmul.f32 v17, v6;
	[tilespmem:s22+$0xBD50] =	vst v16  }
0x4e3: {  	v12 =	vadd.f32 v12, v13;
	v13 =	vunpack.i.u.bf16.f32 v21;
	v16 =	vadd.f32 v19, v18;
	v18 =	vld [tilespmem:s23+$0x2D60]  }
0x4e4: {  	v19 =	vunpack.i.l.bf16.f32 v21;
	v14 =	vadd.f32 v17, v14;
	v20 =	vunpack.i.l.bf16.f32 v22;
	v17 =	vld [tilespmem:s23+$0x6D60]  }
0x4e5: {  	v21 =	vunpack.i.u.bf16.f32 v22;
	v19 =	vmul.f32 v19, v7;
	v20 =	vmul.f32 v20, v8;
	[tilespmem:s24+$0xA940] =	vst v16  }
0x4e6: {  	v11 =	vadd.f32 v15, v11;
	v13 =	vmul.f32 v13, v7;
	v15 =	vmul.f32 v21, v8;
	[tilespmem:s24+$0xB940] =	vst v14  }
0x4e7: {  	[tilespmem:s17+$0xA120] =	vst v12;
	v12 =	vadd.f32 v20, v19;
	v14 =	vld [tilespmem:s25+$0x2950]  }
0x4e8: {  	[tilespmem:s17+$0xB120] =	vst v11;
	v11 =	vadd.f32 v15, v13;
	v13 =	vld [tilespmem:s25+$0x6950]  }
0x4e9: {  	v15 =	vunpack.i.l.bf16.f32 v18;
	[tilespmem:s28+$0xA530] =	vst v12;
	v12 =	vunpack.i.u.bf16.f32 v18;
	v16 =	vunpack.i.l.bf16.f32 v17  }
0x4ea: {  	v15 =	vmul.f32 v15, v3;
	v18 =	vld [tilespmem:s3+$0x2130];
	[tilespmem:s28+$0xB530] =	vst v11;
	v11 =	vunpack.i.u.bf16.f32 v17;
	v16 =	vmul.f32 v16, v4  }
0x4eb: {  	v12 =	vmul.f32 v12, v3;
	v17 =	vld [tilespmem:s26+$0x2540];
	v11 =	vmul.f32 v11, v4  }
0x4ec: {  	v19 =	vld [tilespmem:s26+$0x6540];
	v20 =	vunpack.i.u.bf16.f32 v14;
	v15 =	vadd.f32 v16, v15  }
0x4ed: {  	v14 =	vunpack.i.l.bf16.f32 v14;
	v16 =	vunpack.i.l.bf16.f32 v13;
	v11 =	vadd.f32 v11, v12  }
0x4ee: {  	v13 =	vunpack.i.u.bf16.f32 v13;
	v14 =	vmul.f32 v14, v5;
	v12 =	vld [tilespmem:s3+$0x6130];
	v16 =	vmul.f32 v16, v6;
	[tilespmem:s22+$0xAD60] =	vst v15  }
0x4ef: {  	v20 =	vmul.f32 v20, v5;
	v13 =	vmul.f32 v13, v6;
	v15 =	vunpack.i.u.bf16.f32 v18;
	[tilespmem:s22+$0xBD60] =	vst v11  }
0x4f0: {  	v11 =	vunpack.i.l.bf16.f32 v18;
	v18 =	vunpack.i.u.bf16.f32 v17;
	v14 =	vadd.f32 v16, v14;
	v16 =	vld [tilespmem:s23+$0x2D70]  }
0x4f1: {  	v17 =	vunpack.i.l.bf16.f32 v17;
	v13 =	vadd.f32 v13, v20;
	v21 =	vunpack.i.l.bf16.f32 v19;
	v20 =	vld [tilespmem:s23+$0x6D70];
	s23 =	smov.u32 s25;
	s25 =	smov.u32 s26;
	s26 =	smov.u32 s3  }
0x4f2: {  	v19 =	vunpack.i.u.bf16.f32 v19;
	v17 =	vmul.f32 v17, v7;
	v21 =	vmul.f32 v21, v8;
	[tilespmem:s24+$0xA950] =	vst v14  }
0x4f3: {  	v18 =	vmul.f32 v18, v7;
	v19 =	vmul.f32 v19, v8;
	v14 =	vunpack.i.u.bf16.f32 v12;
	[tilespmem:s24+$0xB950] =	vst v13  }
0x4f4: {  	v11 =	vmul.f32 v11, v10;
	v12 =	vunpack.i.l.bf16.f32 v12;
	v13 =	vadd.f32 v21, v17;
	v17 =	vld [tilespmem:s23+$0x2960]  }
0x4f5: {  	v15 =	vmul.f32 v15, v10;
	v12 =	vmul.f32 v12, v9;
	v18 =	vadd.f32 v19, v18;
	v19 =	vld [tilespmem:s23+$0x6960]  }
0x4f6: {  	v14 =	vmul.f32 v14, v9;
	[tilespmem:s28+$0xA540] =	vst v13;
	v13 =	vunpack.i.u.bf16.f32 v16;
	v21 =	vunpack.i.u.bf16.f32 v20  }
0x4f7: {  	v11 =	vadd.f32 v12, v11;
	[tilespmem:s28+$0xB540] =	vst v18;
	v12 =	vmul.f32 v13, v3;
	v13 =	vmul.f32 v21, v4  }
0x4f8: {  	v14 =	vadd.f32 v14, v15;
	v16 =	vunpack.i.l.bf16.f32 v16;
	v18 =	vunpack.i.l.bf16.f32 v20;
	v15 =	vld [tilespmem:s25+$0x2550]  }
0x4f9: {  	v16 =	vmul.f32 v16, v3;
	v20 =	vmul.f32 v18, v4;
	[tilespmem:s17+$0xA130] =	vst v11;
	v11 =	vld [tilespmem:s25+$0x6550];
	v12 =	vadd.f32 v13, v12  }
0x4fa: {  	v3 =	vmovc v5;
	v5 =	vmovc v7;
	v13 =	vunpack.i.u.bf16.f32 v17;
	[tilespmem:s17+$0xB130] =	vst v14;
	v14 =	vunpack.i.l.bf16.f32 v17;
	v17 =	vunpack.i.l.bf16.f32 v19  }
0x4fb: {  	v7 =	vmovc v10;
	v18 =	vunpack.i.u.bf16.f32 v19;
	v14 =	vmul.f32 v14, v3;
	v17 =	vmul.f32 v17, v6;
	[tilespmem:s22+$0xBD70] =	vst v12  }
0x4fc: {  	v4 =	vmovc v6;
	v16 =	vadd.f32 v20, v16;
	v12 =	vmul.f32 v13, v3;
	v13 =	vmul.f32 v18, v6;
	v10 =	vld [tilespmem:s26+$0x2140]  }
0x4fd: {  	v6 =	vmovc v8;
	v8 =	vmov v9;
	v18 =	vld [tilespmem:s26+$0x6140];
	v19 =	vunpack.i.u.bf16.f32 v15;
	v14 =	vadd.f32 v17, v14  }
0x4fe: {  	v9 =	vunpack.i.l.bf16.f32 v15;
	v12 =	vadd.f32 v13, v12;
	v15 =	vunpack.i.l.bf16.f32 v11;
	[tilespmem:s22+$0xAD70] =	vst v16;
	s22 =	smov.u32 s24;
	s24 =	smov.u32 s28;
	s28 =	smov.u32 s17  }
0x4ff: {  	v11 =	vunpack.i.u.bf16.f32 v11;
	v9 =	vmul.f32 v9, v5;
	v13 =	vmul.f32 v15, v6;
	[tilespmem:s22+$0xA960] =	vst v14  }
.Ltmp1:
0x500: {  	v14 =	vmul.f32 v19, v5;
	v11 =	vmul.f32 v11, v6;
	[tilespmem:s22+$0xB960] =	vst v12;
	(pc) =	sbr.rel @p0 .LBB2_4-.Ltmp1, $4  }
0x501: {  	v15 =	vunpack.i.u.bf16.f32 v10;
	v13 =	vadd.f32 v13, v9;
	v9 =	vld [tilespmem:s23+$0x2970]  }
0x502: {  	v12 =	vunpack.i.l.bf16.f32 v10;
	v17 =	vadd.f32 v11, v14;
	v16 =	vunpack.i.l.bf16.f32 v18;
	v10 =	vld [tilespmem:s23+$0x6970]  }
0x503: {  	v14 =	vunpack.i.u.bf16.f32 v18;
	v11 =	vmul.f32 v12, v7;
	v12 =	vmul.f32 v16, v8;
	[tilespmem:s24+$0xA550] =	vst v13  }
0x504: {  	s0 =	sadd.s32 $0x1, s0;
	v13 =	vmul.f32 v15, v7;
	v14 =	vmul.f32 v14, v8;
	[tilespmem:s24+$0xB550] =	vst v17  }
0x505: {  	v11 =	vadd.f32 v12, v11  }
0x506: {  	v44 =	vadd.f32 v14, v13  }
0x507: {  	[tilespmem:s28+$0xA140] =	vst v11  }
0x508: {  	[tilespmem:s28+$0xB140] =	vst v44  }
0x509: {  	v11 =	vld [tilespmem:s26+$0x2150]  }
0x50a: {  	v12 =	vld [tilespmem:s26+$0x6150];
	_ =	sdelay $0x4  }
0x50b: {  	v45 =	vunpack.i.u.bf16.f32 v11;
	v11 =	vunpack.i.l.bf16.f32 v11;
	v46 =	vunpack.i.l.bf16.f32 v12  }
0x50c: {  	v12 =	vunpack.i.u.bf16.f32 v12;
	v11 =	vmul.f32 v11, v7;
	v14 =	vmul.f32 v46, v8  }
0x50d: {  	v13 =	vmul.f32 v45, v7;
	v12 =	vmul.f32 v12, v8  }
0x50e: {  	v11 =	vadd.f32 v14, v11  }
0x50f: {  	v12 =	vadd.f32 v12, v13  }
0x510: {  	[tilespmem:s28+$0xA150] =	vst v11  }
0x511: {  	[tilespmem:s28+$0xB150] =	vst v12  }
0x512: {  	v11 =	vld [tilespmem:s26+$0x2160]  }
0x513: {  	v12 =	vld [tilespmem:s26+$0x6160];
	_ =	sdelay $0x4  }
0x514: {  	v47 =	vunpack.i.u.bf16.f32 v11;
	v11 =	vunpack.i.l.bf16.f32 v11;
	v48 =	vunpack.i.l.bf16.f32 v12  }
0x515: {  	v12 =	vunpack.i.u.bf16.f32 v12;
	v11 =	vmul.f32 v11, v7;
	v14 =	vmul.f32 v48, v8  }
0x516: {  	v13 =	vmul.f32 v47, v7;
	v12 =	vmul.f32 v12, v8  }
0x517: {  	v11 =	vadd.f32 v14, v11  }
0x518: {  	v12 =	vadd.f32 v12, v13  }
0x519: {  	[tilespmem:s28+$0xA160] =	vst v11  }
0x51a: {  	[tilespmem:s28+$0xB160] =	vst v12  }
0x51b: {  	v11 =	vld [tilespmem:s26+$0x2170]  }
0x51c: {  	v12 =	vld [tilespmem:s26+$0x6170];
	_ =	sdelay $0x4  }
0x51d: {  	v49 =	vunpack.i.u.bf16.f32 v11;
	v11 =	vunpack.i.l.bf16.f32 v11;
	v50 =	vunpack.i.l.bf16.f32 v12  }
0x51e: {  	v12 =	vunpack.i.u.bf16.f32 v12;
	v11 =	vmul.f32 v11, v7;
	v14 =	vmul.f32 v50, v8  }
0x51f: {  	v13 =	vmul.f32 v49, v7;
	v12 =	vmul.f32 v12, v8  }
0x520: {  	v11 =	vadd.f32 v14, v11  }
0x521: {  	v12 =	vadd.f32 v12, v13  }
0x522: {  	[tilespmem:s28+$0xA170] =	vst v11  }
0x523: {  	[tilespmem:s28+$0xB170] =	vst v12  }
0x524: {  	v11 =	vld [tilespmem:s26+$0x2500]  }
0x525: {  	v12 =	vld [tilespmem:s26+$0x6500];
	_ =	sdelay $0x4  }
0x526: {  	v51 =	vunpack.i.u.bf16.f32 v11;
	v11 =	vunpack.i.l.bf16.f32 v11;
	v52 =	vunpack.i.l.bf16.f32 v12  }
0x527: {  	v12 =	vunpack.i.u.bf16.f32 v12;
	v11 =	vmul.f32 v11, v7;
	v14 =	vmul.f32 v52, v8  }
0x528: {  	v13 =	vmul.f32 v51, v7;
	v12 =	vmul.f32 v12, v8  }
0x529: {  	v11 =	vadd.f32 v14, v11  }
0x52a: {  	v12 =	vadd.f32 v12, v13  }
0x52b: {  	[tilespmem:s28+$0xA500] =	vst v11  }
0x52c: {  	[tilespmem:s28+$0xB500] =	vst v12  }
0x52d: {  	v11 =	vld [tilespmem:s26+$0x2510]  }
0x52e: {  	v12 =	vld [tilespmem:s26+$0x6510];
	_ =	sdelay $0x4  }
0x52f: {  	v53 =	vunpack.i.u.bf16.f32 v11;
	v11 =	vunpack.i.l.bf16.f32 v11;
	v54 =	vunpack.i.l.bf16.f32 v12  }
0x530: {  	v12 =	vunpack.i.u.bf16.f32 v12;
	v11 =	vmul.f32 v11, v7;
	v14 =	vmul.f32 v54, v8  }
0x531: {  	v13 =	vmul.f32 v53, v7;
	v12 =	vmul.f32 v12, v8  }
0x532: {  	v11 =	vadd.f32 v14, v11  }
0x533: {  	v12 =	vadd.f32 v12, v13  }
0x534: {  	[tilespmem:s28+$0xA510] =	vst v11  }
0x535: {  	[tilespmem:s28+$0xB510] =	vst v12  }
0x536: {  	v11 =	vld [tilespmem:s26+$0x2520]  }
0x537: {  	v12 =	vld [tilespmem:s26+$0x6520];
	_ =	sdelay $0x4  }
0x538: {  	v55 =	vunpack.i.u.bf16.f32 v11;
	v11 =	vunpack.i.l.bf16.f32 v11;
	v56 =	vunpack.i.l.bf16.f32 v12  }
0x539: {  	v12 =	vunpack.i.u.bf16.f32 v12;
	v11 =	vmul.f32 v11, v7;
	v14 =	vmul.f32 v56, v8  }
0x53a: {  	v13 =	vmul.f32 v55, v7;
	v12 =	vmul.f32 v12, v8  }
0x53b: {  	v11 =	vadd.f32 v14, v11  }
0x53c: {  	v12 =	vadd.f32 v12, v13  }
0x53d: {  	[tilespmem:s28+$0xA520] =	vst v11  }
0x53e: {  	[tilespmem:s28+$0xB520] =	vst v12  }
0x53f: {  	v11 =	vld [tilespmem:s26+$0x2530]  }
0x540: {  	v12 =	vld [tilespmem:s26+$0x6530];
	_ =	sdelay $0x4  }
0x541: {  	v57 =	vunpack.i.u.bf16.f32 v11;
	v11 =	vunpack.i.l.bf16.f32 v11;
	v58 =	vunpack.i.l.bf16.f32 v12  }
0x542: {  	v12 =	vunpack.i.u.bf16.f32 v12;
	v11 =	vmul.f32 v11, v7;
	v14 =	vmul.f32 v58, v8  }
0x543: {  	v13 =	vmul.f32 v57, v7;
	v12 =	vmul.f32 v12, v8  }
0x544: {  	v11 =	vadd.f32 v14, v11  }
0x545: {  	v12 =	vadd.f32 v12, v13  }
0x546: {  	[tilespmem:s28+$0xA530] =	vst v11  }
0x547: {  	[tilespmem:s28+$0xB530] =	vst v12  }
0x548: {  	v11 =	vld [tilespmem:s26+$0x2540]  }
0x549: {  	v12 =	vld [tilespmem:s26+$0x6540];
	_ =	sdelay $0x4  }
0x54a: {  	v59 =	vunpack.i.u.bf16.f32 v11;
	v11 =	vunpack.i.l.bf16.f32 v11;
	v60 =	vunpack.i.l.bf16.f32 v12  }
0x54b: {  	v12 =	vunpack.i.u.bf16.f32 v12;
	v11 =	vmul.f32 v11, v7;
	v14 =	vmul.f32 v60, v8  }
0x54c: {  	v13 =	vmul.f32 v59, v7;
	v12 =	vmul.f32 v12, v8  }
0x54d: {  	v11 =	vadd.f32 v14, v11  }
0x54e: {  	v12 =	vadd.f32 v12, v13  }
0x54f: {  	[tilespmem:s28+$0xA540] =	vst v11  }
0x550: {  	[tilespmem:s28+$0xB540] =	vst v12  }
0x551: {  	v11 =	vld [tilespmem:s26+$0x2550]  }
0x552: {  	v12 =	vld [tilespmem:s26+$0x6550];
	_ =	sdelay $0x4  }
0x553: {  	v61 =	vunpack.i.u.bf16.f32 v11;
	v11 =	vunpack.i.l.bf16.f32 v11;
	v62 =	vunpack.i.l.bf16.f32 v12  }
0x554: {  	v12 =	vunpack.i.u.bf16.f32 v12;
	v11 =	vmul.f32 v11, v7;
	v14 =	vmul.f32 v62, v8  }
0x555: {  	v15 =	vld [tilespmem:s25+$0x2560];
	v13 =	vmul.f32 v61, v7;
	v12 =	vmul.f32 v12, v8  }
0x556: {  	v16 =	vld [tilespmem:s25+$0x6560];
	v11 =	vadd.f32 v14, v11  }
0x557: {  	v12 =	vadd.f32 v12, v13  }
0x558: {  	[tilespmem:s28+$0xA550] =	vst v11  }
0x559: {  	[tilespmem:s28+$0xB550] =	vst v12  }
0x55a: {  	v11 =	vld [tilespmem:s26+$0x2560]  }
0x55b: {  	v63 =	vunpack.i.u.bf16.f32 v15;
	v20 =	vunpack.i.l.bf16.f32 v15;
	v21 =	vunpack.i.l.bf16.f32 v16;
	v22 =	vld [tilespmem:s26+$0x6560]  }
0x55c: {  	v16 =	vunpack.i.u.bf16.f32 v16;
	v13 =	vmul.f32 v20, v5;
	v14 =	vmul.f32 v21, v6  }
0x55d: {  	v16 =	vmul.f32 v16, v6;
	v12 =	vmul.f32 v63, v5  }
0x55e: {  	v13 =	vadd.f32 v14, v13  }
0x55f: {  	v12 =	vadd.f32 v16, v12  }
0x560: {  	[tilespmem:s24+$0xA560] =	vst v13;
	v23 =	vunpack.i.u.bf16.f32 v11;
	v11 =	vunpack.i.l.bf16.f32 v11;
	v24 =	vunpack.i.l.bf16.f32 v22  }
0x561: {  	[tilespmem:s24+$0xB560] =	vst v12;
	v25 =	vunpack.i.u.bf16.f32 v22;
	v11 =	vmul.f32 v11, v7;
	v14 =	vmul.f32 v24, v8  }
0x562: {  	v26 =	vld [tilespmem:s25+$0x2570];
	v13 =	vmul.f32 v23, v7;
	v12 =	vmul.f32 v25, v8  }
0x563: {  	v27 =	vld [tilespmem:s25+$0x6570];
	v11 =	vadd.f32 v14, v11  }
0x564: {  	v12 =	vadd.f32 v12, v13  }
0x565: {  	[tilespmem:s28+$0xA560] =	vst v11  }
0x566: {  	[tilespmem:s28+$0xB560] =	vst v12  }
0x567: {  	v11 =	vld [tilespmem:s26+$0x2570]  }
0x568: {  	v28 =	vunpack.i.u.bf16.f32 v26;
	v29 =	vunpack.i.l.bf16.f32 v26;
	v30 =	vunpack.i.l.bf16.f32 v27;
	v31 =	vld [tilespmem:s26+$0x6570]  }
0x569: {  	v16 =	vunpack.i.u.bf16.f32 v27;
	v13 =	vmul.f32 v29, v5;
	v14 =	vmul.f32 v30, v6  }
0x56a: {  	v12 =	vmul.f32 v28, v5;
	v16 =	vmul.f32 v16, v6  }
0x56b: {  	v13 =	vadd.f32 v14, v13  }
0x56c: {  	v12 =	vadd.f32 v16, v12  }
0x56d: {  	[tilespmem:s24+$0xA570] =	vst v13;
	v32 =	vunpack.i.u.bf16.f32 v11;
	v11 =	vunpack.i.l.bf16.f32 v11;
	v33 =	vunpack.i.l.bf16.f32 v31  }
0x56e: {  	[tilespmem:s24+$0xB570] =	vst v12;
	v34 =	vunpack.i.u.bf16.f32 v31;
	v11 =	vmul.f32 v11, v7;
	v14 =	vmul.f32 v33, v8  }
0x56f: {  	v35 =	vld [tilespmem:s25+$0x2900];
	v13 =	vmul.f32 v32, v7;
	v12 =	vmul.f32 v34, v8  }
0x570: {  	v36 =	vld [tilespmem:s25+$0x6900];
	v11 =	vadd.f32 v14, v11  }
0x571: {  	v12 =	vadd.f32 v12, v13  }
0x572: {  	[tilespmem:s28+$0xA570] =	vst v11  }
0x573: {  	[tilespmem:s28+$0xB570] =	vst v12  }
0x574: {  	v11 =	vld [tilespmem:s26+$0x2900]  }
0x575: {  	v37 =	vunpack.i.u.bf16.f32 v35;
	v38 =	vunpack.i.l.bf16.f32 v35;
	v39 =	vunpack.i.l.bf16.f32 v36;
	v40 =	vld [tilespmem:s26+$0x6900]  }
0x576: {  	v16 =	vunpack.i.u.bf16.f32 v36;
	v13 =	vmul.f32 v38, v5;
	v14 =	vmul.f32 v39, v6  }
0x577: {  	v12 =	vmul.f32 v37, v5;
	v16 =	vmul.f32 v16, v6  }
0x578: {  	v13 =	vadd.f32 v14, v13  }
0x579: {  	v12 =	vadd.f32 v16, v12  }
0x57a: {  	[tilespmem:s24+$0xA900] =	vst v13;
	v41 =	vunpack.i.u.bf16.f32 v11;
	v11 =	vunpack.i.l.bf16.f32 v11;
	v42 =	vunpack.i.l.bf16.f32 v40  }
0x57b: {  	[tilespmem:s24+$0xB900] =	vst v12;
	v43 =	vunpack.i.u.bf16.f32 v40;
	v11 =	vmul.f32 v11, v7;
	v14 =	vmul.f32 v42, v8  }
0x57c: {  	v44 =	vld [tilespmem:s25+$0x2910];
	v13 =	vmul.f32 v41, v7;
	v12 =	vmul.f32 v43, v8  }
0x57d: {  	v45 =	vld [tilespmem:s25+$0x6910];
	v11 =	vadd.f32 v14, v11  }
0x57e: {  	v12 =	vadd.f32 v12, v13  }
0x57f: {  	[tilespmem:s28+$0xA900] =	vst v11  }
0x580: {  	[tilespmem:s28+$0xB900] =	vst v12  }
0x581: {  	v11 =	vld [tilespmem:s26+$0x2910]  }
0x582: {  	v46 =	vunpack.i.u.bf16.f32 v44;
	v47 =	vunpack.i.l.bf16.f32 v44;
	v48 =	vunpack.i.l.bf16.f32 v45;
	v49 =	vld [tilespmem:s26+$0x6910]  }
0x583: {  	v16 =	vunpack.i.u.bf16.f32 v45;
	v13 =	vmul.f32 v47, v5;
	v14 =	vmul.f32 v48, v6  }
0x584: {  	v12 =	vmul.f32 v46, v5;
	v16 =	vmul.f32 v16, v6  }
0x585: {  	v13 =	vadd.f32 v14, v13  }
0x586: {  	v12 =	vadd.f32 v16, v12  }
0x587: {  	[tilespmem:s24+$0xA910] =	vst v13;
	v50 =	vunpack.i.u.bf16.f32 v11;
	v11 =	vunpack.i.l.bf16.f32 v11;
	v51 =	vunpack.i.l.bf16.f32 v49  }
0x588: {  	[tilespmem:s24+$0xB910] =	vst v12;
	v52 =	vunpack.i.u.bf16.f32 v49;
	v11 =	vmul.f32 v11, v7;
	v14 =	vmul.f32 v51, v8  }
0x589: {  	v53 =	vld [tilespmem:s25+$0x2920];
	v13 =	vmul.f32 v50, v7;
	v12 =	vmul.f32 v52, v8  }
0x58a: {  	v54 =	vld [tilespmem:s25+$0x6920];
	v11 =	vadd.f32 v14, v11  }
0x58b: {  	v12 =	vadd.f32 v12, v13  }
0x58c: {  	[tilespmem:s28+$0xA910] =	vst v11  }
0x58d: {  	[tilespmem:s28+$0xB910] =	vst v12  }
0x58e: {  	v11 =	vld [tilespmem:s26+$0x2920]  }
0x58f: {  	v55 =	vunpack.i.u.bf16.f32 v53;
	v56 =	vunpack.i.l.bf16.f32 v53;
	v57 =	vunpack.i.l.bf16.f32 v54;
	v58 =	vld [tilespmem:s26+$0x6920]  }
0x590: {  	v16 =	vunpack.i.u.bf16.f32 v54;
	v13 =	vmul.f32 v56, v5;
	v14 =	vmul.f32 v57, v6  }
0x591: {  	v12 =	vmul.f32 v55, v5;
	v16 =	vmul.f32 v16, v6  }
0x592: {  	v13 =	vadd.f32 v14, v13  }
0x593: {  	v12 =	vadd.f32 v16, v12  }
0x594: {  	[tilespmem:s24+$0xA920] =	vst v13;
	v59 =	vunpack.i.u.bf16.f32 v11;
	v11 =	vunpack.i.l.bf16.f32 v11;
	v60 =	vunpack.i.l.bf16.f32 v58  }
0x595: {  	[tilespmem:s24+$0xB920] =	vst v12;
	v61 =	vunpack.i.u.bf16.f32 v58;
	v11 =	vmul.f32 v11, v7;
	v14 =	vmul.f32 v60, v8  }
0x596: {  	v62 =	vld [tilespmem:s25+$0x2930];
	v13 =	vmul.f32 v59, v7;
	v12 =	vmul.f32 v61, v8  }
0x597: {  	v63 =	vld [tilespmem:s25+$0x6930];
	v11 =	vadd.f32 v14, v11  }
0x598: {  	v12 =	vadd.f32 v12, v13  }
0x599: {  	[tilespmem:s28+$0xA920] =	vst v11  }
0x59a: {  	[tilespmem:s28+$0xB920] =	vst v12  }
0x59b: {  	v11 =	vld [tilespmem:s26+$0x2930]  }
0x59c: {  	v20 =	vunpack.i.u.bf16.f32 v62;
	v21 =	vunpack.i.l.bf16.f32 v62;
	v22 =	vunpack.i.l.bf16.f32 v63;
	v23 =	vld [tilespmem:s26+$0x6930]  }
0x59d: {  	v16 =	vunpack.i.u.bf16.f32 v63;
	v13 =	vmul.f32 v21, v5;
	v14 =	vmul.f32 v22, v6  }
0x59e: {  	v12 =	vmul.f32 v20, v5;
	v16 =	vmul.f32 v16, v6  }
0x59f: {  	v13 =	vadd.f32 v14, v13  }
0x5a0: {  	v12 =	vadd.f32 v16, v12  }
0x5a1: {  	[tilespmem:s24+$0xA930] =	vst v13;
	v24 =	vunpack.i.u.bf16.f32 v11;
	v11 =	vunpack.i.l.bf16.f32 v11;
	v25 =	vunpack.i.l.bf16.f32 v23  }
0x5a2: {  	[tilespmem:s24+$0xB930] =	vst v12;
	v26 =	vunpack.i.u.bf16.f32 v23;
	v11 =	vmul.f32 v11, v7;
	v14 =	vmul.f32 v25, v8  }
0x5a3: {  	v27 =	vld [tilespmem:s25+$0x2940];
	v13 =	vmul.f32 v24, v7;
	v12 =	vmul.f32 v26, v8  }
0x5a4: {  	v28 =	vld [tilespmem:s25+$0x6940];
	v11 =	vadd.f32 v14, v11  }
0x5a5: {  	v12 =	vadd.f32 v12, v13  }
0x5a6: {  	[tilespmem:s28+$0xA930] =	vst v11  }
0x5a7: {  	[tilespmem:s28+$0xB930] =	vst v12  }
0x5a8: {  	v11 =	vld [tilespmem:s26+$0x2940]  }
0x5a9: {  	v29 =	vunpack.i.u.bf16.f32 v27;
	v30 =	vunpack.i.l.bf16.f32 v27;
	v31 =	vunpack.i.l.bf16.f32 v28;
	v32 =	vld [tilespmem:s26+$0x6940]  }
0x5aa: {  	v16 =	vunpack.i.u.bf16.f32 v28;
	v13 =	vmul.f32 v30, v5;
	v14 =	vmul.f32 v31, v6  }
0x5ab: {  	v12 =	vmul.f32 v29, v5;
	v16 =	vmul.f32 v16, v6  }
0x5ac: {  	v13 =	vadd.f32 v14, v13  }
0x5ad: {  	v17 =	vunpack.i.l.bf16.f32 v10;
	v12 =	vadd.f32 v16, v12  }
0x5ae: {  	[tilespmem:s24+$0xA940] =	vst v13;
	v34 =	vunpack.i.u.bf16.f32 v11;
	v11 =	vunpack.i.l.bf16.f32 v11;
	v35 =	vunpack.i.l.bf16.f32 v32  }
0x5af: {  	[tilespmem:s24+$0xB940] =	vst v12;
	v36 =	vunpack.i.u.bf16.f32 v32;
	v11 =	vmul.f32 v11, v7;
	v37 =	vmul.f32 v35, v8  }
0x5b0: {  	v38 =	vunpack.i.l.bf16.f32 v9;
	v39 =	vld [tilespmem:s25+$0x2950];
	v13 =	vmul.f32 v34, v7;
	v12 =	vmul.f32 v36, v8  }
0x5b1: {  	v33 =	vunpack.i.u.bf16.f32 v9;
	v9 =	vmul.f32 v38, v3;
	v18 =	vld [tilespmem:s25+$0x6950];
	v11 =	vadd.f32 v37, v11  }
0x5b2: {  	v40 =	vunpack.i.u.bf16.f32 v10;
	v41 =	vmul.f32 v17, v4;
	v12 =	vadd.f32 v12, v13  }
0x5b3: {  	v42 =	vmul.f32 v33, v3;
	v10 =	vmul.f32 v40, v4;
	[tilespmem:s28+$0xA940] =	vst v11  }
0x5b4: {  	[tilespmem:s28+$0xB940] =	vst v12  }
0x5b5: {  	v9 =	vadd.f32 v41, v9;
	v10 =	vadd.f32 v10, v42;
	v11 =	vld [tilespmem:s26+$0x2950]  }
0x5b6: {  	v43 =	vunpack.i.u.bf16.f32 v39;
	v44 =	vunpack.i.l.bf16.f32 v39;
	v45 =	vunpack.i.l.bf16.f32 v18;
	v46 =	vld [tilespmem:s26+$0x6950]  }
0x5b7: {  	[tilespmem:s22+$0xA970] =	vst v9;
	v47 =	vunpack.i.u.bf16.f32 v18;
	v13 =	vmul.f32 v44, v5;
	v14 =	vmul.f32 v45, v6  }
0x5b8: {  	[tilespmem:s22+$0xB970] =	vst v10;
	v48 =	vmul.f32 v43, v5;
	v9 =	vmul.f32 v47, v6  }
0x5b9: {  	v49 =	vld [tilespmem:s23+$0x2D00];
	v13 =	vadd.f32 v14, v13  }
0x5ba: {  	v50 =	vld [tilespmem:s23+$0x6D00];
	v9 =	vadd.f32 v9, v48  }
0x5bb: {  	[tilespmem:s24+$0xA950] =	vst v13;
	v51 =	vunpack.i.u.bf16.f32 v11;
	v11 =	vunpack.i.l.bf16.f32 v11;
	v52 =	vunpack.i.l.bf16.f32 v46  }
0x5bc: {  	[tilespmem:s24+$0xB950] =	vst v9;
	v53 =	vunpack.i.u.bf16.f32 v46;
	v11 =	vmul.f32 v11, v7;
	v13 =	vmul.f32 v52, v8  }
0x5bd: {  	v54 =	vld [tilespmem:s25+$0x2960];
	v10 =	vmul.f32 v51, v7;
	v9 =	vmul.f32 v53, v8  }
0x5be: {  	v55 =	vld [tilespmem:s25+$0x6960];
	v11 =	vadd.f32 v13, v11  }
0x5bf: {  	v56 =	vunpack.i.l.bf16.f32 v49;
	v57 =	vunpack.i.l.bf16.f32 v50;
	v9 =	vadd.f32 v9, v10  }
0x5c0: {  	v58 =	vmul.f32 v56, v3;
	v59 =	vmul.f32 v57, v4;
	[tilespmem:s28+$0xA950] =	vst v11  }
0x5c1: {  	v60 =	vunpack.i.u.bf16.f32 v49;
	v61 =	vunpack.i.u.bf16.f32 v50;
	[tilespmem:s28+$0xB950] =	vst v9  }
0x5c2: {  	v62 =	vmul.f32 v60, v3;
	v63 =	vmul.f32 v61, v4;
	v10 =	vadd.f32 v59, v58;
	v20 =	vld [tilespmem:s26+$0x2960]  }
0x5c3: {  	v21 =	vunpack.i.u.bf16.f32 v54;
	v22 =	vunpack.i.l.bf16.f32 v54;
	v23 =	vunpack.i.l.bf16.f32 v55;
	v24 =	vld [tilespmem:s26+$0x6960]  }
0x5c4: {  	v16 =	vunpack.i.u.bf16.f32 v55;
	v14 =	vmul.f32 v22, v5;
	v15 =	vmul.f32 v23, v6  }
0x5c5: {  	v9 =	vadd.f32 v63, v62;
	v25 =	vmul.f32 v21, v5;
	v26 =	vmul.f32 v16, v6  }
0x5c6: {  	[tilespmem:s22+$0xAD00] =	vst v10;
	v27 =	vadd.f32 v15, v14  }
0x5c7: {  	[tilespmem:s22+$0xBD00] =	vst v9;
	v28 =	vadd.f32 v26, v25  }
0x5c8: {  	v29 =	vld [tilespmem:s23+$0x2D10];
	[tilespmem:s24+$0xA960] =	vst v27;
	v30 =	vunpack.i.u.bf16.f32 v20;
	v12 =	vunpack.i.l.bf16.f32 v20;
	v31 =	vunpack.i.l.bf16.f32 v24  }
0x5c9: {  	v32 =	vld [tilespmem:s23+$0x6D10];
	[tilespmem:s24+$0xB960] =	vst v28;
	v33 =	vunpack.i.u.bf16.f32 v24;
	v12 =	vmul.f32 v12, v7;
	v13 =	vmul.f32 v31, v8  }
0x5ca: {  	v34 =	vld [tilespmem:s25+$0x2970];
	v10 =	vmul.f32 v30, v7;
	v9 =	vmul.f32 v33, v8  }
0x5cb: {  	v35 =	vld [tilespmem:s25+$0x6970];
	v12 =	vadd.f32 v13, v12  }
0x5cc: {  	v9 =	vadd.f32 v9, v10  }
0x5cd: {  	[tilespmem:s28+$0xA960] =	vst v12  }
0x5ce: {  	v36 =	vunpack.i.l.bf16.f32 v29;
	v37 =	vunpack.i.l.bf16.f32 v32;
	[tilespmem:s28+$0xB960] =	vst v9  }
0x5cf: {  	v38 =	vmul.f32 v36, v3;
	v39 =	vmul.f32 v37, v4;
	v40 =	vld [tilespmem:s26+$0x2970]  }
0x5d0: {  	v41 =	vunpack.i.u.bf16.f32 v34;
	v15 =	vunpack.i.l.bf16.f32 v34;
	v42 =	vunpack.i.l.bf16.f32 v35;
	v43 =	vld [tilespmem:s26+$0x6970]  }
0x5d1: {  	v16 =	vunpack.i.u.bf16.f32 v35;
	v15 =	vmul.f32 v15, v5;
	v17 =	vmul.f32 v42, v6  }
0x5d2: {  	v11 =	vunpack.i.u.bf16.f32 v29;
	v13 =	vmul.f32 v41, v5;
	v16 =	vmul.f32 v16, v6  }
0x5d3: {  	v14 =	vunpack.i.u.bf16.f32 v32;
	v11 =	vmul.f32 v11, v3;
	v15 =	vadd.f32 v17, v15  }
0x5d4: {  	v14 =	vmul.f32 v14, v4;
	v9 =	vadd.f32 v39, v38;
	v44 =	vadd.f32 v16, v13  }
0x5d5: {  	[tilespmem:s24+$0xA970] =	vst v15;
	v45 =	vunpack.i.u.bf16.f32 v40;
	v12 =	vunpack.i.l.bf16.f32 v40;
	v46 =	vunpack.i.l.bf16.f32 v43  }
0x5d6: {  	[tilespmem:s24+$0xB970] =	vst v44;
	v47 =	vunpack.i.u.bf16.f32 v43;
	v12 =	vmul.f32 v12, v7;
	v15 =	vmul.f32 v46, v8  }
0x5d7: {  	v11 =	vadd.f32 v14, v11;
	v48 =	vld [tilespmem:s25+$0x2D00];
	v13 =	vmul.f32 v45, v7;
	v10 =	vmul.f32 v47, v8  }
0x5d8: {  	[tilespmem:s22+$0xAD10] =	vst v9;
	v49 =	vld [tilespmem:s25+$0x6D00];
	v12 =	vadd.f32 v15, v12  }
0x5d9: {  	[tilespmem:s22+$0xBD10] =	vst v11;
	v10 =	vadd.f32 v10, v13  }
0x5da: {  	[tilespmem:s28+$0xA970] =	vst v12  }
0x5db: {  	v11 =	vld [tilespmem:s23+$0x2D20];
	[tilespmem:s28+$0xB970] =	vst v10  }
0x5dc: {  	v10 =	vld [tilespmem:s26+$0x2D00]  }
0x5dd: {  	v50 =	vunpack.i.u.bf16.f32 v48;
	v51 =	vunpack.i.l.bf16.f32 v48;
	v52 =	vunpack.i.l.bf16.f32 v49;
	v53 =	vld [tilespmem:s26+$0x6D00]  }
0x5de: {  	v9 =	vunpack.i.u.bf16.f32 v49;
	v13 =	vmul.f32 v51, v5;
	v14 =	vmul.f32 v52, v6  }
0x5df: {  	v12 =	vmul.f32 v50, v5;
	v9 =	vmul.f32 v9, v6  }
0x5e0: {  	v54 =	vld [tilespmem:s23+$0x6D20];
	v13 =	vadd.f32 v14, v13  }
0x5e1: {  	v55 =	vunpack.i.u.bf16.f32 v11;
	v9 =	vadd.f32 v9, v12  }
0x5e2: {  	[tilespmem:s24+$0xAD00] =	vst v13;
	v56 =	vunpack.i.u.bf16.f32 v10;
	v10 =	vunpack.i.l.bf16.f32 v10;
	v57 =	vunpack.i.l.bf16.f32 v53  }
0x5e3: {  	[tilespmem:s24+$0xBD00] =	vst v9;
	v58 =	vunpack.i.u.bf16.f32 v53;
	v10 =	vmul.f32 v10, v7;
	v13 =	vmul.f32 v57, v8  }
0x5e4: {  	v11 =	vunpack.i.l.bf16.f32 v11;
	v59 =	vld [tilespmem:s25+$0x2D10];
	v12 =	vmul.f32 v56, v7;
	v9 =	vmul.f32 v58, v8  }
0x5e5: {  	v60 =	vunpack.i.l.bf16.f32 v54;
	v16 =	vunpack.i.u.bf16.f32 v54;
	v61 =	vld [tilespmem:s25+$0x6D10];
	v10 =	vadd.f32 v13, v10  }
0x5e6: {  	v11 =	vmul.f32 v11, v3;
	v62 =	vmul.f32 v60, v4;
	v9 =	vadd.f32 v9, v12  }
0x5e7: {  	v63 =	vmul.f32 v55, v3;
	v17 =	vmul.f32 v16, v4;
	[tilespmem:s28+$0xAD00] =	vst v10  }
0x5e8: {  	[tilespmem:s28+$0xBD00] =	vst v9  }
0x5e9: {  	v19 =	vadd.f32 v62, v11;
	v20 =	vadd.f32 v17, v63;
	v21 =	vld [tilespmem:s26+$0x2D10]  }
0x5ea: {  	v22 =	vunpack.i.u.bf16.f32 v59;
	v23 =	vunpack.i.l.bf16.f32 v59;
	v24 =	vunpack.i.l.bf16.f32 v61;
	v25 =	vld [tilespmem:s26+$0x6D10]  }
0x5eb: {  	[tilespmem:s22+$0xAD20] =	vst v19;
	v26 =	vunpack.i.u.bf16.f32 v61;
	v13 =	vmul.f32 v23, v5;
	v14 =	vmul.f32 v24, v6  }
0x5ec: {  	[tilespmem:s22+$0xBD20] =	vst v20;
	v27 =	vmul.f32 v22, v5;
	v9 =	vmul.f32 v26, v6  }
0x5ed: {  	v28 =	vld [tilespmem:s23+$0x2D30];
	v13 =	vadd.f32 v14, v13  }
0x5ee: {  	v29 =	vld [tilespmem:s23+$0x6D30];
	v9 =	vadd.f32 v9, v27  }
0x5ef: {  	[tilespmem:s24+$0xAD10] =	vst v13;
	v30 =	vunpack.i.u.bf16.f32 v21;
	v11 =	vunpack.i.l.bf16.f32 v21;
	v31 =	vunpack.i.l.bf16.f32 v25  }
0x5f0: {  	[tilespmem:s24+$0xBD10] =	vst v9;
	v32 =	vunpack.i.u.bf16.f32 v25;
	v11 =	vmul.f32 v11, v7;
	v13 =	vmul.f32 v31, v8  }
0x5f1: {  	v33 =	vld [tilespmem:s25+$0x2D20];
	v10 =	vmul.f32 v30, v7;
	v9 =	vmul.f32 v32, v8  }
0x5f2: {  	v34 =	vld [tilespmem:s25+$0x6D20];
	v11 =	vadd.f32 v13, v11  }
0x5f3: {  	v35 =	vunpack.i.l.bf16.f32 v28;
	v36 =	vunpack.i.l.bf16.f32 v29;
	v9 =	vadd.f32 v9, v10  }
0x5f4: {  	v37 =	vmul.f32 v35, v3;
	v38 =	vmul.f32 v36, v4;
	[tilespmem:s28+$0xAD10] =	vst v11  }
0x5f5: {  	v39 =	vunpack.i.u.bf16.f32 v28;
	v40 =	vunpack.i.u.bf16.f32 v29;
	[tilespmem:s28+$0xBD10] =	vst v9  }
0x5f6: {  	v41 =	vmul.f32 v39, v3;
	v42 =	vmul.f32 v40, v4;
	v10 =	vadd.f32 v38, v37;
	v43 =	vld [tilespmem:s26+$0x2D20]  }
0x5f7: {  	v44 =	vunpack.i.u.bf16.f32 v33;
	v45 =	vunpack.i.l.bf16.f32 v33;
	v46 =	vunpack.i.l.bf16.f32 v34;
	v47 =	vld [tilespmem:s26+$0x6D20]  }
0x5f8: {  	v16 =	vunpack.i.u.bf16.f32 v34;
	v14 =	vmul.f32 v45, v5;
	v15 =	vmul.f32 v46, v6  }
0x5f9: {  	v9 =	vadd.f32 v42, v41;
	v48 =	vmul.f32 v44, v5;
	v49 =	vmul.f32 v16, v6  }
0x5fa: {  	[tilespmem:s22+$0xAD30] =	vst v10;
	v50 =	vadd.f32 v15, v14  }
0x5fb: {  	[tilespmem:s22+$0xBD30] =	vst v9;
	v51 =	vadd.f32 v49, v48  }
0x5fc: {  	v52 =	vld [tilespmem:s23+$0x2D40];
	[tilespmem:s24+$0xAD20] =	vst v50;
	v53 =	vunpack.i.u.bf16.f32 v43;
	v12 =	vunpack.i.l.bf16.f32 v43;
	v54 =	vunpack.i.l.bf16.f32 v47  }
0x5fd: {  	v55 =	vld [tilespmem:s23+$0x6D40];
	[tilespmem:s24+$0xBD20] =	vst v51;
	v56 =	vunpack.i.u.bf16.f32 v47;
	v12 =	vmul.f32 v12, v7;
	v13 =	vmul.f32 v54, v8  }
0x5fe: {  	v57 =	vld [tilespmem:s25+$0x2D30];
	v10 =	vmul.f32 v53, v7;
	v9 =	vmul.f32 v56, v8  }
0x5ff: {  	v58 =	vld [tilespmem:s25+$0x6D30];
	v12 =	vadd.f32 v13, v12  }
0x600: {  	v9 =	vadd.f32 v9, v10  }
0x601: {  	[tilespmem:s28+$0xAD20] =	vst v12  }
0x602: {  	v59 =	vunpack.i.l.bf16.f32 v52;
	v60 =	vunpack.i.l.bf16.f32 v55;
	[tilespmem:s28+$0xBD20] =	vst v9  }
0x603: {  	v61 =	vmul.f32 v59, v3;
	v62 =	vmul.f32 v60, v4;
	v63 =	vld [tilespmem:s26+$0x2D30]  }
0x604: {  	v21 =	vunpack.i.u.bf16.f32 v57;
	v15 =	vunpack.i.l.bf16.f32 v57;
	v22 =	vunpack.i.l.bf16.f32 v58;
	v23 =	vld [tilespmem:s26+$0x6D30]  }
0x605: {  	v16 =	vunpack.i.u.bf16.f32 v58;
	v15 =	vmul.f32 v15, v5;
	v17 =	vmul.f32 v22, v6  }
0x606: {  	v11 =	vunpack.i.u.bf16.f32 v52;
	v13 =	vmul.f32 v21, v5;
	v16 =	vmul.f32 v16, v6  }
0x607: {  	v14 =	vunpack.i.u.bf16.f32 v55;
	v11 =	vmul.f32 v11, v3;
	v15 =	vadd.f32 v17, v15  }
0x608: {  	v14 =	vmul.f32 v14, v4;
	v9 =	vadd.f32 v62, v61;
	v24 =	vadd.f32 v16, v13  }
0x609: {  	[tilespmem:s24+$0xAD30] =	vst v15;
	v25 =	vunpack.i.u.bf16.f32 v63;
	v12 =	vunpack.i.l.bf16.f32 v63;
	v26 =	vunpack.i.l.bf16.f32 v23  }
0x60a: {  	[tilespmem:s24+$0xBD30] =	vst v24;
	v27 =	vunpack.i.u.bf16.f32 v23;
	v12 =	vmul.f32 v12, v7;
	v15 =	vmul.f32 v26, v8  }
0x60b: {  	v11 =	vadd.f32 v14, v11;
	v28 =	vld [tilespmem:s25+$0x2D40];
	v13 =	vmul.f32 v25, v7;
	v10 =	vmul.f32 v27, v8  }
0x60c: {  	[tilespmem:s22+$0xAD40] =	vst v9;
	v29 =	vld [tilespmem:s25+$0x6D40];
	v12 =	vadd.f32 v15, v12  }
0x60d: {  	[tilespmem:s22+$0xBD40] =	vst v11;
	v10 =	vadd.f32 v10, v13  }
0x60e: {  	[tilespmem:s28+$0xAD30] =	vst v12  }
0x60f: {  	v11 =	vld [tilespmem:s23+$0x2D50];
	[tilespmem:s28+$0xBD30] =	vst v10  }
0x610: {  	v10 =	vld [tilespmem:s26+$0x2D40]  }
0x611: {  	v30 =	vunpack.i.u.bf16.f32 v28;
	v31 =	vunpack.i.l.bf16.f32 v28;
	v32 =	vunpack.i.l.bf16.f32 v29;
	v33 =	vld [tilespmem:s26+$0x6D40]  }
0x612: {  	v9 =	vunpack.i.u.bf16.f32 v29;
	v13 =	vmul.f32 v31, v5;
	v14 =	vmul.f32 v32, v6  }
0x613: {  	v12 =	vmul.f32 v30, v5;
	v9 =	vmul.f32 v9, v6  }
0x614: {  	v34 =	vld [tilespmem:s23+$0x6D50];
	v13 =	vadd.f32 v14, v13  }
0x615: {  	v35 =	vunpack.i.u.bf16.f32 v11;
	v9 =	vadd.f32 v9, v12  }
0x616: {  	[tilespmem:s24+$0xAD40] =	vst v13;
	v36 =	vunpack.i.u.bf16.f32 v10;
	v10 =	vunpack.i.l.bf16.f32 v10;
	v37 =	vunpack.i.l.bf16.f32 v33  }
0x617: {  	[tilespmem:s24+$0xBD40] =	vst v9;
	v38 =	vunpack.i.u.bf16.f32 v33;
	v10 =	vmul.f32 v10, v7;
	v13 =	vmul.f32 v37, v8  }
0x618: {  	v11 =	vunpack.i.l.bf16.f32 v11;
	v39 =	vld [tilespmem:s25+$0x2D50];
	v12 =	vmul.f32 v36, v7;
	v9 =	vmul.f32 v38, v8  }
0x619: {  	v40 =	vunpack.i.l.bf16.f32 v34;
	v16 =	vunpack.i.u.bf16.f32 v34;
	v41 =	vld [tilespmem:s25+$0x6D50];
	v10 =	vadd.f32 v13, v10  }
0x61a: {  	v11 =	vmul.f32 v11, v3;
	v17 =	vmul.f32 v40, v4;
	v9 =	vadd.f32 v9, v12  }
0x61b: {  	v42 =	vmul.f32 v35, v3;
	v43 =	vmul.f32 v16, v4;
	[tilespmem:s28+$0xAD40] =	vst v10  }
0x61c: {  	[tilespmem:s28+$0xBD40] =	vst v9  }
0x61d: {  	v44 =	vadd.f32 v17, v11;
	v45 =	vadd.f32 v43, v42;
	v46 =	vld [tilespmem:s26+$0x2D50]  }
0x61e: {  	v47 =	vunpack.i.u.bf16.f32 v39;
	v48 =	vunpack.i.l.bf16.f32 v39;
	v49 =	vunpack.i.l.bf16.f32 v41;
	v50 =	vld [tilespmem:s26+$0x6D50]  }
0x61f: {  	v51 =	vunpack.i.u.bf16.f32 v41;
	v52 =	vmul.f32 v48, v5;
	v53 =	vmul.f32 v49, v6  }
0x620: {  	[tilespmem:s22+$0xAD50] =	vst v44;
	v54 =	vmul.f32 v47, v5;
	v9 =	vmul.f32 v51, v6  }
0x621: {  	[tilespmem:s22+$0xBD50] =	vst v45;
	v13 =	vadd.f32 v53, v52  }
0x622: {  	v55 =	vld [tilespmem:s23+$0x2D60];
	v9 =	vadd.f32 v9, v54  }
0x623: {  	v56 =	vld [tilespmem:s23+$0x6D60];
	[tilespmem:s24+$0xAD50] =	vst v13;
	v57 =	vunpack.i.u.bf16.f32 v46;
	v11 =	vunpack.i.l.bf16.f32 v46;
	v58 =	vunpack.i.l.bf16.f32 v50  }
0x624: {  	[tilespmem:s24+$0xBD50] =	vst v9;
	v59 =	vunpack.i.u.bf16.f32 v50;
	v11 =	vmul.f32 v11, v7;
	v13 =	vmul.f32 v58, v8  }
0x625: {  	v60 =	vld [tilespmem:s25+$0x2D60];
	v10 =	vmul.f32 v57, v7;
	v9 =	vmul.f32 v59, v8  }
0x626: {  	v61 =	vld [tilespmem:s25+$0x6D60];
	v11 =	vadd.f32 v13, v11  }
0x627: {  	v9 =	vadd.f32 v9, v10  }
0x628: {  	v62 =	vunpack.i.l.bf16.f32 v55;
	v63 =	vunpack.i.l.bf16.f32 v56;
	v21 =	vunpack.i.u.bf16.f32 v55;
	[tilespmem:s28+$0xAD50] =	vst v11  }
0x629: {  	v22 =	vunpack.i.u.bf16.f32 v56;
	v19 =	vmul.f32 v62, v3;
	v20 =	vmul.f32 v63, v4;
	[tilespmem:s28+$0xBD50] =	vst v9  }
0x62a: {  	v23 =	vmul.f32 v21, v3;
	v24 =	vmul.f32 v22, v4;
	v25 =	vld [tilespmem:s26+$0x2D60]  }
0x62b: {  	v26 =	vunpack.i.u.bf16.f32 v60;
	v27 =	vunpack.i.l.bf16.f32 v60;
	v28 =	vunpack.i.l.bf16.f32 v61;
	v29 =	vld [tilespmem:s26+$0x6D60]  }
0x62c: {  	v16 =	vunpack.i.u.bf16.f32 v61;
	v14 =	vmul.f32 v27, v5;
	v15 =	vmul.f32 v28, v6  }
0x62d: {  	v10 =	vadd.f32 v20, v19;
	v30 =	vmul.f32 v26, v5;
	v31 =	vmul.f32 v16, v6  }
0x62e: {  	v9 =	vadd.f32 v24, v23  }
0x62f: {  	[tilespmem:s22+$0xAD60] =	vst v10;
	v32 =	vadd.f32 v15, v14;
	v33 =	vadd.f32 v31, v30  }
0x630: {  	[tilespmem:s22+$0xBD60] =	vst v9;
	v35 =	vunpack.i.u.bf16.f32 v25;
	v12 =	vunpack.i.l.bf16.f32 v25;
	v36 =	vunpack.i.l.bf16.f32 v29  }
0x631: {  	v34 =	vld [tilespmem:s23+$0x2D70];
	[tilespmem:s24+$0xAD60] =	vst v32;
	v38 =	vunpack.i.u.bf16.f32 v29;
	v12 =	vmul.f32 v12, v7;
	v14 =	vmul.f32 v36, v8  }
0x632: {  	v37 =	vld [tilespmem:s23+$0x6D70];
	[tilespmem:s24+$0xBD60] =	vst v33;
	v39 =	vmul.f32 v35, v7;
	v40 =	vmul.f32 v38, v8  }
0x633: {  	v42 =	vld [tilespmem:s25+$0x2D70];
	v41 =	vadd.f32 v14, v12  }
0x634: {  	v44 =	vld [tilespmem:s25+$0x6D70];
	v9 =	vadd.f32 v40, v39  }
0x635: {  	[tilespmem:s28+$0xAD60] =	vst v41  }
0x636: {  	v43 =	vunpack.i.u.bf16.f32 v34;
	[tilespmem:s28+$0xBD60] =	vst v9  }
0x637: {  	v45 =	vunpack.i.u.bf16.f32 v37;
	v47 =	vunpack.i.l.bf16.f32 v34;
	v13 =	vmul.f32 v43, v3;
	v49 =	vld [tilespmem:s26+$0x2D70]  }
0x638: {  	v48 =	vunpack.i.l.bf16.f32 v37;
	v46 =	vmul.f32 v45, v4;
	v3 =	vmul.f32 v47, v3;
	v51 =	vld [tilespmem:s26+$0x6D70]  }
0x639: {  	v50 =	vmul.f32 v48, v4;
	v52 =	vunpack.i.u.bf16.f32 v42;
	v53 =	vunpack.i.u.bf16.f32 v44  }
0x63a: {  	v12 =	vunpack.i.l.bf16.f32 v42;
	v11 =	vmul.f32 v52, v5;
	v4 =	vmul.f32 v53, v6  }
0x63b: {  	v54 =	vunpack.i.l.bf16.f32 v44;
	v9 =	vadd.f32 v46, v13;
	v3 =	vadd.f32 v50, v3  }
0x63c: {  	v55 =	vmul.f32 v12, v5;
	v56 =	vmul.f32 v54, v6;
	v4 =	vadd.f32 v4, v11  }
0x63d: {  	v57 =	vunpack.i.u.bf16.f32 v49;
	v58 =	vunpack.i.u.bf16.f32 v51;
	v60 =	vunpack.i.l.bf16.f32 v49  }
0x63e: {  	[tilespmem:s22+$0xBD70] =	vst v9;
	v10 =	vunpack.i.l.bf16.f32 v51;
	v12 =	vmul.f32 v57, v7;
	v59 =	vmul.f32 v58, v8  }
0x63f: {  	[tilespmem:s22+$0xAD70] =	vst v3;
	v3 =	vadd.f32 v56, v55;
	v61 =	vmul.f32 v60, v7;
	v62 =	vmul.f32 v10, v8  }
0x640: {  	[tilespmem:s24+$0xBD70] =	vst v4;
	v63 =	vadd.f32 v59, v12  }
0x641: {  	s21 =	sadd.s32 $0x1, s21;
	[tilespmem:s24+$0xAD70] =	vst v3;
	v3 =	vadd.f32 v62, v61  }
0x642: {  	p0 =	sne.s32 s21, s15;
	[tilespmem:s28+$0xBD70] =	vst v63  }
.Ltmp2:
0x643: {  	s0 =	simm.s32 $0xA100;
	[tilespmem:s28+$0xAD70] =	vst v3;
	(pc) =	sbr.rel @p0 .LBB2_1-.Ltmp2, $4  }
0x644: {  	[hbm4b:s14+s1] =	stream.linear.scatter [tilespmem:s0], [sflag:$0x3], $0x8000, $0x38;
	[tilespmem:$0x12100] =	vst v63  }
0x645: {  	_ =	swait.ge [sflag:s16], $0x8000  }
0x646: {  	[sflag:s16] =	ssyncset.done $0x0  }
0x647: {  	[sflag:s16] =	ssyncadd.s32 $0xFFFF8000  }
0x648: {  	_ =	sfence.sel $0x180000  }
0x649: {  	[bflag:$0x0] =	sbarrier.arrive $0xFFFF  }
0x64a: {  	_ =	strace $0x9000004A  }
0x64b: {  	s0 =	stileid.u32;
	[bflag:$0x2] =	sbarrier.arrive $0xFFFF  }
0x64c: {  	p0 =	sne.s32 s0, $0x0;
	s0 =	rddreg [dreg:$0x2]  }
0x64d: {  	s0 =	sadd.s32 @!p0 $0x100000, s0  }
0x64e: {  	[sflag:s0] =	ssyncadd.tile.s32 @!p0 $0x1;
	_ =	shalt  }
.Lfunc_end2:
_tile_overlayer_lowered:
.L_overlay_start_2:
0x64f: {  	(tag) =	ssettag $0x2  }
0x650: {  	s0 =	rddreg [dreg:$0x0];
	s2 =	stileid.u32  }
0x651: {  	s1 =	rddreg [dreg:$0x1];
	p0 =	sne.s32 s2, $0x0  }
0x652: {  	s3 =	rddreg [dreg:$0x2];
	[bflag:$0x3] =	sbarrier.arrive $0xFFFF;
	s2 =	simm.s32 @!p0 $0x1C03  }
0x653: {  	[timem:s3], [sflag:s2] =	dma.local @!p0 [hbm:s0], s1  }
0x654: {  	s0 =	simm.s32 @!p0 $0x3  }
0x655: {  	_ =	swait.ge @!p0 [sflag:s0], s1  }
0x656: {  	s1 =	ssub.s32 @!p0 $0x0, s1;
	[sflag:s0] =	ssyncset.done @!p0 $0x0  }
0x657: {  	[sflag:s0] =	ssyncadd.s32 @!p0 s1  }
0x658: {  	[bflag:$0x3] =	sbarrier.arrive $0xFFFF  }
0x659: {  	_ =	shalt  }

</sc_bundles>
